<compile_context>
chip_gen: v7x
topology: tpu7x:2x2x1
jax: 0.10.2.dev20260603
libtpu: 0.0.44.dev20260713+nightly
codegen_flags: <defaults>
</compile_context>

<pallas_src>
import jax
import jax.numpy as jnp
from jax import lax
from jax.experimental import pallas as pl
from jax.experimental.pallas import tpu as pltpu
from jax.experimental.pallas import tpu_sc as plsc

NC = 2
NS = 16
L = 16
NW = NC * NS
BATCH = 16384
BPW = BATCH // NW
D = 16
NBUF = 16
G = BPW // L


def _slot_col_idx(k, c):
    rows = lax.iota(jnp.int32, L)
    cols = jnp.full((L,), k * 128, jnp.int32) + c
    return rows, cols


def _mf_body(uid_hbm, iid_hbm, pt_hbm, qt_hbm, out_hbm,
             idx_u, idx_i, ring_p, ring_q, pu, qi, out_v,
             sem_pa, sem_pb, sem_qa, sem_qb):
    wid = lax.axis_index("s") * NC + lax.axis_index("c")
    base = wid * BPW

    pltpu.sync_copy(uid_hbm.at[pl.ds(base, BPW)], idx_u)
    pltpu.sync_copy(iid_hbm.at[pl.ds(base, BPW)], idx_i)

    H = L // 2

    def fire_half(vecs, half):
        u_vec, i_vec = vecs
        sp = sem_pa if half == 0 else sem_pb
        sq = sem_qa if half == 0 else sem_qb
        for l in range(H):
            s = half * H + l
            ub = pl.multiple_of((u_vec[s] // 128) * 128, 128)
            ib = pl.multiple_of((i_vec[s] // 128) * 128, 128)
            ko = pl.multiple_of(s * 128, 128)
            for t in range(2):
                ro = pl.multiple_of(t * 8, 8)
                pltpu.async_copy(pt_hbm.at[pl.ds(ro, 8), pl.ds(ub, 128)],
                                 ring_p.at[pl.ds(ro, 8), pl.ds(ko, 128)], sp)
                pltpu.async_copy(qt_hbm.at[pl.ds(ro, 8), pl.ds(ib, 128)],
                                 ring_q.at[pl.ds(ro, 8), pl.ds(ko, 128)], sq)

    def drain_half(half):
        sp = sem_pa if half == 0 else sem_pb
        sq = sem_qa if half == 0 else sem_qb
        for _ in range(2 * H):
            pltpu.make_async_copy(pt_hbm.at[pl.ds(0, 8), pl.ds(0, 128)],
                                  ring_p.at[pl.ds(0, 8), pl.ds(0, 128)],
                                  sp).wait()
            pltpu.make_async_copy(qt_hbm.at[pl.ds(0, 8), pl.ds(0, 128)],
                                  ring_q.at[pl.ds(0, 8), pl.ds(0, 128)],
                                  sq).wait()

    def extract_half(g, vecs, half):
        u_vec, i_vec = vecs
        for l in range(H):
            s = half * H + l
            off = pl.multiple_of((g * L + s) * D, D)
            ru, cu = _slot_col_idx(s, u_vec[s] % 128)
            ri, ci = _slot_col_idx(s, i_vec[s] % 128)
            pu[pl.ds(off, D)] = plsc.load_gather(ring_p, [ru, cu])
            qi[pl.ds(off, D)] = plsc.load_gather(ring_q, [ri, ci])

    def load_vecs(g):
        gc = jnp.minimum(g, G - 1)
        gbase = pl.multiple_of(gc * L, L)
        return idx_u[pl.ds(gbase, L)], idx_i[pl.ds(gbase, L)]

    fire_half(load_vecs(0), 0)

    def grp_body(g, carry):
        vecs = load_vecs(g)
        fire_half(vecs, 1)
        drain_half(0)
        extract_half(g, vecs, 0)
        nvecs = load_vecs(g + 1)

        @pl.when(g + 1 < G)
        def _():
            fire_half(nvecs, 0)
        drain_half(1)
        extract_half(g, vecs, 1)
        return carry

    lax.fori_loop(0, G, grp_body, 0)

    flat0 = lax.iota(jnp.int32, L) * D

    def blk_body(b, carry):
        flat = flat0 + b * (L * D)
        acc = jnp.zeros((L,), jnp.float32)
        for d in range(D):
            vp = plsc.load_gather(pu, [flat + d])
            vq = plsc.load_gather(qi, [flat + d])
            acc = acc + vp * vq
        out_v[pl.ds(pl.multiple_of(b * L, L), L)] = acc
        return carry

    lax.fori_loop(0, G, blk_body, 0)

    pltpu.sync_copy(out_v, out_hbm.at[pl.ds(base, BPW)])


def kernel(user_id, item_id, P, Q):
    uid = user_id.astype(jnp.int32)
    iid = item_id.astype(jnp.int32)
    mesh = plsc.VectorSubcoreMesh(core_axis_name="c", subcore_axis_name="s")
    out = pl.kernel(
        _mf_body,
        out_type=jax.ShapeDtypeStruct((BATCH,), jnp.float32),
        mesh=mesh,
        compiler_params=pltpu.CompilerParams(
            needs_layout_passes=False, use_tc_tiling_on_sc=True),
        scratch_types=[
            pltpu.VMEM((BPW,), jnp.int32),
            pltpu.VMEM((BPW,), jnp.int32),
            pltpu.VMEM((D, NBUF * 128), jnp.float32),
            pltpu.VMEM((D, NBUF * 128), jnp.float32),
            pltpu.VMEM((BPW * D,), jnp.float32),
            pltpu.VMEM((BPW * D,), jnp.float32),
            pltpu.VMEM((BPW,), jnp.float32),
            pltpu.SemaphoreType.DMA,
            pltpu.SemaphoreType.DMA,
            pltpu.SemaphoreType.DMA,
            pltpu.SemaphoreType.DMA,
        ],
    )(uid, iid, P.T, Q.T)
    return out.reshape(-1, 1)

# --- scband reference (transcript-rebuilt; emitter-appended) ---
"""Pipeline reference for scband-mf-81870666597093 (READ-ONLY COPY).

The authoritative reference and input builder live on the scoring server;
editing this copy changes nothing except your own understanding.
"""

import jax, jax.numpy as jnp
import numpy as np

M = 1000000
N = 1000000
EMBED_DIM = 16
BATCH = 16384

def setup_inputs(seed: int = 0) -> dict:
    key = jax.random.key(seed)
    k1, k2, k3, k4 = jax.random.split(key, 4)
    user_id = jax.random.randint(k1, (BATCH,), 0, M, dtype=jnp.int64) if jax.config.jax_enable_x64 else jax.random.randint(k1, (BATCH,), 0, M, dtype=jnp.int32)
    item_id = jax.random.randint(k2, (BATCH,), 0, N, dtype=jnp.int64) if jax.config.jax_enable_x64 else jax.random.randint(k2, (BATCH,), 0, N, dtype=jnp.int32)
    P = jax.random.normal(k3, (M, EMBED_DIM), dtype=jnp.float32) * 0.01
    Q = jax.random.normal(k4, (N, EMBED_DIM), dtype=jnp.float32) * 0.01
    return {"user_id": user_id, "item_id": item_id, "P": P, "Q": Q}

def reference(user_id, item_id, P, Q):
    p_u = jnp.take(P, user_id, axis=0)
    q_u = jnp.take(Q, item_id, axis=0)
    out = jnp.multiply(p_u, q_u)
    out = jnp.sum(out, axis=-1)
    return out.reshape(-1, 1)

if __name__ == "__main__":
    import jax
    _d = setup_inputs()
    print(jax.jit(kernel)(*tuple(_d.values())))

</pallas_src>

<mosaic_0001>
#map = affine_map<(d0, d1) -> (0)>
#map1 = affine_map<(d0, d1) -> (0, 0)>
module attributes {stable_mosaic.version = 14 : i64} {
  func.func @_mf_body(%arg0: i32, %arg1: i32, %arg2: memref<16384xi32, #tpu.memory_space<hbm>>, %arg3: memref<16384xi32, #tpu.memory_space<hbm>>, %arg4: memref<16x1000000xf32, #tpu.memory_space<hbm>>, %arg5: memref<16x1000000xf32, #tpu.memory_space<hbm>>, %arg6: memref<16384xf32, #tpu.memory_space<hbm>>, %arg7: memref<512xi32, #tpu.memory_space<vmem>>, %arg8: memref<512xi32, #tpu.memory_space<vmem>>, %arg9: memref<16x2048xf32, #tpu.memory_space<vmem>>, %arg10: memref<16x2048xf32, #tpu.memory_space<vmem>>, %arg11: memref<8192xf32, #tpu.memory_space<vmem>>, %arg12: memref<8192xf32, #tpu.memory_space<vmem>>, %arg13: memref<512xf32, #tpu.memory_space<vmem>>, %arg14: memref<!tpu.dma_semaphore, #tpu.memory_space<semaphore_mem>>, %arg15: memref<!tpu.dma_semaphore, #tpu.memory_space<semaphore_mem>>, %arg16: memref<!tpu.dma_semaphore, #tpu.memory_space<semaphore_mem>>, %arg17: memref<!tpu.dma_semaphore, #tpu.memory_space<semaphore_mem>>) attributes {dimension_semantics = [#tpu.dimension_semantics<core_parallel>, #tpu.dimension_semantics<subcore_parallel>], iteration_bounds = array<i64: 2, 16>, scalar_prefetch = 0 : i64, scratch_operands = 11 : i64, tpu.core_type = #tpu.core_type<sc_vector_subcore>, window_params = [{transform_indices = #map}, {transform_indices = #map}, {transform_indices = #map1}, {transform_indices = #map1}, {transform_indices = #map}]} {
    %mul3A = arith.constant 2 : i32
    %mul3A_0 = arith.muli %arg1, %mul3A : i32
    %add3A = arith.addi %mul3A_0, %arg0 : i32
    %mul3A_1 = arith.constant 512 : i32
    %mul3A_2 = arith.muli %add3A, %mul3A_1 : i32
    "tpu.region"() ({
      %run_scoped3A = tpu.sem_alloc : memref<!tpu.dma_semaphore, #tpu.memory_space<semaphore_mem>>
      %dma_start3A_653 = tpu.memref_slice %arg2[%mul3A_2] : memref<16384xi32, #tpu.memory_space<hbm>> -> memref<512xi32, #tpu.memory_space<hbm>>
      %dma_start3A_654 = tpu.memref_slice %arg2[%mul3A_2] : memref<16384xi32, #tpu.memory_space<hbm>> -> memref<512xi32, #tpu.memory_space<hbm>>
      tpu.enqueue_dma source(%dma_start3A_654 : memref<512xi32, #tpu.memory_space<hbm>>) target(%arg7 : memref<512xi32, #tpu.memory_space<vmem>>) target_semaphore(%run_scoped3A : memref<!tpu.dma_semaphore, #tpu.memory_space<semaphore_mem>>)
      %dma_wait3A = tpu.memref_slice %arg2[%mul3A_2] : memref<16384xi32, #tpu.memory_space<hbm>> -> memref<512xi32, #tpu.memory_space<hbm>>
      %dma_wait3A_655 = tpu.memref_slice %arg2[%mul3A_2] : memref<16384xi32, #tpu.memory_space<hbm>> -> memref<512xi32, #tpu.memory_space<hbm>>
      tpu.wait_dma2 semaphore(%run_scoped3A : memref<!tpu.dma_semaphore, #tpu.memory_space<semaphore_mem>>) src(%dma_wait3A_655 : memref<512xi32, #tpu.memory_space<hbm>>) dst(%arg7 : memref<512xi32, #tpu.memory_space<vmem>>)
      tpu.yield
    }) : () -> ()
    "tpu.region"() ({
      %run_scoped3A = tpu.sem_alloc : memref<!tpu.dma_semaphore, #tpu.memory_space<semaphore_mem>>
      %dma_start3A_653 = tpu.memref_slice %arg3[%mul3A_2] : memref<16384xi32, #tpu.memory_space<hbm>> -> memref<512xi32, #tpu.memory_space<hbm>>
      %dma_start3A_654 = tpu.memref_slice %arg3[%mul3A_2] : memref<16384xi32, #tpu.memory_space<hbm>> -> memref<512xi32, #tpu.memory_space<hbm>>
      tpu.enqueue_dma source(%dma_start3A_654 : memref<512xi32, #tpu.memory_space<hbm>>) target(%arg8 : memref<512xi32, #tpu.memory_space<vmem>>) target_semaphore(%run_scoped3A : memref<!tpu.dma_semaphore, #tpu.memory_space<semaphore_mem>>)
      %dma_wait3A = tpu.memref_slice %arg3[%mul3A_2] : memref<16384xi32, #tpu.memory_space<hbm>> -> memref<512xi32, #tpu.memory_space<hbm>>
      %dma_wait3A_655 = tpu.memref_slice %arg3[%mul3A_2] : memref<16384xi32, #tpu.memory_space<hbm>> -> memref<512xi32, #tpu.memory_space<hbm>>
      tpu.wait_dma2 semaphore(%run_scoped3A : memref<!tpu.dma_semaphore, #tpu.memory_space<semaphore_mem>>) src(%dma_wait3A_655 : memref<512xi32, #tpu.memory_space<hbm>>) dst(%arg8 : memref<512xi32, #tpu.memory_space<vmem>>)
      tpu.yield
    }) : () -> ()
    %min3A = arith.constant 0 : i32
    %min3A_3 = arith.constant 31 : i32
    %min3A_4 = arith.minsi %min3A, %min3A_3 : i32
    %mul3A_5 = arith.constant 16 : i32
    %mul3A_6 = arith.muli %min3A_4, %mul3A_5 : i32
    %multiple_of3A = tpu.assume_multiple %mul3A_6, 16 : i32
    %get3A = arith.index_cast %multiple_of3A : i32 to index
    %get3A_7 = tpu.vector_load %arg7[%get3A] {strides = array<i32>} : memref<512xi32, #tpu.memory_space<vmem>>, vector<16xi32>,
    %get3A_8 = arith.index_cast %multiple_of3A : i32 to index
    %get3A_9 = tpu.vector_load %arg8[%get3A_8] {strides = array<i32>} : memref<512xi32, #tpu.memory_space<vmem>>, vector<16xi32>,
    %slice3A = vector.extract_strided_slice %get3A_7 {offsets = [0], sizes = [1], strides = [1]} : vector<16xi32> to vector<1xi32>
    %squeeze3A = vector.extract %slice3A[0] : i32 from vector<1xi32>
    %jit3A = arith.constant 128 : i32
    %div3A = arith.divsi %squeeze3A, %jit3A : i32
    %sign3A = arith.constant 0 : i32
    %sign3A_10 = arith.cmpi sgt, %squeeze3A, %sign3A : i32
    %sign3A_11 = arith.extui %sign3A_10 : i1 to i32
    %sign3A_12 = arith.constant 0 : i32
    %sign3A_13 = arith.cmpi slt, %squeeze3A, %sign3A_12 : i32
    %sign3A_14 = arith.extui %sign3A_13 : i1 to i32
    %sign3A_15 = arith.subi %sign3A_11, %sign3A_14 : i32
    %sign3A_16 = arith.constant 0 : i32
    %sign3A_17 = arith.cmpi sgt, %jit3A, %sign3A_16 : i32
    %sign3A_18 = arith.extui %sign3A_17 : i1 to i32
    %sign3A_19 = arith.constant 0 : i32
    %sign3A_20 = arith.cmpi slt, %jit3A, %sign3A_19 : i32
    %sign3A_21 = arith.extui %sign3A_20 : i1 to i32
    %sign3A_22 = arith.subi %sign3A_18, %sign3A_21 : i32
    %ne3A = arith.cmpi ne, %sign3A_15, %sign3A_22 : i32
    %rem3A = arith.remsi %squeeze3A, %jit3A : i32
    %ne3A_23 = arith.constant 0 : i32
    %ne3A_24 = arith.cmpi ne, %rem3A, %ne3A_23 : i32
    %and3A = arith.andi %ne3A, %ne3A_24 : i1
    %sub3A = arith.constant 1 : i32
    %sub3A_25 = arith.subi %div3A, %sub3A : i32
    %select_n3A = arith.select %and3A, %sub3A_25, %div3A : i32
    %mul3A_26 = arith.constant 128 : i32
    %mul3A_27 = arith.muli %select_n3A, %mul3A_26 : i32
    %multiple_of3A_28 = tpu.assume_multiple %mul3A_27, 128 : i32
    %slice3A_29 = vector.extract_strided_slice %get3A_9 {offsets = [0], sizes = [1], strides = [1]} : vector<16xi32> to vector<1xi32>
    %squeeze3A_30 = vector.extract %slice3A_29[0] : i32 from vector<1xi32>
    %jit3A_31 = arith.constant 128 : i32
    %div3A_32 = arith.divsi %squeeze3A_30, %jit3A_31 : i32
    %sign3A_33 = arith.constant 0 : i32
    %sign3A_34 = arith.cmpi sgt, %squeeze3A_30, %sign3A_33 : i32
    %sign3A_35 = arith.extui %sign3A_34 : i1 to i32
    %sign3A_36 = arith.constant 0 : i32
    %sign3A_37 = arith.cmpi slt, %squeeze3A_30, %sign3A_36 : i32
    %sign3A_38 = arith.extui %sign3A_37 : i1 to i32
    %sign3A_39 = arith.subi %sign3A_35, %sign3A_38 : i32
    %sign3A_40 = arith.constant 0 : i32
    %sign3A_41 = arith.cmpi sgt, %jit3A_31, %sign3A_40 : i32
    %sign3A_42 = arith.extui %sign3A_41 : i1 to i32
    %sign3A_43 = arith.constant 0 : i32
    %sign3A_44 = arith.cmpi slt, %jit3A_31, %sign3A_43 : i32
    %sign3A_45 = arith.extui %sign3A_44 : i1 to i32
    %sign3A_46 = arith.subi %sign3A_42, %sign3A_45 : i32
    %ne3A_47 = arith.cmpi ne, %sign3A_39, %sign3A_46 : i32
    %rem3A_48 = arith.remsi %squeeze3A_30, %jit3A_31 : i32
    %ne3A_49 = arith.constant 0 : i32
    %ne3A_50 = arith.cmpi ne, %rem3A_48, %ne3A_49 : i32
    %and3A_51 = arith.andi %ne3A_47, %ne3A_50 : i1
    %sub3A_52 = arith.constant 1 : i32
    %sub3A_53 = arith.subi %div3A_32, %sub3A_52 : i32
    %select_n3A_54 = arith.select %and3A_51, %sub3A_53, %div3A_32 : i32
    %mul3A_55 = arith.constant 128 : i32
    %mul3A_56 = arith.muli %select_n3A_54, %mul3A_55 : i32
    %multiple_of3A_57 = tpu.assume_multiple %mul3A_56, 128 : i32
    %multiple_of3A_58 = arith.constant 0 : i32
    %multiple_of3A_59 = tpu.assume_multiple %multiple_of3A_58, 128 : i32
    %multiple_of3A_60 = arith.constant 0 : i32
    %multiple_of3A_61 = tpu.assume_multiple %multiple_of3A_60, 8 : i32
    %dma_start3A = tpu.memref_slice %arg9[%multiple_of3A_61, %multiple_of3A_59] : memref<16x2048xf32, #tpu.memory_space<vmem>> -> memref<8x128xf32, #tpu.memory_space<vmem>>
    %dma_start3A_62 = tpu.memref_slice %arg4[%multiple_of3A_61, %multiple_of3A_28] : memref<16x1000000xf32, #tpu.memory_space<hbm>> -> memref<8x128xf32, #tpu.memory_space<hbm>>
    %dma_start3A_63 = tpu.memref_slice %arg9[%multiple_of3A_61, %multiple_of3A_59] : memref<16x2048xf32, #tpu.memory_space<vmem>> -> memref<8x128xf32, #tpu.memory_space<vmem>>
    %dma_start3A_64 = tpu.memref_slice %arg4[%multiple_of3A_61, %multiple_of3A_28] : memref<16x1000000xf32, #tpu.memory_space<hbm>> -> memref<8x128xf32, #tpu.memory_space<hbm>>
    tpu.enqueue_dma source(%dma_start3A_64 : memref<8x128xf32, #tpu.memory_space<hbm>>) target(%dma_start3A_63 : memref<8x128xf32, #tpu.memory_space<vmem>>) target_semaphore(%arg14 : memref<!tpu.dma_semaphore, #tpu.memory_space<semaphore_mem>>)
    %dma_start3A_65 = tpu.memref_slice %arg10[%multiple_of3A_61, %multiple_of3A_59] : memref<16x2048xf32, #tpu.memory_space<vmem>> -> memref<8x128xf32, #tpu.memory_space<vmem>>
    %dma_start3A_66 = tpu.memref_slice %arg5[%multiple_of3A_61, %multiple_of3A_57] : memref<16x1000000xf32, #tpu.memory_space<hbm>> -> memref<8x128xf32, #tpu.memory_space<hbm>>
    %dma_start3A_67 = tpu.memref_slice %arg10[%multiple_of3A_61, %multiple_of3A_59] : memref<16x2048xf32, #tpu.memory_space<vmem>> -> memref<8x128xf32, #tpu.memory_space<vmem>>
    %dma_start3A_68 = tpu.memref_slice %arg5[%multiple_of3A_61, %multiple_of3A_57] : memref<16x1000000xf32, #tpu.memory_space<hbm>> -> memref<8x128xf32, #tpu.memory_space<hbm>>
    tpu.enqueue_dma source(%dma_start3A_68 : memref<8x128xf32, #tpu.memory_space<hbm>>) target(%dma_start3A_67 : memref<8x128xf32, #tpu.memory_space<vmem>>) target_semaphore(%arg16 : memref<!tpu.dma_semaphore, #tpu.memory_space<semaphore_mem>>)
    %multiple_of3A_69 = arith.constant 8 : i32
    %multiple_of3A_70 = tpu.assume_multiple %multiple_of3A_69, 8 : i32
    %dma_start3A_71 = tpu.memref_slice %arg9[%multiple_of3A_70, %multiple_of3A_59] : memref<16x2048xf32, #tpu.memory_space<vmem>> -> memref<8x128xf32, #tpu.memory_space<vmem>>
    %dma_start3A_72 = tpu.memref_slice %arg4[%multiple_of3A_70, %multiple_of3A_28] : memref<16x1000000xf32, #tpu.memory_space<hbm>> -> memref<8x128xf32, #tpu.memory_space<hbm>>
    %dma_start3A_73 = tpu.memref_slice %arg9[%multiple_of3A_70, %multiple_of3A_59] : memref<16x2048xf32, #tpu.memory_space<vmem>> -> memref<8x128xf32, #tpu.memory_space<vmem>>
    %dma_start3A_74 = tpu.memref_slice %arg4[%multiple_of3A_70, %multiple_of3A_28] : memref<16x1000000xf32, #tpu.memory_space<hbm>> -> memref<8x128xf32, #tpu.memory_space<hbm>>
    tpu.enqueue_dma source(%dma_start3A_74 : memref<8x128xf32, #tpu.memory_space<hbm>>) target(%dma_start3A_73 : memref<8x128xf32, #tpu.memory_space<vmem>>) target_semaphore(%arg14 : memref<!tpu.dma_semaphore, #tpu.memory_space<semaphore_mem>>)
    %dma_start3A_75 = tpu.memref_slice %arg10[%multiple_of3A_70, %multiple_of3A_59] : memref<16x2048xf32, #tpu.memory_space<vmem>> -> memref<8x128xf32, #tpu.memory_space<vmem>>
    %dma_start3A_76 = tpu.memref_slice %arg5[%multiple_of3A_70, %multiple_of3A_57] : memref<16x1000000xf32, #tpu.memory_space<hbm>> -> memref<8x128xf32, #tpu.memory_space<hbm>>
    %dma_start3A_77 = tpu.memref_slice %arg10[%multiple_of3A_70, %multiple_of3A_59] : memref<16x2048xf32, #tpu.memory_space<vmem>> -> memref<8x128xf32, #tpu.memory_space<vmem>>
    %dma_start3A_78 = tpu.memref_slice %arg5[%multiple_of3A_70, %multiple_of3A_57] : memref<16x1000000xf32, #tpu.memory_space<hbm>> -> memref<8x128xf32, #tpu.memory_space<hbm>>
    tpu.enqueue_dma source(%dma_start3A_78 : memref<8x128xf32, #tpu.memory_space<hbm>>) target(%dma_start3A_77 : memref<8x128xf32, #tpu.memory_space<vmem>>) target_semaphore(%arg16 : memref<!tpu.dma_semaphore, #tpu.memory_space<semaphore_mem>>)
    %slice3A_79 = vector.extract_strided_slice %get3A_7 {offsets = [1], sizes = [1], strides = [1]} : vector<16xi32> to vector<1xi32>
    %squeeze3A_80 = vector.extract %slice3A_79[0] : i32 from vector<1xi32>
    %jit3A_81 = arith.constant 128 : i32
    %div3A_82 = arith.divsi %squeeze3A_80, %jit3A_81 : i32
    %sign3A_83 = arith.constant 0 : i32
    %sign3A_84 = arith.cmpi sgt, %squeeze3A_80, %sign3A_83 : i32
    %sign3A_85 = arith.extui %sign3A_84 : i1 to i32
    %sign3A_86 = arith.constant 0 : i32
    %sign3A_87 = arith.cmpi slt, %squeeze3A_80, %sign3A_86 : i32
    %sign3A_88 = arith.extui %sign3A_87 : i1 to i32
    %sign3A_89 = arith.subi %sign3A_85, %sign3A_88 : i32
    %sign3A_90 = arith.constant 0 : i32
    %sign3A_91 = arith.cmpi sgt, %jit3A_81, %sign3A_90 : i32
    %sign3A_92 = arith.extui %sign3A_91 : i1 to i32
    %sign3A_93 = arith.constant 0 : i32
    %sign3A_94 = arith.cmpi slt, %jit3A_81, %sign3A_93 : i32
    %sign3A_95 = arith.extui %sign3A_94 : i1 to i32
    %sign3A_96 = arith.subi %sign3A_92, %sign3A_95 : i32
    %ne3A_97 = arith.cmpi ne, %sign3A_89, %sign3A_96 : i32
    %rem3A_98 = arith.remsi %squeeze3A_80, %jit3A_81 : i32
    %ne3A_99 = arith.constant 0 : i32
    %ne3A_100 = arith.cmpi ne, %rem3A_98, %ne3A_99 : i32
    %and3A_101 = arith.andi %ne3A_97, %ne3A_100 : i1
    %sub3A_102 = arith.constant 1 : i32
    %sub3A_103 = arith.subi %div3A_82, %sub3A_102 : i32
    %select_n3A_104 = arith.select %and3A_101, %sub3A_103, %div3A_82 : i32
    %mul3A_105 = arith.constant 128 : i32
    %mul3A_106 = arith.muli %select_n3A_104, %mul3A_105 : i32
    %multiple_of3A_107 = tpu.assume_multiple %mul3A_106, 128 : i32
    %slice3A_108 = vector.extract_strided_slice %get3A_9 {offsets = [1], sizes = [1], strides = [1]} : vector<16xi32> to vector<1xi32>
    %squeeze3A_109 = vector.extract %slice3A_108[0] : i32 from vector<1xi32>
    %jit3A_110 = arith.constant 128 : i32
    %div3A_111 = arith.divsi %squeeze3A_109, %jit3A_110 : i32
    %sign3A_112 = arith.constant 0 : i32
    %sign3A_113 = arith.cmpi sgt, %squeeze3A_109, %sign3A_112 : i32
    %sign3A_114 = arith.extui %sign3A_113 : i1 to i32
    %sign3A_115 = arith.constant 0 : i32
    %sign3A_116 = arith.cmpi slt, %squeeze3A_109, %sign3A_115 : i32
    %sign3A_117 = arith.extui %sign3A_116 : i1 to i32
    %sign3A_118 = arith.subi %sign3A_114, %sign3A_117 : i32
    %sign3A_119 = arith.constant 0 : i32
    %sign3A_120 = arith.cmpi sgt, %jit3A_110, %sign3A_119 : i32
    %sign3A_121 = arith.extui %sign3A_120 : i1 to i32
    %sign3A_122 = arith.constant 0 : i32
    %sign3A_123 = arith.cmpi slt, %jit3A_110, %sign3A_122 : i32
    %sign3A_124 = arith.extui %sign3A_123 : i1 to i32
    %sign3A_125 = arith.subi %sign3A_121, %sign3A_124 : i32
    %ne3A_126 = arith.cmpi ne, %sign3A_118, %sign3A_125 : i32
    %rem3A_127 = arith.remsi %squeeze3A_109, %jit3A_110 : i32
    %ne3A_128 = arith.constant 0 : i32
    %ne3A_129 = arith.cmpi ne, %rem3A_127, %ne3A_128 : i32
    %and3A_130 = arith.andi %ne3A_126, %ne3A_129 : i1
    %sub3A_131 = arith.constant 1 : i32
    %sub3A_132 = arith.subi %div3A_111, %sub3A_131 : i32
    %select_n3A_133 = arith.select %and3A_130, %sub3A_132, %div3A_111 : i32
    %mul3A_134 = arith.constant 128 : i32
    %mul3A_135 = arith.muli %select_n3A_133, %mul3A_134 : i32
    %multiple_of3A_136 = tpu.assume_multiple %mul3A_135, 128 : i32
    %multiple_of3A_137 = arith.constant 128 : i32
    %multiple_of3A_138 = tpu.assume_multiple %multiple_of3A_137, 128 : i32
    %multiple_of3A_139 = arith.constant 0 : i32
    %multiple_of3A_140 = tpu.assume_multiple %multiple_of3A_139, 8 : i32
    %dma_start3A_141 = tpu.memref_slice %arg9[%multiple_of3A_140, %multiple_of3A_138] : memref<16x2048xf32, #tpu.memory_space<vmem>> -> memref<8x128xf32, #tpu.memory_space<vmem>>
    %dma_start3A_142 = tpu.memref_slice %arg4[%multiple_of3A_140, %multiple_of3A_107] : memref<16x1000000xf32, #tpu.memory_space<hbm>> -> memref<8x128xf32, #tpu.memory_space<hbm>>
    %dma_start3A_143 = tpu.memref_slice %arg9[%multiple_of3A_140, %multiple_of3A_138] : memref<16x2048xf32, #tpu.memory_space<vmem>> -> memref<8x128xf32, #tpu.memory_space<vmem>>
    %dma_start3A_144 = tpu.memref_slice %arg4[%multiple_of3A_140, %multiple_of3A_107] : memref<16x1000000xf32, #tpu.memory_space<hbm>> -> memref<8x128xf32, #tpu.memory_space<hbm>>
    tpu.enqueue_dma source(%dma_start3A_144 : memref<8x128xf32, #tpu.memory_space<hbm>>) target(%dma_start3A_143 : memref<8x128xf32, #tpu.memory_space<vmem>>) target_semaphore(%arg14 : memref<!tpu.dma_semaphore, #tpu.memory_space<semaphore_mem>>)
    %dma_start3A_145 = tpu.memref_slice %arg10[%multiple_of3A_140, %multiple_of3A_138] : memref<16x2048xf32, #tpu.memory_space<vmem>> -> memref<8x128xf32, #tpu.memory_space<vmem>>
    %dma_start3A_146 = tpu.memref_slice %arg5[%multiple_of3A_140, %multiple_of3A_136] : memref<16x1000000xf32, #tpu.memory_space<hbm>> -> memref<8x128xf32, #tpu.memory_space<hbm>>
    %dma_start3A_147 = tpu.memref_slice %arg10[%multiple_of3A_140, %multiple_of3A_138] : memref<16x2048xf32, #tpu.memory_space<vmem>> -> memref<8x128xf32, #tpu.memory_space<vmem>>
    %dma_start3A_148 = tpu.memref_slice %arg5[%multiple_of3A_140, %multiple_of3A_136] : memref<16x1000000xf32, #tpu.memory_space<hbm>> -> memref<8x128xf32, #tpu.memory_space<hbm>>
    tpu.enqueue_dma source(%dma_start3A_148 : memref<8x128xf32, #tpu.memory_space<hbm>>) target(%dma_start3A_147 : memref<8x128xf32, #tpu.memory_space<vmem>>) target_semaphore(%arg16 : memref<!tpu.dma_semaphore, #tpu.memory_space<semaphore_mem>>)
    %multiple_of3A_149 = arith.constant 8 : i32
    %multiple_of3A_150 = tpu.assume_multiple %multiple_of3A_149, 8 : i32
    %dma_start3A_151 = tpu.memref_slice %arg9[%multiple_of3A_150, %multiple_of3A_138] : memref<16x2048xf32, #tpu.memory_space<vmem>> -> memref<8x128xf32, #tpu.memory_space<vmem>>
    %dma_start3A_152 = tpu.memref_slice %arg4[%multiple_of3A_150, %multiple_of3A_107] : memref<16x1000000xf32, #tpu.memory_space<hbm>> -> memref<8x128xf32, #tpu.memory_space<hbm>>
    %dma_start3A_153 = tpu.memref_slice %arg9[%multiple_of3A_150, %multiple_of3A_138] : memref<16x2048xf32, #tpu.memory_space<vmem>> -> memref<8x128xf32, #tpu.memory_space<vmem>>
    %dma_start3A_154 = tpu.memref_slice %arg4[%multiple_of3A_150, %multiple_of3A_107] : memref<16x1000000xf32, #tpu.memory_space<hbm>> -> memref<8x128xf32, #tpu.memory_space<hbm>>
    tpu.enqueue_dma source(%dma_start3A_154 : memref<8x128xf32, #tpu.memory_space<hbm>>) target(%dma_start3A_153 : memref<8x128xf32, #tpu.memory_space<vmem>>) target_semaphore(%arg14 : memref<!tpu.dma_semaphore, #tpu.memory_space<semaphore_mem>>)
    %dma_start3A_155 = tpu.memref_slice %arg10[%multiple_of3A_150, %multiple_of3A_138] : memref<16x2048xf32, #tpu.memory_space<vmem>> -> memref<8x128xf32, #tpu.memory_space<vmem>>
    %dma_start3A_156 = tpu.memref_slice %arg5[%multiple_of3A_150, %multiple_of3A_136] : memref<16x1000000xf32, #tpu.memory_space<hbm>> -> memref<8x128xf32, #tpu.memory_space<hbm>>
    %dma_start3A_157 = tpu.memref_slice %arg10[%multiple_of3A_150, %multiple_of3A_138] : memref<16x2048xf32, #tpu.memory_space<vmem>> -> memref<8x128xf32, #tpu.memory_space<vmem>>
    %dma_start3A_158 = tpu.memref_slice %arg5[%multiple_of3A_150, %multiple_of3A_136] : memref<16x1000000xf32, #tpu.memory_space<hbm>> -> memref<8x128xf32, #tpu.memory_space<hbm>>
    tpu.enqueue_dma source(%dma_start3A_158 : memref<8x128xf32, #tpu.memory_space<hbm>>) target(%dma_start3A_157 : memref<8x128xf32, #tpu.memory_space<vmem>>) target_semaphore(%arg16 : memref<!tpu.dma_semaphore, #tpu.memory_space<semaphore_mem>>)
    %slice3A_159 = vector.extract_strided_slice %get3A_7 {offsets = [2], sizes = [1], strides = [1]} : vector<16xi32> to vector<1xi32>
    %squeeze3A_160 = vector.extract %slice3A_159[0] : i32 from vector<1xi32>
    %jit3A_161 = arith.constant 128 : i32
    %div3A_162 = arith.divsi %squeeze3A_160, %jit3A_161 : i32
    %sign3A_163 = arith.constant 0 : i32
    %sign3A_164 = arith.cmpi sgt, %squeeze3A_160, %sign3A_163 : i32
    %sign3A_165 = arith.extui %sign3A_164 : i1 to i32
    %sign3A_166 = arith.constant 0 : i32
    %sign3A_167 = arith.cmpi slt, %squeeze3A_160, %sign3A_166 : i32
    %sign3A_168 = arith.extui %sign3A_167 : i1 to i32
    %sign3A_169 = arith.subi %sign3A_165, %sign3A_168 : i32
    %sign3A_170 = arith.constant 0 : i32
    %sign3A_171 = arith.cmpi sgt, %jit3A_161, %sign3A_170 : i32
    %sign3A_172 = arith.extui %sign3A_171 : i1 to i32
    %sign3A_173 = arith.constant 0 : i32
    %sign3A_174 = arith.cmpi slt, %jit3A_161, %sign3A_173 : i32
    %sign3A_175 = arith.extui %sign3A_174 : i1 to i32
    %sign3A_176 = arith.subi %sign3A_172, %sign3A_175 : i32
    %ne3A_177 = arith.cmpi ne, %sign3A_169, %sign3A_176 : i32
    %rem3A_178 = arith.remsi %squeeze3A_160, %jit3A_161 : i32
    %ne3A_179 = arith.constant 0 : i32
    %ne3A_180 = arith.cmpi ne, %rem3A_178, %ne3A_179 : i32
    %and3A_181 = arith.andi %ne3A_177, %ne3A_180 : i1
    %sub3A_182 = arith.constant 1 : i32
    %sub3A_183 = arith.subi %div3A_162, %sub3A_182 : i32
    %select_n3A_184 = arith.select %and3A_181, %sub3A_183, %div3A_162 : i32
    %mul3A_185 = arith.constant 128 : i32
    %mul3A_186 = arith.muli %select_n3A_184, %mul3A_185 : i32
    %multiple_of3A_187 = tpu.assume_multiple %mul3A_186, 128 : i32
    %slice3A_188 = vector.extract_strided_slice %get3A_9 {offsets = [2], sizes = [1], strides = [1]} : vector<16xi32> to vector<1xi32>
    %squeeze3A_189 = vector.extract %slice3A_188[0] : i32 from vector<1xi32>
    %jit3A_190 = arith.constant 128 : i32
    %div3A_191 = arith.divsi %squeeze3A_189, %jit3A_190 : i32
    %sign3A_192 = arith.constant 0 : i32
    %sign3A_193 = arith.cmpi sgt, %squeeze3A_189, %sign3A_192 : i32
    %sign3A_194 = arith.extui %sign3A_193 : i1 to i32
    %sign3A_195 = arith.constant 0 : i32
    %sign3A_196 = arith.cmpi slt, %squeeze3A_189, %sign3A_195 : i32
    %sign3A_197 = arith.extui %sign3A_196 : i1 to i32
    %sign3A_198 = arith.subi %sign3A_194, %sign3A_197 : i32
    %sign3A_199 = arith.constant 0 : i32
    %sign3A_200 = arith.cmpi sgt, %jit3A_190, %sign3A_199 : i32
    %sign3A_201 = arith.extui %sign3A_200 : i1 to i32
    %sign3A_202 = arith.constant 0 : i32
    %sign3A_203 = arith.cmpi slt, %jit3A_190, %sign3A_202 : i32
    %sign3A_204 = arith.extui %sign3A_203 : i1 to i32
    %sign3A_205 = arith.subi %sign3A_201, %sign3A_204 : i32
    %ne3A_206 = arith.cmpi ne, %sign3A_198, %sign3A_205 : i32
    %rem3A_207 = arith.remsi %squeeze3A_189, %jit3A_190 : i32
    %ne3A_208 = arith.constant 0 : i32
    %ne3A_209 = arith.cmpi ne, %rem3A_207, %ne3A_208 : i32
    %and3A_210 = arith.andi %ne3A_206, %ne3A_209 : i1
    %sub3A_211 = arith.constant 1 : i32
    %sub3A_212 = arith.subi %div3A_191, %sub3A_211 : i32
    %select_n3A_213 = arith.select %and3A_210, %sub3A_212, %div3A_191 : i32
    %mul3A_214 = arith.constant 128 : i32
    %mul3A_215 = arith.muli %select_n3A_213, %mul3A_214 : i32
    %multiple_of3A_216 = tpu.assume_multiple %mul3A_215, 128 : i32
    %multiple_of3A_217 = arith.constant 256 : i32
    %multiple_of3A_218 = tpu.assume_multiple %multiple_of3A_217, 128 : i32
    %multiple_of3A_219 = arith.constant 0 : i32
    %multiple_of3A_220 = tpu.assume_multiple %multiple_of3A_219, 8 : i32
    %dma_start3A_221 = tpu.memref_slice %arg9[%multiple_of3A_220, %multiple_of3A_218] : memref<16x2048xf32, #tpu.memory_space<vmem>> -> memref<8x128xf32, #tpu.memory_space<vmem>>
    %dma_start3A_222 = tpu.memref_slice %arg4[%multiple_of3A_220, %multiple_of3A_187] : memref<16x1000000xf32, #tpu.memory_space<hbm>> -> memref<8x128xf32, #tpu.memory_space<hbm>>
    %dma_start3A_223 = tpu.memref_slice %arg9[%multiple_of3A_220, %multiple_of3A_218] : memref<16x2048xf32, #tpu.memory_space<vmem>> -> memref<8x128xf32, #tpu.memory_space<vmem>>
    %dma_start3A_224 = tpu.memref_slice %arg4[%multiple_of3A_220, %multiple_of3A_187] : memref<16x1000000xf32, #tpu.memory_space<hbm>> -> memref<8x128xf32, #tpu.memory_space<hbm>>
    tpu.enqueue_dma source(%dma_start3A_224 : memref<8x128xf32, #tpu.memory_space<hbm>>) target(%dma_start3A_223 : memref<8x128xf32, #tpu.memory_space<vmem>>) target_semaphore(%arg14 : memref<!tpu.dma_semaphore, #tpu.memory_space<semaphore_mem>>)
    %dma_start3A_225 = tpu.memref_slice %arg10[%multiple_of3A_220, %multiple_of3A_218] : memref<16x2048xf32, #tpu.memory_space<vmem>> -> memref<8x128xf32, #tpu.memory_space<vmem>>
    %dma_start3A_226 = tpu.memref_slice %arg5[%multiple_of3A_220, %multiple_of3A_216] : memref<16x1000000xf32, #tpu.memory_space<hbm>> -> memref<8x128xf32, #tpu.memory_space<hbm>>
    %dma_start3A_227 = tpu.memref_slice %arg10[%multiple_of3A_220, %multiple_of3A_218] : memref<16x2048xf32, #tpu.memory_space<vmem>> -> memref<8x128xf32, #tpu.memory_space<vmem>>
    %dma_start3A_228 = tpu.memref_slice %arg5[%multiple_of3A_220, %multiple_of3A_216] : memref<16x1000000xf32, #tpu.memory_space<hbm>> -> memref<8x128xf32, #tpu.memory_space<hbm>>
    tpu.enqueue_dma source(%dma_start3A_228 : memref<8x128xf32, #tpu.memory_space<hbm>>) target(%dma_start3A_227 : memref<8x128xf32, #tpu.memory_space<vmem>>) target_semaphore(%arg16 : memref<!tpu.dma_semaphore, #tpu.memory_space<semaphore_mem>>)
    %multiple_of3A_229 = arith.constant 8 : i32
    %multiple_of3A_230 = tpu.assume_multiple %multiple_of3A_229, 8 : i32
    %dma_start3A_231 = tpu.memref_slice %arg9[%multiple_of3A_230, %multiple_of3A_218] : memref<16x2048xf32, #tpu.memory_space<vmem>> -> memref<8x128xf32, #tpu.memory_space<vmem>>
    %dma_start3A_232 = tpu.memref_slice %arg4[%multiple_of3A_230, %multiple_of3A_187] : memref<16x1000000xf32, #tpu.memory_space<hbm>> -> memref<8x128xf32, #tpu.memory_space<hbm>>
    %dma_start3A_233 = tpu.memref_slice %arg9[%multiple_of3A_230, %multiple_of3A_218] : memref<16x2048xf32, #tpu.memory_space<vmem>> -> memref<8x128xf32, #tpu.memory_space<vmem>>
    %dma_start3A_234 = tpu.memref_slice %arg4[%multiple_of3A_230, %multiple_of3A_187] : memref<16x1000000xf32, #tpu.memory_space<hbm>> -> memref<8x128xf32, #tpu.memory_space<hbm>>
    tpu.enqueue_dma source(%dma_start3A_234 : memref<8x128xf32, #tpu.memory_space<hbm>>) target(%dma_start3A_233 : memref<8x128xf32, #tpu.memory_space<vmem>>) target_semaphore(%arg14 : memref<!tpu.dma_semaphore, #tpu.memory_space<semaphore_mem>>)
    %dma_start3A_235 = tpu.memref_slice %arg10[%multiple_of3A_230, %multiple_of3A_218] : memref<16x2048xf32, #tpu.memory_space<vmem>> -> memref<8x128xf32, #tpu.memory_space<vmem>>
    %dma_start3A_236 = tpu.memref_slice %arg5[%multiple_of3A_230, %multiple_of3A_216] : memref<16x1000000xf32, #tpu.memory_space<hbm>> -> memref<8x128xf32, #tpu.memory_space<hbm>>
    %dma_start3A_237 = tpu.memref_slice %arg10[%multiple_of3A_230, %multiple_of3A_218] : memref<16x2048xf32, #tpu.memory_space<vmem>> -> memref<8x128xf32, #tpu.memory_space<vmem>>
    %dma_start3A_238 = tpu.memref_slice %arg5[%multiple_of3A_230, %multiple_of3A_216] : memref<16x1000000xf32, #tpu.memory_space<hbm>> -> memref<8x128xf32, #tpu.memory_space<hbm>>
    tpu.enqueue_dma source(%dma_start3A_238 : memref<8x128xf32, #tpu.memory_space<hbm>>) target(%dma_start3A_237 : memref<8x128xf32, #tpu.memory_space<vmem>>) target_semaphore(%arg16 : memref<!tpu.dma_semaphore, #tpu.memory_space<semaphore_mem>>)
    %slice3A_239 = vector.extract_strided_slice %get3A_7 {offsets = [3], sizes = [1], strides = [1]} : vector<16xi32> to vector<1xi32>
    %squeeze3A_240 = vector.extract %slice3A_239[0] : i32 from vector<1xi32>
    %jit3A_241 = arith.constant 128 : i32
    %div3A_242 = arith.divsi %squeeze3A_240, %jit3A_241 : i32
    %sign3A_243 = arith.constant 0 : i32
    %sign3A_244 = arith.cmpi sgt, %squeeze3A_240, %sign3A_243 : i32
    %sign3A_245 = arith.extui %sign3A_244 : i1 to i32
    %sign3A_246 = arith.constant 0 : i32
    %sign3A_247 = arith.cmpi slt, %squeeze3A_240, %sign3A_246 : i32
    %sign3A_248 = arith.extui %sign3A_247 : i1 to i32
    %sign3A_249 = arith.subi %sign3A_245, %sign3A_248 : i32
    %sign3A_250 = arith.constant 0 : i32
    %sign3A_251 = arith.cmpi sgt, %jit3A_241, %sign3A_250 : i32
    %sign3A_252 = arith.extui %sign3A_251 : i1 to i32
    %sign3A_253 = arith.constant 0 : i32
    %sign3A_254 = arith.cmpi slt, %jit3A_241, %sign3A_253 : i32
    %sign3A_255 = arith.extui %sign3A_254 : i1 to i32
    %sign3A_256 = arith.subi %sign3A_252, %sign3A_255 : i32
    %ne3A_257 = arith.cmpi ne, %sign3A_249, %sign3A_256 : i32
    %rem3A_258 = arith.remsi %squeeze3A_240, %jit3A_241 : i32
    %ne3A_259 = arith.constant 0 : i32
    %ne3A_260 = arith.cmpi ne, %rem3A_258, %ne3A_259 : i32
    %and3A_261 = arith.andi %ne3A_257, %ne3A_260 : i1
    %sub3A_262 = arith.constant 1 : i32
    %sub3A_263 = arith.subi %div3A_242, %sub3A_262 : i32
    %select_n3A_264 = arith.select %and3A_261, %sub3A_263, %div3A_242 : i32
    %mul3A_265 = arith.constant 128 : i32
    %mul3A_266 = arith.muli %select_n3A_264, %mul3A_265 : i32
    %multiple_of3A_267 = tpu.assume_multiple %mul3A_266, 128 : i32
    %slice3A_268 = vector.extract_strided_slice %get3A_9 {offsets = [3], sizes = [1], strides = [1]} : vector<16xi32> to vector<1xi32>
    %squeeze3A_269 = vector.extract %slice3A_268[0] : i32 from vector<1xi32>
    %jit3A_270 = arith.constant 128 : i32
    %div3A_271 = arith.divsi %squeeze3A_269, %jit3A_270 : i32
    %sign3A_272 = arith.constant 0 : i32
    %sign3A_273 = arith.cmpi sgt, %squeeze3A_269, %sign3A_272 : i32
    %sign3A_274 = arith.extui %sign3A_273 : i1 to i32
    %sign3A_275 = arith.constant 0 : i32
    %sign3A_276 = arith.cmpi slt, %squeeze3A_269, %sign3A_275 : i32
    %sign3A_277 = arith.extui %sign3A_276 : i1 to i32
    %sign3A_278 = arith.subi %sign3A_274, %sign3A_277 : i32
    %sign3A_279 = arith.constant 0 : i32
    %sign3A_280 = arith.cmpi sgt, %jit3A_270, %sign3A_279 : i32
    %sign3A_281 = arith.extui %sign3A_280 : i1 to i32
    %sign3A_282 = arith.constant 0 : i32
    %sign3A_283 = arith.cmpi slt, %jit3A_270, %sign3A_282 : i32
    %sign3A_284 = arith.extui %sign3A_283 : i1 to i32
    %sign3A_285 = arith.subi %sign3A_281, %sign3A_284 : i32
    %ne3A_286 = arith.cmpi ne, %sign3A_278, %sign3A_285 : i32
    %rem3A_287 = arith.remsi %squeeze3A_269, %jit3A_270 : i32
    %ne3A_288 = arith.constant 0 : i32
    %ne3A_289 = arith.cmpi ne, %rem3A_287, %ne3A_288 : i32
    %and3A_290 = arith.andi %ne3A_286, %ne3A_289 : i1
    %sub3A_291 = arith.constant 1 : i32
    %sub3A_292 = arith.subi %div3A_271, %sub3A_291 : i32
    %select_n3A_293 = arith.select %and3A_290, %sub3A_292, %div3A_271 : i32
    %mul3A_294 = arith.constant 128 : i32
    %mul3A_295 = arith.muli %select_n3A_293, %mul3A_294 : i32
    %multiple_of3A_296 = tpu.assume_multiple %mul3A_295, 128 : i32
    %multiple_of3A_297 = arith.constant 384 : i32
    %multiple_of3A_298 = tpu.assume_multiple %multiple_of3A_297, 128 : i32
    %multiple_of3A_299 = arith.constant 0 : i32
    %multiple_of3A_300 = tpu.assume_multiple %multiple_of3A_299, 8 : i32
    %dma_start3A_301 = tpu.memref_slice %arg9[%multiple_of3A_300, %multiple_of3A_298] : memref<16x2048xf32, #tpu.memory_space<vmem>> -> memref<8x128xf32, #tpu.memory_space<vmem>>
    %dma_start3A_302 = tpu.memref_slice %arg4[%multiple_of3A_300, %multiple_of3A_267] : memref<16x1000000xf32, #tpu.memory_space<hbm>> -> memref<8x128xf32, #tpu.memory_space<hbm>>
    %dma_start3A_303 = tpu.memref_slice %arg9[%multiple_of3A_300, %multiple_of3A_298] : memref<16x2048xf32, #tpu.memory_space<vmem>> -> memref<8x128xf32, #tpu.memory_space<vmem>>
    %dma_start3A_304 = tpu.memref_slice %arg4[%multiple_of3A_300, %multiple_of3A_267] : memref<16x1000000xf32, #tpu.memory_space<hbm>> -> memref<8x128xf32, #tpu.memory_space<hbm>>
    tpu.enqueue_dma source(%dma_start3A_304 : memref<8x128xf32, #tpu.memory_space<hbm>>) target(%dma_start3A_303 : memref<8x128xf32, #tpu.memory_space<vmem>>) target_semaphore(%arg14 : memref<!tpu.dma_semaphore, #tpu.memory_space<semaphore_mem>>)
    %dma_start3A_305 = tpu.memref_slice %arg10[%multiple_of3A_300, %multiple_of3A_298] : memref<16x2048xf32, #tpu.memory_space<vmem>> -> memref<8x128xf32, #tpu.memory_space<vmem>>
    %dma_start3A_306 = tpu.memref_slice %arg5[%multiple_of3A_300, %multiple_of3A_296] : memref<16x1000000xf32, #tpu.memory_space<hbm>> -> memref<8x128xf32, #tpu.memory_space<hbm>>
    %dma_start3A_307 = tpu.memref_slice %arg10[%multiple_of3A_300, %multiple_of3A_298] : memref<16x2048xf32, #tpu.memory_space<vmem>> -> memref<8x128xf32, #tpu.memory_space<vmem>>
    %dma_start3A_308 = tpu.memref_slice %arg5[%multiple_of3A_300, %multiple_of3A_296] : memref<16x1000000xf32, #tpu.memory_space<hbm>> -> memref<8x128xf32, #tpu.memory_space<hbm>>
    tpu.enqueue_dma source(%dma_start3A_308 : memref<8x128xf32, #tpu.memory_space<hbm>>) target(%dma_start3A_307 : memref<8x128xf32, #tpu.memory_space<vmem>>) target_semaphore(%arg16 : memref<!tpu.dma_semaphore, #tpu.memory_space<semaphore_mem>>)
    %multiple_of3A_309 = arith.constant 8 : i32
    %multiple_of3A_310 = tpu.assume_multiple %multiple_of3A_309, 8 : i32
    %dma_start3A_311 = tpu.memref_slice %arg9[%multiple_of3A_310, %multiple_of3A_298] : memref<16x2048xf32, #tpu.memory_space<vmem>> -> memref<8x128xf32, #tpu.memory_space<vmem>>
    %dma_start3A_312 = tpu.memref_slice %arg4[%multiple_of3A_310, %multiple_of3A_267] : memref<16x1000000xf32, #tpu.memory_space<hbm>> -> memref<8x128xf32, #tpu.memory_space<hbm>>
    %dma_start3A_313 = tpu.memref_slice %arg9[%multiple_of3A_310, %multiple_of3A_298] : memref<16x2048xf32, #tpu.memory_space<vmem>> -> memref<8x128xf32, #tpu.memory_space<vmem>>
    %dma_start3A_314 = tpu.memref_slice %arg4[%multiple_of3A_310, %multiple_of3A_267] : memref<16x1000000xf32, #tpu.memory_space<hbm>> -> memref<8x128xf32, #tpu.memory_space<hbm>>
    tpu.enqueue_dma source(%dma_start3A_314 : memref<8x128xf32, #tpu.memory_space<hbm>>) target(%dma_start3A_313 : memref<8x128xf32, #tpu.memory_space<vmem>>) target_semaphore(%arg14 : memref<!tpu.dma_semaphore, #tpu.memory_space<semaphore_mem>>)
    %dma_start3A_315 = tpu.memref_slice %arg10[%multiple_of3A_310, %multiple_of3A_298] : memref<16x2048xf32, #tpu.memory_space<vmem>> -> memref<8x128xf32, #tpu.memory_space<vmem>>
    %dma_start3A_316 = tpu.memref_slice %arg5[%multiple_of3A_310, %multiple_of3A_296] : memref<16x1000000xf32, #tpu.memory_space<hbm>> -> memref<8x128xf32, #tpu.memory_space<hbm>>
    %dma_start3A_317 = tpu.memref_slice %arg10[%multiple_of3A_310, %multiple_of3A_298] : memref<16x2048xf32, #tpu.memory_space<vmem>> -> memref<8x128xf32, #tpu.memory_space<vmem>>
    %dma_start3A_318 = tpu.memref_slice %arg5[%multiple_of3A_310, %multiple_of3A_296] : memref<16x1000000xf32, #tpu.memory_space<hbm>> -> memref<8x128xf32, #tpu.memory_space<hbm>>
    tpu.enqueue_dma source(%dma_start3A_318 : memref<8x128xf32, #tpu.memory_space<hbm>>) target(%dma_start3A_317 : memref<8x128xf32, #tpu.memory_space<vmem>>) target_semaphore(%arg16 : memref<!tpu.dma_semaphore, #tpu.memory_space<semaphore_mem>>)
    %slice3A_319 = vector.extract_strided_slice %get3A_7 {offsets = [4], sizes = [1], strides = [1]} : vector<16xi32> to vector<1xi32>
    %squeeze3A_320 = vector.extract %slice3A_319[0] : i32 from vector<1xi32>
    %jit3A_321 = arith.constant 128 : i32
    %div3A_322 = arith.divsi %squeeze3A_320, %jit3A_321 : i32
    %sign3A_323 = arith.constant 0 : i32
    %sign3A_324 = arith.cmpi sgt, %squeeze3A_320, %sign3A_323 : i32
    %sign3A_325 = arith.extui %sign3A_324 : i1 to i32
    %sign3A_326 = arith.constant 0 : i32
    %sign3A_327 = arith.cmpi slt, %squeeze3A_320, %sign3A_326 : i32
    %sign3A_328 = arith.extui %sign3A_327 : i1 to i32
    %sign3A_329 = arith.subi %sign3A_325, %sign3A_328 : i32
    %sign3A_330 = arith.constant 0 : i32
    %sign3A_331 = arith.cmpi sgt, %jit3A_321, %sign3A_330 : i32
    %sign3A_332 = arith.extui %sign3A_331 : i1 to i32
    %sign3A_333 = arith.constant 0 : i32
    %sign3A_334 = arith.cmpi slt, %jit3A_321, %sign3A_333 : i32
    %sign3A_335 = arith.extui %sign3A_334 : i1 to i32
    %sign3A_336 = arith.subi %sign3A_332, %sign3A_335 : i32
    %ne3A_337 = arith.cmpi ne, %sign3A_329, %sign3A_336 : i32
    %rem3A_338 = arith.remsi %squeeze3A_320, %jit3A_321 : i32
    %ne3A_339 = arith.constant 0 : i32
    %ne3A_340 = arith.cmpi ne, %rem3A_338, %ne3A_339 : i32
    %and3A_341 = arith.andi %ne3A_337, %ne3A_340 : i1
    %sub3A_342 = arith.constant 1 : i32
    %sub3A_343 = arith.subi %div3A_322, %sub3A_342 : i32
    %select_n3A_344 = arith.select %and3A_341, %sub3A_343, %div3A_322 : i32
    %mul3A_345 = arith.constant 128 : i32
    %mul3A_346 = arith.muli %select_n3A_344, %mul3A_345 : i32
    %multiple_of3A_347 = tpu.assume_multiple %mul3A_346, 128 : i32
    %slice3A_348 = vector.extract_strided_slice %get3A_9 {offsets = [4], sizes = [1], strides = [1]} : vector<16xi32> to vector<1xi32>
    %squeeze3A_349 = vector.extract %slice3A_348[0] : i32 from vector<1xi32>
    %jit3A_350 = arith.constant 128 : i32
    %div3A_351 = arith.divsi %squeeze3A_349, %jit3A_350 : i32
    %sign3A_352 = arith.constant 0 : i32
    %sign3A_353 = arith.cmpi sgt, %squeeze3A_349, %sign3A_352 : i32
    %sign3A_354 = arith.extui %sign3A_353 : i1 to i32
    %sign3A_355 = arith.constant 0 : i32
    %sign3A_356 = arith.cmpi slt, %squeeze3A_349, %sign3A_355 : i32
    %sign3A_357 = arith.extui %sign3A_356 : i1 to i32
    %sign3A_358 = arith.subi %sign3A_354, %sign3A_357 : i32
    %sign3A_359 = arith.constant 0 : i32
    %sign3A_360 = arith.cmpi sgt, %jit3A_350, %sign3A_359 : i32
    %sign3A_361 = arith.extui %sign3A_360 : i1 to i32
    %sign3A_362 = arith.constant 0 : i32
    %sign3A_363 = arith.cmpi slt, %jit3A_350, %sign3A_362 : i32
    %sign3A_364 = arith.extui %sign3A_363 : i1 to i32
    %sign3A_365 = arith.subi %sign3A_361, %sign3A_364 : i32
    %ne3A_366 = arith.cmpi ne, %sign3A_358, %sign3A_365 : i32
    %rem3A_367 = arith.remsi %squeeze3A_349, %jit3A_350 : i32
    %ne3A_368 = arith.constant 0 : i32
    %ne3A_369 = arith.cmpi ne, %rem3A_367, %ne3A_368 : i32
    %and3A_370 = arith.andi %ne3A_366, %ne3A_369 : i1
    %sub3A_371 = arith.constant 1 : i32
    %sub3A_372 = arith.subi %div3A_351, %sub3A_371 : i32
    %select_n3A_373 = arith.select %and3A_370, %sub3A_372, %div3A_351 : i32
    %mul3A_374 = arith.constant 128 : i32
    %mul3A_375 = arith.muli %select_n3A_373, %mul3A_374 : i32
    %multiple_of3A_376 = tpu.assume_multiple %mul3A_375, 128 : i32
    %multiple_of3A_377 = arith.constant 512 : i32
    %multiple_of3A_378 = tpu.assume_multiple %multiple_of3A_377, 128 : i32
    %multiple_of3A_379 = arith.constant 0 : i32
    %multiple_of3A_380 = tpu.assume_multiple %multiple_of3A_379, 8 : i32
    %dma_start3A_381 = tpu.memref_slice %arg9[%multiple_of3A_380, %multiple_of3A_378] : memref<16x2048xf32, #tpu.memory_space<vmem>> -> memref<8x128xf32, #tpu.memory_space<vmem>>
    %dma_start3A_382 = tpu.memref_slice %arg4[%multiple_of3A_380, %multiple_of3A_347] : memref<16x1000000xf32, #tpu.memory_space<hbm>> -> memref<8x128xf32, #tpu.memory_space<hbm>>
    %dma_start3A_383 = tpu.memref_slice %arg9[%multiple_of3A_380, %multiple_of3A_378] : memref<16x2048xf32, #tpu.memory_space<vmem>> -> memref<8x128xf32, #tpu.memory_space<vmem>>
    %dma_start3A_384 = tpu.memref_slice %arg4[%multiple_of3A_380, %multiple_of3A_347] : memref<16x1000000xf32, #tpu.memory_space<hbm>> -> memref<8x128xf32, #tpu.memory_space<hbm>>
    tpu.enqueue_dma source(%dma_start3A_384 : memref<8x128xf32, #tpu.memory_space<hbm>>) target(%dma_start3A_383 : memref<8x128xf32, #tpu.memory_space<vmem>>) target_semaphore(%arg14 : memref<!tpu.dma_semaphore, #tpu.memory_space<semaphore_mem>>)
    %dma_start3A_385 = tpu.memref_slice %arg10[%multiple_of3A_380, %multiple_of3A_378] : memref<16x2048xf32, #tpu.memory_space<vmem>> -> memref<8x128xf32, #tpu.memory_space<vmem>>
    %dma_start3A_386 = tpu.memref_slice %arg5[%multiple_of3A_380, %multiple_of3A_376] : memref<16x1000000xf32, #tpu.memory_space<hbm>> -> memref<8x128xf32, #tpu.memory_space<hbm>>
    %dma_start3A_387 = tpu.memref_slice %arg10[%multiple_of3A_380, %multiple_of3A_378] : memref<16x2048xf32, #tpu.memory_space<vmem>> -> memref<8x128xf32, #tpu.memory_space<vmem>>
    %dma_start3A_388 = tpu.memref_slice %arg5[%multiple_of3A_380, %multiple_of3A_376] : memref<16x1000000xf32, #tpu.memory_space<hbm>> -> memref<8x128xf32, #tpu.memory_space<hbm>>
    tpu.enqueue_dma source(%dma_start3A_388 : memref<8x128xf32, #tpu.memory_space<hbm>>) target(%dma_start3A_387 : memref<8x128xf32, #tpu.memory_space<vmem>>) target_semaphore(%arg16 : memref<!tpu.dma_semaphore, #tpu.memory_space<semaphore_mem>>)
    %multiple_of3A_389 = arith.constant 8 : i32
    %multiple_of3A_390 = tpu.assume_multiple %multiple_of3A_389, 8 : i32
    %dma_start3A_391 = tpu.memref_slice %arg9[%multiple_of3A_390, %multiple_of3A_378] : memref<16x2048xf32, #tpu.memory_space<vmem>> -> memref<8x128xf32, #tpu.memory_space<vmem>>
    %dma_start3A_392 = tpu.memref_slice %arg4[%multiple_of3A_390, %multiple_of3A_347] : memref<16x1000000xf32, #tpu.memory_space<hbm>> -> memref<8x128xf32, #tpu.memory_space<hbm>>
    %dma_start3A_393 = tpu.memref_slice %arg9[%multiple_of3A_390, %multiple_of3A_378] : memref<16x2048xf32, #tpu.memory_space<vmem>> -> memref<8x128xf32, #tpu.memory_space<vmem>>
    %dma_start3A_394 = tpu.memref_slice %arg4[%multiple_of3A_390, %multiple_of3A_347] : memref<16x1000000xf32, #tpu.memory_space<hbm>> -> memref<8x128xf32, #tpu.memory_space<hbm>>
    tpu.enqueue_dma source(%dma_start3A_394 : memref<8x128xf32, #tpu.memory_space<hbm>>) target(%dma_start3A_393 : memref<8x128xf32, #tpu.memory_space<vmem>>) target_semaphore(%arg14 : memref<!tpu.dma_semaphore, #tpu.memory_space<semaphore_mem>>)
    %dma_start3A_395 = tpu.memref_slice %arg10[%multiple_of3A_390, %multiple_of3A_378] : memref<16x2048xf32, #tpu.memory_space<vmem>> -> memref<8x128xf32, #tpu.memory_space<vmem>>
    %dma_start3A_396 = tpu.memref_slice %arg5[%multiple_of3A_390, %multiple_of3A_376] : memref<16x1000000xf32, #tpu.memory_space<hbm>> -> memref<8x128xf32, #tpu.memory_space<hbm>>
    %dma_start3A_397 = tpu.memref_slice %arg10[%multiple_of3A_390, %multiple_of3A_378] : memref<16x2048xf32, #tpu.memory_space<vmem>> -> memref<8x128xf32, #tpu.memory_space<vmem>>
    %dma_start3A_398 = tpu.memref_slice %arg5[%multiple_of3A_390, %multiple_of3A_376] : memref<16x1000000xf32, #tpu.memory_space<hbm>> -> memref<8x128xf32, #tpu.memory_space<hbm>>
    tpu.enqueue_dma source(%dma_start3A_398 : memref<8x128xf32, #tpu.memory_space<hbm>>) target(%dma_start3A_397 : memref<8x128xf32, #tpu.memory_space<vmem>>) target_semaphore(%arg16 : memref<!tpu.dma_semaphore, #tpu.memory_space<semaphore_mem>>)
    %slice3A_399 = vector.extract_strided_slice %get3A_7 {offsets = [5], sizes = [1], strides = [1]} : vector<16xi32> to vector<1xi32>
    %squeeze3A_400 = vector.extract %slice3A_399[0] : i32 from vector<1xi32>
    %jit3A_401 = arith.constant 128 : i32
    %div3A_402 = arith.divsi %squeeze3A_400, %jit3A_401 : i32
    %sign3A_403 = arith.constant 0 : i32
    %sign3A_404 = arith.cmpi sgt, %squeeze3A_400, %sign3A_403 : i32
    %sign3A_405 = arith.extui %sign3A_404 : i1 to i32
    %sign3A_406 = arith.constant 0 : i32
    %sign3A_407 = arith.cmpi slt, %squeeze3A_400, %sign3A_406 : i32
    %sign3A_408 = arith.extui %sign3A_407 : i1 to i32
    %sign3A_409 = arith.subi %sign3A_405, %sign3A_408 : i32
    %sign3A_410 = arith.constant 0 : i32
    %sign3A_411 = arith.cmpi sgt, %jit3A_401, %sign3A_410 : i32
    %sign3A_412 = arith.extui %sign3A_411 : i1 to i32
    %sign3A_413 = arith.constant 0 : i32
    %sign3A_414 = arith.cmpi slt, %jit3A_401, %sign3A_413 : i32
    %sign3A_415 = arith.extui %sign3A_414 : i1 to i32
    %sign3A_416 = arith.subi %sign3A_412, %sign3A_415 : i32
    %ne3A_417 = arith.cmpi ne, %sign3A_409, %sign3A_416 : i32
    %rem3A_418 = arith.remsi %squeeze3A_400, %jit3A_401 : i32
    %ne3A_419 = arith.constant 0 : i32
    %ne3A_420 = arith.cmpi ne, %rem3A_418, %ne3A_419 : i32
    %and3A_421 = arith.andi %ne3A_417, %ne3A_420 : i1
    %sub3A_422 = arith.constant 1 : i32
    %sub3A_423 = arith.subi %div3A_402, %sub3A_422 : i32
    %select_n3A_424 = arith.select %and3A_421, %sub3A_423, %div3A_402 : i32
    %mul3A_425 = arith.constant 128 : i32
    %mul3A_426 = arith.muli %select_n3A_424, %mul3A_425 : i32
    %multiple_of3A_427 = tpu.assume_multiple %mul3A_426, 128 : i32
    %slice3A_428 = vector.extract_strided_slice %get3A_9 {offsets = [5], sizes = [1], strides = [1]} : vector<16xi32> to vector<1xi32>
    %squeeze3A_429 = vector.extract %slice3A_428[0] : i32 from vector<1xi32>
    %jit3A_430 = arith.constant 128 : i32
    %div3A_431 = arith.divsi %squeeze3A_429, %jit3A_430 : i32
    %sign3A_432 = arith.constant 0 : i32
    %sign3A_433 = arith.cmpi sgt, %squeeze3A_429, %sign3A_432 : i32
    %sign3A_434 = arith.extui %sign3A_433 : i1 to i32
    %sign3A_435 = arith.constant 0 : i32
    %sign3A_436 = arith.cmpi slt, %squeeze3A_429, %sign3A_435 : i32
    %sign3A_437 = arith.extui %sign3A_436 : i1 to i32
    %sign3A_438 = arith.subi %sign3A_434, %sign3A_437 : i32
    %sign3A_439 = arith.constant 0 : i32
    %sign3A_440 = arith.cmpi sgt, %jit3A_430, %sign3A_439 : i32
    %sign3A_441 = arith.extui %sign3A_440 : i1 to i32
    %sign3A_442 = arith.constant 0 : i32
    %sign3A_443 = arith.cmpi slt, %jit3A_430, %sign3A_442 : i32
    %sign3A_444 = arith.extui %sign3A_443 : i1 to i32
    %sign3A_445 = arith.subi %sign3A_441, %sign3A_444 : i32
    %ne3A_446 = arith.cmpi ne, %sign3A_438, %sign3A_445 : i32
    %rem3A_447 = arith.remsi %squeeze3A_429, %jit3A_430 : i32
    %ne3A_448 = arith.constant 0 : i32
    %ne3A_449 = arith.cmpi ne, %rem3A_447, %ne3A_448 : i32
    %and3A_450 = arith.andi %ne3A_446, %ne3A_449 : i1
    %sub3A_451 = arith.constant 1 : i32
    %sub3A_452 = arith.subi %div3A_431, %sub3A_451 : i32
    %select_n3A_453 = arith.select %and3A_450, %sub3A_452, %div3A_431 : i32
    %mul3A_454 = arith.constant 128 : i32
    %mul3A_455 = arith.muli %select_n3A_453, %mul3A_454 : i32
    %multiple_of3A_456 = tpu.assume_multiple %mul3A_455, 128 : i32
    %multiple_of3A_457 = arith.constant 640 : i32
    %multiple_of3A_458 = tpu.assume_multiple %multiple_of3A_457, 128 : i32
    %multiple_of3A_459 = arith.constant 0 : i32
    %multiple_of3A_460 = tpu.assume_multiple %multiple_of3A_459, 8 : i32
    %dma_start3A_461 = tpu.memref_slice %arg9[%multiple_of3A_460, %multiple_of3A_458] : memref<16x2048xf32, #tpu.memory_space<vmem>> -> memref<8x128xf32, #tpu.memory_space<vmem>>
    %dma_start3A_462 = tpu.memref_slice %arg4[%multiple_of3A_460, %multiple_of3A_427] : memref<16x1000000xf32, #tpu.memory_space<hbm>> -> memref<8x128xf32, #tpu.memory_space<hbm>>
    %dma_start3A_463 = tpu.memref_slice %arg9[%multiple_of3A_460, %multiple_of3A_458] : memref<16x2048xf32, #tpu.memory_space<vmem>> -> memref<8x128xf32, #tpu.memory_space<vmem>>
    %dma_start3A_464 = tpu.memref_slice %arg4[%multiple_of3A_460, %multiple_of3A_427] : memref<16x1000000xf32, #tpu.memory_space<hbm>> -> memref<8x128xf32, #tpu.memory_space<hbm>>
    tpu.enqueue_dma source(%dma_start3A_464 : memref<8x128xf32, #tpu.memory_space<hbm>>) target(%dma_start3A_463 : memref<8x128xf32, #tpu.memory_space<vmem>>) target_semaphore(%arg14 : memref<!tpu.dma_semaphore, #tpu.memory_space<semaphore_mem>>)
    %dma_start3A_465 = tpu.memref_slice %arg10[%multiple_of3A_460, %multiple_of3A_458] : memref<16x2048xf32, #tpu.memory_space<vmem>> -> memref<8x128xf32, #tpu.memory_space<vmem>>
    %dma_start3A_466 = tpu.memref_slice %arg5[%multiple_of3A_460, %multiple_of3A_456] : memref<16x1000000xf32, #tpu.memory_space<hbm>> -> memref<8x128xf32, #tpu.memory_space<hbm>>
    %dma_start3A_467 = tpu.memref_slice %arg10[%multiple_of3A_460, %multiple_of3A_458] : memref<16x2048xf32, #tpu.memory_space<vmem>> -> memref<8x128xf32, #tpu.memory_space<vmem>>
    %dma_start3A_468 = tpu.memref_slice %arg5[%multiple_of3A_460, %multiple_of3A_456] : memref<16x1000000xf32, #tpu.memory_space<hbm>> -> memref<8x128xf32, #tpu.memory_space<hbm>>
    tpu.enqueue_dma source(%dma_start3A_468 : memref<8x128xf32, #tpu.memory_space<hbm>>) target(%dma_start3A_467 : memref<8x128xf32, #tpu.memory_space<vmem>>) target_semaphore(%arg16 : memref<!tpu.dma_semaphore, #tpu.memory_space<semaphore_mem>>)
    %multiple_of3A_469 = arith.constant 8 : i32
    %multiple_of3A_470 = tpu.assume_multiple %multiple_of3A_469, 8 : i32
    %dma_start3A_471 = tpu.memref_slice %arg9[%multiple_of3A_470, %multiple_of3A_458] : memref<16x2048xf32, #tpu.memory_space<vmem>> -> memref<8x128xf32, #tpu.memory_space<vmem>>
    %dma_start3A_472 = tpu.memref_slice %arg4[%multiple_of3A_470, %multiple_of3A_427] : memref<16x1000000xf32, #tpu.memory_space<hbm>> -> memref<8x128xf32, #tpu.memory_space<hbm>>
    %dma_start3A_473 = tpu.memref_slice %arg9[%multiple_of3A_470, %multiple_of3A_458] : memref<16x2048xf32, #tpu.memory_space<vmem>> -> memref<8x128xf32, #tpu.memory_space<vmem>>
    %dma_start3A_474 = tpu.memref_slice %arg4[%multiple_of3A_470, %multiple_of3A_427] : memref<16x1000000xf32, #tpu.memory_space<hbm>> -> memref<8x128xf32, #tpu.memory_space<hbm>>
    tpu.enqueue_dma source(%dma_start3A_474 : memref<8x128xf32, #tpu.memory_space<hbm>>) target(%dma_start3A_473 : memref<8x128xf32, #tpu.memory_space<vmem>>) target_semaphore(%arg14 : memref<!tpu.dma_semaphore, #tpu.memory_space<semaphore_mem>>)
    %dma_start3A_475 = tpu.memref_slice %arg10[%multiple_of3A_470, %multiple_of3A_458] : memref<16x2048xf32, #tpu.memory_space<vmem>> -> memref<8x128xf32, #tpu.memory_space<vmem>>
    %dma_start3A_476 = tpu.memref_slice %arg5[%multiple_of3A_470, %multiple_of3A_456] : memref<16x1000000xf32, #tpu.memory_space<hbm>> -> memref<8x128xf32, #tpu.memory_space<hbm>>
    %dma_start3A_477 = tpu.memref_slice %arg10[%multiple_of3A_470, %multiple_of3A_458] : memref<16x2048xf32, #tpu.memory_space<vmem>> -> memref<8x128xf32, #tpu.memory_space<vmem>>
    %dma_start3A_478 = tpu.memref_slice %arg5[%multiple_of3A_470, %multiple_of3A_456] : memref<16x1000000xf32, #tpu.memory_space<hbm>> -> memref<8x128xf32, #tpu.memory_space<hbm>>
    tpu.enqueue_dma source(%dma_start3A_478 : memref<8x128xf32, #tpu.memory_space<hbm>>) target(%dma_start3A_477 : memref<8x128xf32, #tpu.memory_space<vmem>>) target_semaphore(%arg16 : memref<!tpu.dma_semaphore, #tpu.memory_space<semaphore_mem>>)
    %slice3A_479 = vector.extract_strided_slice %get3A_7 {offsets = [6], sizes = [1], strides = [1]} : vector<16xi32> to vector<1xi32>
    %squeeze3A_480 = vector.extract %slice3A_479[0] : i32 from vector<1xi32>
    %jit3A_481 = arith.constant 128 : i32
    %div3A_482 = arith.divsi %squeeze3A_480, %jit3A_481 : i32
    %sign3A_483 = arith.constant 0 : i32
    %sign3A_484 = arith.cmpi sgt, %squeeze3A_480, %sign3A_483 : i32
    %sign3A_485 = arith.extui %sign3A_484 : i1 to i32
    %sign3A_486 = arith.constant 0 : i32
    %sign3A_487 = arith.cmpi slt, %squeeze3A_480, %sign3A_486 : i32
    %sign3A_488 = arith.extui %sign3A_487 : i1 to i32
    %sign3A_489 = arith.subi %sign3A_485, %sign3A_488 : i32
    %sign3A_490 = arith.constant 0 : i32
    %sign3A_491 = arith.cmpi sgt, %jit3A_481, %sign3A_490 : i32
    %sign3A_492 = arith.extui %sign3A_491 : i1 to i32
    %sign3A_493 = arith.constant 0 : i32
    %sign3A_494 = arith.cmpi slt, %jit3A_481, %sign3A_493 : i32
    %sign3A_495 = arith.extui %sign3A_494 : i1 to i32
    %sign3A_496 = arith.subi %sign3A_492, %sign3A_495 : i32
    %ne3A_497 = arith.cmpi ne, %sign3A_489, %sign3A_496 : i32
    %rem3A_498 = arith.remsi %squeeze3A_480, %jit3A_481 : i32
    %ne3A_499 = arith.constant 0 : i32
    %ne3A_500 = arith.cmpi ne, %rem3A_498, %ne3A_499 : i32
    %and3A_501 = arith.andi %ne3A_497, %ne3A_500 : i1
    %sub3A_502 = arith.constant 1 : i32
    %sub3A_503 = arith.subi %div3A_482, %sub3A_502 : i32
    %select_n3A_504 = arith.select %and3A_501, %sub3A_503, %div3A_482 : i32
    %mul3A_505 = arith.constant 128 : i32
    %mul3A_506 = arith.muli %select_n3A_504, %mul3A_505 : i32
    %multiple_of3A_507 = tpu.assume_multiple %mul3A_506, 128 : i32
    %slice3A_508 = vector.extract_strided_slice %get3A_9 {offsets = [6], sizes = [1], strides = [1]} : vector<16xi32> to vector<1xi32>
    %squeeze3A_509 = vector.extract %slice3A_508[0] : i32 from vector<1xi32>
    %jit3A_510 = arith.constant 128 : i32
    %div3A_511 = arith.divsi %squeeze3A_509, %jit3A_510 : i32
    %sign3A_512 = arith.constant 0 : i32
    %sign3A_513 = arith.cmpi sgt, %squeeze3A_509, %sign3A_512 : i32
    %sign3A_514 = arith.extui %sign3A_513 : i1 to i32
    %sign3A_515 = arith.constant 0 : i32
    %sign3A_516 = arith.cmpi slt, %squeeze3A_509, %sign3A_515 : i32
    %sign3A_517 = arith.extui %sign3A_516 : i1 to i32
    %sign3A_518 = arith.subi %sign3A_514, %sign3A_517 : i32
    %sign3A_519 = arith.constant 0 : i32
    %sign3A_520 = arith.cmpi sgt, %jit3A_510, %sign3A_519 : i32
    %sign3A_521 = arith.extui %sign3A_520 : i1 to i32
    %sign3A_522 = arith.constant 0 : i32
    %sign3A_523 = arith.cmpi slt, %jit3A_510, %sign3A_522 : i32
    %sign3A_524 = arith.extui %sign3A_523 : i1 to i32
    %sign3A_525 = arith.subi %sign3A_521, %sign3A_524 : i32
    %ne3A_526 = arith.cmpi ne, %sign3A_518, %sign3A_525 : i32
    %rem3A_527 = arith.remsi %squeeze3A_509, %jit3A_510 : i32
    %ne3A_528 = arith.constant 0 : i32
    %ne3A_529 = arith.cmpi ne, %rem3A_527, %ne3A_528 : i32
    %and3A_530 = arith.andi %ne3A_526, %ne3A_529 : i1
    %sub3A_531 = arith.constant 1 : i32
    %sub3A_532 = arith.subi %div3A_511, %sub3A_531 : i32
    %select_n3A_533 = arith.select %and3A_530, %sub3A_532, %div3A_511 : i32
    %mul3A_534 = arith.constant 128 : i32
    %mul3A_535 = arith.muli %select_n3A_533, %mul3A_534 : i32
    %multiple_of3A_536 = tpu.assume_multiple %mul3A_535, 128 : i32
    %multiple_of3A_537 = arith.constant 768 : i32
    %multiple_of3A_538 = tpu.assume_multiple %multiple_of3A_537, 128 : i32
    %multiple_of3A_539 = arith.constant 0 : i32
    %multiple_of3A_540 = tpu.assume_multiple %multiple_of3A_539, 8 : i32
    %dma_start3A_541 = tpu.memref_slice %arg9[%multiple_of3A_540, %multiple_of3A_538] : memref<16x2048xf32, #tpu.memory_space<vmem>> -> memref<8x128xf32, #tpu.memory_space<vmem>>
    %dma_start3A_542 = tpu.memref_slice %arg4[%multiple_of3A_540, %multiple_of3A_507] : memref<16x1000000xf32, #tpu.memory_space<hbm>> -> memref<8x128xf32, #tpu.memory_space<hbm>>
    %dma_start3A_543 = tpu.memref_slice %arg9[%multiple_of3A_540, %multiple_of3A_538] : memref<16x2048xf32, #tpu.memory_space<vmem>> -> memref<8x128xf32, #tpu.memory_space<vmem>>
    %dma_start3A_544 = tpu.memref_slice %arg4[%multiple_of3A_540, %multiple_of3A_507] : memref<16x1000000xf32, #tpu.memory_space<hbm>> -> memref<8x128xf32, #tpu.memory_space<hbm>>
    tpu.enqueue_dma source(%dma_start3A_544 : memref<8x128xf32, #tpu.memory_space<hbm>>) target(%dma_start3A_543 : memref<8x128xf32, #tpu.memory_space<vmem>>) target_semaphore(%arg14 : memref<!tpu.dma_semaphore, #tpu.memory_space<semaphore_mem>>)
    %dma_start3A_545 = tpu.memref_slice %arg10[%multiple_of3A_540, %multiple_of3A_538] : memref<16x2048xf32, #tpu.memory_space<vmem>> -> memref<8x128xf32, #tpu.memory_space<vmem>>
    %dma_start3A_546 = tpu.memref_slice %arg5[%multiple_of3A_540, %multiple_of3A_536] : memref<16x1000000xf32, #tpu.memory_space<hbm>> -> memref<8x128xf32, #tpu.memory_space<hbm>>
    %dma_start3A_547 = tpu.memref_slice %arg10[%multiple_of3A_540, %multiple_of3A_538] : memref<16x2048xf32, #tpu.memory_space<vmem>> -> memref<8x128xf32, #tpu.memory_space<vmem>>
    %dma_start3A_548 = tpu.memref_slice %arg5[%multiple_of3A_540, %multiple_of3A_536] : memref<16x1000000xf32, #tpu.memory_space<hbm>> -> memref<8x128xf32, #tpu.memory_space<hbm>>
    tpu.enqueue_dma source(%dma_start3A_548 : memref<8x128xf32, #tpu.memory_space<hbm>>) target(%dma_start3A_547 : memref<8x128xf32, #tpu.memory_space<vmem>>) target_semaphore(%arg16 : memref<!tpu.dma_semaphore, #tpu.memory_space<semaphore_mem>>)
    %multiple_of3A_549 = arith.constant 8 : i32
    %multiple_of3A_550 = tpu.assume_multiple %multiple_of3A_549, 8 : i32
    %dma_start3A_551 = tpu.memref_slice %arg9[%multiple_of3A_550, %multiple_of3A_538] : memref<16x2048xf32, #tpu.memory_space<vmem>> -> memref<8x128xf32, #tpu.memory_space<vmem>>
    %dma_start3A_552 = tpu.memref_slice %arg4[%multiple_of3A_550, %multiple_of3A_507] : memref<16x1000000xf32, #tpu.memory_space<hbm>> -> memref<8x128xf32, #tpu.memory_space<hbm>>
    %dma_start3A_553 = tpu.memref_slice %arg9[%multiple_of3A_550, %multiple_of3A_538] : memref<16x2048xf32, #tpu.memory_space<vmem>> -> memref<8x128xf32, #tpu.memory_space<vmem>>
    %dma_start3A_554 = tpu.memref_slice %arg4[%multiple_of3A_550, %multiple_of3A_507] : memref<16x1000000xf32, #tpu.memory_space<hbm>> -> memref<8x128xf32, #tpu.memory_space<hbm>>
    tpu.enqueue_dma source(%dma_start3A_554 : memref<8x128xf32, #tpu.memory_space<hbm>>) target(%dma_start3A_553 : memref<8x128xf32, #tpu.memory_space<vmem>>) target_semaphore(%arg14 : memref<!tpu.dma_semaphore, #tpu.memory_space<semaphore_mem>>)
    %dma_start3A_555 = tpu.memref_slice %arg10[%multiple_of3A_550, %multiple_of3A_538] : memref<16x2048xf32, #tpu.memory_space<vmem>> -> memref<8x128xf32, #tpu.memory_space<vmem>>
    %dma_start3A_556 = tpu.memref_slice %arg5[%multiple_of3A_550, %multiple_of3A_536] : memref<16x1000000xf32, #tpu.memory_space<hbm>> -> memref<8x128xf32, #tpu.memory_space<hbm>>
    %dma_start3A_557 = tpu.memref_slice %arg10[%multiple_of3A_550, %multiple_of3A_538] : memref<16x2048xf32, #tpu.memory_space<vmem>> -> memref<8x128xf32, #tpu.memory_space<vmem>>
    %dma_start3A_558 = tpu.memref_slice %arg5[%multiple_of3A_550, %multiple_of3A_536] : memref<16x1000000xf32, #tpu.memory_space<hbm>> -> memref<8x128xf32, #tpu.memory_space<hbm>>
    tpu.enqueue_dma source(%dma_start3A_558 : memref<8x128xf32, #tpu.memory_space<hbm>>) target(%dma_start3A_557 : memref<8x128xf32, #tpu.memory_space<vmem>>) target_semaphore(%arg16 : memref<!tpu.dma_semaphore, #tpu.memory_space<semaphore_mem>>)
    %slice3A_559 = vector.extract_strided_slice %get3A_7 {offsets = [7], sizes = [1], strides = [1]} : vector<16xi32> to vector<1xi32>
    %squeeze3A_560 = vector.extract %slice3A_559[0] : i32 from vector<1xi32>
    %jit3A_561 = arith.constant 128 : i32
    %div3A_562 = arith.divsi %squeeze3A_560, %jit3A_561 : i32
    %sign3A_563 = arith.constant 0 : i32
    %sign3A_564 = arith.cmpi sgt, %squeeze3A_560, %sign3A_563 : i32
    %sign3A_565 = arith.extui %sign3A_564 : i1 to i32
    %sign3A_566 = arith.constant 0 : i32
    %sign3A_567 = arith.cmpi slt, %squeeze3A_560, %sign3A_566 : i32
    %sign3A_568 = arith.extui %sign3A_567 : i1 to i32
    %sign3A_569 = arith.subi %sign3A_565, %sign3A_568 : i32
    %sign3A_570 = arith.constant 0 : i32
    %sign3A_571 = arith.cmpi sgt, %jit3A_561, %sign3A_570 : i32
    %sign3A_572 = arith.extui %sign3A_571 : i1 to i32
    %sign3A_573 = arith.constant 0 : i32
    %sign3A_574 = arith.cmpi slt, %jit3A_561, %sign3A_573 : i32
    %sign3A_575 = arith.extui %sign3A_574 : i1 to i32
    %sign3A_576 = arith.subi %sign3A_572, %sign3A_575 : i32
    %ne3A_577 = arith.cmpi ne, %sign3A_569, %sign3A_576 : i32
    %rem3A_578 = arith.remsi %squeeze3A_560, %jit3A_561 : i32
    %ne3A_579 = arith.constant 0 : i32
    %ne3A_580 = arith.cmpi ne, %rem3A_578, %ne3A_579 : i32
    %and3A_581 = arith.andi %ne3A_577, %ne3A_580 : i1
    %sub3A_582 = arith.constant 1 : i32
    %sub3A_583 = arith.subi %div3A_562, %sub3A_582 : i32
    %select_n3A_584 = arith.select %and3A_581, %sub3A_583, %div3A_562 : i32
    %mul3A_585 = arith.constant 128 : i32
    %mul3A_586 = arith.muli %select_n3A_584, %mul3A_585 : i32
    %multiple_of3A_587 = tpu.assume_multiple %mul3A_586, 128 : i32
    %slice3A_588 = vector.extract_strided_slice %get3A_9 {offsets = [7], sizes = [1], strides = [1]} : vector<16xi32> to vector<1xi32>
    %squeeze3A_589 = vector.extract %slice3A_588[0] : i32 from vector<1xi32>
    %jit3A_590 = arith.constant 128 : i32
    %div3A_591 = arith.divsi %squeeze3A_589, %jit3A_590 : i32
    %sign3A_592 = arith.constant 0 : i32
    %sign3A_593 = arith.cmpi sgt, %squeeze3A_589, %sign3A_592 : i32
    %sign3A_594 = arith.extui %sign3A_593 : i1 to i32
    %sign3A_595 = arith.constant 0 : i32
    %sign3A_596 = arith.cmpi slt, %squeeze3A_589, %sign3A_595 : i32
    %sign3A_597 = arith.extui %sign3A_596 : i1 to i32
    %sign3A_598 = arith.subi %sign3A_594, %sign3A_597 : i32
    %sign3A_599 = arith.constant 0 : i32
    %sign3A_600 = arith.cmpi sgt, %jit3A_590, %sign3A_599 : i32
    %sign3A_601 = arith.extui %sign3A_600 : i1 to i32
    %sign3A_602 = arith.constant 0 : i32
    %sign3A_603 = arith.cmpi slt, %jit3A_590, %sign3A_602 : i32
    %sign3A_604 = arith.extui %sign3A_603 : i1 to i32
    %sign3A_605 = arith.subi %sign3A_601, %sign3A_604 : i32
    %ne3A_606 = arith.cmpi ne, %sign3A_598, %sign3A_605 : i32
    %rem3A_607 = arith.remsi %squeeze3A_589, %jit3A_590 : i32
    %ne3A_608 = arith.constant 0 : i32
    %ne3A_609 = arith.cmpi ne, %rem3A_607, %ne3A_608 : i32
    %and3A_610 = arith.andi %ne3A_606, %ne3A_609 : i1
    %sub3A_611 = arith.constant 1 : i32
    %sub3A_612 = arith.subi %div3A_591, %sub3A_611 : i32
    %select_n3A_613 = arith.select %and3A_610, %sub3A_612, %div3A_591 : i32
    %mul3A_614 = arith.constant 128 : i32
    %mul3A_615 = arith.muli %select_n3A_613, %mul3A_614 : i32
    %multiple_of3A_616 = tpu.assume_multiple %mul3A_615, 128 : i32
    %multiple_of3A_617 = arith.constant 896 : i32
    %multiple_of3A_618 = tpu.assume_multiple %multiple_of3A_617, 128 : i32
    %multiple_of3A_619 = arith.constant 0 : i32
    %multiple_of3A_620 = tpu.assume_multiple %multiple_of3A_619, 8 : i32
    %dma_start3A_621 = tpu.memref_slice %arg9[%multiple_of3A_620, %multiple_of3A_618] : memref<16x2048xf32, #tpu.memory_space<vmem>> -> memref<8x128xf32, #tpu.memory_space<vmem>>
    %dma_start3A_622 = tpu.memref_slice %arg4[%multiple_of3A_620, %multiple_of3A_587] : memref<16x1000000xf32, #tpu.memory_space<hbm>> -> memref<8x128xf32, #tpu.memory_space<hbm>>
    %dma_start3A_623 = tpu.memref_slice %arg9[%multiple_of3A_620, %multiple_of3A_618] : memref<16x2048xf32, #tpu.memory_space<vmem>> -> memref<8x128xf32, #tpu.memory_space<vmem>>
    %dma_start3A_624 = tpu.memref_slice %arg4[%multiple_of3A_620, %multiple_of3A_587] : memref<16x1000000xf32, #tpu.memory_space<hbm>> -> memref<8x128xf32, #tpu.memory_space<hbm>>
    tpu.enqueue_dma source(%dma_start3A_624 : memref<8x128xf32, #tpu.memory_space<hbm>>) target(%dma_start3A_623 : memref<8x128xf32, #tpu.memory_space<vmem>>) target_semaphore(%arg14 : memref<!tpu.dma_semaphore, #tpu.memory_space<semaphore_mem>>)
    %dma_start3A_625 = tpu.memref_slice %arg10[%multiple_of3A_620, %multiple_of3A_618] : memref<16x2048xf32, #tpu.memory_space<vmem>> -> memref<8x128xf32, #tpu.memory_space<vmem>>
    %dma_start3A_626 = tpu.memref_slice %arg5[%multiple_of3A_620, %multiple_of3A_616] : memref<16x1000000xf32, #tpu.memory_space<hbm>> -> memref<8x128xf32, #tpu.memory_space<hbm>>
    %dma_start3A_627 = tpu.memref_slice %arg10[%multiple_of3A_620, %multiple_of3A_618] : memref<16x2048xf32, #tpu.memory_space<vmem>> -> memref<8x128xf32, #tpu.memory_space<vmem>>
    %dma_start3A_628 = tpu.memref_slice %arg5[%multiple_of3A_620, %multiple_of3A_616] : memref<16x1000000xf32, #tpu.memory_space<hbm>> -> memref<8x128xf32, #tpu.memory_space<hbm>>
    tpu.enqueue_dma source(%dma_start3A_628 : memref<8x128xf32, #tpu.memory_space<hbm>>) target(%dma_start3A_627 : memref<8x128xf32, #tpu.memory_space<vmem>>) target_semaphore(%arg16 : memref<!tpu.dma_semaphore, #tpu.memory_space<semaphore_mem>>)
    %multiple_of3A_629 = arith.constant 8 : i32
    %multiple_of3A_630 = tpu.assume_multiple %multiple_of3A_629, 8 : i32
    %dma_start3A_631 = tpu.memref_slice %arg9[%multiple_of3A_630, %multiple_of3A_618] : memref<16x2048xf32, #tpu.memory_space<vmem>> -> memref<8x128xf32, #tpu.memory_space<vmem>>
    %dma_start3A_632 = tpu.memref_slice %arg4[%multiple_of3A_630, %multiple_of3A_587] : memref<16x1000000xf32, #tpu.memory_space<hbm>> -> memref<8x128xf32, #tpu.memory_space<hbm>>
    %dma_start3A_633 = tpu.memref_slice %arg9[%multiple_of3A_630, %multiple_of3A_618] : memref<16x2048xf32, #tpu.memory_space<vmem>> -> memref<8x128xf32, #tpu.memory_space<vmem>>
    %dma_start3A_634 = tpu.memref_slice %arg4[%multiple_of3A_630, %multiple_of3A_587] : memref<16x1000000xf32, #tpu.memory_space<hbm>> -> memref<8x128xf32, #tpu.memory_space<hbm>>
    tpu.enqueue_dma source(%dma_start3A_634 : memref<8x128xf32, #tpu.memory_space<hbm>>) target(%dma_start3A_633 : memref<8x128xf32, #tpu.memory_space<vmem>>) target_semaphore(%arg14 : memref<!tpu.dma_semaphore, #tpu.memory_space<semaphore_mem>>)
    %dma_start3A_635 = tpu.memref_slice %arg10[%multiple_of3A_630, %multiple_of3A_618] : memref<16x2048xf32, #tpu.memory_space<vmem>> -> memref<8x128xf32, #tpu.memory_space<vmem>>
    %dma_start3A_636 = tpu.memref_slice %arg5[%multiple_of3A_630, %multiple_of3A_616] : memref<16x1000000xf32, #tpu.memory_space<hbm>> -> memref<8x128xf32, #tpu.memory_space<hbm>>
    %dma_start3A_637 = tpu.memref_slice %arg10[%multiple_of3A_630, %multiple_of3A_618] : memref<16x2048xf32, #tpu.memory_space<vmem>> -> memref<8x128xf32, #tpu.memory_space<vmem>>
    %dma_start3A_638 = tpu.memref_slice %arg5[%multiple_of3A_630, %multiple_of3A_616] : memref<16x1000000xf32, #tpu.memory_space<hbm>> -> memref<8x128xf32, #tpu.memory_space<hbm>>
    tpu.enqueue_dma source(%dma_start3A_638 : memref<8x128xf32, #tpu.memory_space<hbm>>) target(%dma_start3A_637 : memref<8x128xf32, #tpu.memory_space<vmem>>) target_semaphore(%arg16 : memref<!tpu.dma_semaphore, #tpu.memory_space<semaphore_mem>>)
    %scan3A = arith.constant 0 : i32
    %scan3A_639 = arith.constant 0 : i32
    %scan3A_640 = arith.constant 32 : i32
    %scan3A_641 = arith.addi %scan3A_639, %scan3A_640 : i32
    %scan3A_642 = arith.constant 1 : i32
    scf.for %scan3A_653 = %scan3A_639 to %scan3A_641 step %scan3A_642  : i32 {
      %min3A_654 = arith.constant 31 : i32
      %min3A_655 = arith.minsi %scan3A_653, %min3A_654 : i32
      %mul3A_656 = arith.constant 16 : i32
      %mul3A_657 = arith.muli %min3A_655, %mul3A_656 : i32
      %multiple_of3A_658 = tpu.assume_multiple %mul3A_657, 16 : i32
      %get3A_659 = arith.index_cast %multiple_of3A_658 : i32 to index
      %get3A_660 = tpu.vector_load %arg7[%get3A_659] {strides = array<i32>} : memref<512xi32, #tpu.memory_space<vmem>>, vector<16xi32>,
      %get3A_661 = arith.index_cast %multiple_of3A_658 : i32 to index
      %get3A_662 = tpu.vector_load %arg8[%get3A_661] {strides = array<i32>} : memref<512xi32, #tpu.memory_space<vmem>>, vector<16xi32>,
      %slice3A_663 = vector.extract_strided_slice %get3A_660 {offsets = [8], sizes = [1], strides = [1]} : vector<16xi32> to vector<1xi32>
      %squeeze3A_664 = vector.extract %slice3A_663[0] : i32 from vector<1xi32>
      %jit3A_665 = arith.constant 128 : i32
      %div3A_666 = arith.divsi %squeeze3A_664, %jit3A_665 : i32
      %sign3A_667 = arith.constant 0 : i32
      %sign3A_668 = arith.cmpi sgt, %squeeze3A_664, %sign3A_667 : i32
      %sign3A_669 = arith.extui %sign3A_668 : i1 to i32
      %sign3A_670 = arith.constant 0 : i32
      %sign3A_671 = arith.cmpi slt, %squeeze3A_664, %sign3A_670 : i32
      %sign3A_672 = arith.extui %sign3A_671 : i1 to i32
      %sign3A_673 = arith.subi %sign3A_669, %sign3A_672 : i32
      %sign3A_674 = arith.constant 0 : i32
      %sign3A_675 = arith.cmpi sgt, %jit3A_665, %sign3A_674 : i32
      %sign3A_676 = arith.extui %sign3A_675 : i1 to i32
      %sign3A_677 = arith.constant 0 : i32
      %sign3A_678 = arith.cmpi slt, %jit3A_665, %sign3A_677 : i32
      %sign3A_679 = arith.extui %sign3A_678 : i1 to i32
      %sign3A_680 = arith.subi %sign3A_676, %sign3A_679 : i32
      %ne3A_681 = arith.cmpi ne, %sign3A_673, %sign3A_680 : i32
      %rem3A_682 = arith.remsi %squeeze3A_664, %jit3A_665 : i32
      %ne3A_683 = arith.constant 0 : i32
      %ne3A_684 = arith.cmpi ne, %rem3A_682, %ne3A_683 : i32
      %and3A_685 = arith.andi %ne3A_681, %ne3A_684 : i1
      %sub3A_686 = arith.constant 1 : i32
      %sub3A_687 = arith.subi %div3A_666, %sub3A_686 : i32
      %select_n3A_688 = arith.select %and3A_685, %sub3A_687, %div3A_666 : i32
      %mul3A_689 = arith.constant 128 : i32
      %mul3A_690 = arith.muli %select_n3A_688, %mul3A_689 : i32
      %multiple_of3A_691 = tpu.assume_multiple %mul3A_690, 128 : i32
      %slice3A_692 = vector.extract_strided_slice %get3A_662 {offsets = [8], sizes = [1], strides = [1]} : vector<16xi32> to vector<1xi32>
      %squeeze3A_693 = vector.extract %slice3A_692[0] : i32 from vector<1xi32>
      %jit3A_694 = arith.constant 128 : i32
      %div3A_695 = arith.divsi %squeeze3A_693, %jit3A_694 : i32
      %sign3A_696 = arith.constant 0 : i32
      %sign3A_697 = arith.cmpi sgt, %squeeze3A_693, %sign3A_696 : i32
      %sign3A_698 = arith.extui %sign3A_697 : i1 to i32
      %sign3A_699 = arith.constant 0 : i32
      %sign3A_700 = arith.cmpi slt, %squeeze3A_693, %sign3A_699 : i32
      %sign3A_701 = arith.extui %sign3A_700 : i1 to i32
      %sign3A_702 = arith.subi %sign3A_698, %sign3A_701 : i32
      %sign3A_703 = arith.constant 0 : i32
      %sign3A_704 = arith.cmpi sgt, %jit3A_694, %sign3A_703 : i32
      %sign3A_705 = arith.extui %sign3A_704 : i1 to i32
      %sign3A_706 = arith.constant 0 : i32
      %sign3A_707 = arith.cmpi slt, %jit3A_694, %sign3A_706 : i32
      %sign3A_708 = arith.extui %sign3A_707 : i1 to i32
      %sign3A_709 = arith.subi %sign3A_705, %sign3A_708 : i32
      %ne3A_710 = arith.cmpi ne, %sign3A_702, %sign3A_709 : i32
      %rem3A_711 = arith.remsi %squeeze3A_693, %jit3A_694 : i32
      %ne3A_712 = arith.constant 0 : i32
      %ne3A_713 = arith.cmpi ne, %rem3A_711, %ne3A_712 : i32
      %and3A_714 = arith.andi %ne3A_710, %ne3A_713 : i1
      %sub3A_715 = arith.constant 1 : i32
      %sub3A_716 = arith.subi %div3A_695, %sub3A_715 : i32
      %select_n3A_717 = arith.select %and3A_714, %sub3A_716, %div3A_695 : i32
      %mul3A_718 = arith.constant 128 : i32
      %mul3A_719 = arith.muli %select_n3A_717, %mul3A_718 : i32
      %multiple_of3A_720 = tpu.assume_multiple %mul3A_719, 128 : i32
      %multiple_of3A_721 = arith.constant 1024 : i32
      %multiple_of3A_722 = tpu.assume_multiple %multiple_of3A_721, 128 : i32
      %multiple_of3A_723 = arith.constant 0 : i32
      %multiple_of3A_724 = tpu.assume_multiple %multiple_of3A_723, 8 : i32
      %dma_start3A_725 = tpu.memref_slice %arg9[%multiple_of3A_724, %multiple_of3A_722] : memref<16x2048xf32, #tpu.memory_space<vmem>> -> memref<8x128xf32, #tpu.memory_space<vmem>>
      %dma_start3A_726 = tpu.memref_slice %arg4[%multiple_of3A_724, %multiple_of3A_691] : memref<16x1000000xf32, #tpu.memory_space<hbm>> -> memref<8x128xf32, #tpu.memory_space<hbm>>
      %dma_start3A_727 = tpu.memref_slice %arg9[%multiple_of3A_724, %multiple_of3A_722] : memref<16x2048xf32, #tpu.memory_space<vmem>> -> memref<8x128xf32, #tpu.memory_space<vmem>>
      %dma_start3A_728 = tpu.memref_slice %arg4[%multiple_of3A_724, %multiple_of3A_691] : memref<16x1000000xf32, #tpu.memory_space<hbm>> -> memref<8x128xf32, #tpu.memory_space<hbm>>
      tpu.enqueue_dma source(%dma_start3A_728 : memref<8x128xf32, #tpu.memory_space<hbm>>) target(%dma_start3A_727 : memref<8x128xf32, #tpu.memory_space<vmem>>) target_semaphore(%arg15 : memref<!tpu.dma_semaphore, #tpu.memory_space<semaphore_mem>>)
      %dma_start3A_729 = tpu.memref_slice %arg10[%multiple_of3A_724, %multiple_of3A_722] : memref<16x2048xf32, #tpu.memory_space<vmem>> -> memref<8x128xf32, #tpu.memory_space<vmem>>
      %dma_start3A_730 = tpu.memref_slice %arg5[%multiple_of3A_724, %multiple_of3A_720] : memref<16x1000000xf32, #tpu.memory_space<hbm>> -> memref<8x128xf32, #tpu.memory_space<hbm>>
      %dma_start3A_731 = tpu.memref_slice %arg10[%multiple_of3A_724, %multiple_of3A_722] : memref<16x2048xf32, #tpu.memory_space<vmem>> -> memref<8x128xf32, #tpu.memory_space<vmem>>
      %dma_start3A_732 = tpu.memref_slice %arg5[%multiple_of3A_724, %multiple_of3A_720] : memref<16x1000000xf32, #tpu.memory_space<hbm>> -> memref<8x128xf32, #tpu.memory_space<hbm>>
      tpu.enqueue_dma source(%dma_start3A_732 : memref<8x128xf32, #tpu.memory_space<hbm>>) target(%dma_start3A_731 : memref<8x128xf32, #tpu.memory_space<vmem>>) target_semaphore(%arg17 : memref<!tpu.dma_semaphore, #tpu.memory_space<semaphore_mem>>)
      %multiple_of3A_733 = arith.constant 8 : i32
      %multiple_of3A_734 = tpu.assume_multiple %multiple_of3A_733, 8 : i32
      %dma_start3A_735 = tpu.memref_slice %arg9[%multiple_of3A_734, %multiple_of3A_722] : memref<16x2048xf32, #tpu.memory_space<vmem>> -> memref<8x128xf32, #tpu.memory_space<vmem>>
      %dma_start3A_736 = tpu.memref_slice %arg4[%multiple_of3A_734, %multiple_of3A_691] : memref<16x1000000xf32, #tpu.memory_space<hbm>> -> memref<8x128xf32, #tpu.memory_space<hbm>>
      %dma_start3A_737 = tpu.memref_slice %arg9[%multiple_of3A_734, %multiple_of3A_722] : memref<16x2048xf32, #tpu.memory_space<vmem>> -> memref<8x128xf32, #tpu.memory_space<vmem>>
      %dma_start3A_738 = tpu.memref_slice %arg4[%multiple_of3A_734, %multiple_of3A_691] : memref<16x1000000xf32, #tpu.memory_space<hbm>> -> memref<8x128xf32, #tpu.memory_space<hbm>>
      tpu.enqueue_dma source(%dma_start3A_738 : memref<8x128xf32, #tpu.memory_space<hbm>>) target(%dma_start3A_737 : memref<8x128xf32, #tpu.memory_space<vmem>>) target_semaphore(%arg15 : memref<!tpu.dma_semaphore, #tpu.memory_space<semaphore_mem>>)
      %dma_start3A_739 = tpu.memref_slice %arg10[%multiple_of3A_734, %multiple_of3A_722] : memref<16x2048xf32, #tpu.memory_space<vmem>> -> memref<8x128xf32, #tpu.memory_space<vmem>>
      %dma_start3A_740 = tpu.memref_slice %arg5[%multiple_of3A_734, %multiple_of3A_720] : memref<16x1000000xf32, #tpu.memory_space<hbm>> -> memref<8x128xf32, #tpu.memory_space<hbm>>
      %dma_start3A_741 = tpu.memref_slice %arg10[%multiple_of3A_734, %multiple_of3A_722] : memref<16x2048xf32, #tpu.memory_space<vmem>> -> memref<8x128xf32, #tpu.memory_space<vmem>>
      %dma_start3A_742 = tpu.memref_slice %arg5[%multiple_of3A_734, %multiple_of3A_720] : memref<16x1000000xf32, #tpu.memory_space<hbm>> -> memref<8x128xf32, #tpu.memory_space<hbm>>
      tpu.enqueue_dma source(%dma_start3A_742 : memref<8x128xf32, #tpu.memory_space<hbm>>) target(%dma_start3A_741 : memref<8x128xf32, #tpu.memory_space<vmem>>) target_semaphore(%arg17 : memref<!tpu.dma_semaphore, #tpu.memory_space<semaphore_mem>>)
      %slice3A_743 = vector.extract_strided_slice %get3A_660 {offsets = [9], sizes = [1], strides = [1]} : vector<16xi32> to vector<1xi32>
      %squeeze3A_744 = vector.extract %slice3A_743[0] : i32 from vector<1xi32>
      %jit3A_745 = arith.constant 128 : i32
      %div3A_746 = arith.divsi %squeeze3A_744, %jit3A_745 : i32
      %sign3A_747 = arith.constant 0 : i32
      %sign3A_748 = arith.cmpi sgt, %squeeze3A_744, %sign3A_747 : i32
      %sign3A_749 = arith.extui %sign3A_748 : i1 to i32
      %sign3A_750 = arith.constant 0 : i32
      %sign3A_751 = arith.cmpi slt, %squeeze3A_744, %sign3A_750 : i32
      %sign3A_752 = arith.extui %sign3A_751 : i1 to i32
      %sign3A_753 = arith.subi %sign3A_749, %sign3A_752 : i32
      %sign3A_754 = arith.constant 0 : i32
      %sign3A_755 = arith.cmpi sgt, %jit3A_745, %sign3A_754 : i32
      %sign3A_756 = arith.extui %sign3A_755 : i1 to i32
      %sign3A_757 = arith.constant 0 : i32
      %sign3A_758 = arith.cmpi slt, %jit3A_745, %sign3A_757 : i32
      %sign3A_759 = arith.extui %sign3A_758 : i1 to i32
      %sign3A_760 = arith.subi %sign3A_756, %sign3A_759 : i32
      %ne3A_761 = arith.cmpi ne, %sign3A_753, %sign3A_760 : i32
      %rem3A_762 = arith.remsi %squeeze3A_744, %jit3A_745 : i32
      %ne3A_763 = arith.constant 0 : i32
      %ne3A_764 = arith.cmpi ne, %rem3A_762, %ne3A_763 : i32
      %and3A_765 = arith.andi %ne3A_761, %ne3A_764 : i1
      %sub3A_766 = arith.constant 1 : i32
      %sub3A_767 = arith.subi %div3A_746, %sub3A_766 : i32
      %select_n3A_768 = arith.select %and3A_765, %sub3A_767, %div3A_746 : i32
      %mul3A_769 = arith.constant 128 : i32
      %mul3A_770 = arith.muli %select_n3A_768, %mul3A_769 : i32
      %multiple_of3A_771 = tpu.assume_multiple %mul3A_770, 128 : i32
      %slice3A_772 = vector.extract_strided_slice %get3A_662 {offsets = [9], sizes = [1], strides = [1]} : vector<16xi32> to vector<1xi32>
      %squeeze3A_773 = vector.extract %slice3A_772[0] : i32 from vector<1xi32>
      %jit3A_774 = arith.constant 128 : i32
      %div3A_775 = arith.divsi %squeeze3A_773, %jit3A_774 : i32
      %sign3A_776 = arith.constant 0 : i32
      %sign3A_777 = arith.cmpi sgt, %squeeze3A_773, %sign3A_776 : i32
      %sign3A_778 = arith.extui %sign3A_777 : i1 to i32
      %sign3A_779 = arith.constant 0 : i32
      %sign3A_780 = arith.cmpi slt, %squeeze3A_773, %sign3A_779 : i32
      %sign3A_781 = arith.extui %sign3A_780 : i1 to i32
      %sign3A_782 = arith.subi %sign3A_778, %sign3A_781 : i32
      %sign3A_783 = arith.constant 0 : i32
      %sign3A_784 = arith.cmpi sgt, %jit3A_774, %sign3A_783 : i32
      %sign3A_785 = arith.extui %sign3A_784 : i1 to i32
      %sign3A_786 = arith.constant 0 : i32
      %sign3A_787 = arith.cmpi slt, %jit3A_774, %sign3A_786 : i32
      %sign3A_788 = arith.extui %sign3A_787 : i1 to i32
      %sign3A_789 = arith.subi %sign3A_785, %sign3A_788 : i32
      %ne3A_790 = arith.cmpi ne, %sign3A_782, %sign3A_789 : i32
      %rem3A_791 = arith.remsi %squeeze3A_773, %jit3A_774 : i32
      %ne3A_792 = arith.constant 0 : i32
      %ne3A_793 = arith.cmpi ne, %rem3A_791, %ne3A_792 : i32
      %and3A_794 = arith.andi %ne3A_790, %ne3A_793 : i1
      %sub3A_795 = arith.constant 1 : i32
      %sub3A_796 = arith.subi %div3A_775, %sub3A_795 : i32
      %select_n3A_797 = arith.select %and3A_794, %sub3A_796, %div3A_775 : i32
      %mul3A_798 = arith.constant 128 : i32
      %mul3A_799 = arith.muli %select_n3A_797, %mul3A_798 : i32
      %multiple_of3A_800 = tpu.assume_multiple %mul3A_799, 128 : i32
      %multiple_of3A_801 = arith.constant 1152 : i32
      %multiple_of3A_802 = tpu.assume_multiple %multiple_of3A_801, 128 : i32
      %multiple_of3A_803 = arith.constant 0 : i32
      %multiple_of3A_804 = tpu.assume_multiple %multiple_of3A_803, 8 : i32
      %dma_start3A_805 = tpu.memref_slice %arg9[%multiple_of3A_804, %multiple_of3A_802] : memref<16x2048xf32, #tpu.memory_space<vmem>> -> memref<8x128xf32, #tpu.memory_space<vmem>>
      %dma_start3A_806 = tpu.memref_slice %arg4[%multiple_of3A_804, %multiple_of3A_771] : memref<16x1000000xf32, #tpu.memory_space<hbm>> -> memref<8x128xf32, #tpu.memory_space<hbm>>
      %dma_start3A_807 = tpu.memref_slice %arg9[%multiple_of3A_804, %multiple_of3A_802] : memref<16x2048xf32, #tpu.memory_space<vmem>> -> memref<8x128xf32, #tpu.memory_space<vmem>>
      %dma_start3A_808 = tpu.memref_slice %arg4[%multiple_of3A_804, %multiple_of3A_771] : memref<16x1000000xf32, #tpu.memory_space<hbm>> -> memref<8x128xf32, #tpu.memory_space<hbm>>
      tpu.enqueue_dma source(%dma_start3A_808 : memref<8x128xf32, #tpu.memory_space<hbm>>) target(%dma_start3A_807 : memref<8x128xf32, #tpu.memory_space<vmem>>) target_semaphore(%arg15 : memref<!tpu.dma_semaphore, #tpu.memory_space<semaphore_mem>>)
      %dma_start3A_809 = tpu.memref_slice %arg10[%multiple_of3A_804, %multiple_of3A_802] : memref<16x2048xf32, #tpu.memory_space<vmem>> -> memref<8x128xf32, #tpu.memory_space<vmem>>
      %dma_start3A_810 = tpu.memref_slice %arg5[%multiple_of3A_804, %multiple_of3A_800] : memref<16x1000000xf32, #tpu.memory_space<hbm>> -> memref<8x128xf32, #tpu.memory_space<hbm>>
      %dma_start3A_811 = tpu.memref_slice %arg10[%multiple_of3A_804, %multiple_of3A_802] : memref<16x2048xf32, #tpu.memory_space<vmem>> -> memref<8x128xf32, #tpu.memory_space<vmem>>
      %dma_start3A_812 = tpu.memref_slice %arg5[%multiple_of3A_804, %multiple_of3A_800] : memref<16x1000000xf32, #tpu.memory_space<hbm>> -> memref<8x128xf32, #tpu.memory_space<hbm>>
      tpu.enqueue_dma source(%dma_start3A_812 : memref<8x128xf32, #tpu.memory_space<hbm>>) target(%dma_start3A_811 : memref<8x128xf32, #tpu.memory_space<vmem>>) target_semaphore(%arg17 : memref<!tpu.dma_semaphore, #tpu.memory_space<semaphore_mem>>)
      %multiple_of3A_813 = arith.constant 8 : i32
      %multiple_of3A_814 = tpu.assume_multiple %multiple_of3A_813, 8 : i32
      %dma_start3A_815 = tpu.memref_slice %arg9[%multiple_of3A_814, %multiple_of3A_802] : memref<16x2048xf32, #tpu.memory_space<vmem>> -> memref<8x128xf32, #tpu.memory_space<vmem>>
      %dma_start3A_816 = tpu.memref_slice %arg4[%multiple_of3A_814, %multiple_of3A_771] : memref<16x1000000xf32, #tpu.memory_space<hbm>> -> memref<8x128xf32, #tpu.memory_space<hbm>>
      %dma_start3A_817 = tpu.memref_slice %arg9[%multiple_of3A_814, %multiple_of3A_802] : memref<16x2048xf32, #tpu.memory_space<vmem>> -> memref<8x128xf32, #tpu.memory_space<vmem>>
      %dma_start3A_818 = tpu.memref_slice %arg4[%multiple_of3A_814, %multiple_of3A_771] : memref<16x1000000xf32, #tpu.memory_space<hbm>> -> memref<8x128xf32, #tpu.memory_space<hbm>>
      tpu.enqueue_dma source(%dma_start3A_818 : memref<8x128xf32, #tpu.memory_space<hbm>>) target(%dma_start3A_817 : memref<8x128xf32, #tpu.memory_space<vmem>>) target_semaphore(%arg15 : memref<!tpu.dma_semaphore, #tpu.memory_space<semaphore_mem>>)
      %dma_start3A_819 = tpu.memref_slice %arg10[%multiple_of3A_814, %multiple_of3A_802] : memref<16x2048xf32, #tpu.memory_space<vmem>> -> memref<8x128xf32, #tpu.memory_space<vmem>>
      %dma_start3A_820 = tpu.memref_slice %arg5[%multiple_of3A_814, %multiple_of3A_800] : memref<16x1000000xf32, #tpu.memory_space<hbm>> -> memref<8x128xf32, #tpu.memory_space<hbm>>
      %dma_start3A_821 = tpu.memref_slice %arg10[%multiple_of3A_814, %multiple_of3A_802] : memref<16x2048xf32, #tpu.memory_space<vmem>> -> memref<8x128xf32, #tpu.memory_space<vmem>>
      %dma_start3A_822 = tpu.memref_slice %arg5[%multiple_of3A_814, %multiple_of3A_800] : memref<16x1000000xf32, #tpu.memory_space<hbm>> -> memref<8x128xf32, #tpu.memory_space<hbm>>
      tpu.enqueue_dma source(%dma_start3A_822 : memref<8x128xf32, #tpu.memory_space<hbm>>) target(%dma_start3A_821 : memref<8x128xf32, #tpu.memory_space<vmem>>) target_semaphore(%arg17 : memref<!tpu.dma_semaphore, #tpu.memory_space<semaphore_mem>>)
      %slice3A_823 = vector.extract_strided_slice %get3A_660 {offsets = [10], sizes = [1], strides = [1]} : vector<16xi32> to vector<1xi32>
      %squeeze3A_824 = vector.extract %slice3A_823[0] : i32 from vector<1xi32>
      %jit3A_825 = arith.constant 128 : i32
      %div3A_826 = arith.divsi %squeeze3A_824, %jit3A_825 : i32
      %sign3A_827 = arith.constant 0 : i32
      %sign3A_828 = arith.cmpi sgt, %squeeze3A_824, %sign3A_827 : i32
      %sign3A_829 = arith.extui %sign3A_828 : i1 to i32
      %sign3A_830 = arith.constant 0 : i32
      %sign3A_831 = arith.cmpi slt, %squeeze3A_824, %sign3A_830 : i32
      %sign3A_832 = arith.extui %sign3A_831 : i1 to i32
      %sign3A_833 = arith.subi %sign3A_829, %sign3A_832 : i32
      %sign3A_834 = arith.constant 0 : i32
      %sign3A_835 = arith.cmpi sgt, %jit3A_825, %sign3A_834 : i32
      %sign3A_836 = arith.extui %sign3A_835 : i1 to i32
      %sign3A_837 = arith.constant 0 : i32
      %sign3A_838 = arith.cmpi slt, %jit3A_825, %sign3A_837 : i32
      %sign3A_839 = arith.extui %sign3A_838 : i1 to i32
      %sign3A_840 = arith.subi %sign3A_836, %sign3A_839 : i32
      %ne3A_841 = arith.cmpi ne, %sign3A_833, %sign3A_840 : i32
      %rem3A_842 = arith.remsi %squeeze3A_824, %jit3A_825 : i32
      %ne3A_843 = arith.constant 0 : i32
      %ne3A_844 = arith.cmpi ne, %rem3A_842, %ne3A_843 : i32
      %and3A_845 = arith.andi %ne3A_841, %ne3A_844 : i1
      %sub3A_846 = arith.constant 1 : i32
      %sub3A_847 = arith.subi %div3A_826, %sub3A_846 : i32
      %select_n3A_848 = arith.select %and3A_845, %sub3A_847, %div3A_826 : i32
      %mul3A_849 = arith.constant 128 : i32
      %mul3A_850 = arith.muli %select_n3A_848, %mul3A_849 : i32
      %multiple_of3A_851 = tpu.assume_multiple %mul3A_850, 128 : i32
      %slice3A_852 = vector.extract_strided_slice %get3A_662 {offsets = [10], sizes = [1], strides = [1]} : vector<16xi32> to vector<1xi32>
      %squeeze3A_853 = vector.extract %slice3A_852[0] : i32 from vector<1xi32>
      %jit3A_854 = arith.constant 128 : i32
      %div3A_855 = arith.divsi %squeeze3A_853, %jit3A_854 : i32
      %sign3A_856 = arith.constant 0 : i32
      %sign3A_857 = arith.cmpi sgt, %squeeze3A_853, %sign3A_856 : i32
      %sign3A_858 = arith.extui %sign3A_857 : i1 to i32
      %sign3A_859 = arith.constant 0 : i32
      %sign3A_860 = arith.cmpi slt, %squeeze3A_853, %sign3A_859 : i32
      %sign3A_861 = arith.extui %sign3A_860 : i1 to i32
      %sign3A_862 = arith.subi %sign3A_858, %sign3A_861 : i32
      %sign3A_863 = arith.constant 0 : i32
      %sign3A_864 = arith.cmpi sgt, %jit3A_854, %sign3A_863 : i32
      %sign3A_865 = arith.extui %sign3A_864 : i1 to i32
      %sign3A_866 = arith.constant 0 : i32
      %sign3A_867 = arith.cmpi slt, %jit3A_854, %sign3A_866 : i32
      %sign3A_868 = arith.extui %sign3A_867 : i1 to i32
      %sign3A_869 = arith.subi %sign3A_865, %sign3A_868 : i32
      %ne3A_870 = arith.cmpi ne, %sign3A_862, %sign3A_869 : i32
      %rem3A_871 = arith.remsi %squeeze3A_853, %jit3A_854 : i32
      %ne3A_872 = arith.constant 0 : i32
      %ne3A_873 = arith.cmpi ne, %rem3A_871, %ne3A_872 : i32
      %and3A_874 = arith.andi %ne3A_870, %ne3A_873 : i1
      %sub3A_875 = arith.constant 1 : i32
      %sub3A_876 = arith.subi %div3A_855, %sub3A_875 : i32
      %select_n3A_877 = arith.select %and3A_874, %sub3A_876, %div3A_855 : i32
      %mul3A_878 = arith.constant 128 : i32
      %mul3A_879 = arith.muli %select_n3A_877, %mul3A_878 : i32
      %multiple_of3A_880 = tpu.assume_multiple %mul3A_879, 128 : i32
      %multiple_of3A_881 = arith.constant 1280 : i32
      %multiple_of3A_882 = tpu.assume_multiple %multiple_of3A_881, 128 : i32
      %multiple_of3A_883 = arith.constant 0 : i32
      %multiple_of3A_884 = tpu.assume_multiple %multiple_of3A_883, 8 : i32
      %dma_start3A_885 = tpu.memref_slice %arg9[%multiple_of3A_884, %multiple_of3A_882] : memref<16x2048xf32, #tpu.memory_space<vmem>> -> memref<8x128xf32, #tpu.memory_space<vmem>>
      %dma_start3A_886 = tpu.memref_slice %arg4[%multiple_of3A_884, %multiple_of3A_851] : memref<16x1000000xf32, #tpu.memory_space<hbm>> -> memref<8x128xf32, #tpu.memory_space<hbm>>
      %dma_start3A_887 = tpu.memref_slice %arg9[%multiple_of3A_884, %multiple_of3A_882] : memref<16x2048xf32, #tpu.memory_space<vmem>> -> memref<8x128xf32, #tpu.memory_space<vmem>>
      %dma_start3A_888 = tpu.memref_slice %arg4[%multiple_of3A_884, %multiple_of3A_851] : memref<16x1000000xf32, #tpu.memory_space<hbm>> -> memref<8x128xf32, #tpu.memory_space<hbm>>
      tpu.enqueue_dma source(%dma_start3A_888 : memref<8x128xf32, #tpu.memory_space<hbm>>) target(%dma_start3A_887 : memref<8x128xf32, #tpu.memory_space<vmem>>) target_semaphore(%arg15 : memref<!tpu.dma_semaphore, #tpu.memory_space<semaphore_mem>>)
      %dma_start3A_889 = tpu.memref_slice %arg10[%multiple_of3A_884, %multiple_of3A_882] : memref<16x2048xf32, #tpu.memory_space<vmem>> -> memref<8x128xf32, #tpu.memory_space<vmem>>
      %dma_start3A_890 = tpu.memref_slice %arg5[%multiple_of3A_884, %multiple_of3A_880] : memref<16x1000000xf32, #tpu.memory_space<hbm>> -> memref<8x128xf32, #tpu.memory_space<hbm>>
      %dma_start3A_891 = tpu.memref_slice %arg10[%multiple_of3A_884, %multiple_of3A_882] : memref<16x2048xf32, #tpu.memory_space<vmem>> -> memref<8x128xf32, #tpu.memory_space<vmem>>
      %dma_start3A_892 = tpu.memref_slice %arg5[%multiple_of3A_884, %multiple_of3A_880] : memref<16x1000000xf32, #tpu.memory_space<hbm>> -> memref<8x128xf32, #tpu.memory_space<hbm>>
      tpu.enqueue_dma source(%dma_start3A_892 : memref<8x128xf32, #tpu.memory_space<hbm>>) target(%dma_start3A_891 : memref<8x128xf32, #tpu.memory_space<vmem>>) target_semaphore(%arg17 : memref<!tpu.dma_semaphore, #tpu.memory_space<semaphore_mem>>)
      %multiple_of3A_893 = arith.constant 8 : i32
      %multiple_of3A_894 = tpu.assume_multiple %multiple_of3A_893, 8 : i32
      %dma_start3A_895 = tpu.memref_slice %arg9[%multiple_of3A_894, %multiple_of3A_882] : memref<16x2048xf32, #tpu.memory_space<vmem>> -> memref<8x128xf32, #tpu.memory_space<vmem>>
      %dma_start3A_896 = tpu.memref_slice %arg4[%multiple_of3A_894, %multiple_of3A_851] : memref<16x1000000xf32, #tpu.memory_space<hbm>> -> memref<8x128xf32, #tpu.memory_space<hbm>>
      %dma_start3A_897 = tpu.memref_slice %arg9[%multiple_of3A_894, %multiple_of3A_882] : memref<16x2048xf32, #tpu.memory_space<vmem>> -> memref<8x128xf32, #tpu.memory_space<vmem>>
      %dma_start3A_898 = tpu.memref_slice %arg4[%multiple_of3A_894, %multiple_of3A_851] : memref<16x1000000xf32, #tpu.memory_space<hbm>> -> memref<8x128xf32, #tpu.memory_space<hbm>>
      tpu.enqueue_dma source(%dma_start3A_898 : memref<8x128xf32, #tpu.memory_space<hbm>>) target(%dma_start3A_897 : memref<8x128xf32, #tpu.memory_space<vmem>>) target_semaphore(%arg15 : memref<!tpu.dma_semaphore, #tpu.memory_space<semaphore_mem>>)
      %dma_start3A_899 = tpu.memref_slice %arg10[%multiple_of3A_894, %multiple_of3A_882] : memref<16x2048xf32, #tpu.memory_space<vmem>> -> memref<8x128xf32, #tpu.memory_space<vmem>>
      %dma_start3A_900 = tpu.memref_slice %arg5[%multiple_of3A_894, %multiple_of3A_880] : memref<16x1000000xf32, #tpu.memory_space<hbm>> -> memref<8x128xf32, #tpu.memory_space<hbm>>
      %dma_start3A_901 = tpu.memref_slice %arg10[%multiple_of3A_894, %multiple_of3A_882] : memref<16x2048xf32, #tpu.memory_space<vmem>> -> memref<8x128xf32, #tpu.memory_space<vmem>>
      %dma_start3A_902 = tpu.memref_slice %arg5[%multiple_of3A_894, %multiple_of3A_880] : memref<16x1000000xf32, #tpu.memory_space<hbm>> -> memref<8x128xf32, #tpu.memory_space<hbm>>
      tpu.enqueue_dma source(%dma_start3A_902 : memref<8x128xf32, #tpu.memory_space<hbm>>) target(%dma_start3A_901 : memref<8x128xf32, #tpu.memory_space<vmem>>) target_semaphore(%arg17 : memref<!tpu.dma_semaphore, #tpu.memory_space<semaphore_mem>>)
      %slice3A_903 = vector.extract_strided_slice %get3A_660 {offsets = [11], sizes = [1], strides = [1]} : vector<16xi32> to vector<1xi32>
      %squeeze3A_904 = vector.extract %slice3A_903[0] : i32 from vector<1xi32>
      %jit3A_905 = arith.constant 128 : i32
      %div3A_906 = arith.divsi %squeeze3A_904, %jit3A_905 : i32
      %sign3A_907 = arith.constant 0 : i32
      %sign3A_908 = arith.cmpi sgt, %squeeze3A_904, %sign3A_907 : i32
      %sign3A_909 = arith.extui %sign3A_908 : i1 to i32
      %sign3A_910 = arith.constant 0 : i32
      %sign3A_911 = arith.cmpi slt, %squeeze3A_904, %sign3A_910 : i32
      %sign3A_912 = arith.extui %sign3A_911 : i1 to i32
      %sign3A_913 = arith.subi %sign3A_909, %sign3A_912 : i32
      %sign3A_914 = arith.constant 0 : i32
      %sign3A_915 = arith.cmpi sgt, %jit3A_905, %sign3A_914 : i32
      %sign3A_916 = arith.extui %sign3A_915 : i1 to i32
      %sign3A_917 = arith.constant 0 : i32
      %sign3A_918 = arith.cmpi slt, %jit3A_905, %sign3A_917 : i32
      %sign3A_919 = arith.extui %sign3A_918 : i1 to i32
      %sign3A_920 = arith.subi %sign3A_916, %sign3A_919 : i32
      %ne3A_921 = arith.cmpi ne, %sign3A_913, %sign3A_920 : i32
      %rem3A_922 = arith.remsi %squeeze3A_904, %jit3A_905 : i32
      %ne3A_923 = arith.constant 0 : i32
      %ne3A_924 = arith.cmpi ne, %rem3A_922, %ne3A_923 : i32
      %and3A_925 = arith.andi %ne3A_921, %ne3A_924 : i1
      %sub3A_926 = arith.constant 1 : i32
      %sub3A_927 = arith.subi %div3A_906, %sub3A_926 : i32
      %select_n3A_928 = arith.select %and3A_925, %sub3A_927, %div3A_906 : i32
      %mul3A_929 = arith.constant 128 : i32
      %mul3A_930 = arith.muli %select_n3A_928, %mul3A_929 : i32
      %multiple_of3A_931 = tpu.assume_multiple %mul3A_930, 128 : i32
      %slice3A_932 = vector.extract_strided_slice %get3A_662 {offsets = [11], sizes = [1], strides = [1]} : vector<16xi32> to vector<1xi32>
      %squeeze3A_933 = vector.extract %slice3A_932[0] : i32 from vector<1xi32>
      %jit3A_934 = arith.constant 128 : i32
      %div3A_935 = arith.divsi %squeeze3A_933, %jit3A_934 : i32
      %sign3A_936 = arith.constant 0 : i32
      %sign3A_937 = arith.cmpi sgt, %squeeze3A_933, %sign3A_936 : i32
      %sign3A_938 = arith.extui %sign3A_937 : i1 to i32
      %sign3A_939 = arith.constant 0 : i32
      %sign3A_940 = arith.cmpi slt, %squeeze3A_933, %sign3A_939 : i32
      %sign3A_941 = arith.extui %sign3A_940 : i1 to i32
      %sign3A_942 = arith.subi %sign3A_938, %sign3A_941 : i32
      %sign3A_943 = arith.constant 0 : i32
      %sign3A_944 = arith.cmpi sgt, %jit3A_934, %sign3A_943 : i32
      %sign3A_945 = arith.extui %sign3A_944 : i1 to i32
      %sign3A_946 = arith.constant 0 : i32
      %sign3A_947 = arith.cmpi slt, %jit3A_934, %sign3A_946 : i32
      %sign3A_948 = arith.extui %sign3A_947 : i1 to i32
      %sign3A_949 = arith.subi %sign3A_945, %sign3A_948 : i32
      %ne3A_950 = arith.cmpi ne, %sign3A_942, %sign3A_949 : i32
      %rem3A_951 = arith.remsi %squeeze3A_933, %jit3A_934 : i32
      %ne3A_952 = arith.constant 0 : i32
      %ne3A_953 = arith.cmpi ne, %rem3A_951, %ne3A_952 : i32
      %and3A_954 = arith.andi %ne3A_950, %ne3A_953 : i1
      %sub3A_955 = arith.constant 1 : i32
      %sub3A_956 = arith.subi %div3A_935, %sub3A_955 : i32
      %select_n3A_957 = arith.select %and3A_954, %sub3A_956, %div3A_935 : i32
      %mul3A_958 = arith.constant 128 : i32
      %mul3A_959 = arith.muli %select_n3A_957, %mul3A_958 : i32
      %multiple_of3A_960 = tpu.assume_multiple %mul3A_959, 128 : i32
      %multiple_of3A_961 = arith.constant 1408 : i32
      %multiple_of3A_962 = tpu.assume_multiple %multiple_of3A_961, 128 : i32
      %multiple_of3A_963 = arith.constant 0 : i32
      %multiple_of3A_964 = tpu.assume_multiple %multiple_of3A_963, 8 : i32
      %dma_start3A_965 = tpu.memref_slice %arg9[%multiple_of3A_964, %multiple_of3A_962] : memref<16x2048xf32, #tpu.memory_space<vmem>> -> memref<8x128xf32, #tpu.memory_space<vmem>>
      %dma_start3A_966 = tpu.memref_slice %arg4[%multiple_of3A_964, %multiple_of3A_931] : memref<16x1000000xf32, #tpu.memory_space<hbm>> -> memref<8x128xf32, #tpu.memory_space<hbm>>
      %dma_start3A_967 = tpu.memref_slice %arg9[%multiple_of3A_964, %multiple_of3A_962] : memref<16x2048xf32, #tpu.memory_space<vmem>> -> memref<8x128xf32, #tpu.memory_space<vmem>>
      %dma_start3A_968 = tpu.memref_slice %arg4[%multiple_of3A_964, %multiple_of3A_931] : memref<16x1000000xf32, #tpu.memory_space<hbm>> -> memref<8x128xf32, #tpu.memory_space<hbm>>
      tpu.enqueue_dma source(%dma_start3A_968 : memref<8x128xf32, #tpu.memory_space<hbm>>) target(%dma_start3A_967 : memref<8x128xf32, #tpu.memory_space<vmem>>) target_semaphore(%arg15 : memref<!tpu.dma_semaphore, #tpu.memory_space<semaphore_mem>>)
      %dma_start3A_969 = tpu.memref_slice %arg10[%multiple_of3A_964, %multiple_of3A_962] : memref<16x2048xf32, #tpu.memory_space<vmem>> -> memref<8x128xf32, #tpu.memory_space<vmem>>
      %dma_start3A_970 = tpu.memref_slice %arg5[%multiple_of3A_964, %multiple_of3A_960] : memref<16x1000000xf32, #tpu.memory_space<hbm>> -> memref<8x128xf32, #tpu.memory_space<hbm>>
      %dma_start3A_971 = tpu.memref_slice %arg10[%multiple_of3A_964, %multiple_of3A_962] : memref<16x2048xf32, #tpu.memory_space<vmem>> -> memref<8x128xf32, #tpu.memory_space<vmem>>
      %dma_start3A_972 = tpu.memref_slice %arg5[%multiple_of3A_964, %multiple_of3A_960] : memref<16x1000000xf32, #tpu.memory_space<hbm>> -> memref<8x128xf32, #tpu.memory_space<hbm>>
      tpu.enqueue_dma source(%dma_start3A_972 : memref<8x128xf32, #tpu.memory_space<hbm>>) target(%dma_start3A_971 : memref<8x128xf32, #tpu.memory_space<vmem>>) target_semaphore(%arg17 : memref<!tpu.dma_semaphore, #tpu.memory_space<semaphore_mem>>)
      %multiple_of3A_973 = arith.constant 8 : i32
      %multiple_of3A_974 = tpu.assume_multiple %multiple_of3A_973, 8 : i32
      %dma_start3A_975 = tpu.memref_slice %arg9[%multiple_of3A_974, %multiple_of3A_962] : memref<16x2048xf32, #tpu.memory_space<vmem>> -> memref<8x128xf32, #tpu.memory_space<vmem>>
      %dma_start3A_976 = tpu.memref_slice %arg4[%multiple_of3A_974, %multiple_of3A_931] : memref<16x1000000xf32, #tpu.memory_space<hbm>> -> memref<8x128xf32, #tpu.memory_space<hbm>>
      %dma_start3A_977 = tpu.memref_slice %arg9[%multiple_of3A_974, %multiple_of3A_962] : memref<16x2048xf32, #tpu.memory_space<vmem>> -> memref<8x128xf32, #tpu.memory_space<vmem>>
      %dma_start3A_978 = tpu.memref_slice %arg4[%multiple_of3A_974, %multiple_of3A_931] : memref<16x1000000xf32, #tpu.memory_space<hbm>> -> memref<8x128xf32, #tpu.memory_space<hbm>>
      tpu.enqueue_dma source(%dma_start3A_978 : memref<8x128xf32, #tpu.memory_space<hbm>>) target(%dma_start3A_977 : memref<8x128xf32, #tpu.memory_space<vmem>>) target_semaphore(%arg15 : memref<!tpu.dma_semaphore, #tpu.memory_space<semaphore_mem>>)
      %dma_start3A_979 = tpu.memref_slice %arg10[%multiple_of3A_974, %multiple_of3A_962] : memref<16x2048xf32, #tpu.memory_space<vmem>> -> memref<8x128xf32, #tpu.memory_space<vmem>>
      %dma_start3A_980 = tpu.memref_slice %arg5[%multiple_of3A_974, %multiple_of3A_960] : memref<16x1000000xf32, #tpu.memory_space<hbm>> -> memref<8x128xf32, #tpu.memory_space<hbm>>
      %dma_start3A_981 = tpu.memref_slice %arg10[%multiple_of3A_974, %multiple_of3A_962] : memref<16x2048xf32, #tpu.memory_space<vmem>> -> memref<8x128xf32, #tpu.memory_space<vmem>>
      %dma_start3A_982 = tpu.memref_slice %arg5[%multiple_of3A_974, %multiple_of3A_960] : memref<16x1000000xf32, #tpu.memory_space<hbm>> -> memref<8x128xf32, #tpu.memory_space<hbm>>
      tpu.enqueue_dma source(%dma_start3A_982 : memref<8x128xf32, #tpu.memory_space<hbm>>) target(%dma_start3A_981 : memref<8x128xf32, #tpu.memory_space<vmem>>) target_semaphore(%arg17 : memref<!tpu.dma_semaphore, #tpu.memory_space<semaphore_mem>>)
      %slice3A_983 = vector.extract_strided_slice %get3A_660 {offsets = [12], sizes = [1], strides = [1]} : vector<16xi32> to vector<1xi32>
      %squeeze3A_984 = vector.extract %slice3A_983[0] : i32 from vector<1xi32>
      %jit3A_985 = arith.constant 128 : i32
      %div3A_986 = arith.divsi %squeeze3A_984, %jit3A_985 : i32
      %sign3A_987 = arith.constant 0 : i32
      %sign3A_988 = arith.cmpi sgt, %squeeze3A_984, %sign3A_987 : i32
      %sign3A_989 = arith.extui %sign3A_988 : i1 to i32
      %sign3A_990 = arith.constant 0 : i32
      %sign3A_991 = arith.cmpi slt, %squeeze3A_984, %sign3A_990 : i32
      %sign3A_992 = arith.extui %sign3A_991 : i1 to i32
      %sign3A_993 = arith.subi %sign3A_989, %sign3A_992 : i32
      %sign3A_994 = arith.constant 0 : i32
      %sign3A_995 = arith.cmpi sgt, %jit3A_985, %sign3A_994 : i32
      %sign3A_996 = arith.extui %sign3A_995 : i1 to i32
      %sign3A_997 = arith.constant 0 : i32
      %sign3A_998 = arith.cmpi slt, %jit3A_985, %sign3A_997 : i32
      %sign3A_999 = arith.extui %sign3A_998 : i1 to i32
      %sign3A_1000 = arith.subi %sign3A_996, %sign3A_999 : i32
      %ne3A_1001 = arith.cmpi ne, %sign3A_993, %sign3A_1000 : i32
      %rem3A_1002 = arith.remsi %squeeze3A_984, %jit3A_985 : i32
      %ne3A_1003 = arith.constant 0 : i32
      %ne3A_1004 = arith.cmpi ne, %rem3A_1002, %ne3A_1003 : i32
      %and3A_1005 = arith.andi %ne3A_1001, %ne3A_1004 : i1
      %sub3A_1006 = arith.constant 1 : i32
      %sub3A_1007 = arith.subi %div3A_986, %sub3A_1006 : i32
      %select_n3A_1008 = arith.select %and3A_1005, %sub3A_1007, %div3A_986 : i32
      %mul3A_1009 = arith.constant 128 : i32
      %mul3A_1010 = arith.muli %select_n3A_1008, %mul3A_1009 : i32
      %multiple_of3A_1011 = tpu.assume_multiple %mul3A_1010, 128 : i32
      %slice3A_1012 = vector.extract_strided_slice %get3A_662 {offsets = [12], sizes = [1], strides = [1]} : vector<16xi32> to vector<1xi32>
      %squeeze3A_1013 = vector.extract %slice3A_1012[0] : i32 from vector<1xi32>
      %jit3A_1014 = arith.constant 128 : i32
      %div3A_1015 = arith.divsi %squeeze3A_1013, %jit3A_1014 : i32
      %sign3A_1016 = arith.constant 0 : i32
      %sign3A_1017 = arith.cmpi sgt, %squeeze3A_1013, %sign3A_1016 : i32
      %sign3A_1018 = arith.extui %sign3A_1017 : i1 to i32
      %sign3A_1019 = arith.constant 0 : i32
      %sign3A_1020 = arith.cmpi slt, %squeeze3A_1013, %sign3A_1019 : i32
      %sign3A_1021 = arith.extui %sign3A_1020 : i1 to i32
      %sign3A_1022 = arith.subi %sign3A_1018, %sign3A_1021 : i32
      %sign3A_1023 = arith.constant 0 : i32
      %sign3A_1024 = arith.cmpi sgt, %jit3A_1014, %sign3A_1023 : i32
      %sign3A_1025 = arith.extui %sign3A_1024 : i1 to i32
      %sign3A_1026 = arith.constant 0 : i32
      %sign3A_1027 = arith.cmpi slt, %jit3A_1014, %sign3A_1026 : i32
      %sign3A_1028 = arith.extui %sign3A_1027 : i1 to i32
      %sign3A_1029 = arith.subi %sign3A_1025, %sign3A_1028 : i32
      %ne3A_1030 = arith.cmpi ne, %sign3A_1022, %sign3A_1029 : i32
      %rem3A_1031 = arith.remsi %squeeze3A_1013, %jit3A_1014 : i32
      %ne3A_1032 = arith.constant 0 : i32
      %ne3A_1033 = arith.cmpi ne, %rem3A_1031, %ne3A_1032 : i32
      %and3A_1034 = arith.andi %ne3A_1030, %ne3A_1033 : i1
      %sub3A_1035 = arith.constant 1 : i32
      %sub3A_1036 = arith.subi %div3A_1015, %sub3A_1035 : i32
      %select_n3A_1037 = arith.select %and3A_1034, %sub3A_1036, %div3A_1015 : i32
      %mul3A_1038 = arith.constant 128 : i32
      %mul3A_1039 = arith.muli %select_n3A_1037, %mul3A_1038 : i32
      %multiple_of3A_1040 = tpu.assume_multiple %mul3A_1039, 128 : i32
      %multiple_of3A_1041 = arith.constant 1536 : i32
      %multiple_of3A_1042 = tpu.assume_multiple %multiple_of3A_1041, 128 : i32
      %multiple_of3A_1043 = arith.constant 0 : i32
      %multiple_of3A_1044 = tpu.assume_multiple %multiple_of3A_1043, 8 : i32
      %dma_start3A_1045 = tpu.memref_slice %arg9[%multiple_of3A_1044, %multiple_of3A_1042] : memref<16x2048xf32, #tpu.memory_space<vmem>> -> memref<8x128xf32, #tpu.memory_space<vmem>>
      %dma_start3A_1046 = tpu.memref_slice %arg4[%multiple_of3A_1044, %multiple_of3A_1011] : memref<16x1000000xf32, #tpu.memory_space<hbm>> -> memref<8x128xf32, #tpu.memory_space<hbm>>
      %dma_start3A_1047 = tpu.memref_slice %arg9[%multiple_of3A_1044, %multiple_of3A_1042] : memref<16x2048xf32, #tpu.memory_space<vmem>> -> memref<8x128xf32, #tpu.memory_space<vmem>>
      %dma_start3A_1048 = tpu.memref_slice %arg4[%multiple_of3A_1044, %multiple_of3A_1011] : memref<16x1000000xf32, #tpu.memory_space<hbm>> -> memref<8x128xf32, #tpu.memory_space<hbm>>
      tpu.enqueue_dma source(%dma_start3A_1048 : memref<8x128xf32, #tpu.memory_space<hbm>>) target(%dma_start3A_1047 : memref<8x128xf32, #tpu.memory_space<vmem>>) target_semaphore(%arg15 : memref<!tpu.dma_semaphore, #tpu.memory_space<semaphore_mem>>)
      %dma_start3A_1049 = tpu.memref_slice %arg10[%multiple_of3A_1044, %multiple_of3A_1042] : memref<16x2048xf32, #tpu.memory_space<vmem>> -> memref<8x128xf32, #tpu.memory_space<vmem>>
      %dma_start3A_1050 = tpu.memref_slice %arg5[%multiple_of3A_1044, %multiple_of3A_1040] : memref<16x1000000xf32, #tpu.memory_space<hbm>> -> memref<8x128xf32, #tpu.memory_space<hbm>>
      %dma_start3A_1051 = tpu.memref_slice %arg10[%multiple_of3A_1044, %multiple_of3A_1042] : memref<16x2048xf32, #tpu.memory_space<vmem>> -> memref<8x128xf32, #tpu.memory_space<vmem>>
      %dma_start3A_1052 = tpu.memref_slice %arg5[%multiple_of3A_1044, %multiple_of3A_1040] : memref<16x1000000xf32, #tpu.memory_space<hbm>> -> memref<8x128xf32, #tpu.memory_space<hbm>>
      tpu.enqueue_dma source(%dma_start3A_1052 : memref<8x128xf32, #tpu.memory_space<hbm>>) target(%dma_start3A_1051 : memref<8x128xf32, #tpu.memory_space<vmem>>) target_semaphore(%arg17 : memref<!tpu.dma_semaphore, #tpu.memory_space<semaphore_mem>>)
      %multiple_of3A_1053 = arith.constant 8 : i32
      %multiple_of3A_1054 = tpu.assume_multiple %multiple_of3A_1053, 8 : i32
      %dma_start3A_1055 = tpu.memref_slice %arg9[%multiple_of3A_1054, %multiple_of3A_1042] : memref<16x2048xf32, #tpu.memory_space<vmem>> -> memref<8x128xf32, #tpu.memory_space<vmem>>
      %dma_start3A_1056 = tpu.memref_slice %arg4[%multiple_of3A_1054, %multiple_of3A_1011] : memref<16x1000000xf32, #tpu.memory_space<hbm>> -> memref<8x128xf32, #tpu.memory_space<hbm>>
      %dma_start3A_1057 = tpu.memref_slice %arg9[%multiple_of3A_1054, %multiple_of3A_1042] : memref<16x2048xf32, #tpu.memory_space<vmem>> -> memref<8x128xf32, #tpu.memory_space<vmem>>
      %dma_start3A_1058 = tpu.memref_slice %arg4[%multiple_of3A_1054, %multiple_of3A_1011] : memref<16x1000000xf32, #tpu.memory_space<hbm>> -> memref<8x128xf32, #tpu.memory_space<hbm>>
      tpu.enqueue_dma source(%dma_start3A_1058 : memref<8x128xf32, #tpu.memory_space<hbm>>) target(%dma_start3A_1057 : memref<8x128xf32, #tpu.memory_space<vmem>>) target_semaphore(%arg15 : memref<!tpu.dma_semaphore, #tpu.memory_space<semaphore_mem>>)
      %dma_start3A_1059 = tpu.memref_slice %arg10[%multiple_of3A_1054, %multiple_of3A_1042] : memref<16x2048xf32, #tpu.memory_space<vmem>> -> memref<8x128xf32, #tpu.memory_space<vmem>>
      %dma_start3A_1060 = tpu.memref_slice %arg5[%multiple_of3A_1054, %multiple_of3A_1040] : memref<16x1000000xf32, #tpu.memory_space<hbm>> -> memref<8x128xf32, #tpu.memory_space<hbm>>
      %dma_start3A_1061 = tpu.memref_slice %arg10[%multiple_of3A_1054, %multiple_of3A_1042] : memref<16x2048xf32, #tpu.memory_space<vmem>> -> memref<8x128xf32, #tpu.memory_space<vmem>>
      %dma_start3A_1062 = tpu.memref_slice %arg5[%multiple_of3A_1054, %multiple_of3A_1040] : memref<16x1000000xf32, #tpu.memory_space<hbm>> -> memref<8x128xf32, #tpu.memory_space<hbm>>
      tpu.enqueue_dma source(%dma_start3A_1062 : memref<8x128xf32, #tpu.memory_space<hbm>>) target(%dma_start3A_1061 : memref<8x128xf32, #tpu.memory_space<vmem>>) target_semaphore(%arg17 : memref<!tpu.dma_semaphore, #tpu.memory_space<semaphore_mem>>)
      %slice3A_1063 = vector.extract_strided_slice %get3A_660 {offsets = [13], sizes = [1], strides = [1]} : vector<16xi32> to vector<1xi32>
      %squeeze3A_1064 = vector.extract %slice3A_1063[0] : i32 from vector<1xi32>
      %jit3A_1065 = arith.constant 128 : i32
      %div3A_1066 = arith.divsi %squeeze3A_1064, %jit3A_1065 : i32
      %sign3A_1067 = arith.constant 0 : i32
      %sign3A_1068 = arith.cmpi sgt, %squeeze3A_1064, %sign3A_1067 : i32
      %sign3A_1069 = arith.extui %sign3A_1068 : i1 to i32
      %sign3A_1070 = arith.constant 0 : i32
      %sign3A_1071 = arith.cmpi slt, %squeeze3A_1064, %sign3A_1070 : i32
      %sign3A_1072 = arith.extui %sign3A_1071 : i1 to i32
      %sign3A_1073 = arith.subi %sign3A_1069, %sign3A_1072 : i32
      %sign3A_1074 = arith.constant 0 : i32
      %sign3A_1075 = arith.cmpi sgt, %jit3A_1065, %sign3A_1074 : i32
      %sign3A_1076 = arith.extui %sign3A_1075 : i1 to i32
      %sign3A_1077 = arith.constant 0 : i32
      %sign3A_1078 = arith.cmpi slt, %jit3A_1065, %sign3A_1077 : i32
      %sign3A_1079 = arith.extui %sign3A_1078 : i1 to i32
      %sign3A_1080 = arith.subi %sign3A_1076, %sign3A_1079 : i32
      %ne3A_1081 = arith.cmpi ne, %sign3A_1073, %sign3A_1080 : i32
      %rem3A_1082 = arith.remsi %squeeze3A_1064, %jit3A_1065 : i32
      %ne3A_1083 = arith.constant 0 : i32
      %ne3A_1084 = arith.cmpi ne, %rem3A_1082, %ne3A_1083 : i32
      %and3A_1085 = arith.andi %ne3A_1081, %ne3A_1084 : i1
      %sub3A_1086 = arith.constant 1 : i32
      %sub3A_1087 = arith.subi %div3A_1066, %sub3A_1086 : i32
      %select_n3A_1088 = arith.select %and3A_1085, %sub3A_1087, %div3A_1066 : i32
      %mul3A_1089 = arith.constant 128 : i32
      %mul3A_1090 = arith.muli %select_n3A_1088, %mul3A_1089 : i32
      %multiple_of3A_1091 = tpu.assume_multiple %mul3A_1090, 128 : i32
      %slice3A_1092 = vector.extract_strided_slice %get3A_662 {offsets = [13], sizes = [1], strides = [1]} : vector<16xi32> to vector<1xi32>
      %squeeze3A_1093 = vector.extract %slice3A_1092[0] : i32 from vector<1xi32>
      %jit3A_1094 = arith.constant 128 : i32
      %div3A_1095 = arith.divsi %squeeze3A_1093, %jit3A_1094 : i32
      %sign3A_1096 = arith.constant 0 : i32
      %sign3A_1097 = arith.cmpi sgt, %squeeze3A_1093, %sign3A_1096 : i32
      %sign3A_1098 = arith.extui %sign3A_1097 : i1 to i32
      %sign3A_1099 = arith.constant 0 : i32
      %sign3A_1100 = arith.cmpi slt, %squeeze3A_1093, %sign3A_1099 : i32
      %sign3A_1101 = arith.extui %sign3A_1100 : i1 to i32
      %sign3A_1102 = arith.subi %sign3A_1098, %sign3A_1101 : i32
      %sign3A_1103 = arith.constant 0 : i32
      %sign3A_1104 = arith.cmpi sgt, %jit3A_1094, %sign3A_1103 : i32
      %sign3A_1105 = arith.extui %sign3A_1104 : i1 to i32
      %sign3A_1106 = arith.constant 0 : i32
      %sign3A_1107 = arith.cmpi slt, %jit3A_1094, %sign3A_1106 : i32
      %sign3A_1108 = arith.extui %sign3A_1107 : i1 to i32
      %sign3A_1109 = arith.subi %sign3A_1105, %sign3A_1108 : i32
      %ne3A_1110 = arith.cmpi ne, %sign3A_1102, %sign3A_1109 : i32
      %rem3A_1111 = arith.remsi %squeeze3A_1093, %jit3A_1094 : i32
      %ne3A_1112 = arith.constant 0 : i32
      %ne3A_1113 = arith.cmpi ne, %rem3A_1111, %ne3A_1112 : i32
      %and3A_1114 = arith.andi %ne3A_1110, %ne3A_1113 : i1
      %sub3A_1115 = arith.constant 1 : i32
      %sub3A_1116 = arith.subi %div3A_1095, %sub3A_1115 : i32
      %select_n3A_1117 = arith.select %and3A_1114, %sub3A_1116, %div3A_1095 : i32
      %mul3A_1118 = arith.constant 128 : i32
      %mul3A_1119 = arith.muli %select_n3A_1117, %mul3A_1118 : i32
      %multiple_of3A_1120 = tpu.assume_multiple %mul3A_1119, 128 : i32
      %multiple_of3A_1121 = arith.constant 1664 : i32
      %multiple_of3A_1122 = tpu.assume_multiple %multiple_of3A_1121, 128 : i32
      %multiple_of3A_1123 = arith.constant 0 : i32
      %multiple_of3A_1124 = tpu.assume_multiple %multiple_of3A_1123, 8 : i32
      %dma_start3A_1125 = tpu.memref_slice %arg9[%multiple_of3A_1124, %multiple_of3A_1122] : memref<16x2048xf32, #tpu.memory_space<vmem>> -> memref<8x128xf32, #tpu.memory_space<vmem>>
      %dma_start3A_1126 = tpu.memref_slice %arg4[%multiple_of3A_1124, %multiple_of3A_1091] : memref<16x1000000xf32, #tpu.memory_space<hbm>> -> memref<8x128xf32, #tpu.memory_space<hbm>>
      %dma_start3A_1127 = tpu.memref_slice %arg9[%multiple_of3A_1124, %multiple_of3A_1122] : memref<16x2048xf32, #tpu.memory_space<vmem>> -> memref<8x128xf32, #tpu.memory_space<vmem>>
      %dma_start3A_1128 = tpu.memref_slice %arg4[%multiple_of3A_1124, %multiple_of3A_1091] : memref<16x1000000xf32, #tpu.memory_space<hbm>> -> memref<8x128xf32, #tpu.memory_space<hbm>>
      tpu.enqueue_dma source(%dma_start3A_1128 : memref<8x128xf32, #tpu.memory_space<hbm>>) target(%dma_start3A_1127 : memref<8x128xf32, #tpu.memory_space<vmem>>) target_semaphore(%arg15 : memref<!tpu.dma_semaphore, #tpu.memory_space<semaphore_mem>>)
      %dma_start3A_1129 = tpu.memref_slice %arg10[%multiple_of3A_1124, %multiple_of3A_1122] : memref<16x2048xf32, #tpu.memory_space<vmem>> -> memref<8x128xf32, #tpu.memory_space<vmem>>
      %dma_start3A_1130 = tpu.memref_slice %arg5[%multiple_of3A_1124, %multiple_of3A_1120] : memref<16x1000000xf32, #tpu.memory_space<hbm>> -> memref<8x128xf32, #tpu.memory_space<hbm>>
      %dma_start3A_1131 = tpu.memref_slice %arg10[%multiple_of3A_1124, %multiple_of3A_1122] : memref<16x2048xf32, #tpu.memory_space<vmem>> -> memref<8x128xf32, #tpu.memory_space<vmem>>
      %dma_start3A_1132 = tpu.memref_slice %arg5[%multiple_of3A_1124, %multiple_of3A_1120] : memref<16x1000000xf32, #tpu.memory_space<hbm>> -> memref<8x128xf32, #tpu.memory_space<hbm>>
      tpu.enqueue_dma source(%dma_start3A_1132 : memref<8x128xf32, #tpu.memory_space<hbm>>) target(%dma_start3A_1131 : memref<8x128xf32, #tpu.memory_space<vmem>>) target_semaphore(%arg17 : memref<!tpu.dma_semaphore, #tpu.memory_space<semaphore_mem>>)
      %multiple_of3A_1133 = arith.constant 8 : i32
      %multiple_of3A_1134 = tpu.assume_multiple %multiple_of3A_1133, 8 : i32
      %dma_start3A_1135 = tpu.memref_slice %arg9[%multiple_of3A_1134, %multiple_of3A_1122] : memref<16x2048xf32, #tpu.memory_space<vmem>> -> memref<8x128xf32, #tpu.memory_space<vmem>>
      %dma_start3A_1136 = tpu.memref_slice %arg4[%multiple_of3A_1134, %multiple_of3A_1091] : memref<16x1000000xf32, #tpu.memory_space<hbm>> -> memref<8x128xf32, #tpu.memory_space<hbm>>
      %dma_start3A_1137 = tpu.memref_slice %arg9[%multiple_of3A_1134, %multiple_of3A_1122] : memref<16x2048xf32, #tpu.memory_space<vmem>> -> memref<8x128xf32, #tpu.memory_space<vmem>>
      %dma_start3A_1138 = tpu.memref_slice %arg4[%multiple_of3A_1134, %multiple_of3A_1091] : memref<16x1000000xf32, #tpu.memory_space<hbm>> -> memref<8x128xf32, #tpu.memory_space<hbm>>
      tpu.enqueue_dma source(%dma_start3A_1138 : memref<8x128xf32, #tpu.memory_space<hbm>>) target(%dma_start3A_1137 : memref<8x128xf32, #tpu.memory_space<vmem>>) target_semaphore(%arg15 : memref<!tpu.dma_semaphore, #tpu.memory_space<semaphore_mem>>)
      %dma_start3A_1139 = tpu.memref_slice %arg10[%multiple_of3A_1134, %multiple_of3A_1122] : memref<16x2048xf32, #tpu.memory_space<vmem>> -> memref<8x128xf32, #tpu.memory_space<vmem>>
      %dma_start3A_1140 = tpu.memref_slice %arg5[%multiple_of3A_1134, %multiple_of3A_1120] : memref<16x1000000xf32, #tpu.memory_space<hbm>> -> memref<8x128xf32, #tpu.memory_space<hbm>>
      %dma_start3A_1141 = tpu.memref_slice %arg10[%multiple_of3A_1134, %multiple_of3A_1122] : memref<16x2048xf32, #tpu.memory_space<vmem>> -> memref<8x128xf32, #tpu.memory_space<vmem>>
      %dma_start3A_1142 = tpu.memref_slice %arg5[%multiple_of3A_1134, %multiple_of3A_1120] : memref<16x1000000xf32, #tpu.memory_space<hbm>> -> memref<8x128xf32, #tpu.memory_space<hbm>>
      tpu.enqueue_dma source(%dma_start3A_1142 : memref<8x128xf32, #tpu.memory_space<hbm>>) target(%dma_start3A_1141 : memref<8x128xf32, #tpu.memory_space<vmem>>) target_semaphore(%arg17 : memref<!tpu.dma_semaphore, #tpu.memory_space<semaphore_mem>>)
      %slice3A_1143 = vector.extract_strided_slice %get3A_660 {offsets = [14], sizes = [1], strides = [1]} : vector<16xi32> to vector<1xi32>
      %squeeze3A_1144 = vector.extract %slice3A_1143[0] : i32 from vector<1xi32>
      %jit3A_1145 = arith.constant 128 : i32
      %div3A_1146 = arith.divsi %squeeze3A_1144, %jit3A_1145 : i32
      %sign3A_1147 = arith.constant 0 : i32
      %sign3A_1148 = arith.cmpi sgt, %squeeze3A_1144, %sign3A_1147 : i32
      %sign3A_1149 = arith.extui %sign3A_1148 : i1 to i32
      %sign3A_1150 = arith.constant 0 : i32
      %sign3A_1151 = arith.cmpi slt, %squeeze3A_1144, %sign3A_1150 : i32
      %sign3A_1152 = arith.extui %sign3A_1151 : i1 to i32
      %sign3A_1153 = arith.subi %sign3A_1149, %sign3A_1152 : i32
      %sign3A_1154 = arith.constant 0 : i32
      %sign3A_1155 = arith.cmpi sgt, %jit3A_1145, %sign3A_1154 : i32
      %sign3A_1156 = arith.extui %sign3A_1155 : i1 to i32
      %sign3A_1157 = arith.constant 0 : i32
      %sign3A_1158 = arith.cmpi slt, %jit3A_1145, %sign3A_1157 : i32
      %sign3A_1159 = arith.extui %sign3A_1158 : i1 to i32
      %sign3A_1160 = arith.subi %sign3A_1156, %sign3A_1159 : i32
      %ne3A_1161 = arith.cmpi ne, %sign3A_1153, %sign3A_1160 : i32
      %rem3A_1162 = arith.remsi %squeeze3A_1144, %jit3A_1145 : i32
      %ne3A_1163 = arith.constant 0 : i32
      %ne3A_1164 = arith.cmpi ne, %rem3A_1162, %ne3A_1163 : i32
      %and3A_1165 = arith.andi %ne3A_1161, %ne3A_1164 : i1
      %sub3A_1166 = arith.constant 1 : i32
      %sub3A_1167 = arith.subi %div3A_1146, %sub3A_1166 : i32
      %select_n3A_1168 = arith.select %and3A_1165, %sub3A_1167, %div3A_1146 : i32
      %mul3A_1169 = arith.constant 128 : i32
      %mul3A_1170 = arith.muli %select_n3A_1168, %mul3A_1169 : i32
      %multiple_of3A_1171 = tpu.assume_multiple %mul3A_1170, 128 : i32
      %slice3A_1172 = vector.extract_strided_slice %get3A_662 {offsets = [14], sizes = [1], strides = [1]} : vector<16xi32> to vector<1xi32>
      %squeeze3A_1173 = vector.extract %slice3A_1172[0] : i32 from vector<1xi32>
      %jit3A_1174 = arith.constant 128 : i32
      %div3A_1175 = arith.divsi %squeeze3A_1173, %jit3A_1174 : i32
      %sign3A_1176 = arith.constant 0 : i32
      %sign3A_1177 = arith.cmpi sgt, %squeeze3A_1173, %sign3A_1176 : i32
      %sign3A_1178 = arith.extui %sign3A_1177 : i1 to i32
      %sign3A_1179 = arith.constant 0 : i32
      %sign3A_1180 = arith.cmpi slt, %squeeze3A_1173, %sign3A_1179 : i32
      %sign3A_1181 = arith.extui %sign3A_1180 : i1 to i32
      %sign3A_1182 = arith.subi %sign3A_1178, %sign3A_1181 : i32
      %sign3A_1183 = arith.constant 0 : i32
      %sign3A_1184 = arith.cmpi sgt, %jit3A_1174, %sign3A_1183 : i32
      %sign3A_1185 = arith.extui %sign3A_1184 : i1 to i32
      %sign3A_1186 = arith.constant 0 : i32
      %sign3A_1187 = arith.cmpi slt, %jit3A_1174, %sign3A_1186 : i32
      %sign3A_1188 = arith.extui %sign3A_1187 : i1 to i32
      %sign3A_1189 = arith.subi %sign3A_1185, %sign3A_1188 : i32
      %ne3A_1190 = arith.cmpi ne, %sign3A_1182, %sign3A_1189 : i32
      %rem3A_1191 = arith.remsi %squeeze3A_1173, %jit3A_1174 : i32
      %ne3A_1192 = arith.constant 0 : i32
      %ne3A_1193 = arith.cmpi ne, %rem3A_1191, %ne3A_1192 : i32
      %and3A_1194 = arith.andi %ne3A_1190, %ne3A_1193 : i1
      %sub3A_1195 = arith.constant 1 : i32
      %sub3A_1196 = arith.subi %div3A_1175, %sub3A_1195 : i32
      %select_n3A_1197 = arith.select %and3A_1194, %sub3A_1196, %div3A_1175 : i32
      %mul3A_1198 = arith.constant 128 : i32
      %mul3A_1199 = arith.muli %select_n3A_1197, %mul3A_1198 : i32
      %multiple_of3A_1200 = tpu.assume_multiple %mul3A_1199, 128 : i32
      %multiple_of3A_1201 = arith.constant 1792 : i32
      %multiple_of3A_1202 = tpu.assume_multiple %multiple_of3A_1201, 128 : i32
      %multiple_of3A_1203 = arith.constant 0 : i32
      %multiple_of3A_1204 = tpu.assume_multiple %multiple_of3A_1203, 8 : i32
      %dma_start3A_1205 = tpu.memref_slice %arg9[%multiple_of3A_1204, %multiple_of3A_1202] : memref<16x2048xf32, #tpu.memory_space<vmem>> -> memref<8x128xf32, #tpu.memory_space<vmem>>
      %dma_start3A_1206 = tpu.memref_slice %arg4[%multiple_of3A_1204, %multiple_of3A_1171] : memref<16x1000000xf32, #tpu.memory_space<hbm>> -> memref<8x128xf32, #tpu.memory_space<hbm>>
      %dma_start3A_1207 = tpu.memref_slice %arg9[%multiple_of3A_1204, %multiple_of3A_1202] : memref<16x2048xf32, #tpu.memory_space<vmem>> -> memref<8x128xf32, #tpu.memory_space<vmem>>
      %dma_start3A_1208 = tpu.memref_slice %arg4[%multiple_of3A_1204, %multiple_of3A_1171] : memref<16x1000000xf32, #tpu.memory_space<hbm>> -> memref<8x128xf32, #tpu.memory_space<hbm>>
      tpu.enqueue_dma source(%dma_start3A_1208 : memref<8x128xf32, #tpu.memory_space<hbm>>) target(%dma_start3A_1207 : memref<8x128xf32, #tpu.memory_space<vmem>>) target_semaphore(%arg15 : memref<!tpu.dma_semaphore, #tpu.memory_space<semaphore_mem>>)
      %dma_start3A_1209 = tpu.memref_slice %arg10[%multiple_of3A_1204, %multiple_of3A_1202] : memref<16x2048xf32, #tpu.memory_space<vmem>> -> memref<8x128xf32, #tpu.memory_space<vmem>>
      %dma_start3A_1210 = tpu.memref_slice %arg5[%multiple_of3A_1204, %multiple_of3A_1200] : memref<16x1000000xf32, #tpu.memory_space<hbm>> -> memref<8x128xf32, #tpu.memory_space<hbm>>
      %dma_start3A_1211 = tpu.memref_slice %arg10[%multiple_of3A_1204, %multiple_of3A_1202] : memref<16x2048xf32, #tpu.memory_space<vmem>> -> memref<8x128xf32, #tpu.memory_space<vmem>>
      %dma_start3A_1212 = tpu.memref_slice %arg5[%multiple_of3A_1204, %multiple_of3A_1200] : memref<16x1000000xf32, #tpu.memory_space<hbm>> -> memref<8x128xf32, #tpu.memory_space<hbm>>
      tpu.enqueue_dma source(%dma_start3A_1212 : memref<8x128xf32, #tpu.memory_space<hbm>>) target(%dma_start3A_1211 : memref<8x128xf32, #tpu.memory_space<vmem>>) target_semaphore(%arg17 : memref<!tpu.dma_semaphore, #tpu.memory_space<semaphore_mem>>)
      %multiple_of3A_1213 = arith.constant 8 : i32
      %multiple_of3A_1214 = tpu.assume_multiple %multiple_of3A_1213, 8 : i32
      %dma_start3A_1215 = tpu.memref_slice %arg9[%multiple_of3A_1214, %multiple_of3A_1202] : memref<16x2048xf32, #tpu.memory_space<vmem>> -> memref<8x128xf32, #tpu.memory_space<vmem>>
      %dma_start3A_1216 = tpu.memref_slice %arg4[%multiple_of3A_1214, %multiple_of3A_1171] : memref<16x1000000xf32, #tpu.memory_space<hbm>> -> memref<8x128xf32, #tpu.memory_space<hbm>>
      %dma_start3A_1217 = tpu.memref_slice %arg9[%multiple_of3A_1214, %multiple_of3A_1202] : memref<16x2048xf32, #tpu.memory_space<vmem>> -> memref<8x128xf32, #tpu.memory_space<vmem>>
      %dma_start3A_1218 = tpu.memref_slice %arg4[%multiple_of3A_1214, %multiple_of3A_1171] : memref<16x1000000xf32, #tpu.memory_space<hbm>> -> memref<8x128xf32, #tpu.memory_space<hbm>>
      tpu.enqueue_dma source(%dma_start3A_1218 : memref<8x128xf32, #tpu.memory_space<hbm>>) target(%dma_start3A_1217 : memref<8x128xf32, #tpu.memory_space<vmem>>) target_semaphore(%arg15 : memref<!tpu.dma_semaphore, #tpu.memory_space<semaphore_mem>>)
      %dma_start3A_1219 = tpu.memref_slice %arg10[%multiple_of3A_1214, %multiple_of3A_1202] : memref<16x2048xf32, #tpu.memory_space<vmem>> -> memref<8x128xf32, #tpu.memory_space<vmem>>
      %dma_start3A_1220 = tpu.memref_slice %arg5[%multiple_of3A_1214, %multiple_of3A_1200] : memref<16x1000000xf32, #tpu.memory_space<hbm>> -> memref<8x128xf32, #tpu.memory_space<hbm>>
      %dma_start3A_1221 = tpu.memref_slice %arg10[%multiple_of3A_1214, %multiple_of3A_1202] : memref<16x2048xf32, #tpu.memory_space<vmem>> -> memref<8x128xf32, #tpu.memory_space<vmem>>
      %dma_start3A_1222 = tpu.memref_slice %arg5[%multiple_of3A_1214, %multiple_of3A_1200] : memref<16x1000000xf32, #tpu.memory_space<hbm>> -> memref<8x128xf32, #tpu.memory_space<hbm>>
      tpu.enqueue_dma source(%dma_start3A_1222 : memref<8x128xf32, #tpu.memory_space<hbm>>) target(%dma_start3A_1221 : memref<8x128xf32, #tpu.memory_space<vmem>>) target_semaphore(%arg17 : memref<!tpu.dma_semaphore, #tpu.memory_space<semaphore_mem>>)
      %slice3A_1223 = vector.extract_strided_slice %get3A_660 {offsets = [15], sizes = [1], strides = [1]} : vector<16xi32> to vector<1xi32>
      %squeeze3A_1224 = vector.extract %slice3A_1223[0] : i32 from vector<1xi32>
      %jit3A_1225 = arith.constant 128 : i32
      %div3A_1226 = arith.divsi %squeeze3A_1224, %jit3A_1225 : i32
      %sign3A_1227 = arith.constant 0 : i32
      %sign3A_1228 = arith.cmpi sgt, %squeeze3A_1224, %sign3A_1227 : i32
      %sign3A_1229 = arith.extui %sign3A_1228 : i1 to i32
      %sign3A_1230 = arith.constant 0 : i32
      %sign3A_1231 = arith.cmpi slt, %squeeze3A_1224, %sign3A_1230 : i32
      %sign3A_1232 = arith.extui %sign3A_1231 : i1 to i32
      %sign3A_1233 = arith.subi %sign3A_1229, %sign3A_1232 : i32
      %sign3A_1234 = arith.constant 0 : i32
      %sign3A_1235 = arith.cmpi sgt, %jit3A_1225, %sign3A_1234 : i32
      %sign3A_1236 = arith.extui %sign3A_1235 : i1 to i32
      %sign3A_1237 = arith.constant 0 : i32
      %sign3A_1238 = arith.cmpi slt, %jit3A_1225, %sign3A_1237 : i32
      %sign3A_1239 = arith.extui %sign3A_1238 : i1 to i32
      %sign3A_1240 = arith.subi %sign3A_1236, %sign3A_1239 : i32
      %ne3A_1241 = arith.cmpi ne, %sign3A_1233, %sign3A_1240 : i32
      %rem3A_1242 = arith.remsi %squeeze3A_1224, %jit3A_1225 : i32
      %ne3A_1243 = arith.constant 0 : i32
      %ne3A_1244 = arith.cmpi ne, %rem3A_1242, %ne3A_1243 : i32
      %and3A_1245 = arith.andi %ne3A_1241, %ne3A_1244 : i1
      %sub3A_1246 = arith.constant 1 : i32
      %sub3A_1247 = arith.subi %div3A_1226, %sub3A_1246 : i32
      %select_n3A_1248 = arith.select %and3A_1245, %sub3A_1247, %div3A_1226 : i32
      %mul3A_1249 = arith.constant 128 : i32
      %mul3A_1250 = arith.muli %select_n3A_1248, %mul3A_1249 : i32
      %multiple_of3A_1251 = tpu.assume_multiple %mul3A_1250, 128 : i32
      %slice3A_1252 = vector.extract_strided_slice %get3A_662 {offsets = [15], sizes = [1], strides = [1]} : vector<16xi32> to vector<1xi32>
      %squeeze3A_1253 = vector.extract %slice3A_1252[0] : i32 from vector<1xi32>
      %jit3A_1254 = arith.constant 128 : i32
      %div3A_1255 = arith.divsi %squeeze3A_1253, %jit3A_1254 : i32
      %sign3A_1256 = arith.constant 0 : i32
      %sign3A_1257 = arith.cmpi sgt, %squeeze3A_1253, %sign3A_1256 : i32
      %sign3A_1258 = arith.extui %sign3A_1257 : i1 to i32
      %sign3A_1259 = arith.constant 0 : i32
      %sign3A_1260 = arith.cmpi slt, %squeeze3A_1253, %sign3A_1259 : i32
      %sign3A_1261 = arith.extui %sign3A_1260 : i1 to i32
      %sign3A_1262 = arith.subi %sign3A_1258, %sign3A_1261 : i32
      %sign3A_1263 = arith.constant 0 : i32
      %sign3A_1264 = arith.cmpi sgt, %jit3A_1254, %sign3A_1263 : i32
      %sign3A_1265 = arith.extui %sign3A_1264 : i1 to i32
      %sign3A_1266 = arith.constant 0 : i32
      %sign3A_1267 = arith.cmpi slt, %jit3A_1254, %sign3A_1266 : i32
      %sign3A_1268 = arith.extui %sign3A_1267 : i1 to i32
      %sign3A_1269 = arith.subi %sign3A_1265, %sign3A_1268 : i32
      %ne3A_1270 = arith.cmpi ne, %sign3A_1262, %sign3A_1269 : i32
      %rem3A_1271 = arith.remsi %squeeze3A_1253, %jit3A_1254 : i32
      %ne3A_1272 = arith.constant 0 : i32
      %ne3A_1273 = arith.cmpi ne, %rem3A_1271, %ne3A_1272 : i32
      %and3A_1274 = arith.andi %ne3A_1270, %ne3A_1273 : i1
      %sub3A_1275 = arith.constant 1 : i32
      %sub3A_1276 = arith.subi %div3A_1255, %sub3A_1275 : i32
      %select_n3A_1277 = arith.select %and3A_1274, %sub3A_1276, %div3A_1255 : i32
      %mul3A_1278 = arith.constant 128 : i32
      %mul3A_1279 = arith.muli %select_n3A_1277, %mul3A_1278 : i32
      %multiple_of3A_1280 = tpu.assume_multiple %mul3A_1279, 128 : i32
      %multiple_of3A_1281 = arith.constant 1920 : i32
      %multiple_of3A_1282 = tpu.assume_multiple %multiple_of3A_1281, 128 : i32
      %multiple_of3A_1283 = arith.constant 0 : i32
      %multiple_of3A_1284 = tpu.assume_multiple %multiple_of3A_1283, 8 : i32
      %dma_start3A_1285 = tpu.memref_slice %arg9[%multiple_of3A_1284, %multiple_of3A_1282] : memref<16x2048xf32, #tpu.memory_space<vmem>> -> memref<8x128xf32, #tpu.memory_space<vmem>>
      %dma_start3A_1286 = tpu.memref_slice %arg4[%multiple_of3A_1284, %multiple_of3A_1251] : memref<16x1000000xf32, #tpu.memory_space<hbm>> -> memref<8x128xf32, #tpu.memory_space<hbm>>
      %dma_start3A_1287 = tpu.memref_slice %arg9[%multiple_of3A_1284, %multiple_of3A_1282] : memref<16x2048xf32, #tpu.memory_space<vmem>> -> memref<8x128xf32, #tpu.memory_space<vmem>>
      %dma_start3A_1288 = tpu.memref_slice %arg4[%multiple_of3A_1284, %multiple_of3A_1251] : memref<16x1000000xf32, #tpu.memory_space<hbm>> -> memref<8x128xf32, #tpu.memory_space<hbm>>
      tpu.enqueue_dma source(%dma_start3A_1288 : memref<8x128xf32, #tpu.memory_space<hbm>>) target(%dma_start3A_1287 : memref<8x128xf32, #tpu.memory_space<vmem>>) target_semaphore(%arg15 : memref<!tpu.dma_semaphore, #tpu.memory_space<semaphore_mem>>)
      %dma_start3A_1289 = tpu.memref_slice %arg10[%multiple_of3A_1284, %multiple_of3A_1282] : memref<16x2048xf32, #tpu.memory_space<vmem>> -> memref<8x128xf32, #tpu.memory_space<vmem>>
      %dma_start3A_1290 = tpu.memref_slice %arg5[%multiple_of3A_1284, %multiple_of3A_1280] : memref<16x1000000xf32, #tpu.memory_space<hbm>> -> memref<8x128xf32, #tpu.memory_space<hbm>>
      %dma_start3A_1291 = tpu.memref_slice %arg10[%multiple_of3A_1284, %multiple_of3A_1282] : memref<16x2048xf32, #tpu.memory_space<vmem>> -> memref<8x128xf32, #tpu.memory_space<vmem>>
      %dma_start3A_1292 = tpu.memref_slice %arg5[%multiple_of3A_1284, %multiple_of3A_1280] : memref<16x1000000xf32, #tpu.memory_space<hbm>> -> memref<8x128xf32, #tpu.memory_space<hbm>>
      tpu.enqueue_dma source(%dma_start3A_1292 : memref<8x128xf32, #tpu.memory_space<hbm>>) target(%dma_start3A_1291 : memref<8x128xf32, #tpu.memory_space<vmem>>) target_semaphore(%arg17 : memref<!tpu.dma_semaphore, #tpu.memory_space<semaphore_mem>>)
      %multiple_of3A_1293 = arith.constant 8 : i32
      %multiple_of3A_1294 = tpu.assume_multiple %multiple_of3A_1293, 8 : i32
      %dma_start3A_1295 = tpu.memref_slice %arg9[%multiple_of3A_1294, %multiple_of3A_1282] : memref<16x2048xf32, #tpu.memory_space<vmem>> -> memref<8x128xf32, #tpu.memory_space<vmem>>
      %dma_start3A_1296 = tpu.memref_slice %arg4[%multiple_of3A_1294, %multiple_of3A_1251] : memref<16x1000000xf32, #tpu.memory_space<hbm>> -> memref<8x128xf32, #tpu.memory_space<hbm>>
      %dma_start3A_1297 = tpu.memref_slice %arg9[%multiple_of3A_1294, %multiple_of3A_1282] : memref<16x2048xf32, #tpu.memory_space<vmem>> -> memref<8x128xf32, #tpu.memory_space<vmem>>
      %dma_start3A_1298 = tpu.memref_slice %arg4[%multiple_of3A_1294, %multiple_of3A_1251] : memref<16x1000000xf32, #tpu.memory_space<hbm>> -> memref<8x128xf32, #tpu.memory_space<hbm>>
      tpu.enqueue_dma source(%dma_start3A_1298 : memref<8x128xf32, #tpu.memory_space<hbm>>) target(%dma_start3A_1297 : memref<8x128xf32, #tpu.memory_space<vmem>>) target_semaphore(%arg15 : memref<!tpu.dma_semaphore, #tpu.memory_space<semaphore_mem>>)
      %dma_start3A_1299 = tpu.memref_slice %arg10[%multiple_of3A_1294, %multiple_of3A_1282] : memref<16x2048xf32, #tpu.memory_space<vmem>> -> memref<8x128xf32, #tpu.memory_space<vmem>>
      %dma_start3A_1300 = tpu.memref_slice %arg5[%multiple_of3A_1294, %multiple_of3A_1280] : memref<16x1000000xf32, #tpu.memory_space<hbm>> -> memref<8x128xf32, #tpu.memory_space<hbm>>
      %dma_start3A_1301 = tpu.memref_slice %arg10[%multiple_of3A_1294, %multiple_of3A_1282] : memref<16x2048xf32, #tpu.memory_space<vmem>> -> memref<8x128xf32, #tpu.memory_space<vmem>>
      %dma_start3A_1302 = tpu.memref_slice %arg5[%multiple_of3A_1294, %multiple_of3A_1280] : memref<16x1000000xf32, #tpu.memory_space<hbm>> -> memref<8x128xf32, #tpu.memory_space<hbm>>
      tpu.enqueue_dma source(%dma_start3A_1302 : memref<8x128xf32, #tpu.memory_space<hbm>>) target(%dma_start3A_1301 : memref<8x128xf32, #tpu.memory_space<vmem>>) target_semaphore(%arg17 : memref<!tpu.dma_semaphore, #tpu.memory_space<semaphore_mem>>)
      %dma_wait3A = arith.constant 0 : i32
      %dma_wait3A_1303 = arith.constant 0 : i32
      %dma_wait3A_1304 = tpu.memref_slice %arg9[%dma_wait3A, %dma_wait3A_1303] : memref<16x2048xf32, #tpu.memory_space<vmem>> -> memref<8x128xf32, #tpu.memory_space<vmem>>
      %dma_wait3A_1305 = arith.constant 0 : i32
      %dma_wait3A_1306 = arith.constant 0 : i32
      %dma_wait3A_1307 = tpu.memref_slice %arg4[%dma_wait3A_1305, %dma_wait3A_1306] : memref<16x1000000xf32, #tpu.memory_space<hbm>> -> memref<8x128xf32, #tpu.memory_space<hbm>>
      %dma_wait3A_1308 = arith.constant 0 : i32
      %dma_wait3A_1309 = arith.constant 0 : i32
      %dma_wait3A_1310 = tpu.memref_slice %arg9[%dma_wait3A_1308, %dma_wait3A_1309] : memref<16x2048xf32, #tpu.memory_space<vmem>> -> memref<8x128xf32, #tpu.memory_space<vmem>>
      %dma_wait3A_1311 = arith.constant 0 : i32
      %dma_wait3A_1312 = arith.constant 0 : i32
      %dma_wait3A_1313 = tpu.memref_slice %arg4[%dma_wait3A_1311, %dma_wait3A_1312] : memref<16x1000000xf32, #tpu.memory_space<hbm>> -> memref<8x128xf32, #tpu.memory_space<hbm>>
      tpu.wait_dma2 semaphore(%arg14 : memref<!tpu.dma_semaphore, #tpu.memory_space<semaphore_mem>>) src(%dma_wait3A_1313 : memref<8x128xf32, #tpu.memory_space<hbm>>) dst(%dma_wait3A_1310 : memref<8x128xf32, #tpu.memory_space<vmem>>)
      %dma_wait3A_1314 = arith.constant 0 : i32
      %dma_wait3A_1315 = arith.constant 0 : i32
      %dma_wait3A_1316 = tpu.memref_slice %arg10[%dma_wait3A_1314, %dma_wait3A_1315] : memref<16x2048xf32, #tpu.memory_space<vmem>> -> memref<8x128xf32, #tpu.memory_space<vmem>>
      %dma_wait3A_1317 = arith.constant 0 : i32
      %dma_wait3A_1318 = arith.constant 0 : i32
      %dma_wait3A_1319 = tpu.memref_slice %arg5[%dma_wait3A_1317, %dma_wait3A_1318] : memref<16x1000000xf32, #tpu.memory_space<hbm>> -> memref<8x128xf32, #tpu.memory_space<hbm>>
      %dma_wait3A_1320 = arith.constant 0 : i32
      %dma_wait3A_1321 = arith.constant 0 : i32
      %dma_wait3A_1322 = tpu.memref_slice %arg10[%dma_wait3A_1320, %dma_wait3A_1321] : memref<16x2048xf32, #tpu.memory_space<vmem>> -> memref<8x128xf32, #tpu.memory_space<vmem>>
      %dma_wait3A_1323 = arith.constant 0 : i32
      %dma_wait3A_1324 = arith.constant 0 : i32
      %dma_wait3A_1325 = tpu.memref_slice %arg5[%dma_wait3A_1323, %dma_wait3A_1324] : memref<16x1000000xf32, #tpu.memory_space<hbm>> -> memref<8x128xf32, #tpu.memory_space<hbm>>
      tpu.wait_dma2 semaphore(%arg16 : memref<!tpu.dma_semaphore, #tpu.memory_space<semaphore_mem>>) src(%dma_wait3A_1325 : memref<8x128xf32, #tpu.memory_space<hbm>>) dst(%dma_wait3A_1322 : memref<8x128xf32, #tpu.memory_space<vmem>>)
      %dma_wait3A_1326 = arith.constant 0 : i32
      %dma_wait3A_1327 = arith.constant 0 : i32
      %dma_wait3A_1328 = tpu.memref_slice %arg9[%dma_wait3A_1326, %dma_wait3A_1327] : memref<16x2048xf32, #tpu.memory_space<vmem>> -> memref<8x128xf32, #tpu.memory_space<vmem>>
      %dma_wait3A_1329 = arith.constant 0 : i32
      %dma_wait3A_1330 = arith.constant 0 : i32
      %dma_wait3A_1331 = tpu.memref_slice %arg4[%dma_wait3A_1329, %dma_wait3A_1330] : memref<16x1000000xf32, #tpu.memory_space<hbm>> -> memref<8x128xf32, #tpu.memory_space<hbm>>
      %dma_wait3A_1332 = arith.constant 0 : i32
      %dma_wait3A_1333 = arith.constant 0 : i32
      %dma_wait3A_1334 = tpu.memref_slice %arg9[%dma_wait3A_1332, %dma_wait3A_1333] : memref<16x2048xf32, #tpu.memory_space<vmem>> -> memref<8x128xf32, #tpu.memory_space<vmem>>
      %dma_wait3A_1335 = arith.constant 0 : i32
      %dma_wait3A_1336 = arith.constant 0 : i32
      %dma_wait3A_1337 = tpu.memref_slice %arg4[%dma_wait3A_1335, %dma_wait3A_1336] : memref<16x1000000xf32, #tpu.memory_space<hbm>> -> memref<8x128xf32, #tpu.memory_space<hbm>>
      tpu.wait_dma2 semaphore(%arg14 : memref<!tpu.dma_semaphore, #tpu.memory_space<semaphore_mem>>) src(%dma_wait3A_1337 : memref<8x128xf32, #tpu.memory_space<hbm>>) dst(%dma_wait3A_1334 : memref<8x128xf32, #tpu.memory_space<vmem>>)
      %dma_wait3A_1338 = arith.constant 0 : i32
      %dma_wait3A_1339 = arith.constant 0 : i32
      %dma_wait3A_1340 = tpu.memref_slice %arg10[%dma_wait3A_1338, %dma_wait3A_1339] : memref<16x2048xf32, #tpu.memory_space<vmem>> -> memref<8x128xf32, #tpu.memory_space<vmem>>
      %dma_wait3A_1341 = arith.constant 0 : i32
      %dma_wait3A_1342 = arith.constant 0 : i32
      %dma_wait3A_1343 = tpu.memref_slice %arg5[%dma_wait3A_1341, %dma_wait3A_1342] : memref<16x1000000xf32, #tpu.memory_space<hbm>> -> memref<8x128xf32, #tpu.memory_space<hbm>>
      %dma_wait3A_1344 = arith.constant 0 : i32
      %dma_wait3A_1345 = arith.constant 0 : i32
      %dma_wait3A_1346 = tpu.memref_slice %arg10[%dma_wait3A_1344, %dma_wait3A_1345] : memref<16x2048xf32, #tpu.memory_space<vmem>> -> memref<8x128xf32, #tpu.memory_space<vmem>>
      %dma_wait3A_1347 = arith.constant 0 : i32
      %dma_wait3A_1348 = arith.constant 0 : i32
      %dma_wait3A_1349 = tpu.memref_slice %arg5[%dma_wait3A_1347, %dma_wait3A_1348] : memref<16x1000000xf32, #tpu.memory_space<hbm>> -> memref<8x128xf32, #tpu.memory_space<hbm>>
      tpu.wait_dma2 semaphore(%arg16 : memref<!tpu.dma_semaphore, #tpu.memory_space<semaphore_mem>>) src(%dma_wait3A_1349 : memref<8x128xf32, #tpu.memory_space<hbm>>) dst(%dma_wait3A_1346 : memref<8x128xf32, #tpu.memory_space<vmem>>)
      %dma_wait3A_1350 = arith.constant 0 : i32
      %dma_wait3A_1351 = arith.constant 0 : i32
      %dma_wait3A_1352 = tpu.memref_slice %arg9[%dma_wait3A_1350, %dma_wait3A_1351] : memref<16x2048xf32, #tpu.memory_space<vmem>> -> memref<8x128xf32, #tpu.memory_space<vmem>>
      %dma_wait3A_1353 = arith.constant 0 : i32
      %dma_wait3A_1354 = arith.constant 0 : i32
      %dma_wait3A_1355 = tpu.memref_slice %arg4[%dma_wait3A_1353, %dma_wait3A_1354] : memref<16x1000000xf32, #tpu.memory_space<hbm>> -> memref<8x128xf32, #tpu.memory_space<hbm>>
      %dma_wait3A_1356 = arith.constant 0 : i32
      %dma_wait3A_1357 = arith.constant 0 : i32
      %dma_wait3A_1358 = tpu.memref_slice %arg9[%dma_wait3A_1356, %dma_wait3A_1357] : memref<16x2048xf32, #tpu.memory_space<vmem>> -> memref<8x128xf32, #tpu.memory_space<vmem>>
      %dma_wait3A_1359 = arith.constant 0 : i32
      %dma_wait3A_1360 = arith.constant 0 : i32
      %dma_wait3A_1361 = tpu.memref_slice %arg4[%dma_wait3A_1359, %dma_wait3A_1360] : memref<16x1000000xf32, #tpu.memory_space<hbm>> -> memref<8x128xf32, #tpu.memory_space<hbm>>
      tpu.wait_dma2 semaphore(%arg14 : memref<!tpu.dma_semaphore, #tpu.memory_space<semaphore_mem>>) src(%dma_wait3A_1361 : memref<8x128xf32, #tpu.memory_space<hbm>>) dst(%dma_wait3A_1358 : memref<8x128xf32, #tpu.memory_space<vmem>>)
      %dma_wait3A_1362 = arith.constant 0 : i32
      %dma_wait3A_1363 = arith.constant 0 : i32
      %dma_wait3A_1364 = tpu.memref_slice %arg10[%dma_wait3A_1362, %dma_wait3A_1363] : memref<16x2048xf32, #tpu.memory_space<vmem>> -> memref<8x128xf32, #tpu.memory_space<vmem>>
      %dma_wait3A_1365 = arith.constant 0 : i32
      %dma_wait3A_1366 = arith.constant 0 : i32
      %dma_wait3A_1367 = tpu.memref_slice %arg5[%dma_wait3A_1365, %dma_wait3A_1366] : memref<16x1000000xf32, #tpu.memory_space<hbm>> -> memref<8x128xf32, #tpu.memory_space<hbm>>
      %dma_wait3A_1368 = arith.constant 0 : i32
      %dma_wait3A_1369 = arith.constant 0 : i32
      %dma_wait3A_1370 = tpu.memref_slice %arg10[%dma_wait3A_1368, %dma_wait3A_1369] : memref<16x2048xf32, #tpu.memory_space<vmem>> -> memref<8x128xf32, #tpu.memory_space<vmem>>
      %dma_wait3A_1371 = arith.constant 0 : i32
      %dma_wait3A_1372 = arith.constant 0 : i32
      %dma_wait3A_1373 = tpu.memref_slice %arg5[%dma_wait3A_1371, %dma_wait3A_1372] : memref<16x1000000xf32, #tpu.memory_space<hbm>> -> memref<8x128xf32, #tpu.memory_space<hbm>>
      tpu.wait_dma2 semaphore(%arg16 : memref<!tpu.dma_semaphore, #tpu.memory_space<semaphore_mem>>) src(%dma_wait3A_1373 : memref<8x128xf32, #tpu.memory_space<hbm>>) dst(%dma_wait3A_1370 : memref<8x128xf32, #tpu.memory_space<vmem>>)
      %dma_wait3A_1374 = arith.constant 0 : i32
      %dma_wait3A_1375 = arith.constant 0 : i32
      %dma_wait3A_1376 = tpu.memref_slice %arg9[%dma_wait3A_1374, %dma_wait3A_1375] : memref<16x2048xf32, #tpu.memory_space<vmem>> -> memref<8x128xf32, #tpu.memory_space<vmem>>
      %dma_wait3A_1377 = arith.constant 0 : i32
      %dma_wait3A_1378 = arith.constant 0 : i32
      %dma_wait3A_1379 = tpu.memref_slice %arg4[%dma_wait3A_1377, %dma_wait3A_1378] : memref<16x1000000xf32, #tpu.memory_space<hbm>> -> memref<8x128xf32, #tpu.memory_space<hbm>>
      %dma_wait3A_1380 = arith.constant 0 : i32
      %dma_wait3A_1381 = arith.constant 0 : i32
      %dma_wait3A_1382 = tpu.memref_slice %arg9[%dma_wait3A_1380, %dma_wait3A_1381] : memref<16x2048xf32, #tpu.memory_space<vmem>> -> memref<8x128xf32, #tpu.memory_space<vmem>>
      %dma_wait3A_1383 = arith.constant 0 : i32
      %dma_wait3A_1384 = arith.constant 0 : i32
      %dma_wait3A_1385 = tpu.memref_slice %arg4[%dma_wait3A_1383, %dma_wait3A_1384] : memref<16x1000000xf32, #tpu.memory_space<hbm>> -> memref<8x128xf32, #tpu.memory_space<hbm>>
      tpu.wait_dma2 semaphore(%arg14 : memref<!tpu.dma_semaphore, #tpu.memory_space<semaphore_mem>>) src(%dma_wait3A_1385 : memref<8x128xf32, #tpu.memory_space<hbm>>) dst(%dma_wait3A_1382 : memref<8x128xf32, #tpu.memory_space<vmem>>)
      %dma_wait3A_1386 = arith.constant 0 : i32
      %dma_wait3A_1387 = arith.constant 0 : i32
      %dma_wait3A_1388 = tpu.memref_slice %arg10[%dma_wait3A_1386, %dma_wait3A_1387] : memref<16x2048xf32, #tpu.memory_space<vmem>> -> memref<8x128xf32, #tpu.memory_space<vmem>>
      %dma_wait3A_1389 = arith.constant 0 : i32
      %dma_wait3A_1390 = arith.constant 0 : i32
      %dma_wait3A_1391 = tpu.memref_slice %arg5[%dma_wait3A_1389, %dma_wait3A_1390] : memref<16x1000000xf32, #tpu.memory_space<hbm>> -> memref<8x128xf32, #tpu.memory_space<hbm>>
      %dma_wait3A_1392 = arith.constant 0 : i32
      %dma_wait3A_1393 = arith.constant 0 : i32
      %dma_wait3A_1394 = tpu.memref_slice %arg10[%dma_wait3A_1392, %dma_wait3A_1393] : memref<16x2048xf32, #tpu.memory_space<vmem>> -> memref<8x128xf32, #tpu.memory_space<vmem>>
      %dma_wait3A_1395 = arith.constant 0 : i32
      %dma_wait3A_1396 = arith.constant 0 : i32
      %dma_wait3A_1397 = tpu.memref_slice %arg5[%dma_wait3A_1395, %dma_wait3A_1396] : memref<16x1000000xf32, #tpu.memory_space<hbm>> -> memref<8x128xf32, #tpu.memory_space<hbm>>
      tpu.wait_dma2 semaphore(%arg16 : memref<!tpu.dma_semaphore, #tpu.memory_space<semaphore_mem>>) src(%dma_wait3A_1397 : memref<8x128xf32, #tpu.memory_space<hbm>>) dst(%dma_wait3A_1394 : memref<8x128xf32, #tpu.memory_space<vmem>>)
      %dma_wait3A_1398 = arith.constant 0 : i32
      %dma_wait3A_1399 = arith.constant 0 : i32
      %dma_wait3A_1400 = tpu.memref_slice %arg9[%dma_wait3A_1398, %dma_wait3A_1399] : memref<16x2048xf32, #tpu.memory_space<vmem>> -> memref<8x128xf32, #tpu.memory_space<vmem>>
      %dma_wait3A_1401 = arith.constant 0 : i32
      %dma_wait3A_1402 = arith.constant 0 : i32
      %dma_wait3A_1403 = tpu.memref_slice %arg4[%dma_wait3A_1401, %dma_wait3A_1402] : memref<16x1000000xf32, #tpu.memory_space<hbm>> -> memref<8x128xf32, #tpu.memory_space<hbm>>
      %dma_wait3A_1404 = arith.constant 0 : i32
      %dma_wait3A_1405 = arith.constant 0 : i32
      %dma_wait3A_1406 = tpu.memref_slice %arg9[%dma_wait3A_1404, %dma_wait3A_1405] : memref<16x2048xf32, #tpu.memory_space<vmem>> -> memref<8x128xf32, #tpu.memory_space<vmem>>
      %dma_wait3A_1407 = arith.constant 0 : i32
      %dma_wait3A_1408 = arith.constant 0 : i32
      %dma_wait3A_1409 = tpu.memref_slice %arg4[%dma_wait3A_1407, %dma_wait3A_1408] : memref<16x1000000xf32, #tpu.memory_space<hbm>> -> memref<8x128xf32, #tpu.memory_space<hbm>>
      tpu.wait_dma2 semaphore(%arg14 : memref<!tpu.dma_semaphore, #tpu.memory_space<semaphore_mem>>) src(%dma_wait3A_1409 : memref<8x128xf32, #tpu.memory_space<hbm>>) dst(%dma_wait3A_1406 : memref<8x128xf32, #tpu.memory_space<vmem>>)
      %dma_wait3A_1410 = arith.constant 0 : i32
      %dma_wait3A_1411 = arith.constant 0 : i32
      %dma_wait3A_1412 = tpu.memref_slice %arg10[%dma_wait3A_1410, %dma_wait3A_1411] : memref<16x2048xf32, #tpu.memory_space<vmem>> -> memref<8x128xf32, #tpu.memory_space<vmem>>
      %dma_wait3A_1413 = arith.constant 0 : i32
      %dma_wait3A_1414 = arith.constant 0 : i32
      %dma_wait3A_1415 = tpu.memref_slice %arg5[%dma_wait3A_1413, %dma_wait3A_1414] : memref<16x1000000xf32, #tpu.memory_space<hbm>> -> memref<8x128xf32, #tpu.memory_space<hbm>>
      %dma_wait3A_1416 = arith.constant 0 : i32
      %dma_wait3A_1417 = arith.constant 0 : i32
      %dma_wait3A_1418 = tpu.memref_slice %arg10[%dma_wait3A_1416, %dma_wait3A_1417] : memref<16x2048xf32, #tpu.memory_space<vmem>> -> memref<8x128xf32, #tpu.memory_space<vmem>>
      %dma_wait3A_1419 = arith.constant 0 : i32
      %dma_wait3A_1420 = arith.constant 0 : i32
      %dma_wait3A_1421 = tpu.memref_slice %arg5[%dma_wait3A_1419, %dma_wait3A_1420] : memref<16x1000000xf32, #tpu.memory_space<hbm>> -> memref<8x128xf32, #tpu.memory_space<hbm>>
      tpu.wait_dma2 semaphore(%arg16 : memref<!tpu.dma_semaphore, #tpu.memory_space<semaphore_mem>>) src(%dma_wait3A_1421 : memref<8x128xf32, #tpu.memory_space<hbm>>) dst(%dma_wait3A_1418 : memref<8x128xf32, #tpu.memory_space<vmem>>)
      %dma_wait3A_1422 = arith.constant 0 : i32
      %dma_wait3A_1423 = arith.constant 0 : i32
      %dma_wait3A_1424 = tpu.memref_slice %arg9[%dma_wait3A_1422, %dma_wait3A_1423] : memref<16x2048xf32, #tpu.memory_space<vmem>> -> memref<8x128xf32, #tpu.memory_space<vmem>>
      %dma_wait3A_1425 = arith.constant 0 : i32
      %dma_wait3A_1426 = arith.constant 0 : i32
      %dma_wait3A_1427 = tpu.memref_slice %arg4[%dma_wait3A_1425, %dma_wait3A_1426] : memref<16x1000000xf32, #tpu.memory_space<hbm>> -> memref<8x128xf32, #tpu.memory_space<hbm>>
      %dma_wait3A_1428 = arith.constant 0 : i32
      %dma_wait3A_1429 = arith.constant 0 : i32
      %dma_wait3A_1430 = tpu.memref_slice %arg9[%dma_wait3A_1428, %dma_wait3A_1429] : memref<16x2048xf32, #tpu.memory_space<vmem>> -> memref<8x128xf32, #tpu.memory_space<vmem>>
      %dma_wait3A_1431 = arith.constant 0 : i32
      %dma_wait3A_1432 = arith.constant 0 : i32
      %dma_wait3A_1433 = tpu.memref_slice %arg4[%dma_wait3A_1431, %dma_wait3A_1432] : memref<16x1000000xf32, #tpu.memory_space<hbm>> -> memref<8x128xf32, #tpu.memory_space<hbm>>
      tpu.wait_dma2 semaphore(%arg14 : memref<!tpu.dma_semaphore, #tpu.memory_space<semaphore_mem>>) src(%dma_wait3A_1433 : memref<8x128xf32, #tpu.memory_space<hbm>>) dst(%dma_wait3A_1430 : memref<8x128xf32, #tpu.memory_space<vmem>>)
      %dma_wait3A_1434 = arith.constant 0 : i32
      %dma_wait3A_1435 = arith.constant 0 : i32
      %dma_wait3A_1436 = tpu.memref_slice %arg10[%dma_wait3A_1434, %dma_wait3A_1435] : memref<16x2048xf32, #tpu.memory_space<vmem>> -> memref<8x128xf32, #tpu.memory_space<vmem>>
      %dma_wait3A_1437 = arith.constant 0 : i32
      %dma_wait3A_1438 = arith.constant 0 : i32
      %dma_wait3A_1439 = tpu.memref_slice %arg5[%dma_wait3A_1437, %dma_wait3A_1438] : memref<16x1000000xf32, #tpu.memory_space<hbm>> -> memref<8x128xf32, #tpu.memory_space<hbm>>
      %dma_wait3A_1440 = arith.constant 0 : i32
      %dma_wait3A_1441 = arith.constant 0 : i32
      %dma_wait3A_1442 = tpu.memref_slice %arg10[%dma_wait3A_1440, %dma_wait3A_1441] : memref<16x2048xf32, #tpu.memory_space<vmem>> -> memref<8x128xf32, #tpu.memory_space<vmem>>
      %dma_wait3A_1443 = arith.constant 0 : i32
      %dma_wait3A_1444 = arith.constant 0 : i32
      %dma_wait3A_1445 = tpu.memref_slice %arg5[%dma_wait3A_1443, %dma_wait3A_1444] : memref<16x1000000xf32, #tpu.memory_space<hbm>> -> memref<8x128xf32, #tpu.memory_space<hbm>>
      tpu.wait_dma2 semaphore(%arg16 : memref<!tpu.dma_semaphore, #tpu.memory_space<semaphore_mem>>) src(%dma_wait3A_1445 : memref<8x128xf32, #tpu.memory_space<hbm>>) dst(%dma_wait3A_1442 : memref<8x128xf32, #tpu.memory_space<vmem>>)
      %dma_wait3A_1446 = arith.constant 0 : i32
      %dma_wait3A_1447 = arith.constant 0 : i32
      %dma_wait3A_1448 = tpu.memref_slice %arg9[%dma_wait3A_1446, %dma_wait3A_1447] : memref<16x2048xf32, #tpu.memory_space<vmem>> -> memref<8x128xf32, #tpu.memory_space<vmem>>
      %dma_wait3A_1449 = arith.constant 0 : i32
      %dma_wait3A_1450 = arith.constant 0 : i32
      %dma_wait3A_1451 = tpu.memref_slice %arg4[%dma_wait3A_1449, %dma_wait3A_1450] : memref<16x1000000xf32, #tpu.memory_space<hbm>> -> memref<8x128xf32, #tpu.memory_space<hbm>>
      %dma_wait3A_1452 = arith.constant 0 : i32
      %dma_wait3A_1453 = arith.constant 0 : i32
      %dma_wait3A_1454 = tpu.memref_slice %arg9[%dma_wait3A_1452, %dma_wait3A_1453] : memref<16x2048xf32, #tpu.memory_space<vmem>> -> memref<8x128xf32, #tpu.memory_space<vmem>>
      %dma_wait3A_1455 = arith.constant 0 : i32
      %dma_wait3A_1456 = arith.constant 0 : i32
      %dma_wait3A_1457 = tpu.memref_slice %arg4[%dma_wait3A_1455, %dma_wait3A_1456] : memref<16x1000000xf32, #tpu.memory_space<hbm>> -> memref<8x128xf32, #tpu.memory_space<hbm>>
      tpu.wait_dma2 semaphore(%arg14 : memref<!tpu.dma_semaphore, #tpu.memory_space<semaphore_mem>>) src(%dma_wait3A_1457 : memref<8x128xf32, #tpu.memory_space<hbm>>) dst(%dma_wait3A_1454 : memref<8x128xf32, #tpu.memory_space<vmem>>)
      %dma_wait3A_1458 = arith.constant 0 : i32
      %dma_wait3A_1459 = arith.constant 0 : i32
      %dma_wait3A_1460 = tpu.memref_slice %arg10[%dma_wait3A_1458, %dma_wait3A_1459] : memref<16x2048xf32, #tpu.memory_space<vmem>> -> memref<8x128xf32, #tpu.memory_space<vmem>>
      %dma_wait3A_1461 = arith.constant 0 : i32
      %dma_wait3A_1462 = arith.constant 0 : i32
      %dma_wait3A_1463 = tpu.memref_slice %arg5[%dma_wait3A_1461, %dma_wait3A_1462] : memref<16x1000000xf32, #tpu.memory_space<hbm>> -> memref<8x128xf32, #tpu.memory_space<hbm>>
      %dma_wait3A_1464 = arith.constant 0 : i32
      %dma_wait3A_1465 = arith.constant 0 : i32
      %dma_wait3A_1466 = tpu.memref_slice %arg10[%dma_wait3A_1464, %dma_wait3A_1465] : memref<16x2048xf32, #tpu.memory_space<vmem>> -> memref<8x128xf32, #tpu.memory_space<vmem>>
      %dma_wait3A_1467 = arith.constant 0 : i32
      %dma_wait3A_1468 = arith.constant 0 : i32
      %dma_wait3A_1469 = tpu.memref_slice %arg5[%dma_wait3A_1467, %dma_wait3A_1468] : memref<16x1000000xf32, #tpu.memory_space<hbm>> -> memref<8x128xf32, #tpu.memory_space<hbm>>
      tpu.wait_dma2 semaphore(%arg16 : memref<!tpu.dma_semaphore, #tpu.memory_space<semaphore_mem>>) src(%dma_wait3A_1469 : memref<8x128xf32, #tpu.memory_space<hbm>>) dst(%dma_wait3A_1466 : memref<8x128xf32, #tpu.memory_space<vmem>>)
      %dma_wait3A_1470 = arith.constant 0 : i32
      %dma_wait3A_1471 = arith.constant 0 : i32
      %dma_wait3A_1472 = tpu.memref_slice %arg9[%dma_wait3A_1470, %dma_wait3A_1471] : memref<16x2048xf32, #tpu.memory_space<vmem>> -> memref<8x128xf32, #tpu.memory_space<vmem>>
      %dma_wait3A_1473 = arith.constant 0 : i32
      %dma_wait3A_1474 = arith.constant 0 : i32
      %dma_wait3A_1475 = tpu.memref_slice %arg4[%dma_wait3A_1473, %dma_wait3A_1474] : memref<16x1000000xf32, #tpu.memory_space<hbm>> -> memref<8x128xf32, #tpu.memory_space<hbm>>
      %dma_wait3A_1476 = arith.constant 0 : i32
      %dma_wait3A_1477 = arith.constant 0 : i32
      %dma_wait3A_1478 = tpu.memref_slice %arg9[%dma_wait3A_1476, %dma_wait3A_1477] : memref<16x2048xf32, #tpu.memory_space<vmem>> -> memref<8x128xf32, #tpu.memory_space<vmem>>
      %dma_wait3A_1479 = arith.constant 0 : i32
      %dma_wait3A_1480 = arith.constant 0 : i32
      %dma_wait3A_1481 = tpu.memref_slice %arg4[%dma_wait3A_1479, %dma_wait3A_1480] : memref<16x1000000xf32, #tpu.memory_space<hbm>> -> memref<8x128xf32, #tpu.memory_space<hbm>>
      tpu.wait_dma2 semaphore(%arg14 : memref<!tpu.dma_semaphore, #tpu.memory_space<semaphore_mem>>) src(%dma_wait3A_1481 : memref<8x128xf32, #tpu.memory_space<hbm>>) dst(%dma_wait3A_1478 : memref<8x128xf32, #tpu.memory_space<vmem>>)
      %dma_wait3A_1482 = arith.constant 0 : i32
      %dma_wait3A_1483 = arith.constant 0 : i32
      %dma_wait3A_1484 = tpu.memref_slice %arg10[%dma_wait3A_1482, %dma_wait3A_1483] : memref<16x2048xf32, #tpu.memory_space<vmem>> -> memref<8x128xf32, #tpu.memory_space<vmem>>
      %dma_wait3A_1485 = arith.constant 0 : i32
      %dma_wait3A_1486 = arith.constant 0 : i32
      %dma_wait3A_1487 = tpu.memref_slice %arg5[%dma_wait3A_1485, %dma_wait3A_1486] : memref<16x1000000xf32, #tpu.memory_space<hbm>> -> memref<8x128xf32, #tpu.memory_space<hbm>>
      %dma_wait3A_1488 = arith.constant 0 : i32
      %dma_wait3A_1489 = arith.constant 0 : i32
      %dma_wait3A_1490 = tpu.memref_slice %arg10[%dma_wait3A_1488, %dma_wait3A_1489] : memref<16x2048xf32, #tpu.memory_space<vmem>> -> memref<8x128xf32, #tpu.memory_space<vmem>>
      %dma_wait3A_1491 = arith.constant 0 : i32
      %dma_wait3A_1492 = arith.constant 0 : i32
      %dma_wait3A_1493 = tpu.memref_slice %arg5[%dma_wait3A_1491, %dma_wait3A_1492] : memref<16x1000000xf32, #tpu.memory_space<hbm>> -> memref<8x128xf32, #tpu.memory_space<hbm>>
      tpu.wait_dma2 semaphore(%arg16 : memref<!tpu.dma_semaphore, #tpu.memory_space<semaphore_mem>>) src(%dma_wait3A_1493 : memref<8x128xf32, #tpu.memory_space<hbm>>) dst(%dma_wait3A_1490 : memref<8x128xf32, #tpu.memory_space<vmem>>)
      %dma_wait3A_1494 = arith.constant 0 : i32
      %dma_wait3A_1495 = arith.constant 0 : i32
      %dma_wait3A_1496 = tpu.memref_slice %arg9[%dma_wait3A_1494, %dma_wait3A_1495] : memref<16x2048xf32, #tpu.memory_space<vmem>> -> memref<8x128xf32, #tpu.memory_space<vmem>>
      %dma_wait3A_1497 = arith.constant 0 : i32
      %dma_wait3A_1498 = arith.constant 0 : i32
      %dma_wait3A_1499 = tpu.memref_slice %arg4[%dma_wait3A_1497, %dma_wait3A_1498] : memref<16x1000000xf32, #tpu.memory_space<hbm>> -> memref<8x128xf32, #tpu.memory_space<hbm>>
      %dma_wait3A_1500 = arith.constant 0 : i32
      %dma_wait3A_1501 = arith.constant 0 : i32
      %dma_wait3A_1502 = tpu.memref_slice %arg9[%dma_wait3A_1500, %dma_wait3A_1501] : memref<16x2048xf32, #tpu.memory_space<vmem>> -> memref<8x128xf32, #tpu.memory_space<vmem>>
      %dma_wait3A_1503 = arith.constant 0 : i32
      %dma_wait3A_1504 = arith.constant 0 : i32
      %dma_wait3A_1505 = tpu.memref_slice %arg4[%dma_wait3A_1503, %dma_wait3A_1504] : memref<16x1000000xf32, #tpu.memory_space<hbm>> -> memref<8x128xf32, #tpu.memory_space<hbm>>
      tpu.wait_dma2 semaphore(%arg14 : memref<!tpu.dma_semaphore, #tpu.memory_space<semaphore_mem>>) src(%dma_wait3A_1505 : memref<8x128xf32, #tpu.memory_space<hbm>>) dst(%dma_wait3A_1502 : memref<8x128xf32, #tpu.memory_space<vmem>>)
      %dma_wait3A_1506 = arith.constant 0 : i32
      %dma_wait3A_1507 = arith.constant 0 : i32
      %dma_wait3A_1508 = tpu.memref_slice %arg10[%dma_wait3A_1506, %dma_wait3A_1507] : memref<16x2048xf32, #tpu.memory_space<vmem>> -> memref<8x128xf32, #tpu.memory_space<vmem>>
      %dma_wait3A_1509 = arith.constant 0 : i32
      %dma_wait3A_1510 = arith.constant 0 : i32
      %dma_wait3A_1511 = tpu.memref_slice %arg5[%dma_wait3A_1509, %dma_wait3A_1510] : memref<16x1000000xf32, #tpu.memory_space<hbm>> -> memref<8x128xf32, #tpu.memory_space<hbm>>
      %dma_wait3A_1512 = arith.constant 0 : i32
      %dma_wait3A_1513 = arith.constant 0 : i32
      %dma_wait3A_1514 = tpu.memref_slice %arg10[%dma_wait3A_1512, %dma_wait3A_1513] : memref<16x2048xf32, #tpu.memory_space<vmem>> -> memref<8x128xf32, #tpu.memory_space<vmem>>
      %dma_wait3A_1515 = arith.constant 0 : i32
      %dma_wait3A_1516 = arith.constant 0 : i32
      %dma_wait3A_1517 = tpu.memref_slice %arg5[%dma_wait3A_1515, %dma_wait3A_1516] : memref<16x1000000xf32, #tpu.memory_space<hbm>> -> memref<8x128xf32, #tpu.memory_space<hbm>>
      tpu.wait_dma2 semaphore(%arg16 : memref<!tpu.dma_semaphore, #tpu.memory_space<semaphore_mem>>) src(%dma_wait3A_1517 : memref<8x128xf32, #tpu.memory_space<hbm>>) dst(%dma_wait3A_1514 : memref<8x128xf32, #tpu.memory_space<vmem>>)
      %dma_wait3A_1518 = arith.constant 0 : i32
      %dma_wait3A_1519 = arith.constant 0 : i32
      %dma_wait3A_1520 = tpu.memref_slice %arg9[%dma_wait3A_1518, %dma_wait3A_1519] : memref<16x2048xf32, #tpu.memory_space<vmem>> -> memref<8x128xf32, #tpu.memory_space<vmem>>
      %dma_wait3A_1521 = arith.constant 0 : i32
      %dma_wait3A_1522 = arith.constant 0 : i32
      %dma_wait3A_1523 = tpu.memref_slice %arg4[%dma_wait3A_1521, %dma_wait3A_1522] : memref<16x1000000xf32, #tpu.memory_space<hbm>> -> memref<8x128xf32, #tpu.memory_space<hbm>>
      %dma_wait3A_1524 = arith.constant 0 : i32
      %dma_wait3A_1525 = arith.constant 0 : i32
      %dma_wait3A_1526 = tpu.memref_slice %arg9[%dma_wait3A_1524, %dma_wait3A_1525] : memref<16x2048xf32, #tpu.memory_space<vmem>> -> memref<8x128xf32, #tpu.memory_space<vmem>>
      %dma_wait3A_1527 = arith.constant 0 : i32
      %dma_wait3A_1528 = arith.constant 0 : i32
      %dma_wait3A_1529 = tpu.memref_slice %arg4[%dma_wait3A_1527, %dma_wait3A_1528] : memref<16x1000000xf32, #tpu.memory_space<hbm>> -> memref<8x128xf32, #tpu.memory_space<hbm>>
      tpu.wait_dma2 semaphore(%arg14 : memref<!tpu.dma_semaphore, #tpu.memory_space<semaphore_mem>>) src(%dma_wait3A_1529 : memref<8x128xf32, #tpu.memory_space<hbm>>) dst(%dma_wait3A_1526 : memref<8x128xf32, #tpu.memory_space<vmem>>)
      %dma_wait3A_1530 = arith.constant 0 : i32
      %dma_wait3A_1531 = arith.constant 0 : i32
      %dma_wait3A_1532 = tpu.memref_slice %arg10[%dma_wait3A_1530, %dma_wait3A_1531] : memref<16x2048xf32, #tpu.memory_space<vmem>> -> memref<8x128xf32, #tpu.memory_space<vmem>>
      %dma_wait3A_1533 = arith.constant 0 : i32
      %dma_wait3A_1534 = arith.constant 0 : i32
      %dma_wait3A_1535 = tpu.memref_slice %arg5[%dma_wait3A_1533, %dma_wait3A_1534] : memref<16x1000000xf32, #tpu.memory_space<hbm>> -> memref<8x128xf32, #tpu.memory_space<hbm>>
      %dma_wait3A_1536 = arith.constant 0 : i32
      %dma_wait3A_1537 = arith.constant 0 : i32
      %dma_wait3A_1538 = tpu.memref_slice %arg10[%dma_wait3A_1536, %dma_wait3A_1537] : memref<16x2048xf32, #tpu.memory_space<vmem>> -> memref<8x128xf32, #tpu.memory_space<vmem>>
      %dma_wait3A_1539 = arith.constant 0 : i32
      %dma_wait3A_1540 = arith.constant 0 : i32
      %dma_wait3A_1541 = tpu.memref_slice %arg5[%dma_wait3A_1539, %dma_wait3A_1540] : memref<16x1000000xf32, #tpu.memory_space<hbm>> -> memref<8x128xf32, #tpu.memory_space<hbm>>
      tpu.wait_dma2 semaphore(%arg16 : memref<!tpu.dma_semaphore, #tpu.memory_space<semaphore_mem>>) src(%dma_wait3A_1541 : memref<8x128xf32, #tpu.memory_space<hbm>>) dst(%dma_wait3A_1538 : memref<8x128xf32, #tpu.memory_space<vmem>>)
      %dma_wait3A_1542 = arith.constant 0 : i32
      %dma_wait3A_1543 = arith.constant 0 : i32
      %dma_wait3A_1544 = tpu.memref_slice %arg9[%dma_wait3A_1542, %dma_wait3A_1543] : memref<16x2048xf32, #tpu.memory_space<vmem>> -> memref<8x128xf32, #tpu.memory_space<vmem>>
      %dma_wait3A_1545 = arith.constant 0 : i32
      %dma_wait3A_1546 = arith.constant 0 : i32
      %dma_wait3A_1547 = tpu.memref_slice %arg4[%dma_wait3A_1545, %dma_wait3A_1546] : memref<16x1000000xf32, #tpu.memory_space<hbm>> -> memref<8x128xf32, #tpu.memory_space<hbm>>
      %dma_wait3A_1548 = arith.constant 0 : i32
      %dma_wait3A_1549 = arith.constant 0 : i32
      %dma_wait3A_1550 = tpu.memref_slice %arg9[%dma_wait3A_1548, %dma_wait3A_1549] : memref<16x2048xf32, #tpu.memory_space<vmem>> -> memref<8x128xf32, #tpu.memory_space<vmem>>
      %dma_wait3A_1551 = arith.constant 0 : i32
      %dma_wait3A_1552 = arith.constant 0 : i32
      %dma_wait3A_1553 = tpu.memref_slice %arg4[%dma_wait3A_1551, %dma_wait3A_1552] : memref<16x1000000xf32, #tpu.memory_space<hbm>> -> memref<8x128xf32, #tpu.memory_space<hbm>>
      tpu.wait_dma2 semaphore(%arg14 : memref<!tpu.dma_semaphore, #tpu.memory_space<semaphore_mem>>) src(%dma_wait3A_1553 : memref<8x128xf32, #tpu.memory_space<hbm>>) dst(%dma_wait3A_1550 : memref<8x128xf32, #tpu.memory_space<vmem>>)
      %dma_wait3A_1554 = arith.constant 0 : i32
      %dma_wait3A_1555 = arith.constant 0 : i32
      %dma_wait3A_1556 = tpu.memref_slice %arg10[%dma_wait3A_1554, %dma_wait3A_1555] : memref<16x2048xf32, #tpu.memory_space<vmem>> -> memref<8x128xf32, #tpu.memory_space<vmem>>
      %dma_wait3A_1557 = arith.constant 0 : i32
      %dma_wait3A_1558 = arith.constant 0 : i32
      %dma_wait3A_1559 = tpu.memref_slice %arg5[%dma_wait3A_1557, %dma_wait3A_1558] : memref<16x1000000xf32, #tpu.memory_space<hbm>> -> memref<8x128xf32, #tpu.memory_space<hbm>>
      %dma_wait3A_1560 = arith.constant 0 : i32
      %dma_wait3A_1561 = arith.constant 0 : i32
      %dma_wait3A_1562 = tpu.memref_slice %arg10[%dma_wait3A_1560, %dma_wait3A_1561] : memref<16x2048xf32, #tpu.memory_space<vmem>> -> memref<8x128xf32, #tpu.memory_space<vmem>>
      %dma_wait3A_1563 = arith.constant 0 : i32
      %dma_wait3A_1564 = arith.constant 0 : i32
      %dma_wait3A_1565 = tpu.memref_slice %arg5[%dma_wait3A_1563, %dma_wait3A_1564] : memref<16x1000000xf32, #tpu.memory_space<hbm>> -> memref<8x128xf32, #tpu.memory_space<hbm>>
      tpu.wait_dma2 semaphore(%arg16 : memref<!tpu.dma_semaphore, #tpu.memory_space<semaphore_mem>>) src(%dma_wait3A_1565 : memref<8x128xf32, #tpu.memory_space<hbm>>) dst(%dma_wait3A_1562 : memref<8x128xf32, #tpu.memory_space<vmem>>)
      %dma_wait3A_1566 = arith.constant 0 : i32
      %dma_wait3A_1567 = arith.constant 0 : i32
      %dma_wait3A_1568 = tpu.memref_slice %arg9[%dma_wait3A_1566, %dma_wait3A_1567] : memref<16x2048xf32, #tpu.memory_space<vmem>> -> memref<8x128xf32, #tpu.memory_space<vmem>>
      %dma_wait3A_1569 = arith.constant 0 : i32
      %dma_wait3A_1570 = arith.constant 0 : i32
      %dma_wait3A_1571 = tpu.memref_slice %arg4[%dma_wait3A_1569, %dma_wait3A_1570] : memref<16x1000000xf32, #tpu.memory_space<hbm>> -> memref<8x128xf32, #tpu.memory_space<hbm>>
      %dma_wait3A_1572 = arith.constant 0 : i32
      %dma_wait3A_1573 = arith.constant 0 : i32
      %dma_wait3A_1574 = tpu.memref_slice %arg9[%dma_wait3A_1572, %dma_wait3A_1573] : memref<16x2048xf32, #tpu.memory_space<vmem>> -> memref<8x128xf32, #tpu.memory_space<vmem>>
      %dma_wait3A_1575 = arith.constant 0 : i32
      %dma_wait3A_1576 = arith.constant 0 : i32
      %dma_wait3A_1577 = tpu.memref_slice %arg4[%dma_wait3A_1575, %dma_wait3A_1576] : memref<16x1000000xf32, #tpu.memory_space<hbm>> -> memref<8x128xf32, #tpu.memory_space<hbm>>
      tpu.wait_dma2 semaphore(%arg14 : memref<!tpu.dma_semaphore, #tpu.memory_space<semaphore_mem>>) src(%dma_wait3A_1577 : memref<8x128xf32, #tpu.memory_space<hbm>>) dst(%dma_wait3A_1574 : memref<8x128xf32, #tpu.memory_space<vmem>>)
      %dma_wait3A_1578 = arith.constant 0 : i32
      %dma_wait3A_1579 = arith.constant 0 : i32
      %dma_wait3A_1580 = tpu.memref_slice %arg10[%dma_wait3A_1578, %dma_wait3A_1579] : memref<16x2048xf32, #tpu.memory_space<vmem>> -> memref<8x128xf32, #tpu.memory_space<vmem>>
      %dma_wait3A_1581 = arith.constant 0 : i32
      %dma_wait3A_1582 = arith.constant 0 : i32
      %dma_wait3A_1583 = tpu.memref_slice %arg5[%dma_wait3A_1581, %dma_wait3A_1582] : memref<16x1000000xf32, #tpu.memory_space<hbm>> -> memref<8x128xf32, #tpu.memory_space<hbm>>
      %dma_wait3A_1584 = arith.constant 0 : i32
      %dma_wait3A_1585 = arith.constant 0 : i32
      %dma_wait3A_1586 = tpu.memref_slice %arg10[%dma_wait3A_1584, %dma_wait3A_1585] : memref<16x2048xf32, #tpu.memory_space<vmem>> -> memref<8x128xf32, #tpu.memory_space<vmem>>
      %dma_wait3A_1587 = arith.constant 0 : i32
      %dma_wait3A_1588 = arith.constant 0 : i32
      %dma_wait3A_1589 = tpu.memref_slice %arg5[%dma_wait3A_1587, %dma_wait3A_1588] : memref<16x1000000xf32, #tpu.memory_space<hbm>> -> memref<8x128xf32, #tpu.memory_space<hbm>>
      tpu.wait_dma2 semaphore(%arg16 : memref<!tpu.dma_semaphore, #tpu.memory_space<semaphore_mem>>) src(%dma_wait3A_1589 : memref<8x128xf32, #tpu.memory_space<hbm>>) dst(%dma_wait3A_1586 : memref<8x128xf32, #tpu.memory_space<vmem>>)
      %dma_wait3A_1590 = arith.constant 0 : i32
      %dma_wait3A_1591 = arith.constant 0 : i32
      %dma_wait3A_1592 = tpu.memref_slice %arg9[%dma_wait3A_1590, %dma_wait3A_1591] : memref<16x2048xf32, #tpu.memory_space<vmem>> -> memref<8x128xf32, #tpu.memory_space<vmem>>
      %dma_wait3A_1593 = arith.constant 0 : i32
      %dma_wait3A_1594 = arith.constant 0 : i32
      %dma_wait3A_1595 = tpu.memref_slice %arg4[%dma_wait3A_1593, %dma_wait3A_1594] : memref<16x1000000xf32, #tpu.memory_space<hbm>> -> memref<8x128xf32, #tpu.memory_space<hbm>>
      %dma_wait3A_1596 = arith.constant 0 : i32
      %dma_wait3A_1597 = arith.constant 0 : i32
      %dma_wait3A_1598 = tpu.memref_slice %arg9[%dma_wait3A_1596, %dma_wait3A_1597] : memref<16x2048xf32, #tpu.memory_space<vmem>> -> memref<8x128xf32, #tpu.memory_space<vmem>>
      %dma_wait3A_1599 = arith.constant 0 : i32
      %dma_wait3A_1600 = arith.constant 0 : i32
      %dma_wait3A_1601 = tpu.memref_slice %arg4[%dma_wait3A_1599, %dma_wait3A_1600] : memref<16x1000000xf32, #tpu.memory_space<hbm>> -> memref<8x128xf32, #tpu.memory_space<hbm>>
      tpu.wait_dma2 semaphore(%arg14 : memref<!tpu.dma_semaphore, #tpu.memory_space<semaphore_mem>>) src(%dma_wait3A_1601 : memref<8x128xf32, #tpu.memory_space<hbm>>) dst(%dma_wait3A_1598 : memref<8x128xf32, #tpu.memory_space<vmem>>)
      %dma_wait3A_1602 = arith.constant 0 : i32
      %dma_wait3A_1603 = arith.constant 0 : i32
      %dma_wait3A_1604 = tpu.memref_slice %arg10[%dma_wait3A_1602, %dma_wait3A_1603] : memref<16x2048xf32, #tpu.memory_space<vmem>> -> memref<8x128xf32, #tpu.memory_space<vmem>>
      %dma_wait3A_1605 = arith.constant 0 : i32
      %dma_wait3A_1606 = arith.constant 0 : i32
      %dma_wait3A_1607 = tpu.memref_slice %arg5[%dma_wait3A_1605, %dma_wait3A_1606] : memref<16x1000000xf32, #tpu.memory_space<hbm>> -> memref<8x128xf32, #tpu.memory_space<hbm>>
      %dma_wait3A_1608 = arith.constant 0 : i32
      %dma_wait3A_1609 = arith.constant 0 : i32
      %dma_wait3A_1610 = tpu.memref_slice %arg10[%dma_wait3A_1608, %dma_wait3A_1609] : memref<16x2048xf32, #tpu.memory_space<vmem>> -> memref<8x128xf32, #tpu.memory_space<vmem>>
      %dma_wait3A_1611 = arith.constant 0 : i32
      %dma_wait3A_1612 = arith.constant 0 : i32
      %dma_wait3A_1613 = tpu.memref_slice %arg5[%dma_wait3A_1611, %dma_wait3A_1612] : memref<16x1000000xf32, #tpu.memory_space<hbm>> -> memref<8x128xf32, #tpu.memory_space<hbm>>
      tpu.wait_dma2 semaphore(%arg16 : memref<!tpu.dma_semaphore, #tpu.memory_space<semaphore_mem>>) src(%dma_wait3A_1613 : memref<8x128xf32, #tpu.memory_space<hbm>>) dst(%dma_wait3A_1610 : memref<8x128xf32, #tpu.memory_space<vmem>>)
      %dma_wait3A_1614 = arith.constant 0 : i32
      %dma_wait3A_1615 = arith.constant 0 : i32
      %dma_wait3A_1616 = tpu.memref_slice %arg9[%dma_wait3A_1614, %dma_wait3A_1615] : memref<16x2048xf32, #tpu.memory_space<vmem>> -> memref<8x128xf32, #tpu.memory_space<vmem>>
      %dma_wait3A_1617 = arith.constant 0 : i32
      %dma_wait3A_1618 = arith.constant 0 : i32
      %dma_wait3A_1619 = tpu.memref_slice %arg4[%dma_wait3A_1617, %dma_wait3A_1618] : memref<16x1000000xf32, #tpu.memory_space<hbm>> -> memref<8x128xf32, #tpu.memory_space<hbm>>
      %dma_wait3A_1620 = arith.constant 0 : i32
      %dma_wait3A_1621 = arith.constant 0 : i32
      %dma_wait3A_1622 = tpu.memref_slice %arg9[%dma_wait3A_1620, %dma_wait3A_1621] : memref<16x2048xf32, #tpu.memory_space<vmem>> -> memref<8x128xf32, #tpu.memory_space<vmem>>
      %dma_wait3A_1623 = arith.constant 0 : i32
      %dma_wait3A_1624 = arith.constant 0 : i32
      %dma_wait3A_1625 = tpu.memref_slice %arg4[%dma_wait3A_1623, %dma_wait3A_1624] : memref<16x1000000xf32, #tpu.memory_space<hbm>> -> memref<8x128xf32, #tpu.memory_space<hbm>>
      tpu.wait_dma2 semaphore(%arg14 : memref<!tpu.dma_semaphore, #tpu.memory_space<semaphore_mem>>) src(%dma_wait3A_1625 : memref<8x128xf32, #tpu.memory_space<hbm>>) dst(%dma_wait3A_1622 : memref<8x128xf32, #tpu.memory_space<vmem>>)
      %dma_wait3A_1626 = arith.constant 0 : i32
      %dma_wait3A_1627 = arith.constant 0 : i32
      %dma_wait3A_1628 = tpu.memref_slice %arg10[%dma_wait3A_1626, %dma_wait3A_1627] : memref<16x2048xf32, #tpu.memory_space<vmem>> -> memref<8x128xf32, #tpu.memory_space<vmem>>
      %dma_wait3A_1629 = arith.constant 0 : i32
      %dma_wait3A_1630 = arith.constant 0 : i32
      %dma_wait3A_1631 = tpu.memref_slice %arg5[%dma_wait3A_1629, %dma_wait3A_1630] : memref<16x1000000xf32, #tpu.memory_space<hbm>> -> memref<8x128xf32, #tpu.memory_space<hbm>>
      %dma_wait3A_1632 = arith.constant 0 : i32
      %dma_wait3A_1633 = arith.constant 0 : i32
      %dma_wait3A_1634 = tpu.memref_slice %arg10[%dma_wait3A_1632, %dma_wait3A_1633] : memref<16x2048xf32, #tpu.memory_space<vmem>> -> memref<8x128xf32, #tpu.memory_space<vmem>>
      %dma_wait3A_1635 = arith.constant 0 : i32
      %dma_wait3A_1636 = arith.constant 0 : i32
      %dma_wait3A_1637 = tpu.memref_slice %arg5[%dma_wait3A_1635, %dma_wait3A_1636] : memref<16x1000000xf32, #tpu.memory_space<hbm>> -> memref<8x128xf32, #tpu.memory_space<hbm>>
      tpu.wait_dma2 semaphore(%arg16 : memref<!tpu.dma_semaphore, #tpu.memory_space<semaphore_mem>>) src(%dma_wait3A_1637 : memref<8x128xf32, #tpu.memory_space<hbm>>) dst(%dma_wait3A_1634 : memref<8x128xf32, #tpu.memory_space<vmem>>)
      %dma_wait3A_1638 = arith.constant 0 : i32
      %dma_wait3A_1639 = arith.constant 0 : i32
      %dma_wait3A_1640 = tpu.memref_slice %arg9[%dma_wait3A_1638, %dma_wait3A_1639] : memref<16x2048xf32, #tpu.memory_space<vmem>> -> memref<8x128xf32, #tpu.memory_space<vmem>>
      %dma_wait3A_1641 = arith.constant 0 : i32
      %dma_wait3A_1642 = arith.constant 0 : i32
      %dma_wait3A_1643 = tpu.memref_slice %arg4[%dma_wait3A_1641, %dma_wait3A_1642] : memref<16x1000000xf32, #tpu.memory_space<hbm>> -> memref<8x128xf32, #tpu.memory_space<hbm>>
      %dma_wait3A_1644 = arith.constant 0 : i32
      %dma_wait3A_1645 = arith.constant 0 : i32
      %dma_wait3A_1646 = tpu.memref_slice %arg9[%dma_wait3A_1644, %dma_wait3A_1645] : memref<16x2048xf32, #tpu.memory_space<vmem>> -> memref<8x128xf32, #tpu.memory_space<vmem>>
      %dma_wait3A_1647 = arith.constant 0 : i32
      %dma_wait3A_1648 = arith.constant 0 : i32
      %dma_wait3A_1649 = tpu.memref_slice %arg4[%dma_wait3A_1647, %dma_wait3A_1648] : memref<16x1000000xf32, #tpu.memory_space<hbm>> -> memref<8x128xf32, #tpu.memory_space<hbm>>
      tpu.wait_dma2 semaphore(%arg14 : memref<!tpu.dma_semaphore, #tpu.memory_space<semaphore_mem>>) src(%dma_wait3A_1649 : memref<8x128xf32, #tpu.memory_space<hbm>>) dst(%dma_wait3A_1646 : memref<8x128xf32, #tpu.memory_space<vmem>>)
      %dma_wait3A_1650 = arith.constant 0 : i32
      %dma_wait3A_1651 = arith.constant 0 : i32
      %dma_wait3A_1652 = tpu.memref_slice %arg10[%dma_wait3A_1650, %dma_wait3A_1651] : memref<16x2048xf32, #tpu.memory_space<vmem>> -> memref<8x128xf32, #tpu.memory_space<vmem>>
      %dma_wait3A_1653 = arith.constant 0 : i32
      %dma_wait3A_1654 = arith.constant 0 : i32
      %dma_wait3A_1655 = tpu.memref_slice %arg5[%dma_wait3A_1653, %dma_wait3A_1654] : memref<16x1000000xf32, #tpu.memory_space<hbm>> -> memref<8x128xf32, #tpu.memory_space<hbm>>
      %dma_wait3A_1656 = arith.constant 0 : i32
      %dma_wait3A_1657 = arith.constant 0 : i32
      %dma_wait3A_1658 = tpu.memref_slice %arg10[%dma_wait3A_1656, %dma_wait3A_1657] : memref<16x2048xf32, #tpu.memory_space<vmem>> -> memref<8x128xf32, #tpu.memory_space<vmem>>
      %dma_wait3A_1659 = arith.constant 0 : i32
      %dma_wait3A_1660 = arith.constant 0 : i32
      %dma_wait3A_1661 = tpu.memref_slice %arg5[%dma_wait3A_1659, %dma_wait3A_1660] : memref<16x1000000xf32, #tpu.memory_space<hbm>> -> memref<8x128xf32, #tpu.memory_space<hbm>>
      tpu.wait_dma2 semaphore(%arg16 : memref<!tpu.dma_semaphore, #tpu.memory_space<semaphore_mem>>) src(%dma_wait3A_1661 : memref<8x128xf32, #tpu.memory_space<hbm>>) dst(%dma_wait3A_1658 : memref<8x128xf32, #tpu.memory_space<vmem>>)
      %dma_wait3A_1662 = arith.constant 0 : i32
      %dma_wait3A_1663 = arith.constant 0 : i32
      %dma_wait3A_1664 = tpu.memref_slice %arg9[%dma_wait3A_1662, %dma_wait3A_1663] : memref<16x2048xf32, #tpu.memory_space<vmem>> -> memref<8x128xf32, #tpu.memory_space<vmem>>
      %dma_wait3A_1665 = arith.constant 0 : i32
      %dma_wait3A_1666 = arith.constant 0 : i32
      %dma_wait3A_1667 = tpu.memref_slice %arg4[%dma_wait3A_1665, %dma_wait3A_1666] : memref<16x1000000xf32, #tpu.memory_space<hbm>> -> memref<8x128xf32, #tpu.memory_space<hbm>>
      %dma_wait3A_1668 = arith.constant 0 : i32
      %dma_wait3A_1669 = arith.constant 0 : i32
      %dma_wait3A_1670 = tpu.memref_slice %arg9[%dma_wait3A_1668, %dma_wait3A_1669] : memref<16x2048xf32, #tpu.memory_space<vmem>> -> memref<8x128xf32, #tpu.memory_space<vmem>>
      %dma_wait3A_1671 = arith.constant 0 : i32
      %dma_wait3A_1672 = arith.constant 0 : i32
      %dma_wait3A_1673 = tpu.memref_slice %arg4[%dma_wait3A_1671, %dma_wait3A_1672] : memref<16x1000000xf32, #tpu.memory_space<hbm>> -> memref<8x128xf32, #tpu.memory_space<hbm>>
      tpu.wait_dma2 semaphore(%arg14 : memref<!tpu.dma_semaphore, #tpu.memory_space<semaphore_mem>>) src(%dma_wait3A_1673 : memref<8x128xf32, #tpu.memory_space<hbm>>) dst(%dma_wait3A_1670 : memref<8x128xf32, #tpu.memory_space<vmem>>)
      %dma_wait3A_1674 = arith.constant 0 : i32
      %dma_wait3A_1675 = arith.constant 0 : i32
      %dma_wait3A_1676 = tpu.memref_slice %arg10[%dma_wait3A_1674, %dma_wait3A_1675] : memref<16x2048xf32, #tpu.memory_space<vmem>> -> memref<8x128xf32, #tpu.memory_space<vmem>>
      %dma_wait3A_1677 = arith.constant 0 : i32
      %dma_wait3A_1678 = arith.constant 0 : i32
      %dma_wait3A_1679 = tpu.memref_slice %arg5[%dma_wait3A_1677, %dma_wait3A_1678] : memref<16x1000000xf32, #tpu.memory_space<hbm>> -> memref<8x128xf32, #tpu.memory_space<hbm>>
      %dma_wait3A_1680 = arith.constant 0 : i32
      %dma_wait3A_1681 = arith.constant 0 : i32
      %dma_wait3A_1682 = tpu.memref_slice %arg10[%dma_wait3A_1680, %dma_wait3A_1681] : memref<16x2048xf32, #tpu.memory_space<vmem>> -> memref<8x128xf32, #tpu.memory_space<vmem>>
      %dma_wait3A_1683 = arith.constant 0 : i32
      %dma_wait3A_1684 = arith.constant 0 : i32
      %dma_wait3A_1685 = tpu.memref_slice %arg5[%dma_wait3A_1683, %dma_wait3A_1684] : memref<16x1000000xf32, #tpu.memory_space<hbm>> -> memref<8x128xf32, #tpu.memory_space<hbm>>
      tpu.wait_dma2 semaphore(%arg16 : memref<!tpu.dma_semaphore, #tpu.memory_space<semaphore_mem>>) src(%dma_wait3A_1685 : memref<8x128xf32, #tpu.memory_space<hbm>>) dst(%dma_wait3A_1682 : memref<8x128xf32, #tpu.memory_space<vmem>>)
      %mul3A_1686 = arith.constant 16 : i32
      %mul3A_1687 = arith.muli %scan3A_653, %mul3A_1686 : i32
      %add3A_1688 = arith.constant 0 : i32
      %add3A_1689 = arith.addi %mul3A_1687, %add3A_1688 : i32
      %mul3A_1690 = arith.constant 16 : i32
      %mul3A_1691 = arith.muli %add3A_1689, %mul3A_1690 : i32
      %multiple_of3A_1692 = tpu.assume_multiple %mul3A_1691, 16 : i32
      %slice3A_1693 = vector.extract_strided_slice %get3A_660 {offsets = [0], sizes = [1], strides = [1]} : vector<16xi32> to vector<1xi32>
      %squeeze3A_1694 = vector.extract %slice3A_1693[0] : i32 from vector<1xi32>
      %jit3A_1695 = arith.constant 128 : i32
      %eq3A = arith.constant 0 : i32
      %eq3A_1696 = arith.cmpi eq, %jit3A_1695, %eq3A : i32
      %jit3A_1697 = arith.constant 1 : i32
      %select_n3A_1698 = arith.select %eq3A_1696, %jit3A_1697, %jit3A_1695 : i32
      %rem3A_1699 = arith.remsi %squeeze3A_1694, %select_n3A_1698 : i32
      %ne3A_1700 = arith.constant 0 : i32
      %ne3A_1701 = arith.cmpi ne, %rem3A_1699, %ne3A_1700 : i32
      %lt3A = arith.constant 0 : i32
      %lt3A_1702 = arith.cmpi slt, %rem3A_1699, %lt3A : i32
      %lt3A_1703 = arith.constant 0 : i32
      %lt3A_1704 = arith.cmpi slt, %select_n3A_1698, %lt3A_1703 : i32
      %ne3A_1705 = arith.xori %lt3A_1702, %lt3A_1704 : i1
      %and3A_1706 = arith.andi %ne3A_1705, %ne3A_1701 : i1
      %add3A_1707 = arith.addi %rem3A_1699, %select_n3A_1698 : i32
      %select_n3A_1708 = arith.select %and3A_1706, %add3A_1707, %rem3A_1699 : i32
      %iota3A_1709 = tpu.iota {dimensions = array<i32: 0>} : vector<16xi32>
      %broadcast_in_dim3A = arith.constant 0 : i32
      %broadcast_in_dim3A_1710 = vector.broadcast %broadcast_in_dim3A : i32 to vector<16xi32>
      %add3A_1711 = vector.broadcast %select_n3A_1708 : i32 to vector<16xi32>
      %add3A_1712 = arith.addi %broadcast_in_dim3A_1710, %add3A_1711 : vector<16xi32>
      %slice3A_1713 = vector.extract_strided_slice %get3A_662 {offsets = [0], sizes = [1], strides = [1]} : vector<16xi32> to vector<1xi32>
      %squeeze3A_1714 = vector.extract %slice3A_1713[0] : i32 from vector<1xi32>
      %jit3A_1715 = arith.constant 128 : i32
      %eq3A_1716 = arith.constant 0 : i32
      %eq3A_1717 = arith.cmpi eq, %jit3A_1715, %eq3A_1716 : i32
      %jit3A_1718 = arith.constant 1 : i32
      %select_n3A_1719 = arith.select %eq3A_1717, %jit3A_1718, %jit3A_1715 : i32
      %rem3A_1720 = arith.remsi %squeeze3A_1714, %select_n3A_1719 : i32
      %ne3A_1721 = arith.constant 0 : i32
      %ne3A_1722 = arith.cmpi ne, %rem3A_1720, %ne3A_1721 : i32
      %lt3A_1723 = arith.constant 0 : i32
      %lt3A_1724 = arith.cmpi slt, %rem3A_1720, %lt3A_1723 : i32
      %lt3A_1725 = arith.constant 0 : i32
      %lt3A_1726 = arith.cmpi slt, %select_n3A_1719, %lt3A_1725 : i32
      %ne3A_1727 = arith.xori %lt3A_1724, %lt3A_1726 : i1
      %and3A_1728 = arith.andi %ne3A_1727, %ne3A_1722 : i1
      %add3A_1729 = arith.addi %rem3A_1720, %select_n3A_1719 : i32
      %select_n3A_1730 = arith.select %and3A_1728, %add3A_1729, %rem3A_1720 : i32
      %iota3A_1731 = tpu.iota {dimensions = array<i32: 0>} : vector<16xi32>
      %broadcast_in_dim3A_1732 = arith.constant 0 : i32
      %broadcast_in_dim3A_1733 = vector.broadcast %broadcast_in_dim3A_1732 : i32 to vector<16xi32>
      %add3A_1734 = vector.broadcast %select_n3A_1730 : i32 to vector<16xi32>
      %add3A_1735 = arith.addi %broadcast_in_dim3A_1733, %add3A_1734 : vector<16xi32>
      %gather3A = tpu.vector_load_idx %arg9[%iota3A_1709, %add3A_1712] : memref<16x2048xf32, #tpu.memory_space<vmem>>[vector<16xi32>, vector<16xi32>], vector<16xf32>,
      %swap3A = arith.index_cast %multiple_of3A_1692 : i32 to index
      %swap3A_1736 = tpu.vector_load %arg11[%swap3A] {strides = array<i32>} : memref<8192xf32, #tpu.memory_space<vmem>>, vector<16xf32>,
      tpu.vector_store %arg11[%swap3A], %gather3A {strides = array<i32>} : memref<8192xf32, #tpu.memory_space<vmem>>, vector<16xf32>,
      %gather3A_1737 = tpu.vector_load_idx %arg10[%iota3A_1731, %add3A_1735] : memref<16x2048xf32, #tpu.memory_space<vmem>>[vector<16xi32>, vector<16xi32>], vector<16xf32>,
      %swap3A_1738 = arith.index_cast %multiple_of3A_1692 : i32 to index
      %swap3A_1739 = tpu.vector_load %arg12[%swap3A_1738] {strides = array<i32>} : memref<8192xf32, #tpu.memory_space<vmem>>, vector<16xf32>,
      tpu.vector_store %arg12[%swap3A_1738], %gather3A_1737 {strides = array<i32>} : memref<8192xf32, #tpu.memory_space<vmem>>, vector<16xf32>,
      %mul3A_1740 = arith.constant 16 : i32
      %mul3A_1741 = arith.muli %scan3A_653, %mul3A_1740 : i32
      %add3A_1742 = arith.constant 1 : i32
      %add3A_1743 = arith.addi %mul3A_1741, %add3A_1742 : i32
      %mul3A_1744 = arith.constant 16 : i32
      %mul3A_1745 = arith.muli %add3A_1743, %mul3A_1744 : i32
      %multiple_of3A_1746 = tpu.assume_multiple %mul3A_1745, 16 : i32
      %slice3A_1747 = vector.extract_strided_slice %get3A_660 {offsets = [1], sizes = [1], strides = [1]} : vector<16xi32> to vector<1xi32>
      %squeeze3A_1748 = vector.extract %slice3A_1747[0] : i32 from vector<1xi32>
      %jit3A_1749 = arith.constant 128 : i32
      %eq3A_1750 = arith.constant 0 : i32
      %eq3A_1751 = arith.cmpi eq, %jit3A_1749, %eq3A_1750 : i32
      %jit3A_1752 = arith.constant 1 : i32
      %select_n3A_1753 = arith.select %eq3A_1751, %jit3A_1752, %jit3A_1749 : i32
      %rem3A_1754 = arith.remsi %squeeze3A_1748, %select_n3A_1753 : i32
      %ne3A_1755 = arith.constant 0 : i32
      %ne3A_1756 = arith.cmpi ne, %rem3A_1754, %ne3A_1755 : i32
      %lt3A_1757 = arith.constant 0 : i32
      %lt3A_1758 = arith.cmpi slt, %rem3A_1754, %lt3A_1757 : i32
      %lt3A_1759 = arith.constant 0 : i32
      %lt3A_1760 = arith.cmpi slt, %select_n3A_1753, %lt3A_1759 : i32
      %ne3A_1761 = arith.xori %lt3A_1758, %lt3A_1760 : i1
      %and3A_1762 = arith.andi %ne3A_1761, %ne3A_1756 : i1
      %add3A_1763 = arith.addi %rem3A_1754, %select_n3A_1753 : i32
      %select_n3A_1764 = arith.select %and3A_1762, %add3A_1763, %rem3A_1754 : i32
      %iota3A_1765 = tpu.iota {dimensions = array<i32: 0>} : vector<16xi32>
      %broadcast_in_dim3A_1766 = arith.constant 128 : i32
      %broadcast_in_dim3A_1767 = vector.broadcast %broadcast_in_dim3A_1766 : i32 to vector<16xi32>
      %add3A_1768 = vector.broadcast %select_n3A_1764 : i32 to vector<16xi32>
      %add3A_1769 = arith.addi %broadcast_in_dim3A_1767, %add3A_1768 : vector<16xi32>
      %slice3A_1770 = vector.extract_strided_slice %get3A_662 {offsets = [1], sizes = [1], strides = [1]} : vector<16xi32> to vector<1xi32>
      %squeeze3A_1771 = vector.extract %slice3A_1770[0] : i32 from vector<1xi32>
      %jit3A_1772 = arith.constant 128 : i32
      %eq3A_1773 = arith.constant 0 : i32
      %eq3A_1774 = arith.cmpi eq, %jit3A_1772, %eq3A_1773 : i32
      %jit3A_1775 = arith.constant 1 : i32
      %select_n3A_1776 = arith.select %eq3A_1774, %jit3A_1775, %jit3A_1772 : i32
      %rem3A_1777 = arith.remsi %squeeze3A_1771, %select_n3A_1776 : i32
      %ne3A_1778 = arith.constant 0 : i32
      %ne3A_1779 = arith.cmpi ne, %rem3A_1777, %ne3A_1778 : i32
      %lt3A_1780 = arith.constant 0 : i32
      %lt3A_1781 = arith.cmpi slt, %rem3A_1777, %lt3A_1780 : i32
      %lt3A_1782 = arith.constant 0 : i32
      %lt3A_1783 = arith.cmpi slt, %select_n3A_1776, %lt3A_1782 : i32
      %ne3A_1784 = arith.xori %lt3A_1781, %lt3A_1783 : i1
      %and3A_1785 = arith.andi %ne3A_1784, %ne3A_1779 : i1
      %add3A_1786 = arith.addi %rem3A_1777, %select_n3A_1776 : i32
      %select_n3A_1787 = arith.select %and3A_1785, %add3A_1786, %rem3A_1777 : i32
      %iota3A_1788 = tpu.iota {dimensions = array<i32: 0>} : vector<16xi32>
      %broadcast_in_dim3A_1789 = arith.constant 128 : i32
      %broadcast_in_dim3A_1790 = vector.broadcast %broadcast_in_dim3A_1789 : i32 to vector<16xi32>
      %add3A_1791 = vector.broadcast %select_n3A_1787 : i32 to vector<16xi32>
      %add3A_1792 = arith.addi %broadcast_in_dim3A_1790, %add3A_1791 : vector<16xi32>
      %gather3A_1793 = tpu.vector_load_idx %arg9[%iota3A_1765, %add3A_1769] : memref<16x2048xf32, #tpu.memory_space<vmem>>[vector<16xi32>, vector<16xi32>], vector<16xf32>,
      %swap3A_1794 = arith.index_cast %multiple_of3A_1746 : i32 to index
      %swap3A_1795 = tpu.vector_load %arg11[%swap3A_1794] {strides = array<i32>} : memref<8192xf32, #tpu.memory_space<vmem>>, vector<16xf32>,
      tpu.vector_store %arg11[%swap3A_1794], %gather3A_1793 {strides = array<i32>} : memref<8192xf32, #tpu.memory_space<vmem>>, vector<16xf32>,
      %gather3A_1796 = tpu.vector_load_idx %arg10[%iota3A_1788, %add3A_1792] : memref<16x2048xf32, #tpu.memory_space<vmem>>[vector<16xi32>, vector<16xi32>], vector<16xf32>,
      %swap3A_1797 = arith.index_cast %multiple_of3A_1746 : i32 to index
      %swap3A_1798 = tpu.vector_load %arg12[%swap3A_1797] {strides = array<i32>} : memref<8192xf32, #tpu.memory_space<vmem>>, vector<16xf32>,
      tpu.vector_store %arg12[%swap3A_1797], %gather3A_1796 {strides = array<i32>} : memref<8192xf32, #tpu.memory_space<vmem>>, vector<16xf32>,
      %mul3A_1799 = arith.constant 16 : i32
      %mul3A_1800 = arith.muli %scan3A_653, %mul3A_1799 : i32
      %add3A_1801 = arith.constant 2 : i32
      %add3A_1802 = arith.addi %mul3A_1800, %add3A_1801 : i32
      %mul3A_1803 = arith.constant 16 : i32
      %mul3A_1804 = arith.muli %add3A_1802, %mul3A_1803 : i32
      %multiple_of3A_1805 = tpu.assume_multiple %mul3A_1804, 16 : i32
      %slice3A_1806 = vector.extract_strided_slice %get3A_660 {offsets = [2], sizes = [1], strides = [1]} : vector<16xi32> to vector<1xi32>
      %squeeze3A_1807 = vector.extract %slice3A_1806[0] : i32 from vector<1xi32>
      %jit3A_1808 = arith.constant 128 : i32
      %eq3A_1809 = arith.constant 0 : i32
      %eq3A_1810 = arith.cmpi eq, %jit3A_1808, %eq3A_1809 : i32
      %jit3A_1811 = arith.constant 1 : i32
      %select_n3A_1812 = arith.select %eq3A_1810, %jit3A_1811, %jit3A_1808 : i32
      %rem3A_1813 = arith.remsi %squeeze3A_1807, %select_n3A_1812 : i32
      %ne3A_1814 = arith.constant 0 : i32
      %ne3A_1815 = arith.cmpi ne, %rem3A_1813, %ne3A_1814 : i32
      %lt3A_1816 = arith.constant 0 : i32
      %lt3A_1817 = arith.cmpi slt, %rem3A_1813, %lt3A_1816 : i32
      %lt3A_1818 = arith.constant 0 : i32
      %lt3A_1819 = arith.cmpi slt, %select_n3A_1812, %lt3A_1818 : i32
      %ne3A_1820 = arith.xori %lt3A_1817, %lt3A_1819 : i1
      %and3A_1821 = arith.andi %ne3A_1820, %ne3A_1815 : i1
      %add3A_1822 = arith.addi %rem3A_1813, %select_n3A_1812 : i32
      %select_n3A_1823 = arith.select %and3A_1821, %add3A_1822, %rem3A_1813 : i32
      %iota3A_1824 = tpu.iota {dimensions = array<i32: 0>} : vector<16xi32>
      %broadcast_in_dim3A_1825 = arith.constant 256 : i32
      %broadcast_in_dim3A_1826 = vector.broadcast %broadcast_in_dim3A_1825 : i32 to vector<16xi32>
      %add3A_1827 = vector.broadcast %select_n3A_1823 : i32 to vector<16xi32>
      %add3A_1828 = arith.addi %broadcast_in_dim3A_1826, %add3A_1827 : vector<16xi32>
      %slice3A_1829 = vector.extract_strided_slice %get3A_662 {offsets = [2], sizes = [1], strides = [1]} : vector<16xi32> to vector<1xi32>
      %squeeze3A_1830 = vector.extract %slice3A_1829[0] : i32 from vector<1xi32>
      %jit3A_1831 = arith.constant 128 : i32
      %eq3A_1832 = arith.constant 0 : i32
      %eq3A_1833 = arith.cmpi eq, %jit3A_1831, %eq3A_1832 : i32
      %jit3A_1834 = arith.constant 1 : i32
      %select_n3A_1835 = arith.select %eq3A_1833, %jit3A_1834, %jit3A_1831 : i32
      %rem3A_1836 = arith.remsi %squeeze3A_1830, %select_n3A_1835 : i32
      %ne3A_1837 = arith.constant 0 : i32
      %ne3A_1838 = arith.cmpi ne, %rem3A_1836, %ne3A_1837 : i32
      %lt3A_1839 = arith.constant 0 : i32
      %lt3A_1840 = arith.cmpi slt, %rem3A_1836, %lt3A_1839 : i32
      %lt3A_1841 = arith.constant 0 : i32
      %lt3A_1842 = arith.cmpi slt, %select_n3A_1835, %lt3A_1841 : i32
      %ne3A_1843 = arith.xori %lt3A_1840, %lt3A_1842 : i1
      %and3A_1844 = arith.andi %ne3A_1843, %ne3A_1838 : i1
      %add3A_1845 = arith.addi %rem3A_1836, %select_n3A_1835 : i32
      %select_n3A_1846 = arith.select %and3A_1844, %add3A_1845, %rem3A_1836 : i32
      %iota3A_1847 = tpu.iota {dimensions = array<i32: 0>} : vector<16xi32>
      %broadcast_in_dim3A_1848 = arith.constant 256 : i32
      %broadcast_in_dim3A_1849 = vector.broadcast %broadcast_in_dim3A_1848 : i32 to vector<16xi32>
      %add3A_1850 = vector.broadcast %select_n3A_1846 : i32 to vector<16xi32>
      %add3A_1851 = arith.addi %broadcast_in_dim3A_1849, %add3A_1850 : vector<16xi32>
      %gather3A_1852 = tpu.vector_load_idx %arg9[%iota3A_1824, %add3A_1828] : memref<16x2048xf32, #tpu.memory_space<vmem>>[vector<16xi32>, vector<16xi32>], vector<16xf32>,
      %swap3A_1853 = arith.index_cast %multiple_of3A_1805 : i32 to index
      %swap3A_1854 = tpu.vector_load %arg11[%swap3A_1853] {strides = array<i32>} : memref<8192xf32, #tpu.memory_space<vmem>>, vector<16xf32>,
      tpu.vector_store %arg11[%swap3A_1853], %gather3A_1852 {strides = array<i32>} : memref<8192xf32, #tpu.memory_space<vmem>>, vector<16xf32>,
      %gather3A_1855 = tpu.vector_load_idx %arg10[%iota3A_1847, %add3A_1851] : memref<16x2048xf32, #tpu.memory_space<vmem>>[vector<16xi32>, vector<16xi32>], vector<16xf32>,
      %swap3A_1856 = arith.index_cast %multiple_of3A_1805 : i32 to index
      %swap3A_1857 = tpu.vector_load %arg12[%swap3A_1856] {strides = array<i32>} : memref<8192xf32, #tpu.memory_space<vmem>>, vector<16xf32>,
      tpu.vector_store %arg12[%swap3A_1856], %gather3A_1855 {strides = array<i32>} : memref<8192xf32, #tpu.memory_space<vmem>>, vector<16xf32>,
      %mul3A_1858 = arith.constant 16 : i32
      %mul3A_1859 = arith.muli %scan3A_653, %mul3A_1858 : i32
      %add3A_1860 = arith.constant 3 : i32
      %add3A_1861 = arith.addi %mul3A_1859, %add3A_1860 : i32
      %mul3A_1862 = arith.constant 16 : i32
      %mul3A_1863 = arith.muli %add3A_1861, %mul3A_1862 : i32
      %multiple_of3A_1864 = tpu.assume_multiple %mul3A_1863, 16 : i32
      %slice3A_1865 = vector.extract_strided_slice %get3A_660 {offsets = [3], sizes = [1], strides = [1]} : vector<16xi32> to vector<1xi32>
      %squeeze3A_1866 = vector.extract %slice3A_1865[0] : i32 from vector<1xi32>
      %jit3A_1867 = arith.constant 128 : i32
      %eq3A_1868 = arith.constant 0 : i32
      %eq3A_1869 = arith.cmpi eq, %jit3A_1867, %eq3A_1868 : i32
      %jit3A_1870 = arith.constant 1 : i32
      %select_n3A_1871 = arith.select %eq3A_1869, %jit3A_1870, %jit3A_1867 : i32
      %rem3A_1872 = arith.remsi %squeeze3A_1866, %select_n3A_1871 : i32
      %ne3A_1873 = arith.constant 0 : i32
      %ne3A_1874 = arith.cmpi ne, %rem3A_1872, %ne3A_1873 : i32
      %lt3A_1875 = arith.constant 0 : i32
      %lt3A_1876 = arith.cmpi slt, %rem3A_1872, %lt3A_1875 : i32
      %lt3A_1877 = arith.constant 0 : i32
      %lt3A_1878 = arith.cmpi slt, %select_n3A_1871, %lt3A_1877 : i32
      %ne3A_1879 = arith.xori %lt3A_1876, %lt3A_1878 : i1
      %and3A_1880 = arith.andi %ne3A_1879, %ne3A_1874 : i1
      %add3A_1881 = arith.addi %rem3A_1872, %select_n3A_1871 : i32
      %select_n3A_1882 = arith.select %and3A_1880, %add3A_1881, %rem3A_1872 : i32
      %iota3A_1883 = tpu.iota {dimensions = array<i32: 0>} : vector<16xi32>
      %broadcast_in_dim3A_1884 = arith.constant 384 : i32
      %broadcast_in_dim3A_1885 = vector.broadcast %broadcast_in_dim3A_1884 : i32 to vector<16xi32>
      %add3A_1886 = vector.broadcast %select_n3A_1882 : i32 to vector<16xi32>
      %add3A_1887 = arith.addi %broadcast_in_dim3A_1885, %add3A_1886 : vector<16xi32>
      %slice3A_1888 = vector.extract_strided_slice %get3A_662 {offsets = [3], sizes = [1], strides = [1]} : vector<16xi32> to vector<1xi32>
      %squeeze3A_1889 = vector.extract %slice3A_1888[0] : i32 from vector<1xi32>
      %jit3A_1890 = arith.constant 128 : i32
      %eq3A_1891 = arith.constant 0 : i32
      %eq3A_1892 = arith.cmpi eq, %jit3A_1890, %eq3A_1891 : i32
      %jit3A_1893 = arith.constant 1 : i32
      %select_n3A_1894 = arith.select %eq3A_1892, %jit3A_1893, %jit3A_1890 : i32
      %rem3A_1895 = arith.remsi %squeeze3A_1889, %select_n3A_1894 : i32
      %ne3A_1896 = arith.constant 0 : i32
      %ne3A_1897 = arith.cmpi ne, %rem3A_1895, %ne3A_1896 : i32
      %lt3A_1898 = arith.constant 0 : i32
      %lt3A_1899 = arith.cmpi slt, %rem3A_1895, %lt3A_1898 : i32
      %lt3A_1900 = arith.constant 0 : i32
      %lt3A_1901 = arith.cmpi slt, %select_n3A_1894, %lt3A_1900 : i32
      %ne3A_1902 = arith.xori %lt3A_1899, %lt3A_1901 : i1
      %and3A_1903 = arith.andi %ne3A_1902, %ne3A_1897 : i1
      %add3A_1904 = arith.addi %rem3A_1895, %select_n3A_1894 : i32
      %select_n3A_1905 = arith.select %and3A_1903, %add3A_1904, %rem3A_1895 : i32
      %iota3A_1906 = tpu.iota {dimensions = array<i32: 0>} : vector<16xi32>
      %broadcast_in_dim3A_1907 = arith.constant 384 : i32
      %broadcast_in_dim3A_1908 = vector.broadcast %broadcast_in_dim3A_1907 : i32 to vector<16xi32>
      %add3A_1909 = vector.broadcast %select_n3A_1905 : i32 to vector<16xi32>
      %add3A_1910 = arith.addi %broadcast_in_dim3A_1908, %add3A_1909 : vector<16xi32>
      %gather3A_1911 = tpu.vector_load_idx %arg9[%iota3A_1883, %add3A_1887] : memref<16x2048xf32, #tpu.memory_space<vmem>>[vector<16xi32>, vector<16xi32>], vector<16xf32>,
      %swap3A_1912 = arith.index_cast %multiple_of3A_1864 : i32 to index
      %swap3A_1913 = tpu.vector_load %arg11[%swap3A_1912] {strides = array<i32>} : memref<8192xf32, #tpu.memory_space<vmem>>, vector<16xf32>,
      tpu.vector_store %arg11[%swap3A_1912], %gather3A_1911 {strides = array<i32>} : memref<8192xf32, #tpu.memory_space<vmem>>, vector<16xf32>,
      %gather3A_1914 = tpu.vector_load_idx %arg10[%iota3A_1906, %add3A_1910] : memref<16x2048xf32, #tpu.memory_space<vmem>>[vector<16xi32>, vector<16xi32>], vector<16xf32>,
      %swap3A_1915 = arith.index_cast %multiple_of3A_1864 : i32 to index
      %swap3A_1916 = tpu.vector_load %arg12[%swap3A_1915] {strides = array<i32>} : memref<8192xf32, #tpu.memory_space<vmem>>, vector<16xf32>,
      tpu.vector_store %arg12[%swap3A_1915], %gather3A_1914 {strides = array<i32>} : memref<8192xf32, #tpu.memory_space<vmem>>, vector<16xf32>,
      %mul3A_1917 = arith.constant 16 : i32
      %mul3A_1918 = arith.muli %scan3A_653, %mul3A_1917 : i32
      %add3A_1919 = arith.constant 4 : i32
      %add3A_1920 = arith.addi %mul3A_1918, %add3A_1919 : i32
      %mul3A_1921 = arith.constant 16 : i32
      %mul3A_1922 = arith.muli %add3A_1920, %mul3A_1921 : i32
      %multiple_of3A_1923 = tpu.assume_multiple %mul3A_1922, 16 : i32
      %slice3A_1924 = vector.extract_strided_slice %get3A_660 {offsets = [4], sizes = [1], strides = [1]} : vector<16xi32> to vector<1xi32>
      %squeeze3A_1925 = vector.extract %slice3A_1924[0] : i32 from vector<1xi32>
      %jit3A_1926 = arith.constant 128 : i32
      %eq3A_1927 = arith.constant 0 : i32
      %eq3A_1928 = arith.cmpi eq, %jit3A_1926, %eq3A_1927 : i32
      %jit3A_1929 = arith.constant 1 : i32
      %select_n3A_1930 = arith.select %eq3A_1928, %jit3A_1929, %jit3A_1926 : i32
      %rem3A_1931 = arith.remsi %squeeze3A_1925, %select_n3A_1930 : i32
      %ne3A_1932 = arith.constant 0 : i32
      %ne3A_1933 = arith.cmpi ne, %rem3A_1931, %ne3A_1932 : i32
      %lt3A_1934 = arith.constant 0 : i32
      %lt3A_1935 = arith.cmpi slt, %rem3A_1931, %lt3A_1934 : i32
      %lt3A_1936 = arith.constant 0 : i32
      %lt3A_1937 = arith.cmpi slt, %select_n3A_1930, %lt3A_1936 : i32
      %ne3A_1938 = arith.xori %lt3A_1935, %lt3A_1937 : i1
      %and3A_1939 = arith.andi %ne3A_1938, %ne3A_1933 : i1
      %add3A_1940 = arith.addi %rem3A_1931, %select_n3A_1930 : i32
      %select_n3A_1941 = arith.select %and3A_1939, %add3A_1940, %rem3A_1931 : i32
      %iota3A_1942 = tpu.iota {dimensions = array<i32: 0>} : vector<16xi32>
      %broadcast_in_dim3A_1943 = arith.constant 512 : i32
      %broadcast_in_dim3A_1944 = vector.broadcast %broadcast_in_dim3A_1943 : i32 to vector<16xi32>
      %add3A_1945 = vector.broadcast %select_n3A_1941 : i32 to vector<16xi32>
      %add3A_1946 = arith.addi %broadcast_in_dim3A_1944, %add3A_1945 : vector<16xi32>
      %slice3A_1947 = vector.extract_strided_slice %get3A_662 {offsets = [4], sizes = [1], strides = [1]} : vector<16xi32> to vector<1xi32>
      %squeeze3A_1948 = vector.extract %slice3A_1947[0] : i32 from vector<1xi32>
      %jit3A_1949 = arith.constant 128 : i32
      %eq3A_1950 = arith.constant 0 : i32
      %eq3A_1951 = arith.cmpi eq, %jit3A_1949, %eq3A_1950 : i32
      %jit3A_1952 = arith.constant 1 : i32
      %select_n3A_1953 = arith.select %eq3A_1951, %jit3A_1952, %jit3A_1949 : i32
      %rem3A_1954 = arith.remsi %squeeze3A_1948, %select_n3A_1953 : i32
      %ne3A_1955 = arith.constant 0 : i32
      %ne3A_1956 = arith.cmpi ne, %rem3A_1954, %ne3A_1955 : i32
      %lt3A_1957 = arith.constant 0 : i32
      %lt3A_1958 = arith.cmpi slt, %rem3A_1954, %lt3A_1957 : i32
      %lt3A_1959 = arith.constant 0 : i32
      %lt3A_1960 = arith.cmpi slt, %select_n3A_1953, %lt3A_1959 : i32
      %ne3A_1961 = arith.xori %lt3A_1958, %lt3A_1960 : i1
      %and3A_1962 = arith.andi %ne3A_1961, %ne3A_1956 : i1
      %add3A_1963 = arith.addi %rem3A_1954, %select_n3A_1953 : i32
      %select_n3A_1964 = arith.select %and3A_1962, %add3A_1963, %rem3A_1954 : i32
      %iota3A_1965 = tpu.iota {dimensions = array<i32: 0>} : vector<16xi32>
      %broadcast_in_dim3A_1966 = arith.constant 512 : i32
      %broadcast_in_dim3A_1967 = vector.broadcast %broadcast_in_dim3A_1966 : i32 to vector<16xi32>
      %add3A_1968 = vector.broadcast %select_n3A_1964 : i32 to vector<16xi32>
      %add3A_1969 = arith.addi %broadcast_in_dim3A_1967, %add3A_1968 : vector<16xi32>
      %gather3A_1970 = tpu.vector_load_idx %arg9[%iota3A_1942, %add3A_1946] : memref<16x2048xf32, #tpu.memory_space<vmem>>[vector<16xi32>, vector<16xi32>], vector<16xf32>,
      %swap3A_1971 = arith.index_cast %multiple_of3A_1923 : i32 to index
      %swap3A_1972 = tpu.vector_load %arg11[%swap3A_1971] {strides = array<i32>} : memref<8192xf32, #tpu.memory_space<vmem>>, vector<16xf32>,
      tpu.vector_store %arg11[%swap3A_1971], %gather3A_1970 {strides = array<i32>} : memref<8192xf32, #tpu.memory_space<vmem>>, vector<16xf32>,
      %gather3A_1973 = tpu.vector_load_idx %arg10[%iota3A_1965, %add3A_1969] : memref<16x2048xf32, #tpu.memory_space<vmem>>[vector<16xi32>, vector<16xi32>], vector<16xf32>,
      %swap3A_1974 = arith.index_cast %multiple_of3A_1923 : i32 to index
      %swap3A_1975 = tpu.vector_load %arg12[%swap3A_1974] {strides = array<i32>} : memref<8192xf32, #tpu.memory_space<vmem>>, vector<16xf32>,
      tpu.vector_store %arg12[%swap3A_1974], %gather3A_1973 {strides = array<i32>} : memref<8192xf32, #tpu.memory_space<vmem>>, vector<16xf32>,
      %mul3A_1976 = arith.constant 16 : i32
      %mul3A_1977 = arith.muli %scan3A_653, %mul3A_1976 : i32
      %add3A_1978 = arith.constant 5 : i32
      %add3A_1979 = arith.addi %mul3A_1977, %add3A_1978 : i32
      %mul3A_1980 = arith.constant 16 : i32
      %mul3A_1981 = arith.muli %add3A_1979, %mul3A_1980 : i32
      %multiple_of3A_1982 = tpu.assume_multiple %mul3A_1981, 16 : i32
      %slice3A_1983 = vector.extract_strided_slice %get3A_660 {offsets = [5], sizes = [1], strides = [1]} : vector<16xi32> to vector<1xi32>
      %squeeze3A_1984 = vector.extract %slice3A_1983[0] : i32 from vector<1xi32>
      %jit3A_1985 = arith.constant 128 : i32
      %eq3A_1986 = arith.constant 0 : i32
      %eq3A_1987 = arith.cmpi eq, %jit3A_1985, %eq3A_1986 : i32
      %jit3A_1988 = arith.constant 1 : i32
      %select_n3A_1989 = arith.select %eq3A_1987, %jit3A_1988, %jit3A_1985 : i32
      %rem3A_1990 = arith.remsi %squeeze3A_1984, %select_n3A_1989 : i32
      %ne3A_1991 = arith.constant 0 : i32
      %ne3A_1992 = arith.cmpi ne, %rem3A_1990, %ne3A_1991 : i32
      %lt3A_1993 = arith.constant 0 : i32
      %lt3A_1994 = arith.cmpi slt, %rem3A_1990, %lt3A_1993 : i32
      %lt3A_1995 = arith.constant 0 : i32
      %lt3A_1996 = arith.cmpi slt, %select_n3A_1989, %lt3A_1995 : i32
      %ne3A_1997 = arith.xori %lt3A_1994, %lt3A_1996 : i1
      %and3A_1998 = arith.andi %ne3A_1997, %ne3A_1992 : i1
      %add3A_1999 = arith.addi %rem3A_1990, %select_n3A_1989 : i32
      %select_n3A_2000 = arith.select %and3A_1998, %add3A_1999, %rem3A_1990 : i32
      %iota3A_2001 = tpu.iota {dimensions = array<i32: 0>} : vector<16xi32>
      %broadcast_in_dim3A_2002 = arith.constant 640 : i32
      %broadcast_in_dim3A_2003 = vector.broadcast %broadcast_in_dim3A_2002 : i32 to vector<16xi32>
      %add3A_2004 = vector.broadcast %select_n3A_2000 : i32 to vector<16xi32>
      %add3A_2005 = arith.addi %broadcast_in_dim3A_2003, %add3A_2004 : vector<16xi32>
      %slice3A_2006 = vector.extract_strided_slice %get3A_662 {offsets = [5], sizes = [1], strides = [1]} : vector<16xi32> to vector<1xi32>
      %squeeze3A_2007 = vector.extract %slice3A_2006[0] : i32 from vector<1xi32>
      %jit3A_2008 = arith.constant 128 : i32
      %eq3A_2009 = arith.constant 0 : i32
      %eq3A_2010 = arith.cmpi eq, %jit3A_2008, %eq3A_2009 : i32
      %jit3A_2011 = arith.constant 1 : i32
      %select_n3A_2012 = arith.select %eq3A_2010, %jit3A_2011, %jit3A_2008 : i32
      %rem3A_2013 = arith.remsi %squeeze3A_2007, %select_n3A_2012 : i32
      %ne3A_2014 = arith.constant 0 : i32
      %ne3A_2015 = arith.cmpi ne, %rem3A_2013, %ne3A_2014 : i32
      %lt3A_2016 = arith.constant 0 : i32
      %lt3A_2017 = arith.cmpi slt, %rem3A_2013, %lt3A_2016 : i32
      %lt3A_2018 = arith.constant 0 : i32
      %lt3A_2019 = arith.cmpi slt, %select_n3A_2012, %lt3A_2018 : i32
      %ne3A_2020 = arith.xori %lt3A_2017, %lt3A_2019 : i1
      %and3A_2021 = arith.andi %ne3A_2020, %ne3A_2015 : i1
      %add3A_2022 = arith.addi %rem3A_2013, %select_n3A_2012 : i32
      %select_n3A_2023 = arith.select %and3A_2021, %add3A_2022, %rem3A_2013 : i32
      %iota3A_2024 = tpu.iota {dimensions = array<i32: 0>} : vector<16xi32>
      %broadcast_in_dim3A_2025 = arith.constant 640 : i32
      %broadcast_in_dim3A_2026 = vector.broadcast %broadcast_in_dim3A_2025 : i32 to vector<16xi32>
      %add3A_2027 = vector.broadcast %select_n3A_2023 : i32 to vector<16xi32>
      %add3A_2028 = arith.addi %broadcast_in_dim3A_2026, %add3A_2027 : vector<16xi32>
      %gather3A_2029 = tpu.vector_load_idx %arg9[%iota3A_2001, %add3A_2005] : memref<16x2048xf32, #tpu.memory_space<vmem>>[vector<16xi32>, vector<16xi32>], vector<16xf32>,
      %swap3A_2030 = arith.index_cast %multiple_of3A_1982 : i32 to index
      %swap3A_2031 = tpu.vector_load %arg11[%swap3A_2030] {strides = array<i32>} : memref<8192xf32, #tpu.memory_space<vmem>>, vector<16xf32>,
      tpu.vector_store %arg11[%swap3A_2030], %gather3A_2029 {strides = array<i32>} : memref<8192xf32, #tpu.memory_space<vmem>>, vector<16xf32>,
      %gather3A_2032 = tpu.vector_load_idx %arg10[%iota3A_2024, %add3A_2028] : memref<16x2048xf32, #tpu.memory_space<vmem>>[vector<16xi32>, vector<16xi32>], vector<16xf32>,
      %swap3A_2033 = arith.index_cast %multiple_of3A_1982 : i32 to index
      %swap3A_2034 = tpu.vector_load %arg12[%swap3A_2033] {strides = array<i32>} : memref<8192xf32, #tpu.memory_space<vmem>>, vector<16xf32>,
      tpu.vector_store %arg12[%swap3A_2033], %gather3A_2032 {strides = array<i32>} : memref<8192xf32, #tpu.memory_space<vmem>>, vector<16xf32>,
      %mul3A_2035 = arith.constant 16 : i32
      %mul3A_2036 = arith.muli %scan3A_653, %mul3A_2035 : i32
      %add3A_2037 = arith.constant 6 : i32
      %add3A_2038 = arith.addi %mul3A_2036, %add3A_2037 : i32
      %mul3A_2039 = arith.constant 16 : i32
      %mul3A_2040 = arith.muli %add3A_2038, %mul3A_2039 : i32
      %multiple_of3A_2041 = tpu.assume_multiple %mul3A_2040, 16 : i32
      %slice3A_2042 = vector.extract_strided_slice %get3A_660 {offsets = [6], sizes = [1], strides = [1]} : vector<16xi32> to vector<1xi32>
      %squeeze3A_2043 = vector.extract %slice3A_2042[0] : i32 from vector<1xi32>
      %jit3A_2044 = arith.constant 128 : i32
      %eq3A_2045 = arith.constant 0 : i32
      %eq3A_2046 = arith.cmpi eq, %jit3A_2044, %eq3A_2045 : i32
      %jit3A_2047 = arith.constant 1 : i32
      %select_n3A_2048 = arith.select %eq3A_2046, %jit3A_2047, %jit3A_2044 : i32
      %rem3A_2049 = arith.remsi %squeeze3A_2043, %select_n3A_2048 : i32
      %ne3A_2050 = arith.constant 0 : i32
      %ne3A_2051 = arith.cmpi ne, %rem3A_2049, %ne3A_2050 : i32
      %lt3A_2052 = arith.constant 0 : i32
      %lt3A_2053 = arith.cmpi slt, %rem3A_2049, %lt3A_2052 : i32
      %lt3A_2054 = arith.constant 0 : i32
      %lt3A_2055 = arith.cmpi slt, %select_n3A_2048, %lt3A_2054 : i32
      %ne3A_2056 = arith.xori %lt3A_2053, %lt3A_2055 : i1
      %and3A_2057 = arith.andi %ne3A_2056, %ne3A_2051 : i1
      %add3A_2058 = arith.addi %rem3A_2049, %select_n3A_2048 : i32
      %select_n3A_2059 = arith.select %and3A_2057, %add3A_2058, %rem3A_2049 : i32
      %iota3A_2060 = tpu.iota {dimensions = array<i32: 0>} : vector<16xi32>
      %broadcast_in_dim3A_2061 = arith.constant 768 : i32
      %broadcast_in_dim3A_2062 = vector.broadcast %broadcast_in_dim3A_2061 : i32 to vector<16xi32>
      %add3A_2063 = vector.broadcast %select_n3A_2059 : i32 to vector<16xi32>
      %add3A_2064 = arith.addi %broadcast_in_dim3A_2062, %add3A_2063 : vector<16xi32>
      %slice3A_2065 = vector.extract_strided_slice %get3A_662 {offsets = [6], sizes = [1], strides = [1]} : vector<16xi32> to vector<1xi32>
      %squeeze3A_2066 = vector.extract %slice3A_2065[0] : i32 from vector<1xi32>
      %jit3A_2067 = arith.constant 128 : i32
      %eq3A_2068 = arith.constant 0 : i32
      %eq3A_2069 = arith.cmpi eq, %jit3A_2067, %eq3A_2068 : i32
      %jit3A_2070 = arith.constant 1 : i32
      %select_n3A_2071 = arith.select %eq3A_2069, %jit3A_2070, %jit3A_2067 : i32
      %rem3A_2072 = arith.remsi %squeeze3A_2066, %select_n3A_2071 : i32
      %ne3A_2073 = arith.constant 0 : i32
      %ne3A_2074 = arith.cmpi ne, %rem3A_2072, %ne3A_2073 : i32
      %lt3A_2075 = arith.constant 0 : i32
      %lt3A_2076 = arith.cmpi slt, %rem3A_2072, %lt3A_2075 : i32
      %lt3A_2077 = arith.constant 0 : i32
      %lt3A_2078 = arith.cmpi slt, %select_n3A_2071, %lt3A_2077 : i32
      %ne3A_2079 = arith.xori %lt3A_2076, %lt3A_2078 : i1
      %and3A_2080 = arith.andi %ne3A_2079, %ne3A_2074 : i1
      %add3A_2081 = arith.addi %rem3A_2072, %select_n3A_2071 : i32
      %select_n3A_2082 = arith.select %and3A_2080, %add3A_2081, %rem3A_2072 : i32
      %iota3A_2083 = tpu.iota {dimensions = array<i32: 0>} : vector<16xi32>
      %broadcast_in_dim3A_2084 = arith.constant 768 : i32
      %broadcast_in_dim3A_2085 = vector.broadcast %broadcast_in_dim3A_2084 : i32 to vector<16xi32>
      %add3A_2086 = vector.broadcast %select_n3A_2082 : i32 to vector<16xi32>
      %add3A_2087 = arith.addi %broadcast_in_dim3A_2085, %add3A_2086 : vector<16xi32>
      %gather3A_2088 = tpu.vector_load_idx %arg9[%iota3A_2060, %add3A_2064] : memref<16x2048xf32, #tpu.memory_space<vmem>>[vector<16xi32>, vector<16xi32>], vector<16xf32>,
      %swap3A_2089 = arith.index_cast %multiple_of3A_2041 : i32 to index
      %swap3A_2090 = tpu.vector_load %arg11[%swap3A_2089] {strides = array<i32>} : memref<8192xf32, #tpu.memory_space<vmem>>, vector<16xf32>,
      tpu.vector_store %arg11[%swap3A_2089], %gather3A_2088 {strides = array<i32>} : memref<8192xf32, #tpu.memory_space<vmem>>, vector<16xf32>,
      %gather3A_2091 = tpu.vector_load_idx %arg10[%iota3A_2083, %add3A_2087] : memref<16x2048xf32, #tpu.memory_space<vmem>>[vector<16xi32>, vector<16xi32>], vector<16xf32>,
      %swap3A_2092 = arith.index_cast %multiple_of3A_2041 : i32 to index
      %swap3A_2093 = tpu.vector_load %arg12[%swap3A_2092] {strides = array<i32>} : memref<8192xf32, #tpu.memory_space<vmem>>, vector<16xf32>,
      tpu.vector_store %arg12[%swap3A_2092], %gather3A_2091 {strides = array<i32>} : memref<8192xf32, #tpu.memory_space<vmem>>, vector<16xf32>,
      %mul3A_2094 = arith.constant 16 : i32
      %mul3A_2095 = arith.muli %scan3A_653, %mul3A_2094 : i32
      %add3A_2096 = arith.constant 7 : i32
      %add3A_2097 = arith.addi %mul3A_2095, %add3A_2096 : i32
      %mul3A_2098 = arith.constant 16 : i32
      %mul3A_2099 = arith.muli %add3A_2097, %mul3A_2098 : i32
      %multiple_of3A_2100 = tpu.assume_multiple %mul3A_2099, 16 : i32
      %slice3A_2101 = vector.extract_strided_slice %get3A_660 {offsets = [7], sizes = [1], strides = [1]} : vector<16xi32> to vector<1xi32>
      %squeeze3A_2102 = vector.extract %slice3A_2101[0] : i32 from vector<1xi32>
      %jit3A_2103 = arith.constant 128 : i32
      %eq3A_2104 = arith.constant 0 : i32
      %eq3A_2105 = arith.cmpi eq, %jit3A_2103, %eq3A_2104 : i32
      %jit3A_2106 = arith.constant 1 : i32
      %select_n3A_2107 = arith.select %eq3A_2105, %jit3A_2106, %jit3A_2103 : i32
      %rem3A_2108 = arith.remsi %squeeze3A_2102, %select_n3A_2107 : i32
      %ne3A_2109 = arith.constant 0 : i32
      %ne3A_2110 = arith.cmpi ne, %rem3A_2108, %ne3A_2109 : i32
      %lt3A_2111 = arith.constant 0 : i32
      %lt3A_2112 = arith.cmpi slt, %rem3A_2108, %lt3A_2111 : i32
      %lt3A_2113 = arith.constant 0 : i32
      %lt3A_2114 = arith.cmpi slt, %select_n3A_2107, %lt3A_2113 : i32
      %ne3A_2115 = arith.xori %lt3A_2112, %lt3A_2114 : i1
      %and3A_2116 = arith.andi %ne3A_2115, %ne3A_2110 : i1
      %add3A_2117 = arith.addi %rem3A_2108, %select_n3A_2107 : i32
      %select_n3A_2118 = arith.select %and3A_2116, %add3A_2117, %rem3A_2108 : i32
      %iota3A_2119 = tpu.iota {dimensions = array<i32: 0>} : vector<16xi32>
      %broadcast_in_dim3A_2120 = arith.constant 896 : i32
      %broadcast_in_dim3A_2121 = vector.broadcast %broadcast_in_dim3A_2120 : i32 to vector<16xi32>
      %add3A_2122 = vector.broadcast %select_n3A_2118 : i32 to vector<16xi32>
      %add3A_2123 = arith.addi %broadcast_in_dim3A_2121, %add3A_2122 : vector<16xi32>
      %slice3A_2124 = vector.extract_strided_slice %get3A_662 {offsets = [7], sizes = [1], strides = [1]} : vector<16xi32> to vector<1xi32>
      %squeeze3A_2125 = vector.extract %slice3A_2124[0] : i32 from vector<1xi32>
      %jit3A_2126 = arith.constant 128 : i32
      %eq3A_2127 = arith.constant 0 : i32
      %eq3A_2128 = arith.cmpi eq, %jit3A_2126, %eq3A_2127 : i32
      %jit3A_2129 = arith.constant 1 : i32
      %select_n3A_2130 = arith.select %eq3A_2128, %jit3A_2129, %jit3A_2126 : i32
      %rem3A_2131 = arith.remsi %squeeze3A_2125, %select_n3A_2130 : i32
      %ne3A_2132 = arith.constant 0 : i32
      %ne3A_2133 = arith.cmpi ne, %rem3A_2131, %ne3A_2132 : i32
      %lt3A_2134 = arith.constant 0 : i32
      %lt3A_2135 = arith.cmpi slt, %rem3A_2131, %lt3A_2134 : i32
      %lt3A_2136 = arith.constant 0 : i32
      %lt3A_2137 = arith.cmpi slt, %select_n3A_2130, %lt3A_2136 : i32
      %ne3A_2138 = arith.xori %lt3A_2135, %lt3A_2137 : i1
      %and3A_2139 = arith.andi %ne3A_2138, %ne3A_2133 : i1
      %add3A_2140 = arith.addi %rem3A_2131, %select_n3A_2130 : i32
      %select_n3A_2141 = arith.select %and3A_2139, %add3A_2140, %rem3A_2131 : i32
      %iota3A_2142 = tpu.iota {dimensions = array<i32: 0>} : vector<16xi32>
      %broadcast_in_dim3A_2143 = arith.constant 896 : i32
      %broadcast_in_dim3A_2144 = vector.broadcast %broadcast_in_dim3A_2143 : i32 to vector<16xi32>
      %add3A_2145 = vector.broadcast %select_n3A_2141 : i32 to vector<16xi32>
      %add3A_2146 = arith.addi %broadcast_in_dim3A_2144, %add3A_2145 : vector<16xi32>
      %gather3A_2147 = tpu.vector_load_idx %arg9[%iota3A_2119, %add3A_2123] : memref<16x2048xf32, #tpu.memory_space<vmem>>[vector<16xi32>, vector<16xi32>], vector<16xf32>,
      %swap3A_2148 = arith.index_cast %multiple_of3A_2100 : i32 to index
      %swap3A_2149 = tpu.vector_load %arg11[%swap3A_2148] {strides = array<i32>} : memref<8192xf32, #tpu.memory_space<vmem>>, vector<16xf32>,
      tpu.vector_store %arg11[%swap3A_2148], %gather3A_2147 {strides = array<i32>} : memref<8192xf32, #tpu.memory_space<vmem>>, vector<16xf32>,
      %gather3A_2150 = tpu.vector_load_idx %arg10[%iota3A_2142, %add3A_2146] : memref<16x2048xf32, #tpu.memory_space<vmem>>[vector<16xi32>, vector<16xi32>], vector<16xf32>,
      %swap3A_2151 = arith.index_cast %multiple_of3A_2100 : i32 to index
      %swap3A_2152 = tpu.vector_load %arg12[%swap3A_2151] {strides = array<i32>} : memref<8192xf32, #tpu.memory_space<vmem>>, vector<16xf32>,
      tpu.vector_store %arg12[%swap3A_2151], %gather3A_2150 {strides = array<i32>} : memref<8192xf32, #tpu.memory_space<vmem>>, vector<16xf32>,
      %add3A_2153 = arith.constant 1 : i32
      %add3A_2154 = arith.addi %scan3A_653, %add3A_2153 : i32
      %min3A_2155 = arith.constant 31 : i32
      %min3A_2156 = arith.minsi %add3A_2154, %min3A_2155 : i32
      %mul3A_2157 = arith.constant 16 : i32
      %mul3A_2158 = arith.muli %min3A_2156, %mul3A_2157 : i32
      %multiple_of3A_2159 = tpu.assume_multiple %mul3A_2158, 16 : i32
      %get3A_2160 = arith.index_cast %multiple_of3A_2159 : i32 to index
      %get3A_2161 = tpu.vector_load %arg7[%get3A_2160] {strides = array<i32>} : memref<512xi32, #tpu.memory_space<vmem>>, vector<16xi32>,
      %get3A_2162 = arith.index_cast %multiple_of3A_2159 : i32 to index
      %get3A_2163 = tpu.vector_load %arg8[%get3A_2162] {strides = array<i32>} : memref<512xi32, #tpu.memory_space<vmem>>, vector<16xi32>,
      %add3A_2164 = arith.constant 1 : i32
      %add3A_2165 = arith.addi %scan3A_653, %add3A_2164 : i32
      %lt3A_2166 = arith.constant 32 : i32
      %lt3A_2167 = arith.cmpi slt, %add3A_2165, %lt3A_2166 : i32
      %convert_element_type3A = arith.extui %lt3A_2167 : i1 to i32
      %cond3A = arith.constant 0 : i32
      %cond3A_2168 = arith.cmpi ne, %convert_element_type3A, %cond3A : i32
      scf.if %cond3A_2168 {
        %slice3A_3025 = vector.extract_strided_slice %get3A_2161 {offsets = [0], sizes = [1], strides = [1]} : vector<16xi32> to vector<1xi32>
        %squeeze3A_3026 = vector.extract %slice3A_3025[0] : i32 from vector<1xi32>
        %jit3A_3027 = arith.constant 128 : i32
        %div3A_3028 = arith.divsi %squeeze3A_3026, %jit3A_3027 : i32
        %sign3A_3029 = arith.constant 0 : i32
        %sign3A_3030 = arith.cmpi sgt, %squeeze3A_3026, %sign3A_3029 : i32
        %sign3A_3031 = arith.extui %sign3A_3030 : i1 to i32
        %sign3A_3032 = arith.constant 0 : i32
        %sign3A_3033 = arith.cmpi slt, %squeeze3A_3026, %sign3A_3032 : i32
        %sign3A_3034 = arith.extui %sign3A_3033 : i1 to i32
        %sign3A_3035 = arith.subi %sign3A_3031, %sign3A_3034 : i32
        %sign3A_3036 = arith.constant 0 : i32
        %sign3A_3037 = arith.cmpi sgt, %jit3A_3027, %sign3A_3036 : i32
        %sign3A_3038 = arith.extui %sign3A_3037 : i1 to i32
        %sign3A_3039 = arith.constant 0 : i32
        %sign3A_3040 = arith.cmpi slt, %jit3A_3027, %sign3A_3039 : i32
        %sign3A_3041 = arith.extui %sign3A_3040 : i1 to i32
        %sign3A_3042 = arith.subi %sign3A_3038, %sign3A_3041 : i32
        %ne3A_3043 = arith.cmpi ne, %sign3A_3035, %sign3A_3042 : i32
        %rem3A_3044 = arith.remsi %squeeze3A_3026, %jit3A_3027 : i32
        %ne3A_3045 = arith.constant 0 : i32
        %ne3A_3046 = arith.cmpi ne, %rem3A_3044, %ne3A_3045 : i32
        %and3A_3047 = arith.andi %ne3A_3043, %ne3A_3046 : i1
        %sub3A_3048 = arith.constant 1 : i32
        %sub3A_3049 = arith.subi %div3A_3028, %sub3A_3048 : i32
        %select_n3A_3050 = arith.select %and3A_3047, %sub3A_3049, %div3A_3028 : i32
        %mul3A_3051 = arith.constant 128 : i32
        %mul3A_3052 = arith.muli %select_n3A_3050, %mul3A_3051 : i32
        %multiple_of3A_3053 = tpu.assume_multiple %mul3A_3052, 128 : i32
        %slice3A_3054 = vector.extract_strided_slice %get3A_2163 {offsets = [0], sizes = [1], strides = [1]} : vector<16xi32> to vector<1xi32>
        %squeeze3A_3055 = vector.extract %slice3A_3054[0] : i32 from vector<1xi32>
        %jit3A_3056 = arith.constant 128 : i32
        %div3A_3057 = arith.divsi %squeeze3A_3055, %jit3A_3056 : i32
        %sign3A_3058 = arith.constant 0 : i32
        %sign3A_3059 = arith.cmpi sgt, %squeeze3A_3055, %sign3A_3058 : i32
        %sign3A_3060 = arith.extui %sign3A_3059 : i1 to i32
        %sign3A_3061 = arith.constant 0 : i32
        %sign3A_3062 = arith.cmpi slt, %squeeze3A_3055, %sign3A_3061 : i32
        %sign3A_3063 = arith.extui %sign3A_3062 : i1 to i32
        %sign3A_3064 = arith.subi %sign3A_3060, %sign3A_3063 : i32
        %sign3A_3065 = arith.constant 0 : i32
        %sign3A_3066 = arith.cmpi sgt, %jit3A_3056, %sign3A_3065 : i32
        %sign3A_3067 = arith.extui %sign3A_3066 : i1 to i32
        %sign3A_3068 = arith.constant 0 : i32
        %sign3A_3069 = arith.cmpi slt, %jit3A_3056, %sign3A_3068 : i32
        %sign3A_3070 = arith.extui %sign3A_3069 : i1 to i32
        %sign3A_3071 = arith.subi %sign3A_3067, %sign3A_3070 : i32
        %ne3A_3072 = arith.cmpi ne, %sign3A_3064, %sign3A_3071 : i32
        %rem3A_3073 = arith.remsi %squeeze3A_3055, %jit3A_3056 : i32
        %ne3A_3074 = arith.constant 0 : i32
        %ne3A_3075 = arith.cmpi ne, %rem3A_3073, %ne3A_3074 : i32
        %and3A_3076 = arith.andi %ne3A_3072, %ne3A_3075 : i1
        %sub3A_3077 = arith.constant 1 : i32
        %sub3A_3078 = arith.subi %div3A_3057, %sub3A_3077 : i32
        %select_n3A_3079 = arith.select %and3A_3076, %sub3A_3078, %div3A_3057 : i32
        %mul3A_3080 = arith.constant 128 : i32
        %mul3A_3081 = arith.muli %select_n3A_3079, %mul3A_3080 : i32
        %multiple_of3A_3082 = tpu.assume_multiple %mul3A_3081, 128 : i32
        %multiple_of3A_3083 = arith.constant 0 : i32
        %multiple_of3A_3084 = tpu.assume_multiple %multiple_of3A_3083, 128 : i32
        %multiple_of3A_3085 = arith.constant 0 : i32
        %multiple_of3A_3086 = tpu.assume_multiple %multiple_of3A_3085, 8 : i32
        %dma_start3A_3087 = tpu.memref_slice %arg9[%multiple_of3A_3086, %multiple_of3A_3084] : memref<16x2048xf32, #tpu.memory_space<vmem>> -> memref<8x128xf32, #tpu.memory_space<vmem>>
        %dma_start3A_3088 = tpu.memref_slice %arg4[%multiple_of3A_3086, %multiple_of3A_3053] : memref<16x1000000xf32, #tpu.memory_space<hbm>> -> memref<8x128xf32, #tpu.memory_space<hbm>>
        %dma_start3A_3089 = tpu.memref_slice %arg9[%multiple_of3A_3086, %multiple_of3A_3084] : memref<16x2048xf32, #tpu.memory_space<vmem>> -> memref<8x128xf32, #tpu.memory_space<vmem>>
        %dma_start3A_3090 = tpu.memref_slice %arg4[%multiple_of3A_3086, %multiple_of3A_3053] : memref<16x1000000xf32, #tpu.memory_space<hbm>> -> memref<8x128xf32, #tpu.memory_space<hbm>>
        tpu.enqueue_dma source(%dma_start3A_3090 : memref<8x128xf32, #tpu.memory_space<hbm>>) target(%dma_start3A_3089 : memref<8x128xf32, #tpu.memory_space<vmem>>) target_semaphore(%arg14 : memref<!tpu.dma_semaphore, #tpu.memory_space<semaphore_mem>>)
        %dma_start3A_3091 = tpu.memref_slice %arg10[%multiple_of3A_3086, %multiple_of3A_3084] : memref<16x2048xf32, #tpu.memory_space<vmem>> -> memref<8x128xf32, #tpu.memory_space<vmem>>
        %dma_start3A_3092 = tpu.memref_slice %arg5[%multiple_of3A_3086, %multiple_of3A_3082] : memref<16x1000000xf32, #tpu.memory_space<hbm>> -> memref<8x128xf32, #tpu.memory_space<hbm>>
        %dma_start3A_3093 = tpu.memref_slice %arg10[%multiple_of3A_3086, %multiple_of3A_3084] : memref<16x2048xf32, #tpu.memory_space<vmem>> -> memref<8x128xf32, #tpu.memory_space<vmem>>
        %dma_start3A_3094 = tpu.memref_slice %arg5[%multiple_of3A_3086, %multiple_of3A_3082] : memref<16x1000000xf32, #tpu.memory_space<hbm>> -> memref<8x128xf32, #tpu.memory_space<hbm>>
        tpu.enqueue_dma source(%dma_start3A_3094 : memref<8x128xf32, #tpu.memory_space<hbm>>) target(%dma_start3A_3093 : memref<8x128xf32, #tpu.memory_space<vmem>>) target_semaphore(%arg16 : memref<!tpu.dma_semaphore, #tpu.memory_space<semaphore_mem>>)
        %multiple_of3A_3095 = arith.constant 8 : i32
        %multiple_of3A_3096 = tpu.assume_multiple %multiple_of3A_3095, 8 : i32
        %dma_start3A_3097 = tpu.memref_slice %arg9[%multiple_of3A_3096, %multiple_of3A_3084] : memref<16x2048xf32, #tpu.memory_space<vmem>> -> memref<8x128xf32, #tpu.memory_space<vmem>>
        %dma_start3A_3098 = tpu.memref_slice %arg4[%multiple_of3A_3096, %multiple_of3A_3053] : memref<16x1000000xf32, #tpu.memory_space<hbm>> -> memref<8x128xf32, #tpu.memory_space<hbm>>
        %dma_start3A_3099 = tpu.memref_slice %arg9[%multiple_of3A_3096, %multiple_of3A_3084] : memref<16x2048xf32, #tpu.memory_space<vmem>> -> memref<8x128xf32, #tpu.memory_space<vmem>>
        %dma_start3A_3100 = tpu.memref_slice %arg4[%multiple_of3A_3096, %multiple_of3A_3053] : memref<16x1000000xf32, #tpu.memory_space<hbm>> -> memref<8x128xf32, #tpu.memory_space<hbm>>
        tpu.enqueue_dma source(%dma_start3A_3100 : memref<8x128xf32, #tpu.memory_space<hbm>>) target(%dma_start3A_3099 : memref<8x128xf32, #tpu.memory_space<vmem>>) target_semaphore(%arg14 : memref<!tpu.dma_semaphore, #tpu.memory_space<semaphore_mem>>)
        %dma_start3A_3101 = tpu.memref_slice %arg10[%multiple_of3A_3096, %multiple_of3A_3084] : memref<16x2048xf32, #tpu.memory_space<vmem>> -> memref<8x128xf32, #tpu.memory_space<vmem>>
        %dma_start3A_3102 = tpu.memref_slice %arg5[%multiple_of3A_3096, %multiple_of3A_3082] : memref<16x1000000xf32, #tpu.memory_space<hbm>> -> memref<8x128xf32, #tpu.memory_space<hbm>>
        %dma_start3A_3103 = tpu.memref_slice %arg10[%multiple_of3A_3096, %multiple_of3A_3084] : memref<16x2048xf32, #tpu.memory_space<vmem>> -> memref<8x128xf32, #tpu.memory_space<vmem>>
        %dma_start3A_3104 = tpu.memref_slice %arg5[%multiple_of3A_3096, %multiple_of3A_3082] : memref<16x1000000xf32, #tpu.memory_space<hbm>> -> memref<8x128xf32, #tpu.memory_space<hbm>>
        tpu.enqueue_dma source(%dma_start3A_3104 : memref<8x128xf32, #tpu.memory_space<hbm>>) target(%dma_start3A_3103 : memref<8x128xf32, #tpu.memory_space<vmem>>) target_semaphore(%arg16 : memref<!tpu.dma_semaphore, #tpu.memory_space<semaphore_mem>>)
        %slice3A_3105 = vector.extract_strided_slice %get3A_2161 {offsets = [1], sizes = [1], strides = [1]} : vector<16xi32> to vector<1xi32>
        %squeeze3A_3106 = vector.extract %slice3A_3105[0] : i32 from vector<1xi32>
        %jit3A_3107 = arith.constant 128 : i32
        %div3A_3108 = arith.divsi %squeeze3A_3106, %jit3A_3107 : i32
        %sign3A_3109 = arith.constant 0 : i32
        %sign3A_3110 = arith.cmpi sgt, %squeeze3A_3106, %sign3A_3109 : i32
        %sign3A_3111 = arith.extui %sign3A_3110 : i1 to i32
        %sign3A_3112 = arith.constant 0 : i32
        %sign3A_3113 = arith.cmpi slt, %squeeze3A_3106, %sign3A_3112 : i32
        %sign3A_3114 = arith.extui %sign3A_3113 : i1 to i32
        %sign3A_3115 = arith.subi %sign3A_3111, %sign3A_3114 : i32
        %sign3A_3116 = arith.constant 0 : i32
        %sign3A_3117 = arith.cmpi sgt, %jit3A_3107, %sign3A_3116 : i32
        %sign3A_3118 = arith.extui %sign3A_3117 : i1 to i32
        %sign3A_3119 = arith.constant 0 : i32
        %sign3A_3120 = arith.cmpi slt, %jit3A_3107, %sign3A_3119 : i32
        %sign3A_3121 = arith.extui %sign3A_3120 : i1 to i32
        %sign3A_3122 = arith.subi %sign3A_3118, %sign3A_3121 : i32
        %ne3A_3123 = arith.cmpi ne, %sign3A_3115, %sign3A_3122 : i32
        %rem3A_3124 = arith.remsi %squeeze3A_3106, %jit3A_3107 : i32
        %ne3A_3125 = arith.constant 0 : i32
        %ne3A_3126 = arith.cmpi ne, %rem3A_3124, %ne3A_3125 : i32
        %and3A_3127 = arith.andi %ne3A_3123, %ne3A_3126 : i1
        %sub3A_3128 = arith.constant 1 : i32
        %sub3A_3129 = arith.subi %div3A_3108, %sub3A_3128 : i32
        %select_n3A_3130 = arith.select %and3A_3127, %sub3A_3129, %div3A_3108 : i32
        %mul3A_3131 = arith.constant 128 : i32
        %mul3A_3132 = arith.muli %select_n3A_3130, %mul3A_3131 : i32
        %multiple_of3A_3133 = tpu.assume_multiple %mul3A_3132, 128 : i32
        %slice3A_3134 = vector.extract_strided_slice %get3A_2163 {offsets = [1], sizes = [1], strides = [1]} : vector<16xi32> to vector<1xi32>
        %squeeze3A_3135 = vector.extract %slice3A_3134[0] : i32 from vector<1xi32>
        %jit3A_3136 = arith.constant 128 : i32
        %div3A_3137 = arith.divsi %squeeze3A_3135, %jit3A_3136 : i32
        %sign3A_3138 = arith.constant 0 : i32
        %sign3A_3139 = arith.cmpi sgt, %squeeze3A_3135, %sign3A_3138 : i32
        %sign3A_3140 = arith.extui %sign3A_3139 : i1 to i32
        %sign3A_3141 = arith.constant 0 : i32
        %sign3A_3142 = arith.cmpi slt, %squeeze3A_3135, %sign3A_3141 : i32
        %sign3A_3143 = arith.extui %sign3A_3142 : i1 to i32
        %sign3A_3144 = arith.subi %sign3A_3140, %sign3A_3143 : i32
        %sign3A_3145 = arith.constant 0 : i32
        %sign3A_3146 = arith.cmpi sgt, %jit3A_3136, %sign3A_3145 : i32
        %sign3A_3147 = arith.extui %sign3A_3146 : i1 to i32
        %sign3A_3148 = arith.constant 0 : i32
        %sign3A_3149 = arith.cmpi slt, %jit3A_3136, %sign3A_3148 : i32
        %sign3A_3150 = arith.extui %sign3A_3149 : i1 to i32
        %sign3A_3151 = arith.subi %sign3A_3147, %sign3A_3150 : i32
        %ne3A_3152 = arith.cmpi ne, %sign3A_3144, %sign3A_3151 : i32
        %rem3A_3153 = arith.remsi %squeeze3A_3135, %jit3A_3136 : i32
        %ne3A_3154 = arith.constant 0 : i32
        %ne3A_3155 = arith.cmpi ne, %rem3A_3153, %ne3A_3154 : i32
        %and3A_3156 = arith.andi %ne3A_3152, %ne3A_3155 : i1
        %sub3A_3157 = arith.constant 1 : i32
        %sub3A_3158 = arith.subi %div3A_3137, %sub3A_3157 : i32
        %select_n3A_3159 = arith.select %and3A_3156, %sub3A_3158, %div3A_3137 : i32
        %mul3A_3160 = arith.constant 128 : i32
        %mul3A_3161 = arith.muli %select_n3A_3159, %mul3A_3160 : i32
        %multiple_of3A_3162 = tpu.assume_multiple %mul3A_3161, 128 : i32
        %multiple_of3A_3163 = arith.constant 128 : i32
        %multiple_of3A_3164 = tpu.assume_multiple %multiple_of3A_3163, 128 : i32
        %multiple_of3A_3165 = arith.constant 0 : i32
        %multiple_of3A_3166 = tpu.assume_multiple %multiple_of3A_3165, 8 : i32
        %dma_start3A_3167 = tpu.memref_slice %arg9[%multiple_of3A_3166, %multiple_of3A_3164] : memref<16x2048xf32, #tpu.memory_space<vmem>> -> memref<8x128xf32, #tpu.memory_space<vmem>>
        %dma_start3A_3168 = tpu.memref_slice %arg4[%multiple_of3A_3166, %multiple_of3A_3133] : memref<16x1000000xf32, #tpu.memory_space<hbm>> -> memref<8x128xf32, #tpu.memory_space<hbm>>
        %dma_start3A_3169 = tpu.memref_slice %arg9[%multiple_of3A_3166, %multiple_of3A_3164] : memref<16x2048xf32, #tpu.memory_space<vmem>> -> memref<8x128xf32, #tpu.memory_space<vmem>>
        %dma_start3A_3170 = tpu.memref_slice %arg4[%multiple_of3A_3166, %multiple_of3A_3133] : memref<16x1000000xf32, #tpu.memory_space<hbm>> -> memref<8x128xf32, #tpu.memory_space<hbm>>
        tpu.enqueue_dma source(%dma_start3A_3170 : memref<8x128xf32, #tpu.memory_space<hbm>>) target(%dma_start3A_3169 : memref<8x128xf32, #tpu.memory_space<vmem>>) target_semaphore(%arg14 : memref<!tpu.dma_semaphore, #tpu.memory_space<semaphore_mem>>)
        %dma_start3A_3171 = tpu.memref_slice %arg10[%multiple_of3A_3166, %multiple_of3A_3164] : memref<16x2048xf32, #tpu.memory_space<vmem>> -> memref<8x128xf32, #tpu.memory_space<vmem>>
        %dma_start3A_3172 = tpu.memref_slice %arg5[%multiple_of3A_3166, %multiple_of3A_3162] : memref<16x1000000xf32, #tpu.memory_space<hbm>> -> memref<8x128xf32, #tpu.memory_space<hbm>>
        %dma_start3A_3173 = tpu.memref_slice %arg10[%multiple_of3A_3166, %multiple_of3A_3164] : memref<16x2048xf32, #tpu.memory_space<vmem>> -> memref<8x128xf32, #tpu.memory_space<vmem>>
        %dma_start3A_3174 = tpu.memref_slice %arg5[%multiple_of3A_3166, %multiple_of3A_3162] : memref<16x1000000xf32, #tpu.memory_space<hbm>> -> memref<8x128xf32, #tpu.memory_space<hbm>>
        tpu.enqueue_dma source(%dma_start3A_3174 : memref<8x128xf32, #tpu.memory_space<hbm>>) target(%dma_start3A_3173 : memref<8x128xf32, #tpu.memory_space<vmem>>) target_semaphore(%arg16 : memref<!tpu.dma_semaphore, #tpu.memory_space<semaphore_mem>>)
        %multiple_of3A_3175 = arith.constant 8 : i32
        %multiple_of3A_3176 = tpu.assume_multiple %multiple_of3A_3175, 8 : i32
        %dma_start3A_3177 = tpu.memref_slice %arg9[%multiple_of3A_3176, %multiple_of3A_3164] : memref<16x2048xf32, #tpu.memory_space<vmem>> -> memref<8x128xf32, #tpu.memory_space<vmem>>
        %dma_start3A_3178 = tpu.memref_slice %arg4[%multiple_of3A_3176, %multiple_of3A_3133] : memref<16x1000000xf32, #tpu.memory_space<hbm>> -> memref<8x128xf32, #tpu.memory_space<hbm>>
        %dma_start3A_3179 = tpu.memref_slice %arg9[%multiple_of3A_3176, %multiple_of3A_3164] : memref<16x2048xf32, #tpu.memory_space<vmem>> -> memref<8x128xf32, #tpu.memory_space<vmem>>
        %dma_start3A_3180 = tpu.memref_slice %arg4[%multiple_of3A_3176, %multiple_of3A_3133] : memref<16x1000000xf32, #tpu.memory_space<hbm>> -> memref<8x128xf32, #tpu.memory_space<hbm>>
        tpu.enqueue_dma source(%dma_start3A_3180 : memref<8x128xf32, #tpu.memory_space<hbm>>) target(%dma_start3A_3179 : memref<8x128xf32, #tpu.memory_space<vmem>>) target_semaphore(%arg14 : memref<!tpu.dma_semaphore, #tpu.memory_space<semaphore_mem>>)
        %dma_start3A_3181 = tpu.memref_slice %arg10[%multiple_of3A_3176, %multiple_of3A_3164] : memref<16x2048xf32, #tpu.memory_space<vmem>> -> memref<8x128xf32, #tpu.memory_space<vmem>>
        %dma_start3A_3182 = tpu.memref_slice %arg5[%multiple_of3A_3176, %multiple_of3A_3162] : memref<16x1000000xf32, #tpu.memory_space<hbm>> -> memref<8x128xf32, #tpu.memory_space<hbm>>
        %dma_start3A_3183 = tpu.memref_slice %arg10[%multiple_of3A_3176, %multiple_of3A_3164] : memref<16x2048xf32, #tpu.memory_space<vmem>> -> memref<8x128xf32, #tpu.memory_space<vmem>>
        %dma_start3A_3184 = tpu.memref_slice %arg5[%multiple_of3A_3176, %multiple_of3A_3162] : memref<16x1000000xf32, #tpu.memory_space<hbm>> -> memref<8x128xf32, #tpu.memory_space<hbm>>
        tpu.enqueue_dma source(%dma_start3A_3184 : memref<8x128xf32, #tpu.memory_space<hbm>>) target(%dma_start3A_3183 : memref<8x128xf32, #tpu.memory_space<vmem>>) target_semaphore(%arg16 : memref<!tpu.dma_semaphore, #tpu.memory_space<semaphore_mem>>)
        %slice3A_3185 = vector.extract_strided_slice %get3A_2161 {offsets = [2], sizes = [1], strides = [1]} : vector<16xi32> to vector<1xi32>
        %squeeze3A_3186 = vector.extract %slice3A_3185[0] : i32 from vector<1xi32>
        %jit3A_3187 = arith.constant 128 : i32
        %div3A_3188 = arith.divsi %squeeze3A_3186, %jit3A_3187 : i32
        %sign3A_3189 = arith.constant 0 : i32
        %sign3A_3190 = arith.cmpi sgt, %squeeze3A_3186, %sign3A_3189 : i32
        %sign3A_3191 = arith.extui %sign3A_3190 : i1 to i32
        %sign3A_3192 = arith.constant 0 : i32
        %sign3A_3193 = arith.cmpi slt, %squeeze3A_3186, %sign3A_3192 : i32
        %sign3A_3194 = arith.extui %sign3A_3193 : i1 to i32
        %sign3A_3195 = arith.subi %sign3A_3191, %sign3A_3194 : i32
        %sign3A_3196 = arith.constant 0 : i32
        %sign3A_3197 = arith.cmpi sgt, %jit3A_3187, %sign3A_3196 : i32
        %sign3A_3198 = arith.extui %sign3A_3197 : i1 to i32
        %sign3A_3199 = arith.constant 0 : i32
        %sign3A_3200 = arith.cmpi slt, %jit3A_3187, %sign3A_3199 : i32
        %sign3A_3201 = arith.extui %sign3A_3200 : i1 to i32
        %sign3A_3202 = arith.subi %sign3A_3198, %sign3A_3201 : i32
        %ne3A_3203 = arith.cmpi ne, %sign3A_3195, %sign3A_3202 : i32
        %rem3A_3204 = arith.remsi %squeeze3A_3186, %jit3A_3187 : i32
        %ne3A_3205 = arith.constant 0 : i32
        %ne3A_3206 = arith.cmpi ne, %rem3A_3204, %ne3A_3205 : i32
        %and3A_3207 = arith.andi %ne3A_3203, %ne3A_3206 : i1
        %sub3A_3208 = arith.constant 1 : i32
        %sub3A_3209 = arith.subi %div3A_3188, %sub3A_3208 : i32
        %select_n3A_3210 = arith.select %and3A_3207, %sub3A_3209, %div3A_3188 : i32
        %mul3A_3211 = arith.constant 128 : i32
        %mul3A_3212 = arith.muli %select_n3A_3210, %mul3A_3211 : i32
        %multiple_of3A_3213 = tpu.assume_multiple %mul3A_3212, 128 : i32
        %slice3A_3214 = vector.extract_strided_slice %get3A_2163 {offsets = [2], sizes = [1], strides = [1]} : vector<16xi32> to vector<1xi32>
        %squeeze3A_3215 = vector.extract %slice3A_3214[0] : i32 from vector<1xi32>
        %jit3A_3216 = arith.constant 128 : i32
        %div3A_3217 = arith.divsi %squeeze3A_3215, %jit3A_3216 : i32
        %sign3A_3218 = arith.constant 0 : i32
        %sign3A_3219 = arith.cmpi sgt, %squeeze3A_3215, %sign3A_3218 : i32
        %sign3A_3220 = arith.extui %sign3A_3219 : i1 to i32
        %sign3A_3221 = arith.constant 0 : i32
        %sign3A_3222 = arith.cmpi slt, %squeeze3A_3215, %sign3A_3221 : i32
        %sign3A_3223 = arith.extui %sign3A_3222 : i1 to i32
        %sign3A_3224 = arith.subi %sign3A_3220, %sign3A_3223 : i32
        %sign3A_3225 = arith.constant 0 : i32
        %sign3A_3226 = arith.cmpi sgt, %jit3A_3216, %sign3A_3225 : i32
        %sign3A_3227 = arith.extui %sign3A_3226 : i1 to i32
        %sign3A_3228 = arith.constant 0 : i32
        %sign3A_3229 = arith.cmpi slt, %jit3A_3216, %sign3A_3228 : i32
        %sign3A_3230 = arith.extui %sign3A_3229 : i1 to i32
        %sign3A_3231 = arith.subi %sign3A_3227, %sign3A_3230 : i32
        %ne3A_3232 = arith.cmpi ne, %sign3A_3224, %sign3A_3231 : i32
        %rem3A_3233 = arith.remsi %squeeze3A_3215, %jit3A_3216 : i32
        %ne3A_3234 = arith.constant 0 : i32
        %ne3A_3235 = arith.cmpi ne, %rem3A_3233, %ne3A_3234 : i32
        %and3A_3236 = arith.andi %ne3A_3232, %ne3A_3235 : i1
        %sub3A_3237 = arith.constant 1 : i32
        %sub3A_3238 = arith.subi %div3A_3217, %sub3A_3237 : i32
        %select_n3A_3239 = arith.select %and3A_3236, %sub3A_3238, %div3A_3217 : i32
        %mul3A_3240 = arith.constant 128 : i32
        %mul3A_3241 = arith.muli %select_n3A_3239, %mul3A_3240 : i32
        %multiple_of3A_3242 = tpu.assume_multiple %mul3A_3241, 128 : i32
        %multiple_of3A_3243 = arith.constant 256 : i32
        %multiple_of3A_3244 = tpu.assume_multiple %multiple_of3A_3243, 128 : i32
        %multiple_of3A_3245 = arith.constant 0 : i32
        %multiple_of3A_3246 = tpu.assume_multiple %multiple_of3A_3245, 8 : i32
        %dma_start3A_3247 = tpu.memref_slice %arg9[%multiple_of3A_3246, %multiple_of3A_3244] : memref<16x2048xf32, #tpu.memory_space<vmem>> -> memref<8x128xf32, #tpu.memory_space<vmem>>
        %dma_start3A_3248 = tpu.memref_slice %arg4[%multiple_of3A_3246, %multiple_of3A_3213] : memref<16x1000000xf32, #tpu.memory_space<hbm>> -> memref<8x128xf32, #tpu.memory_space<hbm>>
        %dma_start3A_3249 = tpu.memref_slice %arg9[%multiple_of3A_3246, %multiple_of3A_3244] : memref<16x2048xf32, #tpu.memory_space<vmem>> -> memref<8x128xf32, #tpu.memory_space<vmem>>
        %dma_start3A_3250 = tpu.memref_slice %arg4[%multiple_of3A_3246, %multiple_of3A_3213] : memref<16x1000000xf32, #tpu.memory_space<hbm>> -> memref<8x128xf32, #tpu.memory_space<hbm>>
        tpu.enqueue_dma source(%dma_start3A_3250 : memref<8x128xf32, #tpu.memory_space<hbm>>) target(%dma_start3A_3249 : memref<8x128xf32, #tpu.memory_space<vmem>>) target_semaphore(%arg14 : memref<!tpu.dma_semaphore, #tpu.memory_space<semaphore_mem>>)
        %dma_start3A_3251 = tpu.memref_slice %arg10[%multiple_of3A_3246, %multiple_of3A_3244] : memref<16x2048xf32, #tpu.memory_space<vmem>> -> memref<8x128xf32, #tpu.memory_space<vmem>>
        %dma_start3A_3252 = tpu.memref_slice %arg5[%multiple_of3A_3246, %multiple_of3A_3242] : memref<16x1000000xf32, #tpu.memory_space<hbm>> -> memref<8x128xf32, #tpu.memory_space<hbm>>
        %dma_start3A_3253 = tpu.memref_slice %arg10[%multiple_of3A_3246, %multiple_of3A_3244] : memref<16x2048xf32, #tpu.memory_space<vmem>> -> memref<8x128xf32, #tpu.memory_space<vmem>>
        %dma_start3A_3254 = tpu.memref_slice %arg5[%multiple_of3A_3246, %multiple_of3A_3242] : memref<16x1000000xf32, #tpu.memory_space<hbm>> -> memref<8x128xf32, #tpu.memory_space<hbm>>
        tpu.enqueue_dma source(%dma_start3A_3254 : memref<8x128xf32, #tpu.memory_space<hbm>>) target(%dma_start3A_3253 : memref<8x128xf32, #tpu.memory_space<vmem>>) target_semaphore(%arg16 : memref<!tpu.dma_semaphore, #tpu.memory_space<semaphore_mem>>)
        %multiple_of3A_3255 = arith.constant 8 : i32
        %multiple_of3A_3256 = tpu.assume_multiple %multiple_of3A_3255, 8 : i32
        %dma_start3A_3257 = tpu.memref_slice %arg9[%multiple_of3A_3256, %multiple_of3A_3244] : memref<16x2048xf32, #tpu.memory_space<vmem>> -> memref<8x128xf32, #tpu.memory_space<vmem>>
        %dma_start3A_3258 = tpu.memref_slice %arg4[%multiple_of3A_3256, %multiple_of3A_3213] : memref<16x1000000xf32, #tpu.memory_space<hbm>> -> memref<8x128xf32, #tpu.memory_space<hbm>>
        %dma_start3A_3259 = tpu.memref_slice %arg9[%multiple_of3A_3256, %multiple_of3A_3244] : memref<16x2048xf32, #tpu.memory_space<vmem>> -> memref<8x128xf32, #tpu.memory_space<vmem>>
        %dma_start3A_3260 = tpu.memref_slice %arg4[%multiple_of3A_3256, %multiple_of3A_3213] : memref<16x1000000xf32, #tpu.memory_space<hbm>> -> memref<8x128xf32, #tpu.memory_space<hbm>>
        tpu.enqueue_dma source(%dma_start3A_3260 : memref<8x128xf32, #tpu.memory_space<hbm>>) target(%dma_start3A_3259 : memref<8x128xf32, #tpu.memory_space<vmem>>) target_semaphore(%arg14 : memref<!tpu.dma_semaphore, #tpu.memory_space<semaphore_mem>>)
        %dma_start3A_3261 = tpu.memref_slice %arg10[%multiple_of3A_3256, %multiple_of3A_3244] : memref<16x2048xf32, #tpu.memory_space<vmem>> -> memref<8x128xf32, #tpu.memory_space<vmem>>
        %dma_start3A_3262 = tpu.memref_slice %arg5[%multiple_of3A_3256, %multiple_of3A_3242] : memref<16x1000000xf32, #tpu.memory_space<hbm>> -> memref<8x128xf32, #tpu.memory_space<hbm>>
        %dma_start3A_3263 = tpu.memref_slice %arg10[%multiple_of3A_3256, %multiple_of3A_3244] : memref<16x2048xf32, #tpu.memory_space<vmem>> -> memref<8x128xf32, #tpu.memory_space<vmem>>
        %dma_start3A_3264 = tpu.memref_slice %arg5[%multiple_of3A_3256, %multiple_of3A_3242] : memref<16x1000000xf32, #tpu.memory_space<hbm>> -> memref<8x128xf32, #tpu.memory_space<hbm>>
        tpu.enqueue_dma source(%dma_start3A_3264 : memref<8x128xf32, #tpu.memory_space<hbm>>) target(%dma_start3A_3263 : memref<8x128xf32, #tpu.memory_space<vmem>>) target_semaphore(%arg16 : memref<!tpu.dma_semaphore, #tpu.memory_space<semaphore_mem>>)
        %slice3A_3265 = vector.extract_strided_slice %get3A_2161 {offsets = [3], sizes = [1], strides = [1]} : vector<16xi32> to vector<1xi32>
        %squeeze3A_3266 = vector.extract %slice3A_3265[0] : i32 from vector<1xi32>
        %jit3A_3267 = arith.constant 128 : i32
        %div3A_3268 = arith.divsi %squeeze3A_3266, %jit3A_3267 : i32
        %sign3A_3269 = arith.constant 0 : i32
        %sign3A_3270 = arith.cmpi sgt, %squeeze3A_3266, %sign3A_3269 : i32
        %sign3A_3271 = arith.extui %sign3A_3270 : i1 to i32
        %sign3A_3272 = arith.constant 0 : i32
        %sign3A_3273 = arith.cmpi slt, %squeeze3A_3266, %sign3A_3272 : i32
        %sign3A_3274 = arith.extui %sign3A_3273 : i1 to i32
        %sign3A_3275 = arith.subi %sign3A_3271, %sign3A_3274 : i32
        %sign3A_3276 = arith.constant 0 : i32
        %sign3A_3277 = arith.cmpi sgt, %jit3A_3267, %sign3A_3276 : i32
        %sign3A_3278 = arith.extui %sign3A_3277 : i1 to i32
        %sign3A_3279 = arith.constant 0 : i32
        %sign3A_3280 = arith.cmpi slt, %jit3A_3267, %sign3A_3279 : i32
        %sign3A_3281 = arith.extui %sign3A_3280 : i1 to i32
        %sign3A_3282 = arith.subi %sign3A_3278, %sign3A_3281 : i32
        %ne3A_3283 = arith.cmpi ne, %sign3A_3275, %sign3A_3282 : i32
        %rem3A_3284 = arith.remsi %squeeze3A_3266, %jit3A_3267 : i32
        %ne3A_3285 = arith.constant 0 : i32
        %ne3A_3286 = arith.cmpi ne, %rem3A_3284, %ne3A_3285 : i32
        %and3A_3287 = arith.andi %ne3A_3283, %ne3A_3286 : i1
        %sub3A_3288 = arith.constant 1 : i32
        %sub3A_3289 = arith.subi %div3A_3268, %sub3A_3288 : i32
        %select_n3A_3290 = arith.select %and3A_3287, %sub3A_3289, %div3A_3268 : i32
        %mul3A_3291 = arith.constant 128 : i32
        %mul3A_3292 = arith.muli %select_n3A_3290, %mul3A_3291 : i32
        %multiple_of3A_3293 = tpu.assume_multiple %mul3A_3292, 128 : i32
        %slice3A_3294 = vector.extract_strided_slice %get3A_2163 {offsets = [3], sizes = [1], strides = [1]} : vector<16xi32> to vector<1xi32>
        %squeeze3A_3295 = vector.extract %slice3A_3294[0] : i32 from vector<1xi32>
        %jit3A_3296 = arith.constant 128 : i32
        %div3A_3297 = arith.divsi %squeeze3A_3295, %jit3A_3296 : i32
        %sign3A_3298 = arith.constant 0 : i32
        %sign3A_3299 = arith.cmpi sgt, %squeeze3A_3295, %sign3A_3298 : i32
        %sign3A_3300 = arith.extui %sign3A_3299 : i1 to i32
        %sign3A_3301 = arith.constant 0 : i32
        %sign3A_3302 = arith.cmpi slt, %squeeze3A_3295, %sign3A_3301 : i32
        %sign3A_3303 = arith.extui %sign3A_3302 : i1 to i32
        %sign3A_3304 = arith.subi %sign3A_3300, %sign3A_3303 : i32
        %sign3A_3305 = arith.constant 0 : i32
        %sign3A_3306 = arith.cmpi sgt, %jit3A_3296, %sign3A_3305 : i32
        %sign3A_3307 = arith.extui %sign3A_3306 : i1 to i32
        %sign3A_3308 = arith.constant 0 : i32
        %sign3A_3309 = arith.cmpi slt, %jit3A_3296, %sign3A_3308 : i32
        %sign3A_3310 = arith.extui %sign3A_3309 : i1 to i32
        %sign3A_3311 = arith.subi %sign3A_3307, %sign3A_3310 : i32
        %ne3A_3312 = arith.cmpi ne, %sign3A_3304, %sign3A_3311 : i32
        %rem3A_3313 = arith.remsi %squeeze3A_3295, %jit3A_3296 : i32
        %ne3A_3314 = arith.constant 0 : i32
        %ne3A_3315 = arith.cmpi ne, %rem3A_3313, %ne3A_3314 : i32
        %and3A_3316 = arith.andi %ne3A_3312, %ne3A_3315 : i1
        %sub3A_3317 = arith.constant 1 : i32
        %sub3A_3318 = arith.subi %div3A_3297, %sub3A_3317 : i32
        %select_n3A_3319 = arith.select %and3A_3316, %sub3A_3318, %div3A_3297 : i32
        %mul3A_3320 = arith.constant 128 : i32
        %mul3A_3321 = arith.muli %select_n3A_3319, %mul3A_3320 : i32
        %multiple_of3A_3322 = tpu.assume_multiple %mul3A_3321, 128 : i32
        %multiple_of3A_3323 = arith.constant 384 : i32
        %multiple_of3A_3324 = tpu.assume_multiple %multiple_of3A_3323, 128 : i32
        %multiple_of3A_3325 = arith.constant 0 : i32
        %multiple_of3A_3326 = tpu.assume_multiple %multiple_of3A_3325, 8 : i32
        %dma_start3A_3327 = tpu.memref_slice %arg9[%multiple_of3A_3326, %multiple_of3A_3324] : memref<16x2048xf32, #tpu.memory_space<vmem>> -> memref<8x128xf32, #tpu.memory_space<vmem>>
        %dma_start3A_3328 = tpu.memref_slice %arg4[%multiple_of3A_3326, %multiple_of3A_3293] : memref<16x1000000xf32, #tpu.memory_space<hbm>> -> memref<8x128xf32, #tpu.memory_space<hbm>>
        %dma_start3A_3329 = tpu.memref_slice %arg9[%multiple_of3A_3326, %multiple_of3A_3324] : memref<16x2048xf32, #tpu.memory_space<vmem>> -> memref<8x128xf32, #tpu.memory_space<vmem>>
        %dma_start3A_3330 = tpu.memref_slice %arg4[%multiple_of3A_3326, %multiple_of3A_3293] : memref<16x1000000xf32, #tpu.memory_space<hbm>> -> memref<8x128xf32, #tpu.memory_space<hbm>>
        tpu.enqueue_dma source(%dma_start3A_3330 : memref<8x128xf32, #tpu.memory_space<hbm>>) target(%dma_start3A_3329 : memref<8x128xf32, #tpu.memory_space<vmem>>) target_semaphore(%arg14 : memref<!tpu.dma_semaphore, #tpu.memory_space<semaphore_mem>>)
        %dma_start3A_3331 = tpu.memref_slice %arg10[%multiple_of3A_3326, %multiple_of3A_3324] : memref<16x2048xf32, #tpu.memory_space<vmem>> -> memref<8x128xf32, #tpu.memory_space<vmem>>
        %dma_start3A_3332 = tpu.memref_slice %arg5[%multiple_of3A_3326, %multiple_of3A_3322] : memref<16x1000000xf32, #tpu.memory_space<hbm>> -> memref<8x128xf32, #tpu.memory_space<hbm>>
        %dma_start3A_3333 = tpu.memref_slice %arg10[%multiple_of3A_3326, %multiple_of3A_3324] : memref<16x2048xf32, #tpu.memory_space<vmem>> -> memref<8x128xf32, #tpu.memory_space<vmem>>
        %dma_start3A_3334 = tpu.memref_slice %arg5[%multiple_of3A_3326, %multiple_of3A_3322] : memref<16x1000000xf32, #tpu.memory_space<hbm>> -> memref<8x128xf32, #tpu.memory_space<hbm>>
        tpu.enqueue_dma source(%dma_start3A_3334 : memref<8x128xf32, #tpu.memory_space<hbm>>) target(%dma_start3A_3333 : memref<8x128xf32, #tpu.memory_space<vmem>>) target_semaphore(%arg16 : memref<!tpu.dma_semaphore, #tpu.memory_space<semaphore_mem>>)
        %multiple_of3A_3335 = arith.constant 8 : i32
        %multiple_of3A_3336 = tpu.assume_multiple %multiple_of3A_3335, 8 : i32
        %dma_start3A_3337 = tpu.memref_slice %arg9[%multiple_of3A_3336, %multiple_of3A_3324] : memref<16x2048xf32, #tpu.memory_space<vmem>> -> memref<8x128xf32, #tpu.memory_space<vmem>>
        %dma_start3A_3338 = tpu.memref_slice %arg4[%multiple_of3A_3336, %multiple_of3A_3293] : memref<16x1000000xf32, #tpu.memory_space<hbm>> -> memref<8x128xf32, #tpu.memory_space<hbm>>
        %dma_start3A_3339 = tpu.memref_slice %arg9[%multiple_of3A_3336, %multiple_of3A_3324] : memref<16x2048xf32, #tpu.memory_space<vmem>> -> memref<8x128xf32, #tpu.memory_space<vmem>>
        %dma_start3A_3340 = tpu.memref_slice %arg4[%multiple_of3A_3336, %multiple_of3A_3293] : memref<16x1000000xf32, #tpu.memory_space<hbm>> -> memref<8x128xf32, #tpu.memory_space<hbm>>
        tpu.enqueue_dma source(%dma_start3A_3340 : memref<8x128xf32, #tpu.memory_space<hbm>>) target(%dma_start3A_3339 : memref<8x128xf32, #tpu.memory_space<vmem>>) target_semaphore(%arg14 : memref<!tpu.dma_semaphore, #tpu.memory_space<semaphore_mem>>)
        %dma_start3A_3341 = tpu.memref_slice %arg10[%multiple_of3A_3336, %multiple_of3A_3324] : memref<16x2048xf32, #tpu.memory_space<vmem>> -> memref<8x128xf32, #tpu.memory_space<vmem>>
        %dma_start3A_3342 = tpu.memref_slice %arg5[%multiple_of3A_3336, %multiple_of3A_3322] : memref<16x1000000xf32, #tpu.memory_space<hbm>> -> memref<8x128xf32, #tpu.memory_space<hbm>>
        %dma_start3A_3343 = tpu.memref_slice %arg10[%multiple_of3A_3336, %multiple_of3A_3324] : memref<16x2048xf32, #tpu.memory_space<vmem>> -> memref<8x128xf32, #tpu.memory_space<vmem>>
        %dma_start3A_3344 = tpu.memref_slice %arg5[%multiple_of3A_3336, %multiple_of3A_3322] : memref<16x1000000xf32, #tpu.memory_space<hbm>> -> memref<8x128xf32, #tpu.memory_space<hbm>>
        tpu.enqueue_dma source(%dma_start3A_3344 : memref<8x128xf32, #tpu.memory_space<hbm>>) target(%dma_start3A_3343 : memref<8x128xf32, #tpu.memory_space<vmem>>) target_semaphore(%arg16 : memref<!tpu.dma_semaphore, #tpu.memory_space<semaphore_mem>>)
        %slice3A_3345 = vector.extract_strided_slice %get3A_2161 {offsets = [4], sizes = [1], strides = [1]} : vector<16xi32> to vector<1xi32>
        %squeeze3A_3346 = vector.extract %slice3A_3345[0] : i32 from vector<1xi32>
        %jit3A_3347 = arith.constant 128 : i32
        %div3A_3348 = arith.divsi %squeeze3A_3346, %jit3A_3347 : i32
        %sign3A_3349 = arith.constant 0 : i32
        %sign3A_3350 = arith.cmpi sgt, %squeeze3A_3346, %sign3A_3349 : i32
        %sign3A_3351 = arith.extui %sign3A_3350 : i1 to i32
        %sign3A_3352 = arith.constant 0 : i32
        %sign3A_3353 = arith.cmpi slt, %squeeze3A_3346, %sign3A_3352 : i32
        %sign3A_3354 = arith.extui %sign3A_3353 : i1 to i32
        %sign3A_3355 = arith.subi %sign3A_3351, %sign3A_3354 : i32
        %sign3A_3356 = arith.constant 0 : i32
        %sign3A_3357 = arith.cmpi sgt, %jit3A_3347, %sign3A_3356 : i32
        %sign3A_3358 = arith.extui %sign3A_3357 : i1 to i32
        %sign3A_3359 = arith.constant 0 : i32
        %sign3A_3360 = arith.cmpi slt, %jit3A_3347, %sign3A_3359 : i32
        %sign3A_3361 = arith.extui %sign3A_3360 : i1 to i32
        %sign3A_3362 = arith.subi %sign3A_3358, %sign3A_3361 : i32
        %ne3A_3363 = arith.cmpi ne, %sign3A_3355, %sign3A_3362 : i32
        %rem3A_3364 = arith.remsi %squeeze3A_3346, %jit3A_3347 : i32
        %ne3A_3365 = arith.constant 0 : i32
        %ne3A_3366 = arith.cmpi ne, %rem3A_3364, %ne3A_3365 : i32
        %and3A_3367 = arith.andi %ne3A_3363, %ne3A_3366 : i1
        %sub3A_3368 = arith.constant 1 : i32
        %sub3A_3369 = arith.subi %div3A_3348, %sub3A_3368 : i32
        %select_n3A_3370 = arith.select %and3A_3367, %sub3A_3369, %div3A_3348 : i32
        %mul3A_3371 = arith.constant 128 : i32
        %mul3A_3372 = arith.muli %select_n3A_3370, %mul3A_3371 : i32
        %multiple_of3A_3373 = tpu.assume_multiple %mul3A_3372, 128 : i32
        %slice3A_3374 = vector.extract_strided_slice %get3A_2163 {offsets = [4], sizes = [1], strides = [1]} : vector<16xi32> to vector<1xi32>
        %squeeze3A_3375 = vector.extract %slice3A_3374[0] : i32 from vector<1xi32>
        %jit3A_3376 = arith.constant 128 : i32
        %div3A_3377 = arith.divsi %squeeze3A_3375, %jit3A_3376 : i32
        %sign3A_3378 = arith.constant 0 : i32
        %sign3A_3379 = arith.cmpi sgt, %squeeze3A_3375, %sign3A_3378 : i32
        %sign3A_3380 = arith.extui %sign3A_3379 : i1 to i32
        %sign3A_3381 = arith.constant 0 : i32
        %sign3A_3382 = arith.cmpi slt, %squeeze3A_3375, %sign3A_3381 : i32
        %sign3A_3383 = arith.extui %sign3A_3382 : i1 to i32
        %sign3A_3384 = arith.subi %sign3A_3380, %sign3A_3383 : i32
        %sign3A_3385 = arith.constant 0 : i32
        %sign3A_3386 = arith.cmpi sgt, %jit3A_3376, %sign3A_3385 : i32
        %sign3A_3387 = arith.extui %sign3A_3386 : i1 to i32
        %sign3A_3388 = arith.constant 0 : i32
        %sign3A_3389 = arith.cmpi slt, %jit3A_3376, %sign3A_3388 : i32
        %sign3A_3390 = arith.extui %sign3A_3389 : i1 to i32
        %sign3A_3391 = arith.subi %sign3A_3387, %sign3A_3390 : i32
        %ne3A_3392 = arith.cmpi ne, %sign3A_3384, %sign3A_3391 : i32
        %rem3A_3393 = arith.remsi %squeeze3A_3375, %jit3A_3376 : i32
        %ne3A_3394 = arith.constant 0 : i32
        %ne3A_3395 = arith.cmpi ne, %rem3A_3393, %ne3A_3394 : i32
        %and3A_3396 = arith.andi %ne3A_3392, %ne3A_3395 : i1
        %sub3A_3397 = arith.constant 1 : i32
        %sub3A_3398 = arith.subi %div3A_3377, %sub3A_3397 : i32
        %select_n3A_3399 = arith.select %and3A_3396, %sub3A_3398, %div3A_3377 : i32
        %mul3A_3400 = arith.constant 128 : i32
        %mul3A_3401 = arith.muli %select_n3A_3399, %mul3A_3400 : i32
        %multiple_of3A_3402 = tpu.assume_multiple %mul3A_3401, 128 : i32
        %multiple_of3A_3403 = arith.constant 512 : i32
        %multiple_of3A_3404 = tpu.assume_multiple %multiple_of3A_3403, 128 : i32
        %multiple_of3A_3405 = arith.constant 0 : i32
        %multiple_of3A_3406 = tpu.assume_multiple %multiple_of3A_3405, 8 : i32
        %dma_start3A_3407 = tpu.memref_slice %arg9[%multiple_of3A_3406, %multiple_of3A_3404] : memref<16x2048xf32, #tpu.memory_space<vmem>> -> memref<8x128xf32, #tpu.memory_space<vmem>>
        %dma_start3A_3408 = tpu.memref_slice %arg4[%multiple_of3A_3406, %multiple_of3A_3373] : memref<16x1000000xf32, #tpu.memory_space<hbm>> -> memref<8x128xf32, #tpu.memory_space<hbm>>
        %dma_start3A_3409 = tpu.memref_slice %arg9[%multiple_of3A_3406, %multiple_of3A_3404] : memref<16x2048xf32, #tpu.memory_space<vmem>> -> memref<8x128xf32, #tpu.memory_space<vmem>>
        %dma_start3A_3410 = tpu.memref_slice %arg4[%multiple_of3A_3406, %multiple_of3A_3373] : memref<16x1000000xf32, #tpu.memory_space<hbm>> -> memref<8x128xf32, #tpu.memory_space<hbm>>
        tpu.enqueue_dma source(%dma_start3A_3410 : memref<8x128xf32, #tpu.memory_space<hbm>>) target(%dma_start3A_3409 : memref<8x128xf32, #tpu.memory_space<vmem>>) target_semaphore(%arg14 : memref<!tpu.dma_semaphore, #tpu.memory_space<semaphore_mem>>)
        %dma_start3A_3411 = tpu.memref_slice %arg10[%multiple_of3A_3406, %multiple_of3A_3404] : memref<16x2048xf32, #tpu.memory_space<vmem>> -> memref<8x128xf32, #tpu.memory_space<vmem>>
        %dma_start3A_3412 = tpu.memref_slice %arg5[%multiple_of3A_3406, %multiple_of3A_3402] : memref<16x1000000xf32, #tpu.memory_space<hbm>> -> memref<8x128xf32, #tpu.memory_space<hbm>>
        %dma_start3A_3413 = tpu.memref_slice %arg10[%multiple_of3A_3406, %multiple_of3A_3404] : memref<16x2048xf32, #tpu.memory_space<vmem>> -> memref<8x128xf32, #tpu.memory_space<vmem>>
        %dma_start3A_3414 = tpu.memref_slice %arg5[%multiple_of3A_3406, %multiple_of3A_3402] : memref<16x1000000xf32, #tpu.memory_space<hbm>> -> memref<8x128xf32, #tpu.memory_space<hbm>>
        tpu.enqueue_dma source(%dma_start3A_3414 : memref<8x128xf32, #tpu.memory_space<hbm>>) target(%dma_start3A_3413 : memref<8x128xf32, #tpu.memory_space<vmem>>) target_semaphore(%arg16 : memref<!tpu.dma_semaphore, #tpu.memory_space<semaphore_mem>>)
        %multiple_of3A_3415 = arith.constant 8 : i32
        %multiple_of3A_3416 = tpu.assume_multiple %multiple_of3A_3415, 8 : i32
        %dma_start3A_3417 = tpu.memref_slice %arg9[%multiple_of3A_3416, %multiple_of3A_3404] : memref<16x2048xf32, #tpu.memory_space<vmem>> -> memref<8x128xf32, #tpu.memory_space<vmem>>
        %dma_start3A_3418 = tpu.memref_slice %arg4[%multiple_of3A_3416, %multiple_of3A_3373] : memref<16x1000000xf32, #tpu.memory_space<hbm>> -> memref<8x128xf32, #tpu.memory_space<hbm>>
        %dma_start3A_3419 = tpu.memref_slice %arg9[%multiple_of3A_3416, %multiple_of3A_3404] : memref<16x2048xf32, #tpu.memory_space<vmem>> -> memref<8x128xf32, #tpu.memory_space<vmem>>
        %dma_start3A_3420 = tpu.memref_slice %arg4[%multiple_of3A_3416, %multiple_of3A_3373] : memref<16x1000000xf32, #tpu.memory_space<hbm>> -> memref<8x128xf32, #tpu.memory_space<hbm>>
        tpu.enqueue_dma source(%dma_start3A_3420 : memref<8x128xf32, #tpu.memory_space<hbm>>) target(%dma_start3A_3419 : memref<8x128xf32, #tpu.memory_space<vmem>>) target_semaphore(%arg14 : memref<!tpu.dma_semaphore, #tpu.memory_space<semaphore_mem>>)
        %dma_start3A_3421 = tpu.memref_slice %arg10[%multiple_of3A_3416, %multiple_of3A_3404] : memref<16x2048xf32, #tpu.memory_space<vmem>> -> memref<8x128xf32, #tpu.memory_space<vmem>>
        %dma_start3A_3422 = tpu.memref_slice %arg5[%multiple_of3A_3416, %multiple_of3A_3402] : memref<16x1000000xf32, #tpu.memory_space<hbm>> -> memref<8x128xf32, #tpu.memory_space<hbm>>
        %dma_start3A_3423 = tpu.memref_slice %arg10[%multiple_of3A_3416, %multiple_of3A_3404] : memref<16x2048xf32, #tpu.memory_space<vmem>> -> memref<8x128xf32, #tpu.memory_space<vmem>>
        %dma_start3A_3424 = tpu.memref_slice %arg5[%multiple_of3A_3416, %multiple_of3A_3402] : memref<16x1000000xf32, #tpu.memory_space<hbm>> -> memref<8x128xf32, #tpu.memory_space<hbm>>
        tpu.enqueue_dma source(%dma_start3A_3424 : memref<8x128xf32, #tpu.memory_space<hbm>>) target(%dma_start3A_3423 : memref<8x128xf32, #tpu.memory_space<vmem>>) target_semaphore(%arg16 : memref<!tpu.dma_semaphore, #tpu.memory_space<semaphore_mem>>)
        %slice3A_3425 = vector.extract_strided_slice %get3A_2161 {offsets = [5], sizes = [1], strides = [1]} : vector<16xi32> to vector<1xi32>
        %squeeze3A_3426 = vector.extract %slice3A_3425[0] : i32 from vector<1xi32>
        %jit3A_3427 = arith.constant 128 : i32
        %div3A_3428 = arith.divsi %squeeze3A_3426, %jit3A_3427 : i32
        %sign3A_3429 = arith.constant 0 : i32
        %sign3A_3430 = arith.cmpi sgt, %squeeze3A_3426, %sign3A_3429 : i32
        %sign3A_3431 = arith.extui %sign3A_3430 : i1 to i32
        %sign3A_3432 = arith.constant 0 : i32
        %sign3A_3433 = arith.cmpi slt, %squeeze3A_3426, %sign3A_3432 : i32
        %sign3A_3434 = arith.extui %sign3A_3433 : i1 to i32
        %sign3A_3435 = arith.subi %sign3A_3431, %sign3A_3434 : i32
        %sign3A_3436 = arith.constant 0 : i32
        %sign3A_3437 = arith.cmpi sgt, %jit3A_3427, %sign3A_3436 : i32
        %sign3A_3438 = arith.extui %sign3A_3437 : i1 to i32
        %sign3A_3439 = arith.constant 0 : i32
        %sign3A_3440 = arith.cmpi slt, %jit3A_3427, %sign3A_3439 : i32
        %sign3A_3441 = arith.extui %sign3A_3440 : i1 to i32
        %sign3A_3442 = arith.subi %sign3A_3438, %sign3A_3441 : i32
        %ne3A_3443 = arith.cmpi ne, %sign3A_3435, %sign3A_3442 : i32
        %rem3A_3444 = arith.remsi %squeeze3A_3426, %jit3A_3427 : i32
        %ne3A_3445 = arith.constant 0 : i32
        %ne3A_3446 = arith.cmpi ne, %rem3A_3444, %ne3A_3445 : i32
        %and3A_3447 = arith.andi %ne3A_3443, %ne3A_3446 : i1
        %sub3A_3448 = arith.constant 1 : i32
        %sub3A_3449 = arith.subi %div3A_3428, %sub3A_3448 : i32
        %select_n3A_3450 = arith.select %and3A_3447, %sub3A_3449, %div3A_3428 : i32
        %mul3A_3451 = arith.constant 128 : i32
        %mul3A_3452 = arith.muli %select_n3A_3450, %mul3A_3451 : i32
        %multiple_of3A_3453 = tpu.assume_multiple %mul3A_3452, 128 : i32
        %slice3A_3454 = vector.extract_strided_slice %get3A_2163 {offsets = [5], sizes = [1], strides = [1]} : vector<16xi32> to vector<1xi32>
        %squeeze3A_3455 = vector.extract %slice3A_3454[0] : i32 from vector<1xi32>
        %jit3A_3456 = arith.constant 128 : i32
        %div3A_3457 = arith.divsi %squeeze3A_3455, %jit3A_3456 : i32
        %sign3A_3458 = arith.constant 0 : i32
        %sign3A_3459 = arith.cmpi sgt, %squeeze3A_3455, %sign3A_3458 : i32
        %sign3A_3460 = arith.extui %sign3A_3459 : i1 to i32
        %sign3A_3461 = arith.constant 0 : i32
        %sign3A_3462 = arith.cmpi slt, %squeeze3A_3455, %sign3A_3461 : i32
        %sign3A_3463 = arith.extui %sign3A_3462 : i1 to i32
        %sign3A_3464 = arith.subi %sign3A_3460, %sign3A_3463 : i32
        %sign3A_3465 = arith.constant 0 : i32
        %sign3A_3466 = arith.cmpi sgt, %jit3A_3456, %sign3A_3465 : i32
        %sign3A_3467 = arith.extui %sign3A_3466 : i1 to i32
        %sign3A_3468 = arith.constant 0 : i32
        %sign3A_3469 = arith.cmpi slt, %jit3A_3456, %sign3A_3468 : i32
        %sign3A_3470 = arith.extui %sign3A_3469 : i1 to i32
        %sign3A_3471 = arith.subi %sign3A_3467, %sign3A_3470 : i32
        %ne3A_3472 = arith.cmpi ne, %sign3A_3464, %sign3A_3471 : i32
        %rem3A_3473 = arith.remsi %squeeze3A_3455, %jit3A_3456 : i32
        %ne3A_3474 = arith.constant 0 : i32
        %ne3A_3475 = arith.cmpi ne, %rem3A_3473, %ne3A_3474 : i32
        %and3A_3476 = arith.andi %ne3A_3472, %ne3A_3475 : i1
        %sub3A_3477 = arith.constant 1 : i32
        %sub3A_3478 = arith.subi %div3A_3457, %sub3A_3477 : i32
        %select_n3A_3479 = arith.select %and3A_3476, %sub3A_3478, %div3A_3457 : i32
        %mul3A_3480 = arith.constant 128 : i32
        %mul3A_3481 = arith.muli %select_n3A_3479, %mul3A_3480 : i32
        %multiple_of3A_3482 = tpu.assume_multiple %mul3A_3481, 128 : i32
        %multiple_of3A_3483 = arith.constant 640 : i32
        %multiple_of3A_3484 = tpu.assume_multiple %multiple_of3A_3483, 128 : i32
        %multiple_of3A_3485 = arith.constant 0 : i32
        %multiple_of3A_3486 = tpu.assume_multiple %multiple_of3A_3485, 8 : i32
        %dma_start3A_3487 = tpu.memref_slice %arg9[%multiple_of3A_3486, %multiple_of3A_3484] : memref<16x2048xf32, #tpu.memory_space<vmem>> -> memref<8x128xf32, #tpu.memory_space<vmem>>
        %dma_start3A_3488 = tpu.memref_slice %arg4[%multiple_of3A_3486, %multiple_of3A_3453] : memref<16x1000000xf32, #tpu.memory_space<hbm>> -> memref<8x128xf32, #tpu.memory_space<hbm>>
        %dma_start3A_3489 = tpu.memref_slice %arg9[%multiple_of3A_3486, %multiple_of3A_3484] : memref<16x2048xf32, #tpu.memory_space<vmem>> -> memref<8x128xf32, #tpu.memory_space<vmem>>
        %dma_start3A_3490 = tpu.memref_slice %arg4[%multiple_of3A_3486, %multiple_of3A_3453] : memref<16x1000000xf32, #tpu.memory_space<hbm>> -> memref<8x128xf32, #tpu.memory_space<hbm>>
        tpu.enqueue_dma source(%dma_start3A_3490 : memref<8x128xf32, #tpu.memory_space<hbm>>) target(%dma_start3A_3489 : memref<8x128xf32, #tpu.memory_space<vmem>>) target_semaphore(%arg14 : memref<!tpu.dma_semaphore, #tpu.memory_space<semaphore_mem>>)
        %dma_start3A_3491 = tpu.memref_slice %arg10[%multiple_of3A_3486, %multiple_of3A_3484] : memref<16x2048xf32, #tpu.memory_space<vmem>> -> memref<8x128xf32, #tpu.memory_space<vmem>>
        %dma_start3A_3492 = tpu.memref_slice %arg5[%multiple_of3A_3486, %multiple_of3A_3482] : memref<16x1000000xf32, #tpu.memory_space<hbm>> -> memref<8x128xf32, #tpu.memory_space<hbm>>
        %dma_start3A_3493 = tpu.memref_slice %arg10[%multiple_of3A_3486, %multiple_of3A_3484] : memref<16x2048xf32, #tpu.memory_space<vmem>> -> memref<8x128xf32, #tpu.memory_space<vmem>>
        %dma_start3A_3494 = tpu.memref_slice %arg5[%multiple_of3A_3486, %multiple_of3A_3482] : memref<16x1000000xf32, #tpu.memory_space<hbm>> -> memref<8x128xf32, #tpu.memory_space<hbm>>
        tpu.enqueue_dma source(%dma_start3A_3494 : memref<8x128xf32, #tpu.memory_space<hbm>>) target(%dma_start3A_3493 : memref<8x128xf32, #tpu.memory_space<vmem>>) target_semaphore(%arg16 : memref<!tpu.dma_semaphore, #tpu.memory_space<semaphore_mem>>)
        %multiple_of3A_3495 = arith.constant 8 : i32
        %multiple_of3A_3496 = tpu.assume_multiple %multiple_of3A_3495, 8 : i32
        %dma_start3A_3497 = tpu.memref_slice %arg9[%multiple_of3A_3496, %multiple_of3A_3484] : memref<16x2048xf32, #tpu.memory_space<vmem>> -> memref<8x128xf32, #tpu.memory_space<vmem>>
        %dma_start3A_3498 = tpu.memref_slice %arg4[%multiple_of3A_3496, %multiple_of3A_3453] : memref<16x1000000xf32, #tpu.memory_space<hbm>> -> memref<8x128xf32, #tpu.memory_space<hbm>>
        %dma_start3A_3499 = tpu.memref_slice %arg9[%multiple_of3A_3496, %multiple_of3A_3484] : memref<16x2048xf32, #tpu.memory_space<vmem>> -> memref<8x128xf32, #tpu.memory_space<vmem>>
        %dma_start3A_3500 = tpu.memref_slice %arg4[%multiple_of3A_3496, %multiple_of3A_3453] : memref<16x1000000xf32, #tpu.memory_space<hbm>> -> memref<8x128xf32, #tpu.memory_space<hbm>>
        tpu.enqueue_dma source(%dma_start3A_3500 : memref<8x128xf32, #tpu.memory_space<hbm>>) target(%dma_start3A_3499 : memref<8x128xf32, #tpu.memory_space<vmem>>) target_semaphore(%arg14 : memref<!tpu.dma_semaphore, #tpu.memory_space<semaphore_mem>>)
        %dma_start3A_3501 = tpu.memref_slice %arg10[%multiple_of3A_3496, %multiple_of3A_3484] : memref<16x2048xf32, #tpu.memory_space<vmem>> -> memref<8x128xf32, #tpu.memory_space<vmem>>
        %dma_start3A_3502 = tpu.memref_slice %arg5[%multiple_of3A_3496, %multiple_of3A_3482] : memref<16x1000000xf32, #tpu.memory_space<hbm>> -> memref<8x128xf32, #tpu.memory_space<hbm>>
        %dma_start3A_3503 = tpu.memref_slice %arg10[%multiple_of3A_3496, %multiple_of3A_3484] : memref<16x2048xf32, #tpu.memory_space<vmem>> -> memref<8x128xf32, #tpu.memory_space<vmem>>
        %dma_start3A_3504 = tpu.memref_slice %arg5[%multiple_of3A_3496, %multiple_of3A_3482] : memref<16x1000000xf32, #tpu.memory_space<hbm>> -> memref<8x128xf32, #tpu.memory_space<hbm>>
        tpu.enqueue_dma source(%dma_start3A_3504 : memref<8x128xf32, #tpu.memory_space<hbm>>) target(%dma_start3A_3503 : memref<8x128xf32, #tpu.memory_space<vmem>>) target_semaphore(%arg16 : memref<!tpu.dma_semaphore, #tpu.memory_space<semaphore_mem>>)
        %slice3A_3505 = vector.extract_strided_slice %get3A_2161 {offsets = [6], sizes = [1], strides = [1]} : vector<16xi32> to vector<1xi32>
        %squeeze3A_3506 = vector.extract %slice3A_3505[0] : i32 from vector<1xi32>
        %jit3A_3507 = arith.constant 128 : i32
        %div3A_3508 = arith.divsi %squeeze3A_3506, %jit3A_3507 : i32
        %sign3A_3509 = arith.constant 0 : i32
        %sign3A_3510 = arith.cmpi sgt, %squeeze3A_3506, %sign3A_3509 : i32
        %sign3A_3511 = arith.extui %sign3A_3510 : i1 to i32
        %sign3A_3512 = arith.constant 0 : i32
        %sign3A_3513 = arith.cmpi slt, %squeeze3A_3506, %sign3A_3512 : i32
        %sign3A_3514 = arith.extui %sign3A_3513 : i1 to i32
        %sign3A_3515 = arith.subi %sign3A_3511, %sign3A_3514 : i32
        %sign3A_3516 = arith.constant 0 : i32
        %sign3A_3517 = arith.cmpi sgt, %jit3A_3507, %sign3A_3516 : i32
        %sign3A_3518 = arith.extui %sign3A_3517 : i1 to i32
        %sign3A_3519 = arith.constant 0 : i32
        %sign3A_3520 = arith.cmpi slt, %jit3A_3507, %sign3A_3519 : i32
        %sign3A_3521 = arith.extui %sign3A_3520 : i1 to i32
        %sign3A_3522 = arith.subi %sign3A_3518, %sign3A_3521 : i32
        %ne3A_3523 = arith.cmpi ne, %sign3A_3515, %sign3A_3522 : i32
        %rem3A_3524 = arith.remsi %squeeze3A_3506, %jit3A_3507 : i32
        %ne3A_3525 = arith.constant 0 : i32
        %ne3A_3526 = arith.cmpi ne, %rem3A_3524, %ne3A_3525 : i32
        %and3A_3527 = arith.andi %ne3A_3523, %ne3A_3526 : i1
        %sub3A_3528 = arith.constant 1 : i32
        %sub3A_3529 = arith.subi %div3A_3508, %sub3A_3528 : i32
        %select_n3A_3530 = arith.select %and3A_3527, %sub3A_3529, %div3A_3508 : i32
        %mul3A_3531 = arith.constant 128 : i32
        %mul3A_3532 = arith.muli %select_n3A_3530, %mul3A_3531 : i32
        %multiple_of3A_3533 = tpu.assume_multiple %mul3A_3532, 128 : i32
        %slice3A_3534 = vector.extract_strided_slice %get3A_2163 {offsets = [6], sizes = [1], strides = [1]} : vector<16xi32> to vector<1xi32>
        %squeeze3A_3535 = vector.extract %slice3A_3534[0] : i32 from vector<1xi32>
        %jit3A_3536 = arith.constant 128 : i32
        %div3A_3537 = arith.divsi %squeeze3A_3535, %jit3A_3536 : i32
        %sign3A_3538 = arith.constant 0 : i32
        %sign3A_3539 = arith.cmpi sgt, %squeeze3A_3535, %sign3A_3538 : i32
        %sign3A_3540 = arith.extui %sign3A_3539 : i1 to i32
        %sign3A_3541 = arith.constant 0 : i32
        %sign3A_3542 = arith.cmpi slt, %squeeze3A_3535, %sign3A_3541 : i32
        %sign3A_3543 = arith.extui %sign3A_3542 : i1 to i32
        %sign3A_3544 = arith.subi %sign3A_3540, %sign3A_3543 : i32
        %sign3A_3545 = arith.constant 0 : i32
        %sign3A_3546 = arith.cmpi sgt, %jit3A_3536, %sign3A_3545 : i32
        %sign3A_3547 = arith.extui %sign3A_3546 : i1 to i32
        %sign3A_3548 = arith.constant 0 : i32
        %sign3A_3549 = arith.cmpi slt, %jit3A_3536, %sign3A_3548 : i32
        %sign3A_3550 = arith.extui %sign3A_3549 : i1 to i32
        %sign3A_3551 = arith.subi %sign3A_3547, %sign3A_3550 : i32
        %ne3A_3552 = arith.cmpi ne, %sign3A_3544, %sign3A_3551 : i32
        %rem3A_3553 = arith.remsi %squeeze3A_3535, %jit3A_3536 : i32
        %ne3A_3554 = arith.constant 0 : i32
        %ne3A_3555 = arith.cmpi ne, %rem3A_3553, %ne3A_3554 : i32
        %and3A_3556 = arith.andi %ne3A_3552, %ne3A_3555 : i1
        %sub3A_3557 = arith.constant 1 : i32
        %sub3A_3558 = arith.subi %div3A_3537, %sub3A_3557 : i32
        %select_n3A_3559 = arith.select %and3A_3556, %sub3A_3558, %div3A_3537 : i32
        %mul3A_3560 = arith.constant 128 : i32
        %mul3A_3561 = arith.muli %select_n3A_3559, %mul3A_3560 : i32
        %multiple_of3A_3562 = tpu.assume_multiple %mul3A_3561, 128 : i32
        %multiple_of3A_3563 = arith.constant 768 : i32
        %multiple_of3A_3564 = tpu.assume_multiple %multiple_of3A_3563, 128 : i32
        %multiple_of3A_3565 = arith.constant 0 : i32
        %multiple_of3A_3566 = tpu.assume_multiple %multiple_of3A_3565, 8 : i32
        %dma_start3A_3567 = tpu.memref_slice %arg9[%multiple_of3A_3566, %multiple_of3A_3564] : memref<16x2048xf32, #tpu.memory_space<vmem>> -> memref<8x128xf32, #tpu.memory_space<vmem>>
        %dma_start3A_3568 = tpu.memref_slice %arg4[%multiple_of3A_3566, %multiple_of3A_3533] : memref<16x1000000xf32, #tpu.memory_space<hbm>> -> memref<8x128xf32, #tpu.memory_space<hbm>>
        %dma_start3A_3569 = tpu.memref_slice %arg9[%multiple_of3A_3566, %multiple_of3A_3564] : memref<16x2048xf32, #tpu.memory_space<vmem>> -> memref<8x128xf32, #tpu.memory_space<vmem>>
        %dma_start3A_3570 = tpu.memref_slice %arg4[%multiple_of3A_3566, %multiple_of3A_3533] : memref<16x1000000xf32, #tpu.memory_space<hbm>> -> memref<8x128xf32, #tpu.memory_space<hbm>>
        tpu.enqueue_dma source(%dma_start3A_3570 : memref<8x128xf32, #tpu.memory_space<hbm>>) target(%dma_start3A_3569 : memref<8x128xf32, #tpu.memory_space<vmem>>) target_semaphore(%arg14 : memref<!tpu.dma_semaphore, #tpu.memory_space<semaphore_mem>>)
        %dma_start3A_3571 = tpu.memref_slice %arg10[%multiple_of3A_3566, %multiple_of3A_3564] : memref<16x2048xf32, #tpu.memory_space<vmem>> -> memref<8x128xf32, #tpu.memory_space<vmem>>
        %dma_start3A_3572 = tpu.memref_slice %arg5[%multiple_of3A_3566, %multiple_of3A_3562] : memref<16x1000000xf32, #tpu.memory_space<hbm>> -> memref<8x128xf32, #tpu.memory_space<hbm>>
        %dma_start3A_3573 = tpu.memref_slice %arg10[%multiple_of3A_3566, %multiple_of3A_3564] : memref<16x2048xf32, #tpu.memory_space<vmem>> -> memref<8x128xf32, #tpu.memory_space<vmem>>
        %dma_start3A_3574 = tpu.memref_slice %arg5[%multiple_of3A_3566, %multiple_of3A_3562] : memref<16x1000000xf32, #tpu.memory_space<hbm>> -> memref<8x128xf32, #tpu.memory_space<hbm>>
        tpu.enqueue_dma source(%dma_start3A_3574 : memref<8x128xf32, #tpu.memory_space<hbm>>) target(%dma_start3A_3573 : memref<8x128xf32, #tpu.memory_space<vmem>>) target_semaphore(%arg16 : memref<!tpu.dma_semaphore, #tpu.memory_space<semaphore_mem>>)
        %multiple_of3A_3575 = arith.constant 8 : i32
        %multiple_of3A_3576 = tpu.assume_multiple %multiple_of3A_3575, 8 : i32
        %dma_start3A_3577 = tpu.memref_slice %arg9[%multiple_of3A_3576, %multiple_of3A_3564] : memref<16x2048xf32, #tpu.memory_space<vmem>> -> memref<8x128xf32, #tpu.memory_space<vmem>>
        %dma_start3A_3578 = tpu.memref_slice %arg4[%multiple_of3A_3576, %multiple_of3A_3533] : memref<16x1000000xf32, #tpu.memory_space<hbm>> -> memref<8x128xf32, #tpu.memory_space<hbm>>
        %dma_start3A_3579 = tpu.memref_slice %arg9[%multiple_of3A_3576, %multiple_of3A_3564] : memref<16x2048xf32, #tpu.memory_space<vmem>> -> memref<8x128xf32, #tpu.memory_space<vmem>>
        %dma_start3A_3580 = tpu.memref_slice %arg4[%multiple_of3A_3576, %multiple_of3A_3533] : memref<16x1000000xf32, #tpu.memory_space<hbm>> -> memref<8x128xf32, #tpu.memory_space<hbm>>
        tpu.enqueue_dma source(%dma_start3A_3580 : memref<8x128xf32, #tpu.memory_space<hbm>>) target(%dma_start3A_3579 : memref<8x128xf32, #tpu.memory_space<vmem>>) target_semaphore(%arg14 : memref<!tpu.dma_semaphore, #tpu.memory_space<semaphore_mem>>)
        %dma_start3A_3581 = tpu.memref_slice %arg10[%multiple_of3A_3576, %multiple_of3A_3564] : memref<16x2048xf32, #tpu.memory_space<vmem>> -> memref<8x128xf32, #tpu.memory_space<vmem>>
        %dma_start3A_3582 = tpu.memref_slice %arg5[%multiple_of3A_3576, %multiple_of3A_3562] : memref<16x1000000xf32, #tpu.memory_space<hbm>> -> memref<8x128xf32, #tpu.memory_space<hbm>>
        %dma_start3A_3583 = tpu.memref_slice %arg10[%multiple_of3A_3576, %multiple_of3A_3564] : memref<16x2048xf32, #tpu.memory_space<vmem>> -> memref<8x128xf32, #tpu.memory_space<vmem>>
        %dma_start3A_3584 = tpu.memref_slice %arg5[%multiple_of3A_3576, %multiple_of3A_3562] : memref<16x1000000xf32, #tpu.memory_space<hbm>> -> memref<8x128xf32, #tpu.memory_space<hbm>>
        tpu.enqueue_dma source(%dma_start3A_3584 : memref<8x128xf32, #tpu.memory_space<hbm>>) target(%dma_start3A_3583 : memref<8x128xf32, #tpu.memory_space<vmem>>) target_semaphore(%arg16 : memref<!tpu.dma_semaphore, #tpu.memory_space<semaphore_mem>>)
        %slice3A_3585 = vector.extract_strided_slice %get3A_2161 {offsets = [7], sizes = [1], strides = [1]} : vector<16xi32> to vector<1xi32>
        %squeeze3A_3586 = vector.extract %slice3A_3585[0] : i32 from vector<1xi32>
        %jit3A_3587 = arith.constant 128 : i32
        %div3A_3588 = arith.divsi %squeeze3A_3586, %jit3A_3587 : i32
        %sign3A_3589 = arith.constant 0 : i32
        %sign3A_3590 = arith.cmpi sgt, %squeeze3A_3586, %sign3A_3589 : i32
        %sign3A_3591 = arith.extui %sign3A_3590 : i1 to i32
        %sign3A_3592 = arith.constant 0 : i32
        %sign3A_3593 = arith.cmpi slt, %squeeze3A_3586, %sign3A_3592 : i32
        %sign3A_3594 = arith.extui %sign3A_3593 : i1 to i32
        %sign3A_3595 = arith.subi %sign3A_3591, %sign3A_3594 : i32
        %sign3A_3596 = arith.constant 0 : i32
        %sign3A_3597 = arith.cmpi sgt, %jit3A_3587, %sign3A_3596 : i32
        %sign3A_3598 = arith.extui %sign3A_3597 : i1 to i32
        %sign3A_3599 = arith.constant 0 : i32
        %sign3A_3600 = arith.cmpi slt, %jit3A_3587, %sign3A_3599 : i32
        %sign3A_3601 = arith.extui %sign3A_3600 : i1 to i32
        %sign3A_3602 = arith.subi %sign3A_3598, %sign3A_3601 : i32
        %ne3A_3603 = arith.cmpi ne, %sign3A_3595, %sign3A_3602 : i32
        %rem3A_3604 = arith.remsi %squeeze3A_3586, %jit3A_3587 : i32
        %ne3A_3605 = arith.constant 0 : i32
        %ne3A_3606 = arith.cmpi ne, %rem3A_3604, %ne3A_3605 : i32
        %and3A_3607 = arith.andi %ne3A_3603, %ne3A_3606 : i1
        %sub3A_3608 = arith.constant 1 : i32
        %sub3A_3609 = arith.subi %div3A_3588, %sub3A_3608 : i32
        %select_n3A_3610 = arith.select %and3A_3607, %sub3A_3609, %div3A_3588 : i32
        %mul3A_3611 = arith.constant 128 : i32
        %mul3A_3612 = arith.muli %select_n3A_3610, %mul3A_3611 : i32
        %multiple_of3A_3613 = tpu.assume_multiple %mul3A_3612, 128 : i32
        %slice3A_3614 = vector.extract_strided_slice %get3A_2163 {offsets = [7], sizes = [1], strides = [1]} : vector<16xi32> to vector<1xi32>
        %squeeze3A_3615 = vector.extract %slice3A_3614[0] : i32 from vector<1xi32>
        %jit3A_3616 = arith.constant 128 : i32
        %div3A_3617 = arith.divsi %squeeze3A_3615, %jit3A_3616 : i32
        %sign3A_3618 = arith.constant 0 : i32
        %sign3A_3619 = arith.cmpi sgt, %squeeze3A_3615, %sign3A_3618 : i32
        %sign3A_3620 = arith.extui %sign3A_3619 : i1 to i32
        %sign3A_3621 = arith.constant 0 : i32
        %sign3A_3622 = arith.cmpi slt, %squeeze3A_3615, %sign3A_3621 : i32
        %sign3A_3623 = arith.extui %sign3A_3622 : i1 to i32
        %sign3A_3624 = arith.subi %sign3A_3620, %sign3A_3623 : i32
        %sign3A_3625 = arith.constant 0 : i32
        %sign3A_3626 = arith.cmpi sgt, %jit3A_3616, %sign3A_3625 : i32
        %sign3A_3627 = arith.extui %sign3A_3626 : i1 to i32
        %sign3A_3628 = arith.constant 0 : i32
        %sign3A_3629 = arith.cmpi slt, %jit3A_3616, %sign3A_3628 : i32
        %sign3A_3630 = arith.extui %sign3A_3629 : i1 to i32
        %sign3A_3631 = arith.subi %sign3A_3627, %sign3A_3630 : i32
        %ne3A_3632 = arith.cmpi ne, %sign3A_3624, %sign3A_3631 : i32
        %rem3A_3633 = arith.remsi %squeeze3A_3615, %jit3A_3616 : i32
        %ne3A_3634 = arith.constant 0 : i32
        %ne3A_3635 = arith.cmpi ne, %rem3A_3633, %ne3A_3634 : i32
        %and3A_3636 = arith.andi %ne3A_3632, %ne3A_3635 : i1
        %sub3A_3637 = arith.constant 1 : i32
        %sub3A_3638 = arith.subi %div3A_3617, %sub3A_3637 : i32
        %select_n3A_3639 = arith.select %and3A_3636, %sub3A_3638, %div3A_3617 : i32
        %mul3A_3640 = arith.constant 128 : i32
        %mul3A_3641 = arith.muli %select_n3A_3639, %mul3A_3640 : i32
        %multiple_of3A_3642 = tpu.assume_multiple %mul3A_3641, 128 : i32
        %multiple_of3A_3643 = arith.constant 896 : i32
        %multiple_of3A_3644 = tpu.assume_multiple %multiple_of3A_3643, 128 : i32
        %multiple_of3A_3645 = arith.constant 0 : i32
        %multiple_of3A_3646 = tpu.assume_multiple %multiple_of3A_3645, 8 : i32
        %dma_start3A_3647 = tpu.memref_slice %arg9[%multiple_of3A_3646, %multiple_of3A_3644] : memref<16x2048xf32, #tpu.memory_space<vmem>> -> memref<8x128xf32, #tpu.memory_space<vmem>>
        %dma_start3A_3648 = tpu.memref_slice %arg4[%multiple_of3A_3646, %multiple_of3A_3613] : memref<16x1000000xf32, #tpu.memory_space<hbm>> -> memref<8x128xf32, #tpu.memory_space<hbm>>
        %dma_start3A_3649 = tpu.memref_slice %arg9[%multiple_of3A_3646, %multiple_of3A_3644] : memref<16x2048xf32, #tpu.memory_space<vmem>> -> memref<8x128xf32, #tpu.memory_space<vmem>>
        %dma_start3A_3650 = tpu.memref_slice %arg4[%multiple_of3A_3646, %multiple_of3A_3613] : memref<16x1000000xf32, #tpu.memory_space<hbm>> -> memref<8x128xf32, #tpu.memory_space<hbm>>
        tpu.enqueue_dma source(%dma_start3A_3650 : memref<8x128xf32, #tpu.memory_space<hbm>>) target(%dma_start3A_3649 : memref<8x128xf32, #tpu.memory_space<vmem>>) target_semaphore(%arg14 : memref<!tpu.dma_semaphore, #tpu.memory_space<semaphore_mem>>)
        %dma_start3A_3651 = tpu.memref_slice %arg10[%multiple_of3A_3646, %multiple_of3A_3644] : memref<16x2048xf32, #tpu.memory_space<vmem>> -> memref<8x128xf32, #tpu.memory_space<vmem>>
        %dma_start3A_3652 = tpu.memref_slice %arg5[%multiple_of3A_3646, %multiple_of3A_3642] : memref<16x1000000xf32, #tpu.memory_space<hbm>> -> memref<8x128xf32, #tpu.memory_space<hbm>>
        %dma_start3A_3653 = tpu.memref_slice %arg10[%multiple_of3A_3646, %multiple_of3A_3644] : memref<16x2048xf32, #tpu.memory_space<vmem>> -> memref<8x128xf32, #tpu.memory_space<vmem>>
        %dma_start3A_3654 = tpu.memref_slice %arg5[%multiple_of3A_3646, %multiple_of3A_3642] : memref<16x1000000xf32, #tpu.memory_space<hbm>> -> memref<8x128xf32, #tpu.memory_space<hbm>>
        tpu.enqueue_dma source(%dma_start3A_3654 : memref<8x128xf32, #tpu.memory_space<hbm>>) target(%dma_start3A_3653 : memref<8x128xf32, #tpu.memory_space<vmem>>) target_semaphore(%arg16 : memref<!tpu.dma_semaphore, #tpu.memory_space<semaphore_mem>>)
        %multiple_of3A_3655 = arith.constant 8 : i32
        %multiple_of3A_3656 = tpu.assume_multiple %multiple_of3A_3655, 8 : i32
        %dma_start3A_3657 = tpu.memref_slice %arg9[%multiple_of3A_3656, %multiple_of3A_3644] : memref<16x2048xf32, #tpu.memory_space<vmem>> -> memref<8x128xf32, #tpu.memory_space<vmem>>
        %dma_start3A_3658 = tpu.memref_slice %arg4[%multiple_of3A_3656, %multiple_of3A_3613] : memref<16x1000000xf32, #tpu.memory_space<hbm>> -> memref<8x128xf32, #tpu.memory_space<hbm>>
        %dma_start3A_3659 = tpu.memref_slice %arg9[%multiple_of3A_3656, %multiple_of3A_3644] : memref<16x2048xf32, #tpu.memory_space<vmem>> -> memref<8x128xf32, #tpu.memory_space<vmem>>
        %dma_start3A_3660 = tpu.memref_slice %arg4[%multiple_of3A_3656, %multiple_of3A_3613] : memref<16x1000000xf32, #tpu.memory_space<hbm>> -> memref<8x128xf32, #tpu.memory_space<hbm>>
        tpu.enqueue_dma source(%dma_start3A_3660 : memref<8x128xf32, #tpu.memory_space<hbm>>) target(%dma_start3A_3659 : memref<8x128xf32, #tpu.memory_space<vmem>>) target_semaphore(%arg14 : memref<!tpu.dma_semaphore, #tpu.memory_space<semaphore_mem>>)
        %dma_start3A_3661 = tpu.memref_slice %arg10[%multiple_of3A_3656, %multiple_of3A_3644] : memref<16x2048xf32, #tpu.memory_space<vmem>> -> memref<8x128xf32, #tpu.memory_space<vmem>>
        %dma_start3A_3662 = tpu.memref_slice %arg5[%multiple_of3A_3656, %multiple_of3A_3642] : memref<16x1000000xf32, #tpu.memory_space<hbm>> -> memref<8x128xf32, #tpu.memory_space<hbm>>
        %dma_start3A_3663 = tpu.memref_slice %arg10[%multiple_of3A_3656, %multiple_of3A_3644] : memref<16x2048xf32, #tpu.memory_space<vmem>> -> memref<8x128xf32, #tpu.memory_space<vmem>>
        %dma_start3A_3664 = tpu.memref_slice %arg5[%multiple_of3A_3656, %multiple_of3A_3642] : memref<16x1000000xf32, #tpu.memory_space<hbm>> -> memref<8x128xf32, #tpu.memory_space<hbm>>
        tpu.enqueue_dma source(%dma_start3A_3664 : memref<8x128xf32, #tpu.memory_space<hbm>>) target(%dma_start3A_3663 : memref<8x128xf32, #tpu.memory_space<vmem>>) target_semaphore(%arg16 : memref<!tpu.dma_semaphore, #tpu.memory_space<semaphore_mem>>)
      } else {
      }
      %dma_wait3A_2169 = arith.constant 0 : i32
      %dma_wait3A_2170 = arith.constant 0 : i32
      %dma_wait3A_2171 = tpu.memref_slice %arg9[%dma_wait3A_2169, %dma_wait3A_2170] : memref<16x2048xf32, #tpu.memory_space<vmem>> -> memref<8x128xf32, #tpu.memory_space<vmem>>
      %dma_wait3A_2172 = arith.constant 0 : i32
      %dma_wait3A_2173 = arith.constant 0 : i32
      %dma_wait3A_2174 = tpu.memref_slice %arg4[%dma_wait3A_2172, %dma_wait3A_2173] : memref<16x1000000xf32, #tpu.memory_space<hbm>> -> memref<8x128xf32, #tpu.memory_space<hbm>>
      %dma_wait3A_2175 = arith.constant 0 : i32
      %dma_wait3A_2176 = arith.constant 0 : i32
      %dma_wait3A_2177 = tpu.memref_slice %arg9[%dma_wait3A_2175, %dma_wait3A_2176] : memref<16x2048xf32, #tpu.memory_space<vmem>> -> memref<8x128xf32, #tpu.memory_space<vmem>>
      %dma_wait3A_2178 = arith.constant 0 : i32
      %dma_wait3A_2179 = arith.constant 0 : i32
      %dma_wait3A_2180 = tpu.memref_slice %arg4[%dma_wait3A_2178, %dma_wait3A_2179] : memref<16x1000000xf32, #tpu.memory_space<hbm>> -> memref<8x128xf32, #tpu.memory_space<hbm>>
      tpu.wait_dma2 semaphore(%arg15 : memref<!tpu.dma_semaphore, #tpu.memory_space<semaphore_mem>>) src(%dma_wait3A_2180 : memref<8x128xf32, #tpu.memory_space<hbm>>) dst(%dma_wait3A_2177 : memref<8x128xf32, #tpu.memory_space<vmem>>)
      %dma_wait3A_2181 = arith.constant 0 : i32
      %dma_wait3A_2182 = arith.constant 0 : i32
      %dma_wait3A_2183 = tpu.memref_slice %arg10[%dma_wait3A_2181, %dma_wait3A_2182] : memref<16x2048xf32, #tpu.memory_space<vmem>> -> memref<8x128xf32, #tpu.memory_space<vmem>>
      %dma_wait3A_2184 = arith.constant 0 : i32
      %dma_wait3A_2185 = arith.constant 0 : i32
      %dma_wait3A_2186 = tpu.memref_slice %arg5[%dma_wait3A_2184, %dma_wait3A_2185] : memref<16x1000000xf32, #tpu.memory_space<hbm>> -> memref<8x128xf32, #tpu.memory_space<hbm>>
      %dma_wait3A_2187 = arith.constant 0 : i32
      %dma_wait3A_2188 = arith.constant 0 : i32
      %dma_wait3A_2189 = tpu.memref_slice %arg10[%dma_wait3A_2187, %dma_wait3A_2188] : memref<16x2048xf32, #tpu.memory_space<vmem>> -> memref<8x128xf32, #tpu.memory_space<vmem>>
      %dma_wait3A_2190 = arith.constant 0 : i32
      %dma_wait3A_2191 = arith.constant 0 : i32
      %dma_wait3A_2192 = tpu.memref_slice %arg5[%dma_wait3A_2190, %dma_wait3A_2191] : memref<16x1000000xf32, #tpu.memory_space<hbm>> -> memref<8x128xf32, #tpu.memory_space<hbm>>
      tpu.wait_dma2 semaphore(%arg17 : memref<!tpu.dma_semaphore, #tpu.memory_space<semaphore_mem>>) src(%dma_wait3A_2192 : memref<8x128xf32, #tpu.memory_space<hbm>>) dst(%dma_wait3A_2189 : memref<8x128xf32, #tpu.memory_space<vmem>>)
      %dma_wait3A_2193 = arith.constant 0 : i32
      %dma_wait3A_2194 = arith.constant 0 : i32
      %dma_wait3A_2195 = tpu.memref_slice %arg9[%dma_wait3A_2193, %dma_wait3A_2194] : memref<16x2048xf32, #tpu.memory_space<vmem>> -> memref<8x128xf32, #tpu.memory_space<vmem>>
      %dma_wait3A_2196 = arith.constant 0 : i32
      %dma_wait3A_2197 = arith.constant 0 : i32
      %dma_wait3A_2198 = tpu.memref_slice %arg4[%dma_wait3A_2196, %dma_wait3A_2197] : memref<16x1000000xf32, #tpu.memory_space<hbm>> -> memref<8x128xf32, #tpu.memory_space<hbm>>
      %dma_wait3A_2199 = arith.constant 0 : i32
      %dma_wait3A_2200 = arith.constant 0 : i32
      %dma_wait3A_2201 = tpu.memref_slice %arg9[%dma_wait3A_2199, %dma_wait3A_2200] : memref<16x2048xf32, #tpu.memory_space<vmem>> -> memref<8x128xf32, #tpu.memory_space<vmem>>
      %dma_wait3A_2202 = arith.constant 0 : i32
      %dma_wait3A_2203 = arith.constant 0 : i32
      %dma_wait3A_2204 = tpu.memref_slice %arg4[%dma_wait3A_2202, %dma_wait3A_2203] : memref<16x1000000xf32, #tpu.memory_space<hbm>> -> memref<8x128xf32, #tpu.memory_space<hbm>>
      tpu.wait_dma2 semaphore(%arg15 : memref<!tpu.dma_semaphore, #tpu.memory_space<semaphore_mem>>) src(%dma_wait3A_2204 : memref<8x128xf32, #tpu.memory_space<hbm>>) dst(%dma_wait3A_2201 : memref<8x128xf32, #tpu.memory_space<vmem>>)
      %dma_wait3A_2205 = arith.constant 0 : i32
      %dma_wait3A_2206 = arith.constant 0 : i32
      %dma_wait3A_2207 = tpu.memref_slice %arg10[%dma_wait3A_2205, %dma_wait3A_2206] : memref<16x2048xf32, #tpu.memory_space<vmem>> -> memref<8x128xf32, #tpu.memory_space<vmem>>
      %dma_wait3A_2208 = arith.constant 0 : i32
      %dma_wait3A_2209 = arith.constant 0 : i32
      %dma_wait3A_2210 = tpu.memref_slice %arg5[%dma_wait3A_2208, %dma_wait3A_2209] : memref<16x1000000xf32, #tpu.memory_space<hbm>> -> memref<8x128xf32, #tpu.memory_space<hbm>>
      %dma_wait3A_2211 = arith.constant 0 : i32
      %dma_wait3A_2212 = arith.constant 0 : i32
      %dma_wait3A_2213 = tpu.memref_slice %arg10[%dma_wait3A_2211, %dma_wait3A_2212] : memref<16x2048xf32, #tpu.memory_space<vmem>> -> memref<8x128xf32, #tpu.memory_space<vmem>>
      %dma_wait3A_2214 = arith.constant 0 : i32
      %dma_wait3A_2215 = arith.constant 0 : i32
      %dma_wait3A_2216 = tpu.memref_slice %arg5[%dma_wait3A_2214, %dma_wait3A_2215] : memref<16x1000000xf32, #tpu.memory_space<hbm>> -> memref<8x128xf32, #tpu.memory_space<hbm>>
      tpu.wait_dma2 semaphore(%arg17 : memref<!tpu.dma_semaphore, #tpu.memory_space<semaphore_mem>>) src(%dma_wait3A_2216 : memref<8x128xf32, #tpu.memory_space<hbm>>) dst(%dma_wait3A_2213 : memref<8x128xf32, #tpu.memory_space<vmem>>)
      %dma_wait3A_2217 = arith.constant 0 : i32
      %dma_wait3A_2218 = arith.constant 0 : i32
      %dma_wait3A_2219 = tpu.memref_slice %arg9[%dma_wait3A_2217, %dma_wait3A_2218] : memref<16x2048xf32, #tpu.memory_space<vmem>> -> memref<8x128xf32, #tpu.memory_space<vmem>>
      %dma_wait3A_2220 = arith.constant 0 : i32
      %dma_wait3A_2221 = arith.constant 0 : i32
      %dma_wait3A_2222 = tpu.memref_slice %arg4[%dma_wait3A_2220, %dma_wait3A_2221] : memref<16x1000000xf32, #tpu.memory_space<hbm>> -> memref<8x128xf32, #tpu.memory_space<hbm>>
      %dma_wait3A_2223 = arith.constant 0 : i32
      %dma_wait3A_2224 = arith.constant 0 : i32
      %dma_wait3A_2225 = tpu.memref_slice %arg9[%dma_wait3A_2223, %dma_wait3A_2224] : memref<16x2048xf32, #tpu.memory_space<vmem>> -> memref<8x128xf32, #tpu.memory_space<vmem>>
      %dma_wait3A_2226 = arith.constant 0 : i32
      %dma_wait3A_2227 = arith.constant 0 : i32
      %dma_wait3A_2228 = tpu.memref_slice %arg4[%dma_wait3A_2226, %dma_wait3A_2227] : memref<16x1000000xf32, #tpu.memory_space<hbm>> -> memref<8x128xf32, #tpu.memory_space<hbm>>
      tpu.wait_dma2 semaphore(%arg15 : memref<!tpu.dma_semaphore, #tpu.memory_space<semaphore_mem>>) src(%dma_wait3A_2228 : memref<8x128xf32, #tpu.memory_space<hbm>>) dst(%dma_wait3A_2225 : memref<8x128xf32, #tpu.memory_space<vmem>>)
      %dma_wait3A_2229 = arith.constant 0 : i32
      %dma_wait3A_2230 = arith.constant 0 : i32
      %dma_wait3A_2231 = tpu.memref_slice %arg10[%dma_wait3A_2229, %dma_wait3A_2230] : memref<16x2048xf32, #tpu.memory_space<vmem>> -> memref<8x128xf32, #tpu.memory_space<vmem>>
      %dma_wait3A_2232 = arith.constant 0 : i32
      %dma_wait3A_2233 = arith.constant 0 : i32
      %dma_wait3A_2234 = tpu.memref_slice %arg5[%dma_wait3A_2232, %dma_wait3A_2233] : memref<16x1000000xf32, #tpu.memory_space<hbm>> -> memref<8x128xf32, #tpu.memory_space<hbm>>
      %dma_wait3A_2235 = arith.constant 0 : i32
      %dma_wait3A_2236 = arith.constant 0 : i32
      %dma_wait3A_2237 = tpu.memref_slice %arg10[%dma_wait3A_2235, %dma_wait3A_2236] : memref<16x2048xf32, #tpu.memory_space<vmem>> -> memref<8x128xf32, #tpu.memory_space<vmem>>
      %dma_wait3A_2238 = arith.constant 0 : i32
      %dma_wait3A_2239 = arith.constant 0 : i32
      %dma_wait3A_2240 = tpu.memref_slice %arg5[%dma_wait3A_2238, %dma_wait3A_2239] : memref<16x1000000xf32, #tpu.memory_space<hbm>> -> memref<8x128xf32, #tpu.memory_space<hbm>>
      tpu.wait_dma2 semaphore(%arg17 : memref<!tpu.dma_semaphore, #tpu.memory_space<semaphore_mem>>) src(%dma_wait3A_2240 : memref<8x128xf32, #tpu.memory_space<hbm>>) dst(%dma_wait3A_2237 : memref<8x128xf32, #tpu.memory_space<vmem>>)
      %dma_wait3A_2241 = arith.constant 0 : i32
      %dma_wait3A_2242 = arith.constant 0 : i32
      %dma_wait3A_2243 = tpu.memref_slice %arg9[%dma_wait3A_2241, %dma_wait3A_2242] : memref<16x2048xf32, #tpu.memory_space<vmem>> -> memref<8x128xf32, #tpu.memory_space<vmem>>
      %dma_wait3A_2244 = arith.constant 0 : i32
      %dma_wait3A_2245 = arith.constant 0 : i32
      %dma_wait3A_2246 = tpu.memref_slice %arg4[%dma_wait3A_2244, %dma_wait3A_2245] : memref<16x1000000xf32, #tpu.memory_space<hbm>> -> memref<8x128xf32, #tpu.memory_space<hbm>>
      %dma_wait3A_2247 = arith.constant 0 : i32
      %dma_wait3A_2248 = arith.constant 0 : i32
      %dma_wait3A_2249 = tpu.memref_slice %arg9[%dma_wait3A_2247, %dma_wait3A_2248] : memref<16x2048xf32, #tpu.memory_space<vmem>> -> memref<8x128xf32, #tpu.memory_space<vmem>>
      %dma_wait3A_2250 = arith.constant 0 : i32
      %dma_wait3A_2251 = arith.constant 0 : i32
      %dma_wait3A_2252 = tpu.memref_slice %arg4[%dma_wait3A_2250, %dma_wait3A_2251] : memref<16x1000000xf32, #tpu.memory_space<hbm>> -> memref<8x128xf32, #tpu.memory_space<hbm>>
      tpu.wait_dma2 semaphore(%arg15 : memref<!tpu.dma_semaphore, #tpu.memory_space<semaphore_mem>>) src(%dma_wait3A_2252 : memref<8x128xf32, #tpu.memory_space<hbm>>) dst(%dma_wait3A_2249 : memref<8x128xf32, #tpu.memory_space<vmem>>)
      %dma_wait3A_2253 = arith.constant 0 : i32
      %dma_wait3A_2254 = arith.constant 0 : i32
      %dma_wait3A_2255 = tpu.memref_slice %arg10[%dma_wait3A_2253, %dma_wait3A_2254] : memref<16x2048xf32, #tpu.memory_space<vmem>> -> memref<8x128xf32, #tpu.memory_space<vmem>>
      %dma_wait3A_2256 = arith.constant 0 : i32
      %dma_wait3A_2257 = arith.constant 0 : i32
      %dma_wait3A_2258 = tpu.memref_slice %arg5[%dma_wait3A_2256, %dma_wait3A_2257] : memref<16x1000000xf32, #tpu.memory_space<hbm>> -> memref<8x128xf32, #tpu.memory_space<hbm>>
      %dma_wait3A_2259 = arith.constant 0 : i32
      %dma_wait3A_2260 = arith.constant 0 : i32
      %dma_wait3A_2261 = tpu.memref_slice %arg10[%dma_wait3A_2259, %dma_wait3A_2260] : memref<16x2048xf32, #tpu.memory_space<vmem>> -> memref<8x128xf32, #tpu.memory_space<vmem>>
      %dma_wait3A_2262 = arith.constant 0 : i32
      %dma_wait3A_2263 = arith.constant 0 : i32
      %dma_wait3A_2264 = tpu.memref_slice %arg5[%dma_wait3A_2262, %dma_wait3A_2263] : memref<16x1000000xf32, #tpu.memory_space<hbm>> -> memref<8x128xf32, #tpu.memory_space<hbm>>
      tpu.wait_dma2 semaphore(%arg17 : memref<!tpu.dma_semaphore, #tpu.memory_space<semaphore_mem>>) src(%dma_wait3A_2264 : memref<8x128xf32, #tpu.memory_space<hbm>>) dst(%dma_wait3A_2261 : memref<8x128xf32, #tpu.memory_space<vmem>>)
      %dma_wait3A_2265 = arith.constant 0 : i32
      %dma_wait3A_2266 = arith.constant 0 : i32
      %dma_wait3A_2267 = tpu.memref_slice %arg9[%dma_wait3A_2265, %dma_wait3A_2266] : memref<16x2048xf32, #tpu.memory_space<vmem>> -> memref<8x128xf32, #tpu.memory_space<vmem>>
      %dma_wait3A_2268 = arith.constant 0 : i32
      %dma_wait3A_2269 = arith.constant 0 : i32
      %dma_wait3A_2270 = tpu.memref_slice %arg4[%dma_wait3A_2268, %dma_wait3A_2269] : memref<16x1000000xf32, #tpu.memory_space<hbm>> -> memref<8x128xf32, #tpu.memory_space<hbm>>
      %dma_wait3A_2271 = arith.constant 0 : i32
      %dma_wait3A_2272 = arith.constant 0 : i32
      %dma_wait3A_2273 = tpu.memref_slice %arg9[%dma_wait3A_2271, %dma_wait3A_2272] : memref<16x2048xf32, #tpu.memory_space<vmem>> -> memref<8x128xf32, #tpu.memory_space<vmem>>
      %dma_wait3A_2274 = arith.constant 0 : i32
      %dma_wait3A_2275 = arith.constant 0 : i32
      %dma_wait3A_2276 = tpu.memref_slice %arg4[%dma_wait3A_2274, %dma_wait3A_2275] : memref<16x1000000xf32, #tpu.memory_space<hbm>> -> memref<8x128xf32, #tpu.memory_space<hbm>>
      tpu.wait_dma2 semaphore(%arg15 : memref<!tpu.dma_semaphore, #tpu.memory_space<semaphore_mem>>) src(%dma_wait3A_2276 : memref<8x128xf32, #tpu.memory_space<hbm>>) dst(%dma_wait3A_2273 : memref<8x128xf32, #tpu.memory_space<vmem>>)
      %dma_wait3A_2277 = arith.constant 0 : i32
      %dma_wait3A_2278 = arith.constant 0 : i32
      %dma_wait3A_2279 = tpu.memref_slice %arg10[%dma_wait3A_2277, %dma_wait3A_2278] : memref<16x2048xf32, #tpu.memory_space<vmem>> -> memref<8x128xf32, #tpu.memory_space<vmem>>
      %dma_wait3A_2280 = arith.constant 0 : i32
      %dma_wait3A_2281 = arith.constant 0 : i32
      %dma_wait3A_2282 = tpu.memref_slice %arg5[%dma_wait3A_2280, %dma_wait3A_2281] : memref<16x1000000xf32, #tpu.memory_space<hbm>> -> memref<8x128xf32, #tpu.memory_space<hbm>>
      %dma_wait3A_2283 = arith.constant 0 : i32
      %dma_wait3A_2284 = arith.constant 0 : i32
      %dma_wait3A_2285 = tpu.memref_slice %arg10[%dma_wait3A_2283, %dma_wait3A_2284] : memref<16x2048xf32, #tpu.memory_space<vmem>> -> memref<8x128xf32, #tpu.memory_space<vmem>>
      %dma_wait3A_2286 = arith.constant 0 : i32
      %dma_wait3A_2287 = arith.constant 0 : i32
      %dma_wait3A_2288 = tpu.memref_slice %arg5[%dma_wait3A_2286, %dma_wait3A_2287] : memref<16x1000000xf32, #tpu.memory_space<hbm>> -> memref<8x128xf32, #tpu.memory_space<hbm>>
      tpu.wait_dma2 semaphore(%arg17 : memref<!tpu.dma_semaphore, #tpu.memory_space<semaphore_mem>>) src(%dma_wait3A_2288 : memref<8x128xf32, #tpu.memory_space<hbm>>) dst(%dma_wait3A_2285 : memref<8x128xf32, #tpu.memory_space<vmem>>)
      %dma_wait3A_2289 = arith.constant 0 : i32
      %dma_wait3A_2290 = arith.constant 0 : i32
      %dma_wait3A_2291 = tpu.memref_slice %arg9[%dma_wait3A_2289, %dma_wait3A_2290] : memref<16x2048xf32, #tpu.memory_space<vmem>> -> memref<8x128xf32, #tpu.memory_space<vmem>>
      %dma_wait3A_2292 = arith.constant 0 : i32
      %dma_wait3A_2293 = arith.constant 0 : i32
      %dma_wait3A_2294 = tpu.memref_slice %arg4[%dma_wait3A_2292, %dma_wait3A_2293] : memref<16x1000000xf32, #tpu.memory_space<hbm>> -> memref<8x128xf32, #tpu.memory_space<hbm>>
      %dma_wait3A_2295 = arith.constant 0 : i32
      %dma_wait3A_2296 = arith.constant 0 : i32
      %dma_wait3A_2297 = tpu.memref_slice %arg9[%dma_wait3A_2295, %dma_wait3A_2296] : memref<16x2048xf32, #tpu.memory_space<vmem>> -> memref<8x128xf32, #tpu.memory_space<vmem>>
      %dma_wait3A_2298 = arith.constant 0 : i32
      %dma_wait3A_2299 = arith.constant 0 : i32
      %dma_wait3A_2300 = tpu.memref_slice %arg4[%dma_wait3A_2298, %dma_wait3A_2299] : memref<16x1000000xf32, #tpu.memory_space<hbm>> -> memref<8x128xf32, #tpu.memory_space<hbm>>
      tpu.wait_dma2 semaphore(%arg15 : memref<!tpu.dma_semaphore, #tpu.memory_space<semaphore_mem>>) src(%dma_wait3A_2300 : memref<8x128xf32, #tpu.memory_space<hbm>>) dst(%dma_wait3A_2297 : memref<8x128xf32, #tpu.memory_space<vmem>>)
      %dma_wait3A_2301 = arith.constant 0 : i32
      %dma_wait3A_2302 = arith.constant 0 : i32
      %dma_wait3A_2303 = tpu.memref_slice %arg10[%dma_wait3A_2301, %dma_wait3A_2302] : memref<16x2048xf32, #tpu.memory_space<vmem>> -> memref<8x128xf32, #tpu.memory_space<vmem>>
      %dma_wait3A_2304 = arith.constant 0 : i32
      %dma_wait3A_2305 = arith.constant 0 : i32
      %dma_wait3A_2306 = tpu.memref_slice %arg5[%dma_wait3A_2304, %dma_wait3A_2305] : memref<16x1000000xf32, #tpu.memory_space<hbm>> -> memref<8x128xf32, #tpu.memory_space<hbm>>
      %dma_wait3A_2307 = arith.constant 0 : i32
      %dma_wait3A_2308 = arith.constant 0 : i32
      %dma_wait3A_2309 = tpu.memref_slice %arg10[%dma_wait3A_2307, %dma_wait3A_2308] : memref<16x2048xf32, #tpu.memory_space<vmem>> -> memref<8x128xf32, #tpu.memory_space<vmem>>
      %dma_wait3A_2310 = arith.constant 0 : i32
      %dma_wait3A_2311 = arith.constant 0 : i32
      %dma_wait3A_2312 = tpu.memref_slice %arg5[%dma_wait3A_2310, %dma_wait3A_2311] : memref<16x1000000xf32, #tpu.memory_space<hbm>> -> memref<8x128xf32, #tpu.memory_space<hbm>>
      tpu.wait_dma2 semaphore(%arg17 : memref<!tpu.dma_semaphore, #tpu.memory_space<semaphore_mem>>) src(%dma_wait3A_2312 : memref<8x128xf32, #tpu.memory_space<hbm>>) dst(%dma_wait3A_2309 : memref<8x128xf32, #tpu.memory_space<vmem>>)
      %dma_wait3A_2313 = arith.constant 0 : i32
      %dma_wait3A_2314 = arith.constant 0 : i32
      %dma_wait3A_2315 = tpu.memref_slice %arg9[%dma_wait3A_2313, %dma_wait3A_2314] : memref<16x2048xf32, #tpu.memory_space<vmem>> -> memref<8x128xf32, #tpu.memory_space<vmem>>
      %dma_wait3A_2316 = arith.constant 0 : i32
      %dma_wait3A_2317 = arith.constant 0 : i32
      %dma_wait3A_2318 = tpu.memref_slice %arg4[%dma_wait3A_2316, %dma_wait3A_2317] : memref<16x1000000xf32, #tpu.memory_space<hbm>> -> memref<8x128xf32, #tpu.memory_space<hbm>>
      %dma_wait3A_2319 = arith.constant 0 : i32
      %dma_wait3A_2320 = arith.constant 0 : i32
      %dma_wait3A_2321 = tpu.memref_slice %arg9[%dma_wait3A_2319, %dma_wait3A_2320] : memref<16x2048xf32, #tpu.memory_space<vmem>> -> memref<8x128xf32, #tpu.memory_space<vmem>>
      %dma_wait3A_2322 = arith.constant 0 : i32
      %dma_wait3A_2323 = arith.constant 0 : i32
      %dma_wait3A_2324 = tpu.memref_slice %arg4[%dma_wait3A_2322, %dma_wait3A_2323] : memref<16x1000000xf32, #tpu.memory_space<hbm>> -> memref<8x128xf32, #tpu.memory_space<hbm>>
      tpu.wait_dma2 semaphore(%arg15 : memref<!tpu.dma_semaphore, #tpu.memory_space<semaphore_mem>>) src(%dma_wait3A_2324 : memref<8x128xf32, #tpu.memory_space<hbm>>) dst(%dma_wait3A_2321 : memref<8x128xf32, #tpu.memory_space<vmem>>)
      %dma_wait3A_2325 = arith.constant 0 : i32
      %dma_wait3A_2326 = arith.constant 0 : i32
      %dma_wait3A_2327 = tpu.memref_slice %arg10[%dma_wait3A_2325, %dma_wait3A_2326] : memref<16x2048xf32, #tpu.memory_space<vmem>> -> memref<8x128xf32, #tpu.memory_space<vmem>>
      %dma_wait3A_2328 = arith.constant 0 : i32
      %dma_wait3A_2329 = arith.constant 0 : i32
      %dma_wait3A_2330 = tpu.memref_slice %arg5[%dma_wait3A_2328, %dma_wait3A_2329] : memref<16x1000000xf32, #tpu.memory_space<hbm>> -> memref<8x128xf32, #tpu.memory_space<hbm>>
      %dma_wait3A_2331 = arith.constant 0 : i32
      %dma_wait3A_2332 = arith.constant 0 : i32
      %dma_wait3A_2333 = tpu.memref_slice %arg10[%dma_wait3A_2331, %dma_wait3A_2332] : memref<16x2048xf32, #tpu.memory_space<vmem>> -> memref<8x128xf32, #tpu.memory_space<vmem>>
      %dma_wait3A_2334 = arith.constant 0 : i32
      %dma_wait3A_2335 = arith.constant 0 : i32
      %dma_wait3A_2336 = tpu.memref_slice %arg5[%dma_wait3A_2334, %dma_wait3A_2335] : memref<16x1000000xf32, #tpu.memory_space<hbm>> -> memref<8x128xf32, #tpu.memory_space<hbm>>
      tpu.wait_dma2 semaphore(%arg17 : memref<!tpu.dma_semaphore, #tpu.memory_space<semaphore_mem>>) src(%dma_wait3A_2336 : memref<8x128xf32, #tpu.memory_space<hbm>>) dst(%dma_wait3A_2333 : memref<8x128xf32, #tpu.memory_space<vmem>>)
      %dma_wait3A_2337 = arith.constant 0 : i32
      %dma_wait3A_2338 = arith.constant 0 : i32
      %dma_wait3A_2339 = tpu.memref_slice %arg9[%dma_wait3A_2337, %dma_wait3A_2338] : memref<16x2048xf32, #tpu.memory_space<vmem>> -> memref<8x128xf32, #tpu.memory_space<vmem>>
      %dma_wait3A_2340 = arith.constant 0 : i32
      %dma_wait3A_2341 = arith.constant 0 : i32
      %dma_wait3A_2342 = tpu.memref_slice %arg4[%dma_wait3A_2340, %dma_wait3A_2341] : memref<16x1000000xf32, #tpu.memory_space<hbm>> -> memref<8x128xf32, #tpu.memory_space<hbm>>
      %dma_wait3A_2343 = arith.constant 0 : i32
      %dma_wait3A_2344 = arith.constant 0 : i32
      %dma_wait3A_2345 = tpu.memref_slice %arg9[%dma_wait3A_2343, %dma_wait3A_2344] : memref<16x2048xf32, #tpu.memory_space<vmem>> -> memref<8x128xf32, #tpu.memory_space<vmem>>
      %dma_wait3A_2346 = arith.constant 0 : i32
      %dma_wait3A_2347 = arith.constant 0 : i32
      %dma_wait3A_2348 = tpu.memref_slice %arg4[%dma_wait3A_2346, %dma_wait3A_2347] : memref<16x1000000xf32, #tpu.memory_space<hbm>> -> memref<8x128xf32, #tpu.memory_space<hbm>>
      tpu.wait_dma2 semaphore(%arg15 : memref<!tpu.dma_semaphore, #tpu.memory_space<semaphore_mem>>) src(%dma_wait3A_2348 : memref<8x128xf32, #tpu.memory_space<hbm>>) dst(%dma_wait3A_2345 : memref<8x128xf32, #tpu.memory_space<vmem>>)
      %dma_wait3A_2349 = arith.constant 0 : i32
      %dma_wait3A_2350 = arith.constant 0 : i32
      %dma_wait3A_2351 = tpu.memref_slice %arg10[%dma_wait3A_2349, %dma_wait3A_2350] : memref<16x2048xf32, #tpu.memory_space<vmem>> -> memref<8x128xf32, #tpu.memory_space<vmem>>
      %dma_wait3A_2352 = arith.constant 0 : i32
      %dma_wait3A_2353 = arith.constant 0 : i32
      %dma_wait3A_2354 = tpu.memref_slice %arg5[%dma_wait3A_2352, %dma_wait3A_2353] : memref<16x1000000xf32, #tpu.memory_space<hbm>> -> memref<8x128xf32, #tpu.memory_space<hbm>>
      %dma_wait3A_2355 = arith.constant 0 : i32
      %dma_wait3A_2356 = arith.constant 0 : i32
      %dma_wait3A_2357 = tpu.memref_slice %arg10[%dma_wait3A_2355, %dma_wait3A_2356] : memref<16x2048xf32, #tpu.memory_space<vmem>> -> memref<8x128xf32, #tpu.memory_space<vmem>>
      %dma_wait3A_2358 = arith.constant 0 : i32
      %dma_wait3A_2359 = arith.constant 0 : i32
      %dma_wait3A_2360 = tpu.memref_slice %arg5[%dma_wait3A_2358, %dma_wait3A_2359] : memref<16x1000000xf32, #tpu.memory_space<hbm>> -> memref<8x128xf32, #tpu.memory_space<hbm>>
      tpu.wait_dma2 semaphore(%arg17 : memref<!tpu.dma_semaphore, #tpu.memory_space<semaphore_mem>>) src(%dma_wait3A_2360 : memref<8x128xf32, #tpu.memory_space<hbm>>) dst(%dma_wait3A_2357 : memref<8x128xf32, #tpu.memory_space<vmem>>)
      %dma_wait3A_2361 = arith.constant 0 : i32
      %dma_wait3A_2362 = arith.constant 0 : i32
      %dma_wait3A_2363 = tpu.memref_slice %arg9[%dma_wait3A_2361, %dma_wait3A_2362] : memref<16x2048xf32, #tpu.memory_space<vmem>> -> memref<8x128xf32, #tpu.memory_space<vmem>>
      %dma_wait3A_2364 = arith.constant 0 : i32
      %dma_wait3A_2365 = arith.constant 0 : i32
      %dma_wait3A_2366 = tpu.memref_slice %arg4[%dma_wait3A_2364, %dma_wait3A_2365] : memref<16x1000000xf32, #tpu.memory_space<hbm>> -> memref<8x128xf32, #tpu.memory_space<hbm>>
      %dma_wait3A_2367 = arith.constant 0 : i32
      %dma_wait3A_2368 = arith.constant 0 : i32
      %dma_wait3A_2369 = tpu.memref_slice %arg9[%dma_wait3A_2367, %dma_wait3A_2368] : memref<16x2048xf32, #tpu.memory_space<vmem>> -> memref<8x128xf32, #tpu.memory_space<vmem>>
      %dma_wait3A_2370 = arith.constant 0 : i32
      %dma_wait3A_2371 = arith.constant 0 : i32
      %dma_wait3A_2372 = tpu.memref_slice %arg4[%dma_wait3A_2370, %dma_wait3A_2371] : memref<16x1000000xf32, #tpu.memory_space<hbm>> -> memref<8x128xf32, #tpu.memory_space<hbm>>
      tpu.wait_dma2 semaphore(%arg15 : memref<!tpu.dma_semaphore, #tpu.memory_space<semaphore_mem>>) src(%dma_wait3A_2372 : memref<8x128xf32, #tpu.memory_space<hbm>>) dst(%dma_wait3A_2369 : memref<8x128xf32, #tpu.memory_space<vmem>>)
      %dma_wait3A_2373 = arith.constant 0 : i32
      %dma_wait3A_2374 = arith.constant 0 : i32
      %dma_wait3A_2375 = tpu.memref_slice %arg10[%dma_wait3A_2373, %dma_wait3A_2374] : memref<16x2048xf32, #tpu.memory_space<vmem>> -> memref<8x128xf32, #tpu.memory_space<vmem>>
      %dma_wait3A_2376 = arith.constant 0 : i32
      %dma_wait3A_2377 = arith.constant 0 : i32
      %dma_wait3A_2378 = tpu.memref_slice %arg5[%dma_wait3A_2376, %dma_wait3A_2377] : memref<16x1000000xf32, #tpu.memory_space<hbm>> -> memref<8x128xf32, #tpu.memory_space<hbm>>
      %dma_wait3A_2379 = arith.constant 0 : i32
      %dma_wait3A_2380 = arith.constant 0 : i32
      %dma_wait3A_2381 = tpu.memref_slice %arg10[%dma_wait3A_2379, %dma_wait3A_2380] : memref<16x2048xf32, #tpu.memory_space<vmem>> -> memref<8x128xf32, #tpu.memory_space<vmem>>
      %dma_wait3A_2382 = arith.constant 0 : i32
      %dma_wait3A_2383 = arith.constant 0 : i32
      %dma_wait3A_2384 = tpu.memref_slice %arg5[%dma_wait3A_2382, %dma_wait3A_2383] : memref<16x1000000xf32, #tpu.memory_space<hbm>> -> memref<8x128xf32, #tpu.memory_space<hbm>>
      tpu.wait_dma2 semaphore(%arg17 : memref<!tpu.dma_semaphore, #tpu.memory_space<semaphore_mem>>) src(%dma_wait3A_2384 : memref<8x128xf32, #tpu.memory_space<hbm>>) dst(%dma_wait3A_2381 : memref<8x128xf32, #tpu.memory_space<vmem>>)
      %dma_wait3A_2385 = arith.constant 0 : i32
      %dma_wait3A_2386 = arith.constant 0 : i32
      %dma_wait3A_2387 = tpu.memref_slice %arg9[%dma_wait3A_2385, %dma_wait3A_2386] : memref<16x2048xf32, #tpu.memory_space<vmem>> -> memref<8x128xf32, #tpu.memory_space<vmem>>
      %dma_wait3A_2388 = arith.constant 0 : i32
      %dma_wait3A_2389 = arith.constant 0 : i32
      %dma_wait3A_2390 = tpu.memref_slice %arg4[%dma_wait3A_2388, %dma_wait3A_2389] : memref<16x1000000xf32, #tpu.memory_space<hbm>> -> memref<8x128xf32, #tpu.memory_space<hbm>>
      %dma_wait3A_2391 = arith.constant 0 : i32
      %dma_wait3A_2392 = arith.constant 0 : i32
      %dma_wait3A_2393 = tpu.memref_slice %arg9[%dma_wait3A_2391, %dma_wait3A_2392] : memref<16x2048xf32, #tpu.memory_space<vmem>> -> memref<8x128xf32, #tpu.memory_space<vmem>>
      %dma_wait3A_2394 = arith.constant 0 : i32
      %dma_wait3A_2395 = arith.constant 0 : i32
      %dma_wait3A_2396 = tpu.memref_slice %arg4[%dma_wait3A_2394, %dma_wait3A_2395] : memref<16x1000000xf32, #tpu.memory_space<hbm>> -> memref<8x128xf32, #tpu.memory_space<hbm>>
      tpu.wait_dma2 semaphore(%arg15 : memref<!tpu.dma_semaphore, #tpu.memory_space<semaphore_mem>>) src(%dma_wait3A_2396 : memref<8x128xf32, #tpu.memory_space<hbm>>) dst(%dma_wait3A_2393 : memref<8x128xf32, #tpu.memory_space<vmem>>)
      %dma_wait3A_2397 = arith.constant 0 : i32
      %dma_wait3A_2398 = arith.constant 0 : i32
      %dma_wait3A_2399 = tpu.memref_slice %arg10[%dma_wait3A_2397, %dma_wait3A_2398] : memref<16x2048xf32, #tpu.memory_space<vmem>> -> memref<8x128xf32, #tpu.memory_space<vmem>>
      %dma_wait3A_2400 = arith.constant 0 : i32
      %dma_wait3A_2401 = arith.constant 0 : i32
      %dma_wait3A_2402 = tpu.memref_slice %arg5[%dma_wait3A_2400, %dma_wait3A_2401] : memref<16x1000000xf32, #tpu.memory_space<hbm>> -> memref<8x128xf32, #tpu.memory_space<hbm>>
      %dma_wait3A_2403 = arith.constant 0 : i32
      %dma_wait3A_2404 = arith.constant 0 : i32
      %dma_wait3A_2405 = tpu.memref_slice %arg10[%dma_wait3A_2403, %dma_wait3A_2404] : memref<16x2048xf32, #tpu.memory_space<vmem>> -> memref<8x128xf32, #tpu.memory_space<vmem>>
      %dma_wait3A_2406 = arith.constant 0 : i32
      %dma_wait3A_2407 = arith.constant 0 : i32
      %dma_wait3A_2408 = tpu.memref_slice %arg5[%dma_wait3A_2406, %dma_wait3A_2407] : memref<16x1000000xf32, #tpu.memory_space<hbm>> -> memref<8x128xf32, #tpu.memory_space<hbm>>
      tpu.wait_dma2 semaphore(%arg17 : memref<!tpu.dma_semaphore, #tpu.memory_space<semaphore_mem>>) src(%dma_wait3A_2408 : memref<8x128xf32, #tpu.memory_space<hbm>>) dst(%dma_wait3A_2405 : memref<8x128xf32, #tpu.memory_space<vmem>>)
      %dma_wait3A_2409 = arith.constant 0 : i32
      %dma_wait3A_2410 = arith.constant 0 : i32
      %dma_wait3A_2411 = tpu.memref_slice %arg9[%dma_wait3A_2409, %dma_wait3A_2410] : memref<16x2048xf32, #tpu.memory_space<vmem>> -> memref<8x128xf32, #tpu.memory_space<vmem>>
      %dma_wait3A_2412 = arith.constant 0 : i32
      %dma_wait3A_2413 = arith.constant 0 : i32
      %dma_wait3A_2414 = tpu.memref_slice %arg4[%dma_wait3A_2412, %dma_wait3A_2413] : memref<16x1000000xf32, #tpu.memory_space<hbm>> -> memref<8x128xf32, #tpu.memory_space<hbm>>
      %dma_wait3A_2415 = arith.constant 0 : i32
      %dma_wait3A_2416 = arith.constant 0 : i32
      %dma_wait3A_2417 = tpu.memref_slice %arg9[%dma_wait3A_2415, %dma_wait3A_2416] : memref<16x2048xf32, #tpu.memory_space<vmem>> -> memref<8x128xf32, #tpu.memory_space<vmem>>
      %dma_wait3A_2418 = arith.constant 0 : i32
      %dma_wait3A_2419 = arith.constant 0 : i32
      %dma_wait3A_2420 = tpu.memref_slice %arg4[%dma_wait3A_2418, %dma_wait3A_2419] : memref<16x1000000xf32, #tpu.memory_space<hbm>> -> memref<8x128xf32, #tpu.memory_space<hbm>>
      tpu.wait_dma2 semaphore(%arg15 : memref<!tpu.dma_semaphore, #tpu.memory_space<semaphore_mem>>) src(%dma_wait3A_2420 : memref<8x128xf32, #tpu.memory_space<hbm>>) dst(%dma_wait3A_2417 : memref<8x128xf32, #tpu.memory_space<vmem>>)
      %dma_wait3A_2421 = arith.constant 0 : i32
      %dma_wait3A_2422 = arith.constant 0 : i32
      %dma_wait3A_2423 = tpu.memref_slice %arg10[%dma_wait3A_2421, %dma_wait3A_2422] : memref<16x2048xf32, #tpu.memory_space<vmem>> -> memref<8x128xf32, #tpu.memory_space<vmem>>
      %dma_wait3A_2424 = arith.constant 0 : i32
      %dma_wait3A_2425 = arith.constant 0 : i32
      %dma_wait3A_2426 = tpu.memref_slice %arg5[%dma_wait3A_2424, %dma_wait3A_2425] : memref<16x1000000xf32, #tpu.memory_space<hbm>> -> memref<8x128xf32, #tpu.memory_space<hbm>>
      %dma_wait3A_2427 = arith.constant 0 : i32
      %dma_wait3A_2428 = arith.constant 0 : i32
      %dma_wait3A_2429 = tpu.memref_slice %arg10[%dma_wait3A_2427, %dma_wait3A_2428] : memref<16x2048xf32, #tpu.memory_space<vmem>> -> memref<8x128xf32, #tpu.memory_space<vmem>>
      %dma_wait3A_2430 = arith.constant 0 : i32
      %dma_wait3A_2431 = arith.constant 0 : i32
      %dma_wait3A_2432 = tpu.memref_slice %arg5[%dma_wait3A_2430, %dma_wait3A_2431] : memref<16x1000000xf32, #tpu.memory_space<hbm>> -> memref<8x128xf32, #tpu.memory_space<hbm>>
      tpu.wait_dma2 semaphore(%arg17 : memref<!tpu.dma_semaphore, #tpu.memory_space<semaphore_mem>>) src(%dma_wait3A_2432 : memref<8x128xf32, #tpu.memory_space<hbm>>) dst(%dma_wait3A_2429 : memref<8x128xf32, #tpu.memory_space<vmem>>)
      %dma_wait3A_2433 = arith.constant 0 : i32
      %dma_wait3A_2434 = arith.constant 0 : i32
      %dma_wait3A_2435 = tpu.memref_slice %arg9[%dma_wait3A_2433, %dma_wait3A_2434] : memref<16x2048xf32, #tpu.memory_space<vmem>> -> memref<8x128xf32, #tpu.memory_space<vmem>>
      %dma_wait3A_2436 = arith.constant 0 : i32
      %dma_wait3A_2437 = arith.constant 0 : i32
      %dma_wait3A_2438 = tpu.memref_slice %arg4[%dma_wait3A_2436, %dma_wait3A_2437] : memref<16x1000000xf32, #tpu.memory_space<hbm>> -> memref<8x128xf32, #tpu.memory_space<hbm>>
      %dma_wait3A_2439 = arith.constant 0 : i32
      %dma_wait3A_2440 = arith.constant 0 : i32
      %dma_wait3A_2441 = tpu.memref_slice %arg9[%dma_wait3A_2439, %dma_wait3A_2440] : memref<16x2048xf32, #tpu.memory_space<vmem>> -> memref<8x128xf32, #tpu.memory_space<vmem>>
      %dma_wait3A_2442 = arith.constant 0 : i32
      %dma_wait3A_2443 = arith.constant 0 : i32
      %dma_wait3A_2444 = tpu.memref_slice %arg4[%dma_wait3A_2442, %dma_wait3A_2443] : memref<16x1000000xf32, #tpu.memory_space<hbm>> -> memref<8x128xf32, #tpu.memory_space<hbm>>
      tpu.wait_dma2 semaphore(%arg15 : memref<!tpu.dma_semaphore, #tpu.memory_space<semaphore_mem>>) src(%dma_wait3A_2444 : memref<8x128xf32, #tpu.memory_space<hbm>>) dst(%dma_wait3A_2441 : memref<8x128xf32, #tpu.memory_space<vmem>>)
      %dma_wait3A_2445 = arith.constant 0 : i32
      %dma_wait3A_2446 = arith.constant 0 : i32
      %dma_wait3A_2447 = tpu.memref_slice %arg10[%dma_wait3A_2445, %dma_wait3A_2446] : memref<16x2048xf32, #tpu.memory_space<vmem>> -> memref<8x128xf32, #tpu.memory_space<vmem>>
      %dma_wait3A_2448 = arith.constant 0 : i32
      %dma_wait3A_2449 = arith.constant 0 : i32
      %dma_wait3A_2450 = tpu.memref_slice %arg5[%dma_wait3A_2448, %dma_wait3A_2449] : memref<16x1000000xf32, #tpu.memory_space<hbm>> -> memref<8x128xf32, #tpu.memory_space<hbm>>
      %dma_wait3A_2451 = arith.constant 0 : i32
      %dma_wait3A_2452 = arith.constant 0 : i32
      %dma_wait3A_2453 = tpu.memref_slice %arg10[%dma_wait3A_2451, %dma_wait3A_2452] : memref<16x2048xf32, #tpu.memory_space<vmem>> -> memref<8x128xf32, #tpu.memory_space<vmem>>
      %dma_wait3A_2454 = arith.constant 0 : i32
      %dma_wait3A_2455 = arith.constant 0 : i32
      %dma_wait3A_2456 = tpu.memref_slice %arg5[%dma_wait3A_2454, %dma_wait3A_2455] : memref<16x1000000xf32, #tpu.memory_space<hbm>> -> memref<8x128xf32, #tpu.memory_space<hbm>>
      tpu.wait_dma2 semaphore(%arg17 : memref<!tpu.dma_semaphore, #tpu.memory_space<semaphore_mem>>) src(%dma_wait3A_2456 : memref<8x128xf32, #tpu.memory_space<hbm>>) dst(%dma_wait3A_2453 : memref<8x128xf32, #tpu.memory_space<vmem>>)
      %dma_wait3A_2457 = arith.constant 0 : i32
      %dma_wait3A_2458 = arith.constant 0 : i32
      %dma_wait3A_2459 = tpu.memref_slice %arg9[%dma_wait3A_2457, %dma_wait3A_2458] : memref<16x2048xf32, #tpu.memory_space<vmem>> -> memref<8x128xf32, #tpu.memory_space<vmem>>
      %dma_wait3A_2460 = arith.constant 0 : i32
      %dma_wait3A_2461 = arith.constant 0 : i32
      %dma_wait3A_2462 = tpu.memref_slice %arg4[%dma_wait3A_2460, %dma_wait3A_2461] : memref<16x1000000xf32, #tpu.memory_space<hbm>> -> memref<8x128xf32, #tpu.memory_space<hbm>>
      %dma_wait3A_2463 = arith.constant 0 : i32
      %dma_wait3A_2464 = arith.constant 0 : i32
      %dma_wait3A_2465 = tpu.memref_slice %arg9[%dma_wait3A_2463, %dma_wait3A_2464] : memref<16x2048xf32, #tpu.memory_space<vmem>> -> memref<8x128xf32, #tpu.memory_space<vmem>>
      %dma_wait3A_2466 = arith.constant 0 : i32
      %dma_wait3A_2467 = arith.constant 0 : i32
      %dma_wait3A_2468 = tpu.memref_slice %arg4[%dma_wait3A_2466, %dma_wait3A_2467] : memref<16x1000000xf32, #tpu.memory_space<hbm>> -> memref<8x128xf32, #tpu.memory_space<hbm>>
      tpu.wait_dma2 semaphore(%arg15 : memref<!tpu.dma_semaphore, #tpu.memory_space<semaphore_mem>>) src(%dma_wait3A_2468 : memref<8x128xf32, #tpu.memory_space<hbm>>) dst(%dma_wait3A_2465 : memref<8x128xf32, #tpu.memory_space<vmem>>)
      %dma_wait3A_2469 = arith.constant 0 : i32
      %dma_wait3A_2470 = arith.constant 0 : i32
      %dma_wait3A_2471 = tpu.memref_slice %arg10[%dma_wait3A_2469, %dma_wait3A_2470] : memref<16x2048xf32, #tpu.memory_space<vmem>> -> memref<8x128xf32, #tpu.memory_space<vmem>>
      %dma_wait3A_2472 = arith.constant 0 : i32
      %dma_wait3A_2473 = arith.constant 0 : i32
      %dma_wait3A_2474 = tpu.memref_slice %arg5[%dma_wait3A_2472, %dma_wait3A_2473] : memref<16x1000000xf32, #tpu.memory_space<hbm>> -> memref<8x128xf32, #tpu.memory_space<hbm>>
      %dma_wait3A_2475 = arith.constant 0 : i32
      %dma_wait3A_2476 = arith.constant 0 : i32
      %dma_wait3A_2477 = tpu.memref_slice %arg10[%dma_wait3A_2475, %dma_wait3A_2476] : memref<16x2048xf32, #tpu.memory_space<vmem>> -> memref<8x128xf32, #tpu.memory_space<vmem>>
      %dma_wait3A_2478 = arith.constant 0 : i32
      %dma_wait3A_2479 = arith.constant 0 : i32
      %dma_wait3A_2480 = tpu.memref_slice %arg5[%dma_wait3A_2478, %dma_wait3A_2479] : memref<16x1000000xf32, #tpu.memory_space<hbm>> -> memref<8x128xf32, #tpu.memory_space<hbm>>
      tpu.wait_dma2 semaphore(%arg17 : memref<!tpu.dma_semaphore, #tpu.memory_space<semaphore_mem>>) src(%dma_wait3A_2480 : memref<8x128xf32, #tpu.memory_space<hbm>>) dst(%dma_wait3A_2477 : memref<8x128xf32, #tpu.memory_space<vmem>>)
      %dma_wait3A_2481 = arith.constant 0 : i32
      %dma_wait3A_2482 = arith.constant 0 : i32
      %dma_wait3A_2483 = tpu.memref_slice %arg9[%dma_wait3A_2481, %dma_wait3A_2482] : memref<16x2048xf32, #tpu.memory_space<vmem>> -> memref<8x128xf32, #tpu.memory_space<vmem>>
      %dma_wait3A_2484 = arith.constant 0 : i32
      %dma_wait3A_2485 = arith.constant 0 : i32
      %dma_wait3A_2486 = tpu.memref_slice %arg4[%dma_wait3A_2484, %dma_wait3A_2485] : memref<16x1000000xf32, #tpu.memory_space<hbm>> -> memref<8x128xf32, #tpu.memory_space<hbm>>
      %dma_wait3A_2487 = arith.constant 0 : i32
      %dma_wait3A_2488 = arith.constant 0 : i32
      %dma_wait3A_2489 = tpu.memref_slice %arg9[%dma_wait3A_2487, %dma_wait3A_2488] : memref<16x2048xf32, #tpu.memory_space<vmem>> -> memref<8x128xf32, #tpu.memory_space<vmem>>
      %dma_wait3A_2490 = arith.constant 0 : i32
      %dma_wait3A_2491 = arith.constant 0 : i32
      %dma_wait3A_2492 = tpu.memref_slice %arg4[%dma_wait3A_2490, %dma_wait3A_2491] : memref<16x1000000xf32, #tpu.memory_space<hbm>> -> memref<8x128xf32, #tpu.memory_space<hbm>>
      tpu.wait_dma2 semaphore(%arg15 : memref<!tpu.dma_semaphore, #tpu.memory_space<semaphore_mem>>) src(%dma_wait3A_2492 : memref<8x128xf32, #tpu.memory_space<hbm>>) dst(%dma_wait3A_2489 : memref<8x128xf32, #tpu.memory_space<vmem>>)
      %dma_wait3A_2493 = arith.constant 0 : i32
      %dma_wait3A_2494 = arith.constant 0 : i32
      %dma_wait3A_2495 = tpu.memref_slice %arg10[%dma_wait3A_2493, %dma_wait3A_2494] : memref<16x2048xf32, #tpu.memory_space<vmem>> -> memref<8x128xf32, #tpu.memory_space<vmem>>
      %dma_wait3A_2496 = arith.constant 0 : i32
      %dma_wait3A_2497 = arith.constant 0 : i32
      %dma_wait3A_2498 = tpu.memref_slice %arg5[%dma_wait3A_2496, %dma_wait3A_2497] : memref<16x1000000xf32, #tpu.memory_space<hbm>> -> memref<8x128xf32, #tpu.memory_space<hbm>>
      %dma_wait3A_2499 = arith.constant 0 : i32
      %dma_wait3A_2500 = arith.constant 0 : i32
      %dma_wait3A_2501 = tpu.memref_slice %arg10[%dma_wait3A_2499, %dma_wait3A_2500] : memref<16x2048xf32, #tpu.memory_space<vmem>> -> memref<8x128xf32, #tpu.memory_space<vmem>>
      %dma_wait3A_2502 = arith.constant 0 : i32
      %dma_wait3A_2503 = arith.constant 0 : i32
      %dma_wait3A_2504 = tpu.memref_slice %arg5[%dma_wait3A_2502, %dma_wait3A_2503] : memref<16x1000000xf32, #tpu.memory_space<hbm>> -> memref<8x128xf32, #tpu.memory_space<hbm>>
      tpu.wait_dma2 semaphore(%arg17 : memref<!tpu.dma_semaphore, #tpu.memory_space<semaphore_mem>>) src(%dma_wait3A_2504 : memref<8x128xf32, #tpu.memory_space<hbm>>) dst(%dma_wait3A_2501 : memref<8x128xf32, #tpu.memory_space<vmem>>)
      %dma_wait3A_2505 = arith.constant 0 : i32
      %dma_wait3A_2506 = arith.constant 0 : i32
      %dma_wait3A_2507 = tpu.memref_slice %arg9[%dma_wait3A_2505, %dma_wait3A_2506] : memref<16x2048xf32, #tpu.memory_space<vmem>> -> memref<8x128xf32, #tpu.memory_space<vmem>>
      %dma_wait3A_2508 = arith.constant 0 : i32
      %dma_wait3A_2509 = arith.constant 0 : i32
      %dma_wait3A_2510 = tpu.memref_slice %arg4[%dma_wait3A_2508, %dma_wait3A_2509] : memref<16x1000000xf32, #tpu.memory_space<hbm>> -> memref<8x128xf32, #tpu.memory_space<hbm>>
      %dma_wait3A_2511 = arith.constant 0 : i32
      %dma_wait3A_2512 = arith.constant 0 : i32
      %dma_wait3A_2513 = tpu.memref_slice %arg9[%dma_wait3A_2511, %dma_wait3A_2512] : memref<16x2048xf32, #tpu.memory_space<vmem>> -> memref<8x128xf32, #tpu.memory_space<vmem>>
      %dma_wait3A_2514 = arith.constant 0 : i32
      %dma_wait3A_2515 = arith.constant 0 : i32
      %dma_wait3A_2516 = tpu.memref_slice %arg4[%dma_wait3A_2514, %dma_wait3A_2515] : memref<16x1000000xf32, #tpu.memory_space<hbm>> -> memref<8x128xf32, #tpu.memory_space<hbm>>
      tpu.wait_dma2 semaphore(%arg15 : memref<!tpu.dma_semaphore, #tpu.memory_space<semaphore_mem>>) src(%dma_wait3A_2516 : memref<8x128xf32, #tpu.memory_space<hbm>>) dst(%dma_wait3A_2513 : memref<8x128xf32, #tpu.memory_space<vmem>>)
      %dma_wait3A_2517 = arith.constant 0 : i32
      %dma_wait3A_2518 = arith.constant 0 : i32
      %dma_wait3A_2519 = tpu.memref_slice %arg10[%dma_wait3A_2517, %dma_wait3A_2518] : memref<16x2048xf32, #tpu.memory_space<vmem>> -> memref<8x128xf32, #tpu.memory_space<vmem>>
      %dma_wait3A_2520 = arith.constant 0 : i32
      %dma_wait3A_2521 = arith.constant 0 : i32
      %dma_wait3A_2522 = tpu.memref_slice %arg5[%dma_wait3A_2520, %dma_wait3A_2521] : memref<16x1000000xf32, #tpu.memory_space<hbm>> -> memref<8x128xf32, #tpu.memory_space<hbm>>
      %dma_wait3A_2523 = arith.constant 0 : i32
      %dma_wait3A_2524 = arith.constant 0 : i32
      %dma_wait3A_2525 = tpu.memref_slice %arg10[%dma_wait3A_2523, %dma_wait3A_2524] : memref<16x2048xf32, #tpu.memory_space<vmem>> -> memref<8x128xf32, #tpu.memory_space<vmem>>
      %dma_wait3A_2526 = arith.constant 0 : i32
      %dma_wait3A_2527 = arith.constant 0 : i32
      %dma_wait3A_2528 = tpu.memref_slice %arg5[%dma_wait3A_2526, %dma_wait3A_2527] : memref<16x1000000xf32, #tpu.memory_space<hbm>> -> memref<8x128xf32, #tpu.memory_space<hbm>>
      tpu.wait_dma2 semaphore(%arg17 : memref<!tpu.dma_semaphore, #tpu.memory_space<semaphore_mem>>) src(%dma_wait3A_2528 : memref<8x128xf32, #tpu.memory_space<hbm>>) dst(%dma_wait3A_2525 : memref<8x128xf32, #tpu.memory_space<vmem>>)
      %dma_wait3A_2529 = arith.constant 0 : i32
      %dma_wait3A_2530 = arith.constant 0 : i32
      %dma_wait3A_2531 = tpu.memref_slice %arg9[%dma_wait3A_2529, %dma_wait3A_2530] : memref<16x2048xf32, #tpu.memory_space<vmem>> -> memref<8x128xf32, #tpu.memory_space<vmem>>
      %dma_wait3A_2532 = arith.constant 0 : i32
      %dma_wait3A_2533 = arith.constant 0 : i32
      %dma_wait3A_2534 = tpu.memref_slice %arg4[%dma_wait3A_2532, %dma_wait3A_2533] : memref<16x1000000xf32, #tpu.memory_space<hbm>> -> memref<8x128xf32, #tpu.memory_space<hbm>>
      %dma_wait3A_2535 = arith.constant 0 : i32
      %dma_wait3A_2536 = arith.constant 0 : i32
      %dma_wait3A_2537 = tpu.memref_slice %arg9[%dma_wait3A_2535, %dma_wait3A_2536] : memref<16x2048xf32, #tpu.memory_space<vmem>> -> memref<8x128xf32, #tpu.memory_space<vmem>>
      %dma_wait3A_2538 = arith.constant 0 : i32
      %dma_wait3A_2539 = arith.constant 0 : i32
      %dma_wait3A_2540 = tpu.memref_slice %arg4[%dma_wait3A_2538, %dma_wait3A_2539] : memref<16x1000000xf32, #tpu.memory_space<hbm>> -> memref<8x128xf32, #tpu.memory_space<hbm>>
      tpu.wait_dma2 semaphore(%arg15 : memref<!tpu.dma_semaphore, #tpu.memory_space<semaphore_mem>>) src(%dma_wait3A_2540 : memref<8x128xf32, #tpu.memory_space<hbm>>) dst(%dma_wait3A_2537 : memref<8x128xf32, #tpu.memory_space<vmem>>)
      %dma_wait3A_2541 = arith.constant 0 : i32
      %dma_wait3A_2542 = arith.constant 0 : i32
      %dma_wait3A_2543 = tpu.memref_slice %arg10[%dma_wait3A_2541, %dma_wait3A_2542] : memref<16x2048xf32, #tpu.memory_space<vmem>> -> memref<8x128xf32, #tpu.memory_space<vmem>>
      %dma_wait3A_2544 = arith.constant 0 : i32
      %dma_wait3A_2545 = arith.constant 0 : i32
      %dma_wait3A_2546 = tpu.memref_slice %arg5[%dma_wait3A_2544, %dma_wait3A_2545] : memref<16x1000000xf32, #tpu.memory_space<hbm>> -> memref<8x128xf32, #tpu.memory_space<hbm>>
      %dma_wait3A_2547 = arith.constant 0 : i32
      %dma_wait3A_2548 = arith.constant 0 : i32
      %dma_wait3A_2549 = tpu.memref_slice %arg10[%dma_wait3A_2547, %dma_wait3A_2548] : memref<16x2048xf32, #tpu.memory_space<vmem>> -> memref<8x128xf32, #tpu.memory_space<vmem>>
      %dma_wait3A_2550 = arith.constant 0 : i32
      %dma_wait3A_2551 = arith.constant 0 : i32
      %dma_wait3A_2552 = tpu.memref_slice %arg5[%dma_wait3A_2550, %dma_wait3A_2551] : memref<16x1000000xf32, #tpu.memory_space<hbm>> -> memref<8x128xf32, #tpu.memory_space<hbm>>
      tpu.wait_dma2 semaphore(%arg17 : memref<!tpu.dma_semaphore, #tpu.memory_space<semaphore_mem>>) src(%dma_wait3A_2552 : memref<8x128xf32, #tpu.memory_space<hbm>>) dst(%dma_wait3A_2549 : memref<8x128xf32, #tpu.memory_space<vmem>>)
      %mul3A_2553 = arith.constant 16 : i32
      %mul3A_2554 = arith.muli %scan3A_653, %mul3A_2553 : i32
      %add3A_2555 = arith.constant 8 : i32
      %add3A_2556 = arith.addi %mul3A_2554, %add3A_2555 : i32
      %mul3A_2557 = arith.constant 16 : i32
      %mul3A_2558 = arith.muli %add3A_2556, %mul3A_2557 : i32
      %multiple_of3A_2559 = tpu.assume_multiple %mul3A_2558, 16 : i32
      %slice3A_2560 = vector.extract_strided_slice %get3A_660 {offsets = [8], sizes = [1], strides = [1]} : vector<16xi32> to vector<1xi32>
      %squeeze3A_2561 = vector.extract %slice3A_2560[0] : i32 from vector<1xi32>
      %jit3A_2562 = arith.constant 128 : i32
      %eq3A_2563 = arith.constant 0 : i32
      %eq3A_2564 = arith.cmpi eq, %jit3A_2562, %eq3A_2563 : i32
      %jit3A_2565 = arith.constant 1 : i32
      %select_n3A_2566 = arith.select %eq3A_2564, %jit3A_2565, %jit3A_2562 : i32
      %rem3A_2567 = arith.remsi %squeeze3A_2561, %select_n3A_2566 : i32
      %ne3A_2568 = arith.constant 0 : i32
      %ne3A_2569 = arith.cmpi ne, %rem3A_2567, %ne3A_2568 : i32
      %lt3A_2570 = arith.constant 0 : i32
      %lt3A_2571 = arith.cmpi slt, %rem3A_2567, %lt3A_2570 : i32
      %lt3A_2572 = arith.constant 0 : i32
      %lt3A_2573 = arith.cmpi slt, %select_n3A_2566, %lt3A_2572 : i32
      %ne3A_2574 = arith.xori %lt3A_2571, %lt3A_2573 : i1
      %and3A_2575 = arith.andi %ne3A_2574, %ne3A_2569 : i1
      %add3A_2576 = arith.addi %rem3A_2567, %select_n3A_2566 : i32
      %select_n3A_2577 = arith.select %and3A_2575, %add3A_2576, %rem3A_2567 : i32
      %iota3A_2578 = tpu.iota {dimensions = array<i32: 0>} : vector<16xi32>
      %broadcast_in_dim3A_2579 = arith.constant 1024 : i32
      %broadcast_in_dim3A_2580 = vector.broadcast %broadcast_in_dim3A_2579 : i32 to vector<16xi32>
      %add3A_2581 = vector.broadcast %select_n3A_2577 : i32 to vector<16xi32>
      %add3A_2582 = arith.addi %broadcast_in_dim3A_2580, %add3A_2581 : vector<16xi32>
      %slice3A_2583 = vector.extract_strided_slice %get3A_662 {offsets = [8], sizes = [1], strides = [1]} : vector<16xi32> to vector<1xi32>
      %squeeze3A_2584 = vector.extract %slice3A_2583[0] : i32 from vector<1xi32>
      %jit3A_2585 = arith.constant 128 : i32
      %eq3A_2586 = arith.constant 0 : i32
      %eq3A_2587 = arith.cmpi eq, %jit3A_2585, %eq3A_2586 : i32
      %jit3A_2588 = arith.constant 1 : i32
      %select_n3A_2589 = arith.select %eq3A_2587, %jit3A_2588, %jit3A_2585 : i32
      %rem3A_2590 = arith.remsi %squeeze3A_2584, %select_n3A_2589 : i32
      %ne3A_2591 = arith.constant 0 : i32
      %ne3A_2592 = arith.cmpi ne, %rem3A_2590, %ne3A_2591 : i32
      %lt3A_2593 = arith.constant 0 : i32
      %lt3A_2594 = arith.cmpi slt, %rem3A_2590, %lt3A_2593 : i32
      %lt3A_2595 = arith.constant 0 : i32
      %lt3A_2596 = arith.cmpi slt, %select_n3A_2589, %lt3A_2595 : i32
      %ne3A_2597 = arith.xori %lt3A_2594, %lt3A_2596 : i1
      %and3A_2598 = arith.andi %ne3A_2597, %ne3A_2592 : i1
      %add3A_2599 = arith.addi %rem3A_2590, %select_n3A_2589 : i32
      %select_n3A_2600 = arith.select %and3A_2598, %add3A_2599, %rem3A_2590 : i32
      %iota3A_2601 = tpu.iota {dimensions = array<i32: 0>} : vector<16xi32>
      %broadcast_in_dim3A_2602 = arith.constant 1024 : i32
      %broadcast_in_dim3A_2603 = vector.broadcast %broadcast_in_dim3A_2602 : i32 to vector<16xi32>
      %add3A_2604 = vector.broadcast %select_n3A_2600 : i32 to vector<16xi32>
      %add3A_2605 = arith.addi %broadcast_in_dim3A_2603, %add3A_2604 : vector<16xi32>
      %gather3A_2606 = tpu.vector_load_idx %arg9[%iota3A_2578, %add3A_2582] : memref<16x2048xf32, #tpu.memory_space<vmem>>[vector<16xi32>, vector<16xi32>], vector<16xf32>,
      %swap3A_2607 = arith.index_cast %multiple_of3A_2559 : i32 to index
      %swap3A_2608 = tpu.vector_load %arg11[%swap3A_2607] {strides = array<i32>} : memref<8192xf32, #tpu.memory_space<vmem>>, vector<16xf32>,
      tpu.vector_store %arg11[%swap3A_2607], %gather3A_2606 {strides = array<i32>} : memref<8192xf32, #tpu.memory_space<vmem>>, vector<16xf32>,
      %gather3A_2609 = tpu.vector_load_idx %arg10[%iota3A_2601, %add3A_2605] : memref<16x2048xf32, #tpu.memory_space<vmem>>[vector<16xi32>, vector<16xi32>], vector<16xf32>,
      %swap3A_2610 = arith.index_cast %multiple_of3A_2559 : i32 to index
      %swap3A_2611 = tpu.vector_load %arg12[%swap3A_2610] {strides = array<i32>} : memref<8192xf32, #tpu.memory_space<vmem>>, vector<16xf32>,
      tpu.vector_store %arg12[%swap3A_2610], %gather3A_2609 {strides = array<i32>} : memref<8192xf32, #tpu.memory_space<vmem>>, vector<16xf32>,
      %mul3A_2612 = arith.constant 16 : i32
      %mul3A_2613 = arith.muli %scan3A_653, %mul3A_2612 : i32
      %add3A_2614 = arith.constant 9 : i32
      %add3A_2615 = arith.addi %mul3A_2613, %add3A_2614 : i32
      %mul3A_2616 = arith.constant 16 : i32
      %mul3A_2617 = arith.muli %add3A_2615, %mul3A_2616 : i32
      %multiple_of3A_2618 = tpu.assume_multiple %mul3A_2617, 16 : i32
      %slice3A_2619 = vector.extract_strided_slice %get3A_660 {offsets = [9], sizes = [1], strides = [1]} : vector<16xi32> to vector<1xi32>
      %squeeze3A_2620 = vector.extract %slice3A_2619[0] : i32 from vector<1xi32>
      %jit3A_2621 = arith.constant 128 : i32
      %eq3A_2622 = arith.constant 0 : i32
      %eq3A_2623 = arith.cmpi eq, %jit3A_2621, %eq3A_2622 : i32
      %jit3A_2624 = arith.constant 1 : i32
      %select_n3A_2625 = arith.select %eq3A_2623, %jit3A_2624, %jit3A_2621 : i32
      %rem3A_2626 = arith.remsi %squeeze3A_2620, %select_n3A_2625 : i32
      %ne3A_2627 = arith.constant 0 : i32
      %ne3A_2628 = arith.cmpi ne, %rem3A_2626, %ne3A_2627 : i32
      %lt3A_2629 = arith.constant 0 : i32
      %lt3A_2630 = arith.cmpi slt, %rem3A_2626, %lt3A_2629 : i32
      %lt3A_2631 = arith.constant 0 : i32
      %lt3A_2632 = arith.cmpi slt, %select_n3A_2625, %lt3A_2631 : i32
      %ne3A_2633 = arith.xori %lt3A_2630, %lt3A_2632 : i1
      %and3A_2634 = arith.andi %ne3A_2633, %ne3A_2628 : i1
      %add3A_2635 = arith.addi %rem3A_2626, %select_n3A_2625 : i32
      %select_n3A_2636 = arith.select %and3A_2634, %add3A_2635, %rem3A_2626 : i32
      %iota3A_2637 = tpu.iota {dimensions = array<i32: 0>} : vector<16xi32>
      %broadcast_in_dim3A_2638 = arith.constant 1152 : i32
      %broadcast_in_dim3A_2639 = vector.broadcast %broadcast_in_dim3A_2638 : i32 to vector<16xi32>
      %add3A_2640 = vector.broadcast %select_n3A_2636 : i32 to vector<16xi32>
      %add3A_2641 = arith.addi %broadcast_in_dim3A_2639, %add3A_2640 : vector<16xi32>
      %slice3A_2642 = vector.extract_strided_slice %get3A_662 {offsets = [9], sizes = [1], strides = [1]} : vector<16xi32> to vector<1xi32>
      %squeeze3A_2643 = vector.extract %slice3A_2642[0] : i32 from vector<1xi32>
      %jit3A_2644 = arith.constant 128 : i32
      %eq3A_2645 = arith.constant 0 : i32
      %eq3A_2646 = arith.cmpi eq, %jit3A_2644, %eq3A_2645 : i32
      %jit3A_2647 = arith.constant 1 : i32
      %select_n3A_2648 = arith.select %eq3A_2646, %jit3A_2647, %jit3A_2644 : i32
      %rem3A_2649 = arith.remsi %squeeze3A_2643, %select_n3A_2648 : i32
      %ne3A_2650 = arith.constant 0 : i32
      %ne3A_2651 = arith.cmpi ne, %rem3A_2649, %ne3A_2650 : i32
      %lt3A_2652 = arith.constant 0 : i32
      %lt3A_2653 = arith.cmpi slt, %rem3A_2649, %lt3A_2652 : i32
      %lt3A_2654 = arith.constant 0 : i32
      %lt3A_2655 = arith.cmpi slt, %select_n3A_2648, %lt3A_2654 : i32
      %ne3A_2656 = arith.xori %lt3A_2653, %lt3A_2655 : i1
      %and3A_2657 = arith.andi %ne3A_2656, %ne3A_2651 : i1
      %add3A_2658 = arith.addi %rem3A_2649, %select_n3A_2648 : i32
      %select_n3A_2659 = arith.select %and3A_2657, %add3A_2658, %rem3A_2649 : i32
      %iota3A_2660 = tpu.iota {dimensions = array<i32: 0>} : vector<16xi32>
      %broadcast_in_dim3A_2661 = arith.constant 1152 : i32
      %broadcast_in_dim3A_2662 = vector.broadcast %broadcast_in_dim3A_2661 : i32 to vector<16xi32>
      %add3A_2663 = vector.broadcast %select_n3A_2659 : i32 to vector<16xi32>
      %add3A_2664 = arith.addi %broadcast_in_dim3A_2662, %add3A_2663 : vector<16xi32>
      %gather3A_2665 = tpu.vector_load_idx %arg9[%iota3A_2637, %add3A_2641] : memref<16x2048xf32, #tpu.memory_space<vmem>>[vector<16xi32>, vector<16xi32>], vector<16xf32>,
      %swap3A_2666 = arith.index_cast %multiple_of3A_2618 : i32 to index
      %swap3A_2667 = tpu.vector_load %arg11[%swap3A_2666] {strides = array<i32>} : memref<8192xf32, #tpu.memory_space<vmem>>, vector<16xf32>,
      tpu.vector_store %arg11[%swap3A_2666], %gather3A_2665 {strides = array<i32>} : memref<8192xf32, #tpu.memory_space<vmem>>, vector<16xf32>,
      %gather3A_2668 = tpu.vector_load_idx %arg10[%iota3A_2660, %add3A_2664] : memref<16x2048xf32, #tpu.memory_space<vmem>>[vector<16xi32>, vector<16xi32>], vector<16xf32>,
      %swap3A_2669 = arith.index_cast %multiple_of3A_2618 : i32 to index
      %swap3A_2670 = tpu.vector_load %arg12[%swap3A_2669] {strides = array<i32>} : memref<8192xf32, #tpu.memory_space<vmem>>, vector<16xf32>,
      tpu.vector_store %arg12[%swap3A_2669], %gather3A_2668 {strides = array<i32>} : memref<8192xf32, #tpu.memory_space<vmem>>, vector<16xf32>,
      %mul3A_2671 = arith.constant 16 : i32
      %mul3A_2672 = arith.muli %scan3A_653, %mul3A_2671 : i32
      %add3A_2673 = arith.constant 10 : i32
      %add3A_2674 = arith.addi %mul3A_2672, %add3A_2673 : i32
      %mul3A_2675 = arith.constant 16 : i32
      %mul3A_2676 = arith.muli %add3A_2674, %mul3A_2675 : i32
      %multiple_of3A_2677 = tpu.assume_multiple %mul3A_2676, 16 : i32
      %slice3A_2678 = vector.extract_strided_slice %get3A_660 {offsets = [10], sizes = [1], strides = [1]} : vector<16xi32> to vector<1xi32>
      %squeeze3A_2679 = vector.extract %slice3A_2678[0] : i32 from vector<1xi32>
      %jit3A_2680 = arith.constant 128 : i32
      %eq3A_2681 = arith.constant 0 : i32
      %eq3A_2682 = arith.cmpi eq, %jit3A_2680, %eq3A_2681 : i32
      %jit3A_2683 = arith.constant 1 : i32
      %select_n3A_2684 = arith.select %eq3A_2682, %jit3A_2683, %jit3A_2680 : i32
      %rem3A_2685 = arith.remsi %squeeze3A_2679, %select_n3A_2684 : i32
      %ne3A_2686 = arith.constant 0 : i32
      %ne3A_2687 = arith.cmpi ne, %rem3A_2685, %ne3A_2686 : i32
      %lt3A_2688 = arith.constant 0 : i32
      %lt3A_2689 = arith.cmpi slt, %rem3A_2685, %lt3A_2688 : i32
      %lt3A_2690 = arith.constant 0 : i32
      %lt3A_2691 = arith.cmpi slt, %select_n3A_2684, %lt3A_2690 : i32
      %ne3A_2692 = arith.xori %lt3A_2689, %lt3A_2691 : i1
      %and3A_2693 = arith.andi %ne3A_2692, %ne3A_2687 : i1
      %add3A_2694 = arith.addi %rem3A_2685, %select_n3A_2684 : i32
      %select_n3A_2695 = arith.select %and3A_2693, %add3A_2694, %rem3A_2685 : i32
      %iota3A_2696 = tpu.iota {dimensions = array<i32: 0>} : vector<16xi32>
      %broadcast_in_dim3A_2697 = arith.constant 1280 : i32
      %broadcast_in_dim3A_2698 = vector.broadcast %broadcast_in_dim3A_2697 : i32 to vector<16xi32>
      %add3A_2699 = vector.broadcast %select_n3A_2695 : i32 to vector<16xi32>
      %add3A_2700 = arith.addi %broadcast_in_dim3A_2698, %add3A_2699 : vector<16xi32>
      %slice3A_2701 = vector.extract_strided_slice %get3A_662 {offsets = [10], sizes = [1], strides = [1]} : vector<16xi32> to vector<1xi32>
      %squeeze3A_2702 = vector.extract %slice3A_2701[0] : i32 from vector<1xi32>
      %jit3A_2703 = arith.constant 128 : i32
      %eq3A_2704 = arith.constant 0 : i32
      %eq3A_2705 = arith.cmpi eq, %jit3A_2703, %eq3A_2704 : i32
      %jit3A_2706 = arith.constant 1 : i32
      %select_n3A_2707 = arith.select %eq3A_2705, %jit3A_2706, %jit3A_2703 : i32
      %rem3A_2708 = arith.remsi %squeeze3A_2702, %select_n3A_2707 : i32
      %ne3A_2709 = arith.constant 0 : i32
      %ne3A_2710 = arith.cmpi ne, %rem3A_2708, %ne3A_2709 : i32
      %lt3A_2711 = arith.constant 0 : i32
      %lt3A_2712 = arith.cmpi slt, %rem3A_2708, %lt3A_2711 : i32
      %lt3A_2713 = arith.constant 0 : i32
      %lt3A_2714 = arith.cmpi slt, %select_n3A_2707, %lt3A_2713 : i32
      %ne3A_2715 = arith.xori %lt3A_2712, %lt3A_2714 : i1
      %and3A_2716 = arith.andi %ne3A_2715, %ne3A_2710 : i1
      %add3A_2717 = arith.addi %rem3A_2708, %select_n3A_2707 : i32
      %select_n3A_2718 = arith.select %and3A_2716, %add3A_2717, %rem3A_2708 : i32
      %iota3A_2719 = tpu.iota {dimensions = array<i32: 0>} : vector<16xi32>
      %broadcast_in_dim3A_2720 = arith.constant 1280 : i32
      %broadcast_in_dim3A_2721 = vector.broadcast %broadcast_in_dim3A_2720 : i32 to vector<16xi32>
      %add3A_2722 = vector.broadcast %select_n3A_2718 : i32 to vector<16xi32>
      %add3A_2723 = arith.addi %broadcast_in_dim3A_2721, %add3A_2722 : vector<16xi32>
      %gather3A_2724 = tpu.vector_load_idx %arg9[%iota3A_2696, %add3A_2700] : memref<16x2048xf32, #tpu.memory_space<vmem>>[vector<16xi32>, vector<16xi32>], vector<16xf32>,
      %swap3A_2725 = arith.index_cast %multiple_of3A_2677 : i32 to index
      %swap3A_2726 = tpu.vector_load %arg11[%swap3A_2725] {strides = array<i32>} : memref<8192xf32, #tpu.memory_space<vmem>>, vector<16xf32>,
      tpu.vector_store %arg11[%swap3A_2725], %gather3A_2724 {strides = array<i32>} : memref<8192xf32, #tpu.memory_space<vmem>>, vector<16xf32>,
      %gather3A_2727 = tpu.vector_load_idx %arg10[%iota3A_2719, %add3A_2723] : memref<16x2048xf32, #tpu.memory_space<vmem>>[vector<16xi32>, vector<16xi32>], vector<16xf32>,
      %swap3A_2728 = arith.index_cast %multiple_of3A_2677 : i32 to index
      %swap3A_2729 = tpu.vector_load %arg12[%swap3A_2728] {strides = array<i32>} : memref<8192xf32, #tpu.memory_space<vmem>>, vector<16xf32>,
      tpu.vector_store %arg12[%swap3A_2728], %gather3A_2727 {strides = array<i32>} : memref<8192xf32, #tpu.memory_space<vmem>>, vector<16xf32>,
      %mul3A_2730 = arith.constant 16 : i32
      %mul3A_2731 = arith.muli %scan3A_653, %mul3A_2730 : i32
      %add3A_2732 = arith.constant 11 : i32
      %add3A_2733 = arith.addi %mul3A_2731, %add3A_2732 : i32
      %mul3A_2734 = arith.constant 16 : i32
      %mul3A_2735 = arith.muli %add3A_2733, %mul3A_2734 : i32
      %multiple_of3A_2736 = tpu.assume_multiple %mul3A_2735, 16 : i32
      %slice3A_2737 = vector.extract_strided_slice %get3A_660 {offsets = [11], sizes = [1], strides = [1]} : vector<16xi32> to vector<1xi32>
      %squeeze3A_2738 = vector.extract %slice3A_2737[0] : i32 from vector<1xi32>
      %jit3A_2739 = arith.constant 128 : i32
      %eq3A_2740 = arith.constant 0 : i32
      %eq3A_2741 = arith.cmpi eq, %jit3A_2739, %eq3A_2740 : i32
      %jit3A_2742 = arith.constant 1 : i32
      %select_n3A_2743 = arith.select %eq3A_2741, %jit3A_2742, %jit3A_2739 : i32
      %rem3A_2744 = arith.remsi %squeeze3A_2738, %select_n3A_2743 : i32
      %ne3A_2745 = arith.constant 0 : i32
      %ne3A_2746 = arith.cmpi ne, %rem3A_2744, %ne3A_2745 : i32
      %lt3A_2747 = arith.constant 0 : i32
      %lt3A_2748 = arith.cmpi slt, %rem3A_2744, %lt3A_2747 : i32
      %lt3A_2749 = arith.constant 0 : i32
      %lt3A_2750 = arith.cmpi slt, %select_n3A_2743, %lt3A_2749 : i32
      %ne3A_2751 = arith.xori %lt3A_2748, %lt3A_2750 : i1
      %and3A_2752 = arith.andi %ne3A_2751, %ne3A_2746 : i1
      %add3A_2753 = arith.addi %rem3A_2744, %select_n3A_2743 : i32
      %select_n3A_2754 = arith.select %and3A_2752, %add3A_2753, %rem3A_2744 : i32
      %iota3A_2755 = tpu.iota {dimensions = array<i32: 0>} : vector<16xi32>
      %broadcast_in_dim3A_2756 = arith.constant 1408 : i32
      %broadcast_in_dim3A_2757 = vector.broadcast %broadcast_in_dim3A_2756 : i32 to vector<16xi32>
      %add3A_2758 = vector.broadcast %select_n3A_2754 : i32 to vector<16xi32>
      %add3A_2759 = arith.addi %broadcast_in_dim3A_2757, %add3A_2758 : vector<16xi32>
      %slice3A_2760 = vector.extract_strided_slice %get3A_662 {offsets = [11], sizes = [1], strides = [1]} : vector<16xi32> to vector<1xi32>
      %squeeze3A_2761 = vector.extract %slice3A_2760[0] : i32 from vector<1xi32>
      %jit3A_2762 = arith.constant 128 : i32
      %eq3A_2763 = arith.constant 0 : i32
      %eq3A_2764 = arith.cmpi eq, %jit3A_2762, %eq3A_2763 : i32
      %jit3A_2765 = arith.constant 1 : i32
      %select_n3A_2766 = arith.select %eq3A_2764, %jit3A_2765, %jit3A_2762 : i32
      %rem3A_2767 = arith.remsi %squeeze3A_2761, %select_n3A_2766 : i32
      %ne3A_2768 = arith.constant 0 : i32
      %ne3A_2769 = arith.cmpi ne, %rem3A_2767, %ne3A_2768 : i32
      %lt3A_2770 = arith.constant 0 : i32
      %lt3A_2771 = arith.cmpi slt, %rem3A_2767, %lt3A_2770 : i32
      %lt3A_2772 = arith.constant 0 : i32
      %lt3A_2773 = arith.cmpi slt, %select_n3A_2766, %lt3A_2772 : i32
      %ne3A_2774 = arith.xori %lt3A_2771, %lt3A_2773 : i1
      %and3A_2775 = arith.andi %ne3A_2774, %ne3A_2769 : i1
      %add3A_2776 = arith.addi %rem3A_2767, %select_n3A_2766 : i32
      %select_n3A_2777 = arith.select %and3A_2775, %add3A_2776, %rem3A_2767 : i32
      %iota3A_2778 = tpu.iota {dimensions = array<i32: 0>} : vector<16xi32>
      %broadcast_in_dim3A_2779 = arith.constant 1408 : i32
      %broadcast_in_dim3A_2780 = vector.broadcast %broadcast_in_dim3A_2779 : i32 to vector<16xi32>
      %add3A_2781 = vector.broadcast %select_n3A_2777 : i32 to vector<16xi32>
      %add3A_2782 = arith.addi %broadcast_in_dim3A_2780, %add3A_2781 : vector<16xi32>
      %gather3A_2783 = tpu.vector_load_idx %arg9[%iota3A_2755, %add3A_2759] : memref<16x2048xf32, #tpu.memory_space<vmem>>[vector<16xi32>, vector<16xi32>], vector<16xf32>,
      %swap3A_2784 = arith.index_cast %multiple_of3A_2736 : i32 to index
      %swap3A_2785 = tpu.vector_load %arg11[%swap3A_2784] {strides = array<i32>} : memref<8192xf32, #tpu.memory_space<vmem>>, vector<16xf32>,
      tpu.vector_store %arg11[%swap3A_2784], %gather3A_2783 {strides = array<i32>} : memref<8192xf32, #tpu.memory_space<vmem>>, vector<16xf32>,
      %gather3A_2786 = tpu.vector_load_idx %arg10[%iota3A_2778, %add3A_2782] : memref<16x2048xf32, #tpu.memory_space<vmem>>[vector<16xi32>, vector<16xi32>], vector<16xf32>,
      %swap3A_2787 = arith.index_cast %multiple_of3A_2736 : i32 to index
      %swap3A_2788 = tpu.vector_load %arg12[%swap3A_2787] {strides = array<i32>} : memref<8192xf32, #tpu.memory_space<vmem>>, vector<16xf32>,
      tpu.vector_store %arg12[%swap3A_2787], %gather3A_2786 {strides = array<i32>} : memref<8192xf32, #tpu.memory_space<vmem>>, vector<16xf32>,
      %mul3A_2789 = arith.constant 16 : i32
      %mul3A_2790 = arith.muli %scan3A_653, %mul3A_2789 : i32
      %add3A_2791 = arith.constant 12 : i32
      %add3A_2792 = arith.addi %mul3A_2790, %add3A_2791 : i32
      %mul3A_2793 = arith.constant 16 : i32
      %mul3A_2794 = arith.muli %add3A_2792, %mul3A_2793 : i32
      %multiple_of3A_2795 = tpu.assume_multiple %mul3A_2794, 16 : i32
      %slice3A_2796 = vector.extract_strided_slice %get3A_660 {offsets = [12], sizes = [1], strides = [1]} : vector<16xi32> to vector<1xi32>
      %squeeze3A_2797 = vector.extract %slice3A_2796[0] : i32 from vector<1xi32>
      %jit3A_2798 = arith.constant 128 : i32
      %eq3A_2799 = arith.constant 0 : i32
      %eq3A_2800 = arith.cmpi eq, %jit3A_2798, %eq3A_2799 : i32
      %jit3A_2801 = arith.constant 1 : i32
      %select_n3A_2802 = arith.select %eq3A_2800, %jit3A_2801, %jit3A_2798 : i32
      %rem3A_2803 = arith.remsi %squeeze3A_2797, %select_n3A_2802 : i32
      %ne3A_2804 = arith.constant 0 : i32
      %ne3A_2805 = arith.cmpi ne, %rem3A_2803, %ne3A_2804 : i32
      %lt3A_2806 = arith.constant 0 : i32
      %lt3A_2807 = arith.cmpi slt, %rem3A_2803, %lt3A_2806 : i32
      %lt3A_2808 = arith.constant 0 : i32
      %lt3A_2809 = arith.cmpi slt, %select_n3A_2802, %lt3A_2808 : i32
      %ne3A_2810 = arith.xori %lt3A_2807, %lt3A_2809 : i1
      %and3A_2811 = arith.andi %ne3A_2810, %ne3A_2805 : i1
      %add3A_2812 = arith.addi %rem3A_2803, %select_n3A_2802 : i32
      %select_n3A_2813 = arith.select %and3A_2811, %add3A_2812, %rem3A_2803 : i32
      %iota3A_2814 = tpu.iota {dimensions = array<i32: 0>} : vector<16xi32>
      %broadcast_in_dim3A_2815 = arith.constant 1536 : i32
      %broadcast_in_dim3A_2816 = vector.broadcast %broadcast_in_dim3A_2815 : i32 to vector<16xi32>
      %add3A_2817 = vector.broadcast %select_n3A_2813 : i32 to vector<16xi32>
      %add3A_2818 = arith.addi %broadcast_in_dim3A_2816, %add3A_2817 : vector<16xi32>
      %slice3A_2819 = vector.extract_strided_slice %get3A_662 {offsets = [12], sizes = [1], strides = [1]} : vector<16xi32> to vector<1xi32>
      %squeeze3A_2820 = vector.extract %slice3A_2819[0] : i32 from vector<1xi32>
      %jit3A_2821 = arith.constant 128 : i32
      %eq3A_2822 = arith.constant 0 : i32
      %eq3A_2823 = arith.cmpi eq, %jit3A_2821, %eq3A_2822 : i32
      %jit3A_2824 = arith.constant 1 : i32
      %select_n3A_2825 = arith.select %eq3A_2823, %jit3A_2824, %jit3A_2821 : i32
      %rem3A_2826 = arith.remsi %squeeze3A_2820, %select_n3A_2825 : i32
      %ne3A_2827 = arith.constant 0 : i32
      %ne3A_2828 = arith.cmpi ne, %rem3A_2826, %ne3A_2827 : i32
      %lt3A_2829 = arith.constant 0 : i32
      %lt3A_2830 = arith.cmpi slt, %rem3A_2826, %lt3A_2829 : i32
      %lt3A_2831 = arith.constant 0 : i32
      %lt3A_2832 = arith.cmpi slt, %select_n3A_2825, %lt3A_2831 : i32
      %ne3A_2833 = arith.xori %lt3A_2830, %lt3A_2832 : i1
      %and3A_2834 = arith.andi %ne3A_2833, %ne3A_2828 : i1
      %add3A_2835 = arith.addi %rem3A_2826, %select_n3A_2825 : i32
      %select_n3A_2836 = arith.select %and3A_2834, %add3A_2835, %rem3A_2826 : i32
      %iota3A_2837 = tpu.iota {dimensions = array<i32: 0>} : vector<16xi32>
      %broadcast_in_dim3A_2838 = arith.constant 1536 : i32
      %broadcast_in_dim3A_2839 = vector.broadcast %broadcast_in_dim3A_2838 : i32 to vector<16xi32>
      %add3A_2840 = vector.broadcast %select_n3A_2836 : i32 to vector<16xi32>
      %add3A_2841 = arith.addi %broadcast_in_dim3A_2839, %add3A_2840 : vector<16xi32>
      %gather3A_2842 = tpu.vector_load_idx %arg9[%iota3A_2814, %add3A_2818] : memref<16x2048xf32, #tpu.memory_space<vmem>>[vector<16xi32>, vector<16xi32>], vector<16xf32>,
      %swap3A_2843 = arith.index_cast %multiple_of3A_2795 : i32 to index
      %swap3A_2844 = tpu.vector_load %arg11[%swap3A_2843] {strides = array<i32>} : memref<8192xf32, #tpu.memory_space<vmem>>, vector<16xf32>,
      tpu.vector_store %arg11[%swap3A_2843], %gather3A_2842 {strides = array<i32>} : memref<8192xf32, #tpu.memory_space<vmem>>, vector<16xf32>,
      %gather3A_2845 = tpu.vector_load_idx %arg10[%iota3A_2837, %add3A_2841] : memref<16x2048xf32, #tpu.memory_space<vmem>>[vector<16xi32>, vector<16xi32>], vector<16xf32>,
      %swap3A_2846 = arith.index_cast %multiple_of3A_2795 : i32 to index
      %swap3A_2847 = tpu.vector_load %arg12[%swap3A_2846] {strides = array<i32>} : memref<8192xf32, #tpu.memory_space<vmem>>, vector<16xf32>,
      tpu.vector_store %arg12[%swap3A_2846], %gather3A_2845 {strides = array<i32>} : memref<8192xf32, #tpu.memory_space<vmem>>, vector<16xf32>,
      %mul3A_2848 = arith.constant 16 : i32
      %mul3A_2849 = arith.muli %scan3A_653, %mul3A_2848 : i32
      %add3A_2850 = arith.constant 13 : i32
      %add3A_2851 = arith.addi %mul3A_2849, %add3A_2850 : i32
      %mul3A_2852 = arith.constant 16 : i32
      %mul3A_2853 = arith.muli %add3A_2851, %mul3A_2852 : i32
      %multiple_of3A_2854 = tpu.assume_multiple %mul3A_2853, 16 : i32
      %slice3A_2855 = vector.extract_strided_slice %get3A_660 {offsets = [13], sizes = [1], strides = [1]} : vector<16xi32> to vector<1xi32>
      %squeeze3A_2856 = vector.extract %slice3A_2855[0] : i32 from vector<1xi32>
      %jit3A_2857 = arith.constant 128 : i32
      %eq3A_2858 = arith.constant 0 : i32
      %eq3A_2859 = arith.cmpi eq, %jit3A_2857, %eq3A_2858 : i32
      %jit3A_2860 = arith.constant 1 : i32
      %select_n3A_2861 = arith.select %eq3A_2859, %jit3A_2860, %jit3A_2857 : i32
      %rem3A_2862 = arith.remsi %squeeze3A_2856, %select_n3A_2861 : i32
      %ne3A_2863 = arith.constant 0 : i32
      %ne3A_2864 = arith.cmpi ne, %rem3A_2862, %ne3A_2863 : i32
      %lt3A_2865 = arith.constant 0 : i32
      %lt3A_2866 = arith.cmpi slt, %rem3A_2862, %lt3A_2865 : i32
      %lt3A_2867 = arith.constant 0 : i32
      %lt3A_2868 = arith.cmpi slt, %select_n3A_2861, %lt3A_2867 : i32
      %ne3A_2869 = arith.xori %lt3A_2866, %lt3A_2868 : i1
      %and3A_2870 = arith.andi %ne3A_2869, %ne3A_2864 : i1
      %add3A_2871 = arith.addi %rem3A_2862, %select_n3A_2861 : i32
      %select_n3A_2872 = arith.select %and3A_2870, %add3A_2871, %rem3A_2862 : i32
      %iota3A_2873 = tpu.iota {dimensions = array<i32: 0>} : vector<16xi32>
      %broadcast_in_dim3A_2874 = arith.constant 1664 : i32
      %broadcast_in_dim3A_2875 = vector.broadcast %broadcast_in_dim3A_2874 : i32 to vector<16xi32>
      %add3A_2876 = vector.broadcast %select_n3A_2872 : i32 to vector<16xi32>
      %add3A_2877 = arith.addi %broadcast_in_dim3A_2875, %add3A_2876 : vector<16xi32>
      %slice3A_2878 = vector.extract_strided_slice %get3A_662 {offsets = [13], sizes = [1], strides = [1]} : vector<16xi32> to vector<1xi32>
      %squeeze3A_2879 = vector.extract %slice3A_2878[0] : i32 from vector<1xi32>
      %jit3A_2880 = arith.constant 128 : i32
      %eq3A_2881 = arith.constant 0 : i32
      %eq3A_2882 = arith.cmpi eq, %jit3A_2880, %eq3A_2881 : i32
      %jit3A_2883 = arith.constant 1 : i32
      %select_n3A_2884 = arith.select %eq3A_2882, %jit3A_2883, %jit3A_2880 : i32
      %rem3A_2885 = arith.remsi %squeeze3A_2879, %select_n3A_2884 : i32
      %ne3A_2886 = arith.constant 0 : i32
      %ne3A_2887 = arith.cmpi ne, %rem3A_2885, %ne3A_2886 : i32
      %lt3A_2888 = arith.constant 0 : i32
      %lt3A_2889 = arith.cmpi slt, %rem3A_2885, %lt3A_2888 : i32
      %lt3A_2890 = arith.constant 0 : i32
      %lt3A_2891 = arith.cmpi slt, %select_n3A_2884, %lt3A_2890 : i32
      %ne3A_2892 = arith.xori %lt3A_2889, %lt3A_2891 : i1
      %and3A_2893 = arith.andi %ne3A_2892, %ne3A_2887 : i1
      %add3A_2894 = arith.addi %rem3A_2885, %select_n3A_2884 : i32
      %select_n3A_2895 = arith.select %and3A_2893, %add3A_2894, %rem3A_2885 : i32
      %iota3A_2896 = tpu.iota {dimensions = array<i32: 0>} : vector<16xi32>
      %broadcast_in_dim3A_2897 = arith.constant 1664 : i32
      %broadcast_in_dim3A_2898 = vector.broadcast %broadcast_in_dim3A_2897 : i32 to vector<16xi32>
      %add3A_2899 = vector.broadcast %select_n3A_2895 : i32 to vector<16xi32>
      %add3A_2900 = arith.addi %broadcast_in_dim3A_2898, %add3A_2899 : vector<16xi32>
      %gather3A_2901 = tpu.vector_load_idx %arg9[%iota3A_2873, %add3A_2877] : memref<16x2048xf32, #tpu.memory_space<vmem>>[vector<16xi32>, vector<16xi32>], vector<16xf32>,
      %swap3A_2902 = arith.index_cast %multiple_of3A_2854 : i32 to index
      %swap3A_2903 = tpu.vector_load %arg11[%swap3A_2902] {strides = array<i32>} : memref<8192xf32, #tpu.memory_space<vmem>>, vector<16xf32>,
      tpu.vector_store %arg11[%swap3A_2902], %gather3A_2901 {strides = array<i32>} : memref<8192xf32, #tpu.memory_space<vmem>>, vector<16xf32>,
      %gather3A_2904 = tpu.vector_load_idx %arg10[%iota3A_2896, %add3A_2900] : memref<16x2048xf32, #tpu.memory_space<vmem>>[vector<16xi32>, vector<16xi32>], vector<16xf32>,
      %swap3A_2905 = arith.index_cast %multiple_of3A_2854 : i32 to index
      %swap3A_2906 = tpu.vector_load %arg12[%swap3A_2905] {strides = array<i32>} : memref<8192xf32, #tpu.memory_space<vmem>>, vector<16xf32>,
      tpu.vector_store %arg12[%swap3A_2905], %gather3A_2904 {strides = array<i32>} : memref<8192xf32, #tpu.memory_space<vmem>>, vector<16xf32>,
      %mul3A_2907 = arith.constant 16 : i32
      %mul3A_2908 = arith.muli %scan3A_653, %mul3A_2907 : i32
      %add3A_2909 = arith.constant 14 : i32
      %add3A_2910 = arith.addi %mul3A_2908, %add3A_2909 : i32
      %mul3A_2911 = arith.constant 16 : i32
      %mul3A_2912 = arith.muli %add3A_2910, %mul3A_2911 : i32
      %multiple_of3A_2913 = tpu.assume_multiple %mul3A_2912, 16 : i32
      %slice3A_2914 = vector.extract_strided_slice %get3A_660 {offsets = [14], sizes = [1], strides = [1]} : vector<16xi32> to vector<1xi32>
      %squeeze3A_2915 = vector.extract %slice3A_2914[0] : i32 from vector<1xi32>
      %jit3A_2916 = arith.constant 128 : i32
      %eq3A_2917 = arith.constant 0 : i32
      %eq3A_2918 = arith.cmpi eq, %jit3A_2916, %eq3A_2917 : i32
      %jit3A_2919 = arith.constant 1 : i32
      %select_n3A_2920 = arith.select %eq3A_2918, %jit3A_2919, %jit3A_2916 : i32
      %rem3A_2921 = arith.remsi %squeeze3A_2915, %select_n3A_2920 : i32
      %ne3A_2922 = arith.constant 0 : i32
      %ne3A_2923 = arith.cmpi ne, %rem3A_2921, %ne3A_2922 : i32
      %lt3A_2924 = arith.constant 0 : i32
      %lt3A_2925 = arith.cmpi slt, %rem3A_2921, %lt3A_2924 : i32
      %lt3A_2926 = arith.constant 0 : i32
      %lt3A_2927 = arith.cmpi slt, %select_n3A_2920, %lt3A_2926 : i32
      %ne3A_2928 = arith.xori %lt3A_2925, %lt3A_2927 : i1
      %and3A_2929 = arith.andi %ne3A_2928, %ne3A_2923 : i1
      %add3A_2930 = arith.addi %rem3A_2921, %select_n3A_2920 : i32
      %select_n3A_2931 = arith.select %and3A_2929, %add3A_2930, %rem3A_2921 : i32
      %iota3A_2932 = tpu.iota {dimensions = array<i32: 0>} : vector<16xi32>
      %broadcast_in_dim3A_2933 = arith.constant 1792 : i32
      %broadcast_in_dim3A_2934 = vector.broadcast %broadcast_in_dim3A_2933 : i32 to vector<16xi32>
      %add3A_2935 = vector.broadcast %select_n3A_2931 : i32 to vector<16xi32>
      %add3A_2936 = arith.addi %broadcast_in_dim3A_2934, %add3A_2935 : vector<16xi32>
      %slice3A_2937 = vector.extract_strided_slice %get3A_662 {offsets = [14], sizes = [1], strides = [1]} : vector<16xi32> to vector<1xi32>
      %squeeze3A_2938 = vector.extract %slice3A_2937[0] : i32 from vector<1xi32>
      %jit3A_2939 = arith.constant 128 : i32
      %eq3A_2940 = arith.constant 0 : i32
      %eq3A_2941 = arith.cmpi eq, %jit3A_2939, %eq3A_2940 : i32
      %jit3A_2942 = arith.constant 1 : i32
      %select_n3A_2943 = arith.select %eq3A_2941, %jit3A_2942, %jit3A_2939 : i32
      %rem3A_2944 = arith.remsi %squeeze3A_2938, %select_n3A_2943 : i32
      %ne3A_2945 = arith.constant 0 : i32
      %ne3A_2946 = arith.cmpi ne, %rem3A_2944, %ne3A_2945 : i32
      %lt3A_2947 = arith.constant 0 : i32
      %lt3A_2948 = arith.cmpi slt, %rem3A_2944, %lt3A_2947 : i32
      %lt3A_2949 = arith.constant 0 : i32
      %lt3A_2950 = arith.cmpi slt, %select_n3A_2943, %lt3A_2949 : i32
      %ne3A_2951 = arith.xori %lt3A_2948, %lt3A_2950 : i1
      %and3A_2952 = arith.andi %ne3A_2951, %ne3A_2946 : i1
      %add3A_2953 = arith.addi %rem3A_2944, %select_n3A_2943 : i32
      %select_n3A_2954 = arith.select %and3A_2952, %add3A_2953, %rem3A_2944 : i32
      %iota3A_2955 = tpu.iota {dimensions = array<i32: 0>} : vector<16xi32>
      %broadcast_in_dim3A_2956 = arith.constant 1792 : i32
      %broadcast_in_dim3A_2957 = vector.broadcast %broadcast_in_dim3A_2956 : i32 to vector<16xi32>
      %add3A_2958 = vector.broadcast %select_n3A_2954 : i32 to vector<16xi32>
      %add3A_2959 = arith.addi %broadcast_in_dim3A_2957, %add3A_2958 : vector<16xi32>
      %gather3A_2960 = tpu.vector_load_idx %arg9[%iota3A_2932, %add3A_2936] : memref<16x2048xf32, #tpu.memory_space<vmem>>[vector<16xi32>, vector<16xi32>], vector<16xf32>,
      %swap3A_2961 = arith.index_cast %multiple_of3A_2913 : i32 to index
      %swap3A_2962 = tpu.vector_load %arg11[%swap3A_2961] {strides = array<i32>} : memref<8192xf32, #tpu.memory_space<vmem>>, vector<16xf32>,
      tpu.vector_store %arg11[%swap3A_2961], %gather3A_2960 {strides = array<i32>} : memref<8192xf32, #tpu.memory_space<vmem>>, vector<16xf32>,
      %gather3A_2963 = tpu.vector_load_idx %arg10[%iota3A_2955, %add3A_2959] : memref<16x2048xf32, #tpu.memory_space<vmem>>[vector<16xi32>, vector<16xi32>], vector<16xf32>,
      %swap3A_2964 = arith.index_cast %multiple_of3A_2913 : i32 to index
      %swap3A_2965 = tpu.vector_load %arg12[%swap3A_2964] {strides = array<i32>} : memref<8192xf32, #tpu.memory_space<vmem>>, vector<16xf32>,
      tpu.vector_store %arg12[%swap3A_2964], %gather3A_2963 {strides = array<i32>} : memref<8192xf32, #tpu.memory_space<vmem>>, vector<16xf32>,
      %mul3A_2966 = arith.constant 16 : i32
      %mul3A_2967 = arith.muli %scan3A_653, %mul3A_2966 : i32
      %add3A_2968 = arith.constant 15 : i32
      %add3A_2969 = arith.addi %mul3A_2967, %add3A_2968 : i32
      %mul3A_2970 = arith.constant 16 : i32
      %mul3A_2971 = arith.muli %add3A_2969, %mul3A_2970 : i32
      %multiple_of3A_2972 = tpu.assume_multiple %mul3A_2971, 16 : i32
      %slice3A_2973 = vector.extract_strided_slice %get3A_660 {offsets = [15], sizes = [1], strides = [1]} : vector<16xi32> to vector<1xi32>
      %squeeze3A_2974 = vector.extract %slice3A_2973[0] : i32 from vector<1xi32>
      %jit3A_2975 = arith.constant 128 : i32
      %eq3A_2976 = arith.constant 0 : i32
      %eq3A_2977 = arith.cmpi eq, %jit3A_2975, %eq3A_2976 : i32
      %jit3A_2978 = arith.constant 1 : i32
      %select_n3A_2979 = arith.select %eq3A_2977, %jit3A_2978, %jit3A_2975 : i32
      %rem3A_2980 = arith.remsi %squeeze3A_2974, %select_n3A_2979 : i32
      %ne3A_2981 = arith.constant 0 : i32
      %ne3A_2982 = arith.cmpi ne, %rem3A_2980, %ne3A_2981 : i32
      %lt3A_2983 = arith.constant 0 : i32
      %lt3A_2984 = arith.cmpi slt, %rem3A_2980, %lt3A_2983 : i32
      %lt3A_2985 = arith.constant 0 : i32
      %lt3A_2986 = arith.cmpi slt, %select_n3A_2979, %lt3A_2985 : i32
      %ne3A_2987 = arith.xori %lt3A_2984, %lt3A_2986 : i1
      %and3A_2988 = arith.andi %ne3A_2987, %ne3A_2982 : i1
      %add3A_2989 = arith.addi %rem3A_2980, %select_n3A_2979 : i32
      %select_n3A_2990 = arith.select %and3A_2988, %add3A_2989, %rem3A_2980 : i32
      %iota3A_2991 = tpu.iota {dimensions = array<i32: 0>} : vector<16xi32>
      %broadcast_in_dim3A_2992 = arith.constant 1920 : i32
      %broadcast_in_dim3A_2993 = vector.broadcast %broadcast_in_dim3A_2992 : i32 to vector<16xi32>
      %add3A_2994 = vector.broadcast %select_n3A_2990 : i32 to vector<16xi32>
      %add3A_2995 = arith.addi %broadcast_in_dim3A_2993, %add3A_2994 : vector<16xi32>
      %slice3A_2996 = vector.extract_strided_slice %get3A_662 {offsets = [15], sizes = [1], strides = [1]} : vector<16xi32> to vector<1xi32>
      %squeeze3A_2997 = vector.extract %slice3A_2996[0] : i32 from vector<1xi32>
      %jit3A_2998 = arith.constant 128 : i32
      %eq3A_2999 = arith.constant 0 : i32
      %eq3A_3000 = arith.cmpi eq, %jit3A_2998, %eq3A_2999 : i32
      %jit3A_3001 = arith.constant 1 : i32
      %select_n3A_3002 = arith.select %eq3A_3000, %jit3A_3001, %jit3A_2998 : i32
      %rem3A_3003 = arith.remsi %squeeze3A_2997, %select_n3A_3002 : i32
      %ne3A_3004 = arith.constant 0 : i32
      %ne3A_3005 = arith.cmpi ne, %rem3A_3003, %ne3A_3004 : i32
      %lt3A_3006 = arith.constant 0 : i32
      %lt3A_3007 = arith.cmpi slt, %rem3A_3003, %lt3A_3006 : i32
      %lt3A_3008 = arith.constant 0 : i32
      %lt3A_3009 = arith.cmpi slt, %select_n3A_3002, %lt3A_3008 : i32
      %ne3A_3010 = arith.xori %lt3A_3007, %lt3A_3009 : i1
      %and3A_3011 = arith.andi %ne3A_3010, %ne3A_3005 : i1
      %add3A_3012 = arith.addi %rem3A_3003, %select_n3A_3002 : i32
      %select_n3A_3013 = arith.select %and3A_3011, %add3A_3012, %rem3A_3003 : i32
      %iota3A_3014 = tpu.iota {dimensions = array<i32: 0>} : vector<16xi32>
      %broadcast_in_dim3A_3015 = arith.constant 1920 : i32
      %broadcast_in_dim3A_3016 = vector.broadcast %broadcast_in_dim3A_3015 : i32 to vector<16xi32>
      %add3A_3017 = vector.broadcast %select_n3A_3013 : i32 to vector<16xi32>
      %add3A_3018 = arith.addi %broadcast_in_dim3A_3016, %add3A_3017 : vector<16xi32>
      %gather3A_3019 = tpu.vector_load_idx %arg9[%iota3A_2991, %add3A_2995] : memref<16x2048xf32, #tpu.memory_space<vmem>>[vector<16xi32>, vector<16xi32>], vector<16xf32>,
      %swap3A_3020 = arith.index_cast %multiple_of3A_2972 : i32 to index
      %swap3A_3021 = tpu.vector_load %arg11[%swap3A_3020] {strides = array<i32>} : memref<8192xf32, #tpu.memory_space<vmem>>, vector<16xf32>,
      tpu.vector_store %arg11[%swap3A_3020], %gather3A_3019 {strides = array<i32>} : memref<8192xf32, #tpu.memory_space<vmem>>, vector<16xf32>,
      %gather3A_3022 = tpu.vector_load_idx %arg10[%iota3A_3014, %add3A_3018] : memref<16x2048xf32, #tpu.memory_space<vmem>>[vector<16xi32>, vector<16xi32>], vector<16xf32>,
      %swap3A_3023 = arith.index_cast %multiple_of3A_2972 : i32 to index
      %swap3A_3024 = tpu.vector_load %arg12[%swap3A_3023] {strides = array<i32>} : memref<8192xf32, #tpu.memory_space<vmem>>, vector<16xf32>,
      tpu.vector_store %arg12[%swap3A_3023], %gather3A_3022 {strides = array<i32>} : memref<8192xf32, #tpu.memory_space<vmem>>, vector<16xf32>,
    }
    %scan3A_643 = arith.constant 32 : i32
    %iota3A = tpu.iota {dimensions = array<i32: 0>} : vector<16xi32>
    %mul3A_644 = arith.constant 16 : i32
    %mul3A_645 = vector.broadcast %mul3A_644 : i32 to vector<16xi32>
    %mul3A_646 = arith.muli %iota3A, %mul3A_645 : vector<16xi32>
    %scan3A_647 = arith.constant 0 : i32
    %scan3A_648 = arith.constant 0 : i32
    %scan3A_649 = arith.constant 32 : i32
    %scan3A_650 = arith.addi %scan3A_648, %scan3A_649 : i32
    %scan3A_651 = arith.constant 1 : i32
    scf.for %scan3A_653 = %scan3A_648 to %scan3A_650 step %scan3A_651  : i32 {
      %mul3A_654 = arith.constant 256 : i32
      %mul3A_655 = arith.muli %scan3A_653, %mul3A_654 : i32
      %add3A_656 = vector.broadcast %mul3A_655 : i32 to vector<16xi32>
      %add3A_657 = arith.addi %mul3A_646, %add3A_656 : vector<16xi32>
      %broadcast_in_dim3A = arith.constant 0.000000e+00 : f32
      %broadcast_in_dim3A_658 = vector.broadcast %broadcast_in_dim3A : f32 to vector<16xf32>
      %add3A_659 = arith.constant 0 : i32
      %add3A_660 = vector.broadcast %add3A_659 : i32 to vector<16xi32>
      %add3A_661 = arith.addi %add3A_657, %add3A_660 : vector<16xi32>
      %gather3A = tpu.vector_load_idx %arg11[%add3A_661] : memref<8192xf32, #tpu.memory_space<vmem>>[vector<16xi32>], vector<16xf32>,
      %add3A_662 = arith.constant 0 : i32
      %add3A_663 = vector.broadcast %add3A_662 : i32 to vector<16xi32>
      %add3A_664 = arith.addi %add3A_657, %add3A_663 : vector<16xi32>
      %gather3A_665 = tpu.vector_load_idx %arg12[%add3A_664] : memref<8192xf32, #tpu.memory_space<vmem>>[vector<16xi32>], vector<16xf32>,
      %mul3A_666 = arith.mulf %gather3A, %gather3A_665 : vector<16xf32>
      %add3A_667 = arith.addf %broadcast_in_dim3A_658, %mul3A_666 : vector<16xf32>
      %add3A_668 = arith.constant 1 : i32
      %add3A_669 = vector.broadcast %add3A_668 : i32 to vector<16xi32>
      %add3A_670 = arith.addi %add3A_657, %add3A_669 : vector<16xi32>
      %gather3A_671 = tpu.vector_load_idx %arg11[%add3A_670] : memref<8192xf32, #tpu.memory_space<vmem>>[vector<16xi32>], vector<16xf32>,
      %add3A_672 = arith.constant 1 : i32
      %add3A_673 = vector.broadcast %add3A_672 : i32 to vector<16xi32>
      %add3A_674 = arith.addi %add3A_657, %add3A_673 : vector<16xi32>
      %gather3A_675 = tpu.vector_load_idx %arg12[%add3A_674] : memref<8192xf32, #tpu.memory_space<vmem>>[vector<16xi32>], vector<16xf32>,
      %mul3A_676 = arith.mulf %gather3A_671, %gather3A_675 : vector<16xf32>
      %add3A_677 = arith.addf %add3A_667, %mul3A_676 : vector<16xf32>
      %add3A_678 = arith.constant 2 : i32
      %add3A_679 = vector.broadcast %add3A_678 : i32 to vector<16xi32>
      %add3A_680 = arith.addi %add3A_657, %add3A_679 : vector<16xi32>
      %gather3A_681 = tpu.vector_load_idx %arg11[%add3A_680] : memref<8192xf32, #tpu.memory_space<vmem>>[vector<16xi32>], vector<16xf32>,
      %add3A_682 = arith.constant 2 : i32
      %add3A_683 = vector.broadcast %add3A_682 : i32 to vector<16xi32>
      %add3A_684 = arith.addi %add3A_657, %add3A_683 : vector<16xi32>
      %gather3A_685 = tpu.vector_load_idx %arg12[%add3A_684] : memref<8192xf32, #tpu.memory_space<vmem>>[vector<16xi32>], vector<16xf32>,
      %mul3A_686 = arith.mulf %gather3A_681, %gather3A_685 : vector<16xf32>
      %add3A_687 = arith.addf %add3A_677, %mul3A_686 : vector<16xf32>
      %add3A_688 = arith.constant 3 : i32
      %add3A_689 = vector.broadcast %add3A_688 : i32 to vector<16xi32>
      %add3A_690 = arith.addi %add3A_657, %add3A_689 : vector<16xi32>
      %gather3A_691 = tpu.vector_load_idx %arg11[%add3A_690] : memref<8192xf32, #tpu.memory_space<vmem>>[vector<16xi32>], vector<16xf32>,
      %add3A_692 = arith.constant 3 : i32
      %add3A_693 = vector.broadcast %add3A_692 : i32 to vector<16xi32>
      %add3A_694 = arith.addi %add3A_657, %add3A_693 : vector<16xi32>
      %gather3A_695 = tpu.vector_load_idx %arg12[%add3A_694] : memref<8192xf32, #tpu.memory_space<vmem>>[vector<16xi32>], vector<16xf32>,
      %mul3A_696 = arith.mulf %gather3A_691, %gather3A_695 : vector<16xf32>
      %add3A_697 = arith.addf %add3A_687, %mul3A_696 : vector<16xf32>
      %add3A_698 = arith.constant 4 : i32
      %add3A_699 = vector.broadcast %add3A_698 : i32 to vector<16xi32>
      %add3A_700 = arith.addi %add3A_657, %add3A_699 : vector<16xi32>
      %gather3A_701 = tpu.vector_load_idx %arg11[%add3A_700] : memref<8192xf32, #tpu.memory_space<vmem>>[vector<16xi32>], vector<16xf32>,
      %add3A_702 = arith.constant 4 : i32
      %add3A_703 = vector.broadcast %add3A_702 : i32 to vector<16xi32>
      %add3A_704 = arith.addi %add3A_657, %add3A_703 : vector<16xi32>
      %gather3A_705 = tpu.vector_load_idx %arg12[%add3A_704] : memref<8192xf32, #tpu.memory_space<vmem>>[vector<16xi32>], vector<16xf32>,
      %mul3A_706 = arith.mulf %gather3A_701, %gather3A_705 : vector<16xf32>
      %add3A_707 = arith.addf %add3A_697, %mul3A_706 : vector<16xf32>
      %add3A_708 = arith.constant 5 : i32
      %add3A_709 = vector.broadcast %add3A_708 : i32 to vector<16xi32>
      %add3A_710 = arith.addi %add3A_657, %add3A_709 : vector<16xi32>
      %gather3A_711 = tpu.vector_load_idx %arg11[%add3A_710] : memref<8192xf32, #tpu.memory_space<vmem>>[vector<16xi32>], vector<16xf32>,
      %add3A_712 = arith.constant 5 : i32
      %add3A_713 = vector.broadcast %add3A_712 : i32 to vector<16xi32>
      %add3A_714 = arith.addi %add3A_657, %add3A_713 : vector<16xi32>
      %gather3A_715 = tpu.vector_load_idx %arg12[%add3A_714] : memref<8192xf32, #tpu.memory_space<vmem>>[vector<16xi32>], vector<16xf32>,
      %mul3A_716 = arith.mulf %gather3A_711, %gather3A_715 : vector<16xf32>
      %add3A_717 = arith.addf %add3A_707, %mul3A_716 : vector<16xf32>
      %add3A_718 = arith.constant 6 : i32
      %add3A_719 = vector.broadcast %add3A_718 : i32 to vector<16xi32>
      %add3A_720 = arith.addi %add3A_657, %add3A_719 : vector<16xi32>
      %gather3A_721 = tpu.vector_load_idx %arg11[%add3A_720] : memref<8192xf32, #tpu.memory_space<vmem>>[vector<16xi32>], vector<16xf32>,
      %add3A_722 = arith.constant 6 : i32
      %add3A_723 = vector.broadcast %add3A_722 : i32 to vector<16xi32>
      %add3A_724 = arith.addi %add3A_657, %add3A_723 : vector<16xi32>
      %gather3A_725 = tpu.vector_load_idx %arg12[%add3A_724] : memref<8192xf32, #tpu.memory_space<vmem>>[vector<16xi32>], vector<16xf32>,
      %mul3A_726 = arith.mulf %gather3A_721, %gather3A_725 : vector<16xf32>
      %add3A_727 = arith.addf %add3A_717, %mul3A_726 : vector<16xf32>
      %add3A_728 = arith.constant 7 : i32
      %add3A_729 = vector.broadcast %add3A_728 : i32 to vector<16xi32>
      %add3A_730 = arith.addi %add3A_657, %add3A_729 : vector<16xi32>
      %gather3A_731 = tpu.vector_load_idx %arg11[%add3A_730] : memref<8192xf32, #tpu.memory_space<vmem>>[vector<16xi32>], vector<16xf32>,
      %add3A_732 = arith.constant 7 : i32
      %add3A_733 = vector.broadcast %add3A_732 : i32 to vector<16xi32>
      %add3A_734 = arith.addi %add3A_657, %add3A_733 : vector<16xi32>
      %gather3A_735 = tpu.vector_load_idx %arg12[%add3A_734] : memref<8192xf32, #tpu.memory_space<vmem>>[vector<16xi32>], vector<16xf32>,
      %mul3A_736 = arith.mulf %gather3A_731, %gather3A_735 : vector<16xf32>
      %add3A_737 = arith.addf %add3A_727, %mul3A_736 : vector<16xf32>
      %add3A_738 = arith.constant 8 : i32
      %add3A_739 = vector.broadcast %add3A_738 : i32 to vector<16xi32>
      %add3A_740 = arith.addi %add3A_657, %add3A_739 : vector<16xi32>
      %gather3A_741 = tpu.vector_load_idx %arg11[%add3A_740] : memref<8192xf32, #tpu.memory_space<vmem>>[vector<16xi32>], vector<16xf32>,
      %add3A_742 = arith.constant 8 : i32
      %add3A_743 = vector.broadcast %add3A_742 : i32 to vector<16xi32>
      %add3A_744 = arith.addi %add3A_657, %add3A_743 : vector<16xi32>
      %gather3A_745 = tpu.vector_load_idx %arg12[%add3A_744] : memref<8192xf32, #tpu.memory_space<vmem>>[vector<16xi32>], vector<16xf32>,
      %mul3A_746 = arith.mulf %gather3A_741, %gather3A_745 : vector<16xf32>
      %add3A_747 = arith.addf %add3A_737, %mul3A_746 : vector<16xf32>
      %add3A_748 = arith.constant 9 : i32
      %add3A_749 = vector.broadcast %add3A_748 : i32 to vector<16xi32>
      %add3A_750 = arith.addi %add3A_657, %add3A_749 : vector<16xi32>
      %gather3A_751 = tpu.vector_load_idx %arg11[%add3A_750] : memref<8192xf32, #tpu.memory_space<vmem>>[vector<16xi32>], vector<16xf32>,
      %add3A_752 = arith.constant 9 : i32
      %add3A_753 = vector.broadcast %add3A_752 : i32 to vector<16xi32>
      %add3A_754 = arith.addi %add3A_657, %add3A_753 : vector<16xi32>
      %gather3A_755 = tpu.vector_load_idx %arg12[%add3A_754] : memref<8192xf32, #tpu.memory_space<vmem>>[vector<16xi32>], vector<16xf32>,
      %mul3A_756 = arith.mulf %gather3A_751, %gather3A_755 : vector<16xf32>
      %add3A_757 = arith.addf %add3A_747, %mul3A_756 : vector<16xf32>
      %add3A_758 = arith.constant 10 : i32
      %add3A_759 = vector.broadcast %add3A_758 : i32 to vector<16xi32>
      %add3A_760 = arith.addi %add3A_657, %add3A_759 : vector<16xi32>
      %gather3A_761 = tpu.vector_load_idx %arg11[%add3A_760] : memref<8192xf32, #tpu.memory_space<vmem>>[vector<16xi32>], vector<16xf32>,
      %add3A_762 = arith.constant 10 : i32
      %add3A_763 = vector.broadcast %add3A_762 : i32 to vector<16xi32>
      %add3A_764 = arith.addi %add3A_657, %add3A_763 : vector<16xi32>
      %gather3A_765 = tpu.vector_load_idx %arg12[%add3A_764] : memref<8192xf32, #tpu.memory_space<vmem>>[vector<16xi32>], vector<16xf32>,
      %mul3A_766 = arith.mulf %gather3A_761, %gather3A_765 : vector<16xf32>
      %add3A_767 = arith.addf %add3A_757, %mul3A_766 : vector<16xf32>
      %add3A_768 = arith.constant 11 : i32
      %add3A_769 = vector.broadcast %add3A_768 : i32 to vector<16xi32>
      %add3A_770 = arith.addi %add3A_657, %add3A_769 : vector<16xi32>
      %gather3A_771 = tpu.vector_load_idx %arg11[%add3A_770] : memref<8192xf32, #tpu.memory_space<vmem>>[vector<16xi32>], vector<16xf32>,
      %add3A_772 = arith.constant 11 : i32
      %add3A_773 = vector.broadcast %add3A_772 : i32 to vector<16xi32>
      %add3A_774 = arith.addi %add3A_657, %add3A_773 : vector<16xi32>
      %gather3A_775 = tpu.vector_load_idx %arg12[%add3A_774] : memref<8192xf32, #tpu.memory_space<vmem>>[vector<16xi32>], vector<16xf32>,
      %mul3A_776 = arith.mulf %gather3A_771, %gather3A_775 : vector<16xf32>
      %add3A_777 = arith.addf %add3A_767, %mul3A_776 : vector<16xf32>
      %add3A_778 = arith.constant 12 : i32
      %add3A_779 = vector.broadcast %add3A_778 : i32 to vector<16xi32>
      %add3A_780 = arith.addi %add3A_657, %add3A_779 : vector<16xi32>
      %gather3A_781 = tpu.vector_load_idx %arg11[%add3A_780] : memref<8192xf32, #tpu.memory_space<vmem>>[vector<16xi32>], vector<16xf32>,
      %add3A_782 = arith.constant 12 : i32
      %add3A_783 = vector.broadcast %add3A_782 : i32 to vector<16xi32>
      %add3A_784 = arith.addi %add3A_657, %add3A_783 : vector<16xi32>
      %gather3A_785 = tpu.vector_load_idx %arg12[%add3A_784] : memref<8192xf32, #tpu.memory_space<vmem>>[vector<16xi32>], vector<16xf32>,
      %mul3A_786 = arith.mulf %gather3A_781, %gather3A_785 : vector<16xf32>
      %add3A_787 = arith.addf %add3A_777, %mul3A_786 : vector<16xf32>
      %add3A_788 = arith.constant 13 : i32
      %add3A_789 = vector.broadcast %add3A_788 : i32 to vector<16xi32>
      %add3A_790 = arith.addi %add3A_657, %add3A_789 : vector<16xi32>
      %gather3A_791 = tpu.vector_load_idx %arg11[%add3A_790] : memref<8192xf32, #tpu.memory_space<vmem>>[vector<16xi32>], vector<16xf32>,
      %add3A_792 = arith.constant 13 : i32
      %add3A_793 = vector.broadcast %add3A_792 : i32 to vector<16xi32>
      %add3A_794 = arith.addi %add3A_657, %add3A_793 : vector<16xi32>
      %gather3A_795 = tpu.vector_load_idx %arg12[%add3A_794] : memref<8192xf32, #tpu.memory_space<vmem>>[vector<16xi32>], vector<16xf32>,
      %mul3A_796 = arith.mulf %gather3A_791, %gather3A_795 : vector<16xf32>
      %add3A_797 = arith.addf %add3A_787, %mul3A_796 : vector<16xf32>
      %add3A_798 = arith.constant 14 : i32
      %add3A_799 = vector.broadcast %add3A_798 : i32 to vector<16xi32>
      %add3A_800 = arith.addi %add3A_657, %add3A_799 : vector<16xi32>
      %gather3A_801 = tpu.vector_load_idx %arg11[%add3A_800] : memref<8192xf32, #tpu.memory_space<vmem>>[vector<16xi32>], vector<16xf32>,
      %add3A_802 = arith.constant 14 : i32
      %add3A_803 = vector.broadcast %add3A_802 : i32 to vector<16xi32>
      %add3A_804 = arith.addi %add3A_657, %add3A_803 : vector<16xi32>
      %gather3A_805 = tpu.vector_load_idx %arg12[%add3A_804] : memref<8192xf32, #tpu.memory_space<vmem>>[vector<16xi32>], vector<16xf32>,
      %mul3A_806 = arith.mulf %gather3A_801, %gather3A_805 : vector<16xf32>
      %add3A_807 = arith.addf %add3A_797, %mul3A_806 : vector<16xf32>
      %add3A_808 = arith.constant 15 : i32
      %add3A_809 = vector.broadcast %add3A_808 : i32 to vector<16xi32>
      %add3A_810 = arith.addi %add3A_657, %add3A_809 : vector<16xi32>
      %gather3A_811 = tpu.vector_load_idx %arg11[%add3A_810] : memref<8192xf32, #tpu.memory_space<vmem>>[vector<16xi32>], vector<16xf32>,
      %add3A_812 = arith.constant 15 : i32
      %add3A_813 = vector.broadcast %add3A_812 : i32 to vector<16xi32>
      %add3A_814 = arith.addi %add3A_657, %add3A_813 : vector<16xi32>
      %gather3A_815 = tpu.vector_load_idx %arg12[%add3A_814] : memref<8192xf32, #tpu.memory_space<vmem>>[vector<16xi32>], vector<16xf32>,
      %mul3A_816 = arith.mulf %gather3A_811, %gather3A_815 : vector<16xf32>
      %add3A_817 = arith.addf %add3A_807, %mul3A_816 : vector<16xf32>
      %mul3A_818 = arith.constant 16 : i32
      %mul3A_819 = arith.muli %scan3A_653, %mul3A_818 : i32
      %multiple_of3A_820 = tpu.assume_multiple %mul3A_819, 16 : i32
      %swap3A = arith.index_cast %multiple_of3A_820 : i32 to index
      %swap3A_821 = tpu.vector_load %arg13[%swap3A] {strides = array<i32>} : memref<512xf32, #tpu.memory_space<vmem>>, vector<16xf32>,
      tpu.vector_store %arg13[%swap3A], %add3A_817 {strides = array<i32>} : memref<512xf32, #tpu.memory_space<vmem>>, vector<16xf32>,
    }
    %scan3A_652 = arith.constant 32 : i32
    "tpu.region"() ({
      %run_scoped3A = tpu.sem_alloc : memref<!tpu.dma_semaphore, #tpu.memory_space<semaphore_mem>>
      %dma_start3A_653 = tpu.memref_slice %arg6[%mul3A_2] : memref<16384xf32, #tpu.memory_space<hbm>> -> memref<512xf32, #tpu.memory_space<hbm>>
      %dma_start3A_654 = tpu.memref_slice %arg6[%mul3A_2] : memref<16384xf32, #tpu.memory_space<hbm>> -> memref<512xf32, #tpu.memory_space<hbm>>
      tpu.enqueue_dma source(%arg13 : memref<512xf32, #tpu.memory_space<vmem>>) target(%dma_start3A_654 : memref<512xf32, #tpu.memory_space<hbm>>) target_semaphore(%run_scoped3A : memref<!tpu.dma_semaphore, #tpu.memory_space<semaphore_mem>>)
      %dma_wait3A = tpu.memref_slice %arg6[%mul3A_2] : memref<16384xf32, #tpu.memory_space<hbm>> -> memref<512xf32, #tpu.memory_space<hbm>>
      %dma_wait3A_655 = tpu.memref_slice %arg6[%mul3A_2] : memref<16384xf32, #tpu.memory_space<hbm>> -> memref<512xf32, #tpu.memory_space<hbm>>
      tpu.wait_dma2 semaphore(%run_scoped3A : memref<!tpu.dma_semaphore, #tpu.memory_space<semaphore_mem>>) src(%arg13 : memref<512xf32, #tpu.memory_space<vmem>>) dst(%dma_wait3A_655 : memref<512xf32, #tpu.memory_space<hbm>>)
      tpu.yield
    }) : () -> ()
    return
  }
}

</mosaic_0001>

<sc_bundles>
// kernel: kernel.3.cloned.1.call-start
scs
__scs_entry_jumppad:
0x0: {  	(pc) =	sbr.rel $0x88, $3  }
0x1: {  	(tag) =	ssettag $0x0;
	lr =	simm.s32 $0x1  }
0x2: {  	[smem:$0x3F9D] =	sst lr;
	_ =	strace $0xD0000000  }
0x3: {  	_ = 	snop  }
0x4: {  	_ = 	snop  }
0x5: {  	_ = 	snop  }
0x6: {  	_ = 	snop  }
0x7: {  	_ = 	snop  }
__scs_overlays_trampoline_lowered:
0x8: {  	[smem:$0x3FAC] =	sst s0  }
0x9: {  	[smem:$0x3FAD] =	sst s1  }
0xa: {  	[smem:$0x3FAE] =	sst s2  }
0xb: {  	[smem:$0x3FAF] =	sst s3  }
0xc: {  	[smem:$0x3FB0] =	sst s4  }
0xd: {  	[smem:$0x3FB1] =	sst s5  }
0xe: {  	[smem:$0x3FB2] =	sst s6  }
0xf: {  	[smem:$0x3FB3] =	sst s7  }
0x10: {  	[smem:$0x3FB4] =	sst s8  }
0x11: {  	[smem:$0x3FB5] =	sst s9;
	s0 =	simm.s32 @!p0 $0x0  }
0x12: {  	s1 =	sld [smem:$0x3F9B];
	s0 =	simm.s32 @p0 $0x1  }
0x13: {  	[smem:$0x3FB6] =	sst s0;
	s0 =	simm.s32 @!p1 $0x0  }
0x14: {  	s2 =	sld [smem:$0x3F9A];
	s0 =	simm.s32 @p1 $0x1  }
0x15: {  	[smem:$0x3FB7] =	sst s0;
	s0 =	simm.s32 @!p2 $0x0  }
0x16: {  	s3 =	sld [smem:$0x3FDB];
	s0 =	simm.s32 @p2 $0x1  }
0x17: {  	s4 =	simm.s32 $0x1BF5;
	[smem:$0x3FB9] =	sst s0  }
0x18: {  	s0 =	sld [smem:$0x3F9C];
	_ =	swait.ge [sflag:s4], $0x0  }
0x19: {  	s7 =	sld [smem:$0x3F9D]  }
0x1a: {  	s8 =	sadd.s32 $0xFFFFE003, lr  }
0x1b: {  	s9 =	sadd.s32 $0xFFFFFEF7, lr;
	s5 =	simm.s32 $0xFFFFFFFF;
	p2 =	slt.u32 s8, $0xFFFFF086  }
0x1c: {  	p1 =	slt.u32 s9, $0xF7A;
	s5 =	simm.s32 @!p2 $0x0  }
0x1d: {  	s5 =	simm.s32 @p1 $0x1;
	p0 =	seq.s32 s7, s2  }
0x1e: {  	s7 =	smul.u32 @!p0 $0xF7A, s2;
	p2 =	seq.s32 @!p0 s5, $0x0  }
0x1f: {  	s9 =	smul.u32 $0xF7A, s1;
	s8 =	simm.s32 @!p0 $0x1BF5;
	p2 =	por !p2, p0  }
0x20: {  	[sflag:s8] =	ssyncset.s32 @!p0 $0xFFFFF086;
	s6 =	sadd.s32 @!p0 s3, s7;
	s7 =	simm.s32 @!p0 $0x108  }
0x21: {  	s3 =	sadd.s32 s3, s9;
	s6 =	sadd.s32 @!p0 $0x88, s6;
	s7 =	simm.s32 @p2 $0x1082  }
0x22: {  	[simem:s7], [sflag:s8] =	dma.local @!p0 [hbm:s6], $0xF7A  }
0x23: {  	s9 =	sor.u32 $0xD0000000, s2;
	s6 =	simm.s32 $0x108;
	_ =	swait.ge @!p0 [sflag:s8], $0x0  }
0x24: {  	s3 =	sadd.s32 $0x88, s3;
	s6 =	simm.s32 @!p1 $0x1082;
	[sflag:s4] =	ssyncset.s32 $0xFFFFF086  }
0x25: {  	[simem:s6], [sflag:s4] =	dma.local [hbm:s3], $0xF7A  }
0x26: {  	[smem:$0x3F9D] =	sst s1;
	(tag) =	ssettag s2;
	_ =	strace s9  }
0x27: {  	s1 =	sld [smem:$0x3FAD]  }
0x28: {  	s2 =	sld [smem:$0x3FAE]  }
0x29: {  	s4 =	sld [smem:$0x3FB0]  }
0x2a: {  	p0 =	seq.s32 s5, $0x0;
	s5 =	sld [smem:$0x3FB1]  }
0x2b: {  	s6 =	sld [smem:$0x3FB2]  }
0x2c: {  	s7 =	sld [smem:$0x3FB3]  }
0x2d: {  	s3 =	simm.s32 $0x108;
	s8 =	sld [smem:$0x3FB4]  }
0x2e: {  	s3 =	simm.s32 @!p0 $0x1082;
	s9 =	sld [smem:$0x3FB5]  }
0x2f: {  	lr =	sadd.s32 s0, s3;
	s0 =	sld [smem:$0x3FAC]  }
0x30: {  	s3 =	sld [smem:$0x3FAF]  }
0x31: {  	[smem:$0x3FB8] =	sst s10  }
0x32: {  	s10 =	sld [smem:$0x3FB6];
	_ =	sdelay $0x3  }
0x33: {  	p0 =	seq.s32 s10, $0x1;
	s10 =	sld [smem:$0x3FB8];
	_ =	sdelay $0x3  }
0x34: {  	[smem:$0x3FB8] =	sst s10  }
0x35: {  	s10 =	sld [smem:$0x3FB7];
	_ =	sdelay $0x3  }
0x36: {  	p1 =	seq.s32 s10, $0x1;
	s10 =	sld [smem:$0x3FB8];
	_ =	sdelay $0x3  }
0x37: {  	[smem:$0x3FB8] =	sst s10  }
0x38: {  	s10 =	sld [smem:$0x3FB9]  }
0x39: {  	_ = 	snop;
	(pc) =	sbr.ind lr, $3  }
0x3a: {  	_ = 	snop  }
0x3b: {  	_ = 	snop  }
0x3c: {  	p2 =	seq.s32 s10, $0x1;
	s10 =	sld [smem:$0x3FB8]  }
0x3d: {  	_ =	shalt  }
0x3e: {  	_ =	shalt  }
0x3f: {  	_ =	shalt  }
0x40: {  	_ =	shalt  }
0x41: {  	_ =	shalt  }
0x42: {  	_ =	shalt  }
0x43: {  	_ =	shalt  }
0x44: {  	_ =	shalt  }
0x45: {  	_ =	shalt  }
0x46: {  	_ =	shalt  }
0x47: {  	_ =	shalt  }
0x48: {  	_ =	shalt  }
0x49: {  	_ =	shalt  }
0x4a: {  	_ =	shalt  }
0x4b: {  	_ =	shalt  }
0x4c: {  	_ =	shalt  }
0x4d: {  	_ =	shalt  }
0x4e: {  	_ =	shalt  }
0x4f: {  	_ =	shalt  }
0x50: {  	_ =	shalt  }
0x51: {  	_ =	shalt  }
0x52: {  	_ =	shalt  }
0x53: {  	_ =	shalt  }
0x54: {  	_ =	shalt  }
0x55: {  	_ =	shalt  }
0x56: {  	_ =	shalt  }
0x57: {  	_ =	shalt  }
0x58: {  	_ =	shalt  }
0x59: {  	_ =	shalt  }
0x5a: {  	_ =	shalt  }
0x5b: {  	_ =	shalt  }
0x5c: {  	_ =	shalt  }
0x5d: {  	_ =	shalt  }
0x5e: {  	_ =	shalt  }
0x5f: {  	_ =	shalt  }
0x60: {  	_ =	shalt  }
0x61: {  	_ =	shalt  }
0x62: {  	_ =	shalt  }
0x63: {  	_ =	shalt  }
0x64: {  	_ =	shalt  }
0x65: {  	_ =	shalt  }
0x66: {  	_ =	shalt  }
0x67: {  	_ =	shalt  }
0x68: {  	_ =	shalt  }
0x69: {  	_ =	shalt  }
0x6a: {  	_ =	shalt  }
0x6b: {  	_ =	shalt  }
0x6c: {  	_ =	shalt  }
0x6d: {  	_ =	shalt  }
0x6e: {  	_ =	shalt  }
0x6f: {  	_ =	shalt  }
0x70: {  	_ =	shalt  }
0x71: {  	_ =	shalt  }
0x72: {  	_ =	shalt  }
0x73: {  	_ =	shalt  }
0x74: {  	_ =	shalt  }
0x75: {  	_ =	shalt  }
0x76: {  	_ =	shalt  }
0x77: {  	_ =	shalt  }
0x78: {  	_ =	shalt  }
0x79: {  	_ =	shalt  }
0x7a: {  	_ =	shalt  }
0x7b: {  	_ =	shalt  }
0x7c: {  	_ =	shalt  }
0x7d: {  	_ =	shalt  }
0x7e: {  	_ =	shalt  }
0x7f: {  	_ =	shalt  }
0x80: {  	_ =	shalt  }
0x81: {  	_ =	shalt  }
0x82: {  	_ =	shalt  }
0x83: {  	_ =	shalt  }
0x84: {  	_ =	shalt  }
0x85: {  	_ =	shalt  }
0x86: {  	_ =	shalt  }
0x87: {  	_ =	shalt  }
.Lfunc_end0:
.L_simem_size_0:
called_computation_lowered:
.L_overlay_start_0:
0x88: {  	s2 =	sld [smem:$0x3FD9]  }
0x89: {  	s3 =	sld [smem:$0x3FFE];
	_ =	sdelay $0x1  }
0x8a: {  	s1 =	srdreg.scid  }
0x8b: {  	s0 =	sand.u32 $0x1, s1  }
0x8c: {  	s18 =	sshll.u32 s0, $0xA;
	s2 =	sadd.s32 s3, s2  }
0x8d: {  	s2 =	sadd.s32 s2, s18  }
0x8e: {  	[smem:$0x3FC4] =	sst s2  }
0x8f: {  	_ = 	snop  }
0x90: {  	s2 =	sld [smem:$0x3FC9]  }
0x91: {  	s19 =	sld [smem:$0x3FC8]  }
0x92: {  	s4 =	sld [smem:$0x3FC7]  }
0x93: {  	s5 =	sld [smem:$0x3FC6]  }
0x94: {  	s6 =	sld [smem:$0x3FD0];
	(tm) =	ssettm $0x1  }
0x95: {  	s7 =	sld [smem:$0x3FFB];
	_ =	sdelay $0x3  }
0x96: {  	_ =	strace s7  }
0x97: {  	s7 =	sld [smem:$0x3FFC];
	_ =	sdelay $0x3  }
0x98: {  	_ =	strace s7  }
0x99: {  	s7 =	sld [smem:$0x3FFD];
	_ =	sdelay $0x3  }
0x9a: {  	_ =	strace s7  }
0x9b: {  	_ =	strace $0x8FFFFFFF  }
0x9c: {  	s20 =	sld [smem:$0x3FDB];
	_ =	sdelay $0x1  }
0x9d: {  	s8 =	simm.s32 $_scs_section_size  }
0x9e: {  	s9 =	simm.s32 $_size__tile_overlayer_lowered;
	s10 =	simm.s32 $_tile_overlayer_lowered  }
0x9f: {  	s23 =	simm.s32 $0x1BFF;
	s22 =	sshll.u32 s10, $0x1;
	s7 =	sadd.s32 s8, s20  }
0xa0: {  	s11 =	simm.s32 $0x0;
	s21 =	sshll.u32 s9, $0x1;
	s9 =	sadd.s32 s22, s7  }
0xa1: {  	[timem:s11], [sflag:s23] =	dma.local [hbm:s9], s21  }
0xa2: {  	_ =	swait.ge [sflag:s23], s21  }
0xa3: {  	s8 =	ssub.s32 $0x0, s21;
	[sflag:s23] =	ssyncset.done $0x0  }
0xa4: {  	[sflag:s23] =	ssyncadd.s32 s8;
	_ =	sdelay $0x1  }
0xa5: {  	s24 =	simm.s32 $0x1B8B  }
0xa6: {  	_ =	swait.ge [sflag:s24], $0x1  }
0xa7: {  	[sflag:s24] =	ssyncset.done $0x0  }
0xa8: {  	s25 =	simm.s32 $0x1B8E;
	[sflag:s24] =	ssyncadd.s32 $0xFFFFFFFF  }
0xa9: {  	s26 =	simm.s32 $execute0_lowered;
	[smem:$0x3FD2] =	sst s25  }
0xaa: {  	s8 =	sshll.u32 s26, $0x1;
	_ =	strace $0x80000046;
	[dreg:$0x1] =	wrdreg $0xFFFFFFFF  }
0xab: {  	s28 =	simm.s32 $_size_execute0_lowered;
	s7 =	sadd.s32 s7, s8;
	[dreg:$0x0] =	wrdreg $0x0  }
0xac: {  	s8 =	sshll.u32 s28, $0x1;
	[dreg:$0x2] =	wrdreg s7  }
0xad: {  	[dreg:$0x3] =	wrdreg s8  }
0xae: {  	[dreg:$0x4] =	wrdreg $0xC0  }
0xaf: {  	_ =	task [dreg:s11], $0x5FFFF  }
0xb0: {  	[dreg:$0x1] =	wrdreg $0xFFFFFFFF  }
0xb1: {  	[dreg:$0x0] =	wrdreg $0x60  }
0xb2: {  	[dreg:$0x2] =	wrdreg s2  }
0xb3: {  	[dreg:$0x3] =	wrdreg s19  }
0xb4: {  	[dreg:$0x4] =	wrdreg s4  }
0xb5: {  	[dreg:$0x5] =	wrdreg s5  }
0xb6: {  	[dreg:$0x6] =	wrdreg s6  }
0xb7: {  	[dreg:$0x7] =	wrdreg $0x9  }
0xb8: {  	_ =	task.clear_ibuf [dreg:s11], $0x8FFFF;
	_ =	strace $0x90000046  }
0xb9: {  	s29 =	simm.s32 $0x9;
	_ =	strace $0x80000048  }
0xba: {  	_ =	swait.ge [sflag:s29], $0x1  }
0xbb: {  	[sflag:s29] =	ssyncadd.s32 $0xFFFFFFFF  }
0xbc: {  	_ =	strace $0x90000048  }
0xbd: {  	_ =	sfence  }
0xbe: {  	s30 =	sld [smem:$0x0];
	_ =	sdelay $0x2  }
0xbf: {  	s31 =	sshll.u32 s1, $0xD;
	s1 =	sshrl.u32 s1, $0x2  }
0xc0: {  	s3 =	sand.u32 $0x4000, s31;
	s1 =	sadd.s32 s1, s30  }
0xc1: {  	s0 =	sor.u32 s3, s0;
	s1 =	sshll.u32 s1, $0x11  }
0xc2: {  	s0 =	sor.u32 s1, s0  }
0xc3: {  	s0 =	sadd.s32 $0x8F2B, s0  }
0xc4: {  	[sflag:s0] =	ssyncadd.remote.s32 $0x1  }
0xc5: {  	_ =	sfence.sel $0xFFFF  }
0xc6: {  	[dreg:$0x0] =	wrdreg $0xFFFFFFFF;
	(pc) =	sbr.abs _section_cstart, $3  }
0xc7: {  	[dreg:$0x1] =	wrdreg $0xFFFFFFFF  }
0xc8: {  	_ =	task.clear_ibuf [dreg:s11], $0x2FFFF;
	_ =	strace $0x9FFFFFFF  }
0xc9: {  	(tm) =	ssettm $0x7FFFFFFF  }
tec
execute0_lowered:
.L_overlay_start_1:
0x0: {  	(tag) =	ssettag $0x1  }
0x1: {  	v0 =	vimm.s32 $0x4380;
	vm14 =	vcmask $0x300;
	vm13 =	vcmask $0x704  }
0x2: {  	vm12 =	vcmask $0xB08;
	vm11 =	vcmask $0xF0C;
	vm10 =	vcmask $0x1310  }
0x3: {  	vm9 =	vcmask $0x1714;
	vm8 =	vcmask $0x1B18;
	vm7 =	vcmask $0x1F1C  }
0x4: {  	vm6 =	vcmask $0x2320;
	vm5 =	vcmask $0x2724;
	vm4 =	vcmask $0x2B28  }
0x5: {  	vm3 =	vcmask $0x2F2C;
	v1 =	vimm.s32 $0x4780;
	vm2 =	vcmask $0x3330  }
0x6: {  	vm1 =	vcmask $0x3734;
	vm0 =	vcmask $0x3B38;
	v2 =	vimm.s32 $0x4B80  }
0x7: {  	v3 =	vimm.s32 $0x4F80;
	v4 =	vimm.s32 $0x5380;
	v5 =	vimm.s32 $0x5780  }
0x8: {  	v6 =	vimm.s32 $0x5B80;
	v7 =	vimm.s32 $0x5F80;
	v8 =	vimm.s32 $0x6380  }
0x9: {  	v9 =	vimm.s32 $0x6780;
	v10 =	vimm.s32 $0x6B80;
	v11 =	vimm.s32 $0x6F80  }
0xa: {  	v12 =	vimm.s32 $0x7380;
	v13 =	vimm.s32 $0x7780;
	v14 =	vimm.s32 $0x7B80  }
0xb: {  	v15 =	vimm.s32 $0x7F80;
	v16 =	vlaneseq.u32;
	v0 =	vsel vm14, $0x0, v0  }
0xc: {  	v1 =	vsel vm14, $0x400, v1;
	v2 =	vsel vm14, $0x800, v2;
	v3 =	vsel vm14, $0xC00, v3  }
0xd: {  	v4 =	vsel vm14, $0x1000, v4;
	v5 =	vsel vm14, $0x1400, v5;
	v6 =	vsel vm14, $0x1800, v6  }
0xe: {  	v7 =	vsel vm14, $0x1C00, v7;
	v8 =	vsel vm14, $0x2000, v8;
	v9 =	vsel vm14, $0x2400, v9  }
0xf: {  	v10 =	vsel vm14, $0x2800, v10;
	v11 =	vsel vm14, $0x2C00, v11;
	v12 =	vsel vm14, $0x3000, v12  }
0x10: {  	v13 =	vsel vm14, $0x3400, v13;
	v14 =	vsel vm14, $0x3800, v14;
	v15 =	vsel vm14, $0x3C00, v15  }
0x11: {  	v17 =	vand.u32 $0x7, v16;
	v0 =	vsel vm13, $0x80, v0;
	v1 =	vsel vm13, $0x480, v1  }
0x12: {  	v2 =	vsel vm13, $0x880, v2;
	v3 =	vsel vm13, $0xC80, v3;
	v4 =	vsel vm13, $0x1080, v4  }
0x13: {  	v5 =	vsel vm13, $0x1480, v5;
	v6 =	vsel vm13, $0x1880, v6;
	v7 =	vsel vm13, $0x1C80, v7  }
0x14: {  	v8 =	vsel vm13, $0x2080, v8;
	v9 =	vsel vm13, $0x2480, v9;
	v10 =	vsel vm13, $0x2880, v10  }
0x15: {  	v11 =	vsel vm13, $0x2C80, v11;
	v12 =	vsel vm13, $0x3080, v12;
	v13 =	vsel vm13, $0x3480, v13  }
0x16: {  	v14 =	vsel vm13, $0x3880, v14;
	v15 =	vsel vm13, $0x3C80, v15;
	v17 =	vmul.u32 $0x10, v17  }
0x17: {  	v0 =	vsel vm12, $0x100, v0;
	v1 =	vsel vm12, $0x500, v1;
	v2 =	vsel vm12, $0x900, v2  }
0x18: {  	v3 =	vsel vm12, $0xD00, v3;
	v4 =	vsel vm12, $0x1100, v4;
	v5 =	vsel vm12, $0x1500, v5  }
0x19: {  	v6 =	vsel vm12, $0x1900, v6;
	v7 =	vsel vm12, $0x1D00, v7;
	v8 =	vsel vm12, $0x2100, v8  }
0x1a: {  	v9 =	vsel vm12, $0x2500, v9;
	v10 =	vsel vm12, $0x2900, v10;
	v11 =	vsel vm12, $0x2D00, v11  }
0x1b: {  	v12 =	vsel vm12, $0x3100, v12;
	v13 =	vsel vm12, $0x3500, v13;
	v14 =	vsel vm12, $0x3900, v14  }
0x1c: {  	v15 =	vsel vm12, $0x3D00, v15;
	v0 =	vsel vm11, $0x180, v0;
	v1 =	vsel vm11, $0x580, v1  }
0x1d: {  	v2 =	vsel vm11, $0x980, v2;
	v3 =	vsel vm11, $0xD80, v3;
	v4 =	vsel vm11, $0x1180, v4  }
0x1e: {  	v5 =	vsel vm11, $0x1580, v5;
	v6 =	vsel vm11, $0x1980, v6;
	v7 =	vsel vm11, $0x1D80, v7  }
0x1f: {  	v8 =	vsel vm11, $0x2180, v8;
	v9 =	vsel vm11, $0x2580, v9;
	v10 =	vsel vm11, $0x2980, v10  }
0x20: {  	v11 =	vsel vm11, $0x2D80, v11;
	v12 =	vsel vm11, $0x3180, v12;
	v13 =	vsel vm11, $0x3580, v13  }
0x21: {  	v14 =	vsel vm11, $0x3980, v14;
	v15 =	vsel vm11, $0x3D80, v15;
	v17 =	vor.u32 $0xFFFFFF80, v17  }
0x22: {  	v0 =	vsel vm10, $0x200, v0;
	v1 =	vsel vm10, $0x600, v1;
	v2 =	vsel vm10, $0xA00, v2  }
0x23: {  	v3 =	vsel vm10, $0xE00, v3;
	v4 =	vsel vm10, $0x1200, v4;
	v5 =	vsel vm10, $0x1600, v5  }
0x24: {  	v6 =	vsel vm10, $0x1A00, v6;
	v7 =	vsel vm10, $0x1E00, v7;
	v8 =	vsel vm10, $0x2200, v8  }
0x25: {  	v9 =	vsel vm10, $0x2600, v9;
	v10 =	vsel vm10, $0x2A00, v10;
	v11 =	vsel vm10, $0x2E00, v11  }
0x26: {  	v12 =	vsel vm10, $0x3200, v12;
	v13 =	vsel vm10, $0x3600, v13;
	v14 =	vsel vm10, $0x3A00, v14  }
0x27: {  	v15 =	vsel vm10, $0x3E00, v15;
	v0 =	vsel vm9, $0x280, v0;
	v1 =	vsel vm9, $0x680, v1  }
0x28: {  	v2 =	vsel vm9, $0xA80, v2;
	v3 =	vsel vm9, $0xE80, v3;
	v4 =	vsel vm9, $0x1280, v4  }
0x29: {  	v5 =	vsel vm9, $0x1680, v5;
	v6 =	vsel vm9, $0x1A80, v6;
	v7 =	vsel vm9, $0x1E80, v7  }
0x2a: {  	v8 =	vsel vm9, $0x2280, v8;
	v9 =	vsel vm9, $0x2680, v9;
	v10 =	vsel vm9, $0x2A80, v10  }
0x2b: {  	v11 =	vsel vm9, $0x2E80, v11;
	v12 =	vsel vm9, $0x3280, v12;
	v13 =	vsel vm9, $0x3680, v13  }
0x2c: {  	v14 =	vsel vm9, $0x3A80, v14;
	v15 =	vsel vm9, $0x3E80, v15;
	v0 =	vsel vm8, $0x300, v0  }
0x2d: {  	v1 =	vsel vm8, $0x700, v1;
	v2 =	vsel vm8, $0xB00, v2;
	v3 =	vsel vm8, $0xF00, v3  }
0x2e: {  	v4 =	vsel vm8, $0x1300, v4;
	v5 =	vsel vm8, $0x1700, v5;
	v6 =	vsel vm8, $0x1B00, v6  }
0x2f: {  	v7 =	vsel vm8, $0x1F00, v7;
	v8 =	vsel vm8, $0x2300, v8;
	v9 =	vsel vm8, $0x2700, v9  }
0x30: {  	v10 =	vsel vm8, $0x2B00, v10;
	v11 =	vsel vm8, $0x2F00, v11;
	v12 =	vsel vm8, $0x3300, v12  }
0x31: {  	v13 =	vsel vm8, $0x3700, v13;
	v14 =	vsel vm8, $0x3B00, v14;
	v15 =	vsel vm8, $0x3F00, v15  }
0x32: {  	v0 =	vsel vm7, $0x380, v0;
	v1 =	vsel vm7, $0x780, v1;
	v2 =	vsel vm7, $0xB80, v2  }
0x33: {  	v3 =	vsel vm7, $0xF80, v3;
	v4 =	vsel vm7, $0x1380, v4;
	v5 =	vsel vm7, $0x1780, v5  }
0x34: {  	v6 =	vsel vm7, $0x1B80, v6;
	v7 =	vsel vm7, $0x1F80, v7;
	v8 =	vsel vm7, $0x2380, v8  }
0x35: {  	v9 =	vsel vm7, $0x2780, v9;
	v10 =	vsel vm7, $0x2B80, v10;
	v11 =	vsel vm7, $0x2F80, v11  }
0x36: {  	v12 =	vsel vm7, $0x3380, v12;
	v13 =	vsel vm7, $0x3780, v13;
	v14 =	vsel vm7, $0x3B80, v14  }
0x37: {  	v15 =	vsel vm7, $0x3F80, v15;
	v0 =	vsel vm6, $0x4000, v0;
	v1 =	vsel vm6, $0x4400, v1  }
0x38: {  	v2 =	vsel vm6, $0x4800, v2;
	v3 =	vsel vm6, $0x4C00, v3;
	v4 =	vsel vm6, $0x5000, v4  }
0x39: {  	v5 =	vsel vm6, $0x5400, v5;
	v6 =	vsel vm6, $0x5800, v6;
	v7 =	vsel vm6, $0x5C00, v7  }
0x3a: {  	v8 =	vsel vm6, $0x6000, v8;
	v9 =	vsel vm6, $0x6400, v9;
	v10 =	vsel vm6, $0x6800, v10  }
0x3b: {  	v11 =	vsel vm6, $0x6C00, v11;
	v12 =	vsel vm6, $0x7000, v12;
	v13 =	vsel vm6, $0x7400, v13  }
0x3c: {  	v14 =	vsel vm6, $0x7800, v14;
	v15 =	vsel vm6, $0x7C00, v15;
	v0 =	vsel vm5, $0x4080, v0  }
0x3d: {  	v1 =	vsel vm5, $0x4480, v1;
	v2 =	vsel vm5, $0x4880, v2;
	v3 =	vsel vm5, $0x4C80, v3  }
0x3e: {  	v4 =	vsel vm5, $0x5080, v4;
	v5 =	vsel vm5, $0x5480, v5;
	v6 =	vsel vm5, $0x5880, v6  }
0x3f: {  	v7 =	vsel vm5, $0x5C80, v7;
	v8 =	vsel vm5, $0x6080, v8;
	v9 =	vsel vm5, $0x6480, v9  }
0x40: {  	v10 =	vsel vm5, $0x6880, v10;
	v11 =	vsel vm5, $0x6C80, v11;
	v12 =	vsel vm5, $0x7080, v12  }
0x41: {  	v13 =	vsel vm5, $0x7480, v13;
	v14 =	vsel vm5, $0x7880, v14;
	v15 =	vsel vm5, $0x7C80, v15  }
0x42: {  	v0 =	vsel vm4, $0x4100, v0;
	v1 =	vsel vm4, $0x4500, v1;
	v2 =	vsel vm4, $0x4900, v2  }
0x43: {  	v3 =	vsel vm4, $0x4D00, v3;
	v4 =	vsel vm4, $0x5100, v4;
	v5 =	vsel vm4, $0x5500, v5  }
0x44: {  	v6 =	vsel vm4, $0x5900, v6;
	v7 =	vsel vm4, $0x5D00, v7;
	v8 =	vsel vm4, $0x6100, v8  }
0x45: {  	v9 =	vsel vm4, $0x6500, v9;
	v10 =	vsel vm4, $0x6900, v10;
	v11 =	vsel vm4, $0x6D00, v11  }
0x46: {  	v12 =	vsel vm4, $0x7100, v12;
	v13 =	vsel vm4, $0x7500, v13;
	v14 =	vsel vm4, $0x7900, v14  }
0x47: {  	v15 =	vsel vm4, $0x7D00, v15;
	v0 =	vsel vm3, $0x4180, v0;
	v1 =	vsel vm3, $0x4580, v1  }
0x48: {  	v2 =	vsel vm3, $0x4980, v2;
	v3 =	vsel vm3, $0x4D80, v3;
	v4 =	vsel vm3, $0x5180, v4  }
0x49: {  	v5 =	vsel vm3, $0x5580, v5;
	v6 =	vsel vm3, $0x5980, v6;
	v7 =	vsel vm3, $0x5D80, v7  }
0x4a: {  	v8 =	vsel vm3, $0x6180, v8;
	v9 =	vsel vm3, $0x6580, v9;
	v10 =	vsel vm3, $0x6980, v10  }
0x4b: {  	v11 =	vsel vm3, $0x6D80, v11;
	v12 =	vsel vm3, $0x7180, v12;
	v13 =	vsel vm3, $0x7580, v13  }
0x4c: {  	v14 =	vsel vm3, $0x7980, v14;
	v15 =	vsel vm3, $0x7D80, v15;
	v0 =	vsel vm2, $0x4200, v0  }
0x4d: {  	v1 =	vsel vm2, $0x4600, v1;
	v2 =	vsel vm2, $0x4A00, v2;
	v3 =	vsel vm2, $0x4E00, v3  }
0x4e: {  	v4 =	vsel vm2, $0x5200, v4;
	v5 =	vsel vm2, $0x5600, v5;
	v6 =	vsel vm2, $0x5A00, v6  }
0x4f: {  	v7 =	vsel vm2, $0x5E00, v7;
	v8 =	vsel vm2, $0x6200, v8;
	v9 =	vsel vm2, $0x6600, v9  }
0x50: {  	v10 =	vsel vm2, $0x6A00, v10;
	v11 =	vsel vm2, $0x6E00, v11;
	v12 =	vsel vm2, $0x7200, v12  }
0x51: {  	v13 =	vsel vm2, $0x7600, v13;
	v14 =	vsel vm2, $0x7A00, v14;
	v15 =	vsel vm2, $0x7E00, v15  }
0x52: {  	v0 =	vsel vm1, $0x4280, v0;
	v1 =	vsel vm1, $0x4680, v1;
	v2 =	vsel vm1, $0x4A80, v2  }
0x53: {  	v3 =	vsel vm1, $0x4E80, v3;
	v4 =	vsel vm1, $0x5280, v4;
	v5 =	vsel vm1, $0x5680, v5  }
0x54: {  	v6 =	vsel vm1, $0x5A80, v6;
	v7 =	vsel vm1, $0x5E80, v7;
	v8 =	vsel vm1, $0x6280, v8  }
0x55: {  	v9 =	vsel vm1, $0x6680, v9;
	v10 =	vsel vm1, $0x6A80, v10;
	v11 =	vsel vm1, $0x6E80, v11  }
0x56: {  	s0 =	rddreg [dreg:$0x0];
	v12 =	vsel vm1, $0x7280, v12;
	v13 =	vsel vm1, $0x7680, v13;
	v18 =	vsel vm1, $0x7A80, v14  }
0x57: {  	s1 =	rddreg [dreg:$0x1];
	v19 =	vsel vm1, $0x7E80, v15;
	v14 =	vmul.u32 $0x10, v16;
	v0 =	vsel vm0, $0x4300, v0  }
0x58: {  	s2 =	rddreg [dreg:$0x4];
	s3 =	simm.s32 $0x0;
	s4 =	srdreg.scid;
	v1 =	vsel vm0, $0x4700, v1;
	v2 =	vsel vm0, $0x4B00, v2;
	v3 =	vsel vm0, $0x4F00, v3  }
0x59: {  	s6 =	stileid.u32;
	s8 =	simm.s32 $0x400;
	s21 =	simm.s32 $0x8400;
	v4 =	vsel vm0, $0x5300, v4;
	v5 =	vsel vm0, $0x5700, v5;
	v6 =	vsel vm0, $0x5B00, v6  }
0x5a: {  	s28 =	simm.s32 $0x4;
	s29 =	simm.s32 $0x10400;
	s4 =	sand.u32 $0x1, s4;
	v7 =	vsel vm0, $0x5F00, v7;
	v8 =	vsel vm0, $0x6300, v8;
	v9 =	vsel vm0, $0x6700, v9  }
0x5b: {  	s6 =	sshll.u32 s6, $0x7;
	s5 =	ssub.s32 $0x2, s4;
	s4 =	sshll.u32 s4, $0x6;
	v10 =	vsel vm0, $0x6B00, v10;
	v11 =	vsel vm0, $0x6F00, v11;
	v12 =	vsel vm0, $0x7300, v12  }
0x5c: {  	s30 =	simm.s32 $0x12400;
	[smem:$0x7FF] =	sst s3;
	s4 =	sor.u32 s4, s6;
	v13 =	vsel vm0, $0x7700, v13;
	v15 =	vsel vm0, $0x7B00, v18;
	v16 =	vsel vm0, $0x7F00, v19  }
0x5d: {  	_ =	strace $0x80000047;
	s7 =	sshrl.u32 s5, $0x1;
	s0 =	sadd.s32 s0, s4;
	v18 =	vor.u32 $0x1, v14;
	v19 =	vor.u32 $0x2, v14;
	v20 =	vor.u32 $0x3, v14  }
0x5e: {  	s5 =	ssub.s32 s5, s7;
	s25 =	sadd.s32 s1, s4;
	[dreg:$0x6] =	wrdreg s0;
	v21 =	vor.u32 $0x4, v14;
	v22 =	vor.u32 $0x5, v14;
	v23 =	vor.u32 $0x6, v14  }
0x5f: {  	s26 =	sadd.s32 s2, s4;
	s1 =	simm.s32 $0x5;
	[dreg:$0x7] =	wrdreg s25;
	v24 =	vor.u32 $0x7, v14;
	v25 =	vor.u32 $0x8, v14;
	v26 =	vor.u32 $0x9, v14  }
0x60: {  	s2 =	simm.s32 $0x0;
	[dreg:$0x8] =	wrdreg s26;
	s31 =	smax.u32 s5, $0x1;
	v27 =	vor.u32 $0xA, v14;
	v28 =	vor.u32 $0xB, v14;
	v29 =	vor.u32 $0xC, v14  }
0x61: {  	s25 =	simm.s32 $0x3;
	s26 =	simm.s32 $0x2;
	[dreg:$0x9] =	wrdreg s31;
	v30 =	vor.u32 $0xD, v14;
	v31 =	vor.u32 $0xE, v14;
	v32 =	vor.u32 $0xF, v14  }
.LBB2_1:
0x62: {  	[dreg:$0xa] =	wrdreg s2  }
0x63: {  	s0 =	rddreg [dreg:$0x6]  }
0x64: {  	[tilespmem:s3], [sflag:$0x5] =	stream.linear.gather [hbm4b:s0+s3], $0x200, $0x38;
	[tilespmem:$0x14600] =	vst v63  }
0x65: {  	_ =	swait.ge [sflag:s1], $0x200  }
0x66: {  	[sflag:s1] =	ssyncset.done $0x0  }
0x67: {  	s7 =	simm.s32 $0x200;
	s10 =	rddreg [dreg:$0x7];
	[sflag:s1] =	ssyncadd.s32 $0xFFFFFE00  }
0x68: {  	[tilespmem:s7], [sflag:$0x5] =	stream.linear.gather [hbm4b:s10+s3], $0x200, $0x38;
	[tilespmem:$0x14600] =	vst v63  }
0x69: {  	_ =	swait.ge [sflag:s1], $0x200  }
0x6a: {  	[sflag:s1] =	ssyncset.done $0x0  }
0x6b: {  	[sflag:s1] =	ssyncadd.s32 $0xFFFFFE00  }
0x6c: {  	v34 =	vld [tilespmem:$0x0];
	_ =	sdelay $0x1  }
0x6d: {  	v33 =	vld [tilespmem:$0x200];
	_ =	sdelay $0x2  }
0x6e: {  	(v2sf) =	vpush v34, $0x0;
	_ =	sdelay $0x1  }
0x6f: {  	(v2sf) =	vpush v33, $0x0;
	_ =	sdelay $0xc  }
0x70: {  	s2 =	simm.s32 $0x1;
	s11 =	spop (v2sf)  }
0x71: {  	s1 =	simm.s32 $0x1;
	s12 =	sand.u32 $0x7F, s11;
	s13 =	sshra.s32 s11, $0x1F  }
0x72: {  	p0 =	slt.s32 s11, $0x1;
	s15 =	spop (v2sf);
	p1 =	sne.s32 s12, $0x0  }
0x73: {  	(v2sf) =	vpush v34, $0x1;
	s14 =	sshrl.u32 s13, $0x19;
	s16 =	sand.u32 $0x7F, s15;
	s4 =	sshra.s32 s15, $0x1F  }
0x74: {  	p0 =	por !p0, !p1;
	s0 =	sadd.s32 s14, s11;
	p1 =	slt.s32 s15, $0x1  }
0x75: {  	p2 =	sne.s32 s16, $0x0;
	s17 =	sshrl.u32 s4, $0x19;
	p0 =	por !p0, !p0  }
0x76: {  	(v2sf) =	vpush v33, $0x1;
	s0 =	sshrl.u32 s0, $0x7;
	s1 =	simm.s32 @!p0 $0x0;
	p0 =	por !p1, !p2  }
0x77: {  	s0 =	ssub.s32 s0, s1;
	s1 =	sadd.s32 s17, s15;
	p0 =	por !p0, !p0  }
0x78: {  	s0 =	sshll.u32 s0, $0xA;
	s1 =	sshrl.u32 s1, $0x7;
	s2 =	simm.s32 @!p0 $0x0  }
0x79: {  	s5 =	rddreg [dreg:$0x2];
	s18 =	sshrl.u32 s0, $0x3;
	s1 =	ssub.s32 s1, s2  }
0x7a: {  	s19 =	sadd.s32 s5, s18;
	s1 =	sshll.u32 s1, $0xA  }
0x7b: {  	[tilespmem:s8], [sflag:$0x1] =	stream.linear.gather [hbm4b:s19+s3], $0x400, $0x38;
	[tilespmem:$0x14600] =	vst v63  }
0x7c: {  	s6 =	rddreg [dreg:$0x3];
	s0 =	sadd.s32 $0x7A1400, s0;
	s20 =	sshrl.u32 s1, $0x3  }
0x7d: {  	s0 =	sshrl.u32 s0, $0x3;
	s2 =	sadd.s32 s6, s20  }
0x7e: {  	[tilespmem:s21], [sflag:$0x3] =	stream.linear.gather [hbm4b:s2+s3], $0x400, $0x38;
	[tilespmem:$0x14600] =	vst v63  }
0x7f: {  	s22 =	simm.s32 $0x4400;
	s0 =	sadd.s32 s5, s0;
	s23 =	sadd.s32 $0x7A1400, s1  }
0x80: {  	[tilespmem:s22], [sflag:$0x1] =	stream.linear.gather [hbm4b:s0+s3], $0x400, $0x38;
	[tilespmem:$0x14600] =	vst v63  }
0x81: {  	s24 =	simm.s32 $0xC400;
	s0 =	sshrl.u32 s23, $0x3  }
0x82: {  	s1 =	simm.s32 $0x1;
	s0 =	sadd.s32 s6, s0;
	s31 =	spop (v2sf)  }
0x83: {  	[tilespmem:s24], [sflag:$0x3] =	stream.linear.gather [hbm4b:s0+s3], $0x400, $0x38;
	[tilespmem:$0x14600] =	vst v63  }
0x84: {  	s2 =	sand.u32 $0x7F, s31;
	s4 =	sshra.s32 s31, $0x1F;
	p3 =	slt.s32 s31, $0x1  }
0x85: {  	s9 =	spop (v2sf);
	p4 =	sne.s32 s2, $0x0;
	s8 =	sshrl.u32 s4, $0x19  }
0x86: {  	(v2sf) =	vpush v34, $0x2;
	s10 =	sand.u32 $0x7F, s9;
	s11 =	sshra.s32 s9, $0x1F;
	p5 =	slt.s32 s9, $0x1  }
0x87: {  	s2 =	simm.s32 $0x1;
	p0 =	por !p3, !p4;
	s0 =	sadd.s32 s8, s31  }
0x88: {  	p6 =	sne.s32 s10, $0x0;
	s12 =	sshrl.u32 s11, $0x19;
	p0 =	por !p0, !p0  }
0x89: {  	(v2sf) =	vpush v33, $0x2;
	s0 =	sshrl.u32 s0, $0x7;
	s1 =	simm.s32 @!p0 $0x0;
	p0 =	por !p5, !p6  }
0x8a: {  	s0 =	ssub.s32 s0, s1;
	s1 =	sadd.s32 s12, s9;
	p0 =	por !p0, !p0  }
0x8b: {  	s0 =	sshll.u32 s0, $0xA;
	s1 =	sshrl.u32 s1, $0x7;
	s2 =	simm.s32 @!p0 $0x0  }
0x8c: {  	s13 =	sshrl.u32 s0, $0x3;
	s1 =	ssub.s32 s1, s2  }
0x8d: {  	s15 =	simm.s32 $0x800;
	s14 =	sadd.s32 s5, s13;
	s1 =	sshll.u32 s1, $0xA  }
0x8e: {  	[tilespmem:s15], [sflag:$0x1] =	stream.linear.gather [hbm4b:s14+s3], $0x400, $0x38;
	[tilespmem:$0x14600] =	vst v63  }
0x8f: {  	s0 =	sadd.s32 $0x7A1400, s0;
	s16 =	sshrl.u32 s1, $0x3  }
0x90: {  	s17 =	simm.s32 $0x8800;
	s0 =	sshrl.u32 s0, $0x3;
	s2 =	sadd.s32 s6, s16  }
0x91: {  	[tilespmem:s17], [sflag:$0x3] =	stream.linear.gather [hbm4b:s2+s3], $0x400, $0x38;
	[tilespmem:$0x14600] =	vst v63  }
0x92: {  	s18 =	simm.s32 $0x4800;
	s0 =	sadd.s32 s5, s0;
	s19 =	sadd.s32 $0x7A1400, s1  }
0x93: {  	[tilespmem:s18], [sflag:$0x1] =	stream.linear.gather [hbm4b:s0+s3], $0x400, $0x38;
	[tilespmem:$0x14600] =	vst v63  }
0x94: {  	s20 =	simm.s32 $0xC800;
	s0 =	sshrl.u32 s19, $0x3  }
0x95: {  	s1 =	simm.s32 $0x1;
	s0 =	sadd.s32 s6, s0;
	s21 =	spop (v2sf)  }
0x96: {  	[tilespmem:s20], [sflag:$0x3] =	stream.linear.gather [hbm4b:s0+s3], $0x400, $0x38;
	[tilespmem:$0x14600] =	vst v63  }
0x97: {  	s2 =	simm.s32 $0x1;
	s22 =	sand.u32 $0x7F, s21;
	s23 =	sshra.s32 s21, $0x1F  }
0x98: {  	p1 =	slt.s32 s21, $0x1;
	s31 =	spop (v2sf);
	p2 =	sne.s32 s22, $0x0  }
0x99: {  	(v2sf) =	vpush v34, $0x3;
	s24 =	sshrl.u32 s23, $0x19;
	s8 =	sand.u32 $0x7F, s31;
	s9 =	sshra.s32 s31, $0x1F  }
0x9a: {  	p3 =	slt.s32 s31, $0x1;
	p0 =	por !p1, !p2;
	s0 =	sadd.s32 s24, s21  }
0x9b: {  	p4 =	sne.s32 s8, $0x0;
	s10 =	sshrl.u32 s9, $0x19;
	p0 =	por !p0, !p0  }
0x9c: {  	(v2sf) =	vpush v33, $0x3;
	s0 =	sshrl.u32 s0, $0x7;
	s1 =	simm.s32 @!p0 $0x0;
	p0 =	por !p3, !p4  }
0x9d: {  	s0 =	ssub.s32 s0, s1;
	s1 =	sadd.s32 s10, s31;
	p0 =	por !p0, !p0  }
0x9e: {  	s0 =	sshll.u32 s0, $0xA;
	s1 =	sshrl.u32 s1, $0x7;
	s2 =	simm.s32 @!p0 $0x0  }
0x9f: {  	s11 =	sshrl.u32 s0, $0x3;
	s1 =	ssub.s32 s1, s2  }
0xa0: {  	s13 =	simm.s32 $0xC00;
	s12 =	sadd.s32 s5, s11;
	s1 =	sshll.u32 s1, $0xA  }
0xa1: {  	[tilespmem:s13], [sflag:$0x1] =	stream.linear.gather [hbm4b:s12+s3], $0x400, $0x38;
	[tilespmem:$0x14600] =	vst v63  }
0xa2: {  	s0 =	sadd.s32 $0x7A1400, s0;
	s14 =	sshrl.u32 s1, $0x3  }
0xa3: {  	s15 =	simm.s32 $0x8C00;
	s0 =	sshrl.u32 s0, $0x3;
	s2 =	sadd.s32 s6, s14  }
0xa4: {  	[tilespmem:s15], [sflag:$0x3] =	stream.linear.gather [hbm4b:s2+s3], $0x400, $0x38;
	[tilespmem:$0x14600] =	vst v63  }
0xa5: {  	s16 =	simm.s32 $0x4C00;
	s0 =	sadd.s32 s5, s0;
	s17 =	sadd.s32 $0x7A1400, s1  }
0xa6: {  	[tilespmem:s16], [sflag:$0x1] =	stream.linear.gather [hbm4b:s0+s3], $0x400, $0x38;
	[tilespmem:$0x14600] =	vst v63  }
0xa7: {  	s18 =	simm.s32 $0xCC00;
	s0 =	sshrl.u32 s17, $0x3  }
0xa8: {  	s1 =	simm.s32 $0x1;
	s0 =	sadd.s32 s6, s0;
	s19 =	spop (v2sf)  }
0xa9: {  	[tilespmem:s18], [sflag:$0x3] =	stream.linear.gather [hbm4b:s0+s3], $0x400, $0x38;
	[tilespmem:$0x14600] =	vst v63  }
0xaa: {  	s2 =	simm.s32 $0x1;
	s20 =	sand.u32 $0x7F, s19;
	s21 =	sshra.s32 s19, $0x1F  }
0xab: {  	p5 =	slt.s32 s19, $0x1;
	s23 =	spop (v2sf);
	p6 =	sne.s32 s20, $0x0  }
0xac: {  	(v2sf) =	vpush v34, $0x4;
	s22 =	sshrl.u32 s21, $0x19;
	s24 =	sand.u32 $0x7F, s23;
	s31 =	sshra.s32 s23, $0x1F  }
0xad: {  	p1 =	slt.s32 s23, $0x1;
	p0 =	por !p5, !p6;
	s0 =	sadd.s32 s22, s19  }
0xae: {  	p2 =	sne.s32 s24, $0x0;
	s8 =	sshrl.u32 s31, $0x19;
	p0 =	por !p0, !p0  }
0xaf: {  	(v2sf) =	vpush v33, $0x4;
	s0 =	sshrl.u32 s0, $0x7;
	s1 =	simm.s32 @!p0 $0x0;
	p0 =	por !p1, !p2  }
0xb0: {  	s0 =	ssub.s32 s0, s1;
	s1 =	sadd.s32 s8, s23;
	p0 =	por !p0, !p0  }
0xb1: {  	s0 =	sshll.u32 s0, $0xA;
	s1 =	sshrl.u32 s1, $0x7;
	s2 =	simm.s32 @!p0 $0x0  }
0xb2: {  	s9 =	sshrl.u32 s0, $0x3;
	s1 =	ssub.s32 s1, s2  }
0xb3: {  	s11 =	simm.s32 $0x1000;
	s10 =	sadd.s32 s5, s9;
	s1 =	sshll.u32 s1, $0xA  }
0xb4: {  	[tilespmem:s11], [sflag:$0x1] =	stream.linear.gather [hbm4b:s10+s3], $0x400, $0x38;
	[tilespmem:$0x14600] =	vst v63  }
0xb5: {  	s0 =	sadd.s32 $0x7A1400, s0;
	s12 =	sshrl.u32 s1, $0x3  }
0xb6: {  	s13 =	simm.s32 $0x9000;
	s0 =	sshrl.u32 s0, $0x3;
	s2 =	sadd.s32 s6, s12  }
0xb7: {  	[tilespmem:s13], [sflag:$0x3] =	stream.linear.gather [hbm4b:s2+s3], $0x400, $0x38;
	[tilespmem:$0x14600] =	vst v63  }
0xb8: {  	s14 =	simm.s32 $0x5000;
	s0 =	sadd.s32 s5, s0;
	s15 =	sadd.s32 $0x7A1400, s1  }
0xb9: {  	[tilespmem:s14], [sflag:$0x1] =	stream.linear.gather [hbm4b:s0+s3], $0x400, $0x38;
	[tilespmem:$0x14600] =	vst v63  }
0xba: {  	s16 =	simm.s32 $0xD000;
	s0 =	sshrl.u32 s15, $0x3  }
0xbb: {  	s1 =	simm.s32 $0x1;
	s0 =	sadd.s32 s6, s0;
	s17 =	spop (v2sf)  }
0xbc: {  	[tilespmem:s16], [sflag:$0x3] =	stream.linear.gather [hbm4b:s0+s3], $0x400, $0x38;
	[tilespmem:$0x14600] =	vst v63  }
0xbd: {  	s2 =	simm.s32 $0x1;
	s18 =	sand.u32 $0x7F, s17;
	s19 =	sshra.s32 s17, $0x1F  }
0xbe: {  	p3 =	slt.s32 s17, $0x1;
	s21 =	spop (v2sf);
	p4 =	sne.s32 s18, $0x0  }
0xbf: {  	(v2sf) =	vpush v34, $0x5;
	s20 =	sshrl.u32 s19, $0x19;
	s22 =	sand.u32 $0x7F, s21;
	s23 =	sshra.s32 s21, $0x1F  }
0xc0: {  	p5 =	slt.s32 s21, $0x1;
	p0 =	por !p3, !p4;
	s0 =	sadd.s32 s20, s17  }
0xc1: {  	p6 =	sne.s32 s22, $0x0;
	s24 =	sshrl.u32 s23, $0x19;
	p0 =	por !p0, !p0  }
0xc2: {  	(v2sf) =	vpush v33, $0x5;
	s0 =	sshrl.u32 s0, $0x7;
	s1 =	simm.s32 @!p0 $0x0;
	p0 =	por !p5, !p6  }
0xc3: {  	s0 =	ssub.s32 s0, s1;
	s1 =	sadd.s32 s24, s21;
	p0 =	por !p0, !p0  }
0xc4: {  	s0 =	sshll.u32 s0, $0xA;
	s1 =	sshrl.u32 s1, $0x7;
	s2 =	simm.s32 @!p0 $0x0  }
0xc5: {  	s31 =	sshrl.u32 s0, $0x3;
	s1 =	ssub.s32 s1, s2  }
0xc6: {  	s9 =	simm.s32 $0x1400;
	s8 =	sadd.s32 s5, s31;
	s1 =	sshll.u32 s1, $0xA  }
0xc7: {  	[tilespmem:s9], [sflag:$0x1] =	stream.linear.gather [hbm4b:s8+s3], $0x400, $0x38;
	[tilespmem:$0x14600] =	vst v63  }
0xc8: {  	s0 =	sadd.s32 $0x7A1400, s0;
	s10 =	sshrl.u32 s1, $0x3  }
0xc9: {  	s11 =	simm.s32 $0x9400;
	s0 =	sshrl.u32 s0, $0x3;
	s2 =	sadd.s32 s6, s10  }
0xca: {  	[tilespmem:s11], [sflag:$0x3] =	stream.linear.gather [hbm4b:s2+s3], $0x400, $0x38;
	[tilespmem:$0x14600] =	vst v63  }
0xcb: {  	s12 =	simm.s32 $0x5400;
	s0 =	sadd.s32 s5, s0;
	s13 =	sadd.s32 $0x7A1400, s1  }
0xcc: {  	[tilespmem:s12], [sflag:$0x1] =	stream.linear.gather [hbm4b:s0+s3], $0x400, $0x38;
	[tilespmem:$0x14600] =	vst v63  }
0xcd: {  	s14 =	simm.s32 $0xD400;
	s0 =	sshrl.u32 s13, $0x3  }
0xce: {  	s1 =	simm.s32 $0x1;
	s0 =	sadd.s32 s6, s0;
	s15 =	spop (v2sf)  }
0xcf: {  	[tilespmem:s14], [sflag:$0x3] =	stream.linear.gather [hbm4b:s0+s3], $0x400, $0x38;
	[tilespmem:$0x14600] =	vst v63  }
0xd0: {  	s2 =	simm.s32 $0x1;
	s16 =	sand.u32 $0x7F, s15;
	s17 =	sshra.s32 s15, $0x1F  }
0xd1: {  	p1 =	slt.s32 s15, $0x1;
	s19 =	spop (v2sf);
	p2 =	sne.s32 s16, $0x0  }
0xd2: {  	(v2sf) =	vpush v34, $0x6;
	s18 =	sshrl.u32 s17, $0x19;
	s20 =	sand.u32 $0x7F, s19;
	s21 =	sshra.s32 s19, $0x1F  }
0xd3: {  	p3 =	slt.s32 s19, $0x1;
	p0 =	por !p1, !p2;
	s0 =	sadd.s32 s18, s15  }
0xd4: {  	p4 =	sne.s32 s20, $0x0;
	s22 =	sshrl.u32 s21, $0x19;
	p0 =	por !p0, !p0  }
0xd5: {  	(v2sf) =	vpush v33, $0x6;
	s0 =	sshrl.u32 s0, $0x7;
	s1 =	simm.s32 @!p0 $0x0;
	p0 =	por !p3, !p4  }
0xd6: {  	s0 =	ssub.s32 s0, s1;
	s1 =	sadd.s32 s22, s19;
	p0 =	por !p0, !p0  }
0xd7: {  	s0 =	sshll.u32 s0, $0xA;
	s1 =	sshrl.u32 s1, $0x7;
	s2 =	simm.s32 @!p0 $0x0  }
0xd8: {  	s23 =	sshrl.u32 s0, $0x3;
	s1 =	ssub.s32 s1, s2  }
0xd9: {  	s31 =	simm.s32 $0x1800;
	s24 =	sadd.s32 s5, s23;
	s1 =	sshll.u32 s1, $0xA  }
0xda: {  	[tilespmem:s31], [sflag:$0x1] =	stream.linear.gather [hbm4b:s24+s3], $0x400, $0x38;
	[tilespmem:$0x14600] =	vst v63  }
0xdb: {  	s0 =	sadd.s32 $0x7A1400, s0;
	s8 =	sshrl.u32 s1, $0x3  }
0xdc: {  	s9 =	simm.s32 $0x9800;
	s0 =	sshrl.u32 s0, $0x3;
	s2 =	sadd.s32 s6, s8  }
0xdd: {  	[tilespmem:s9], [sflag:$0x3] =	stream.linear.gather [hbm4b:s2+s3], $0x400, $0x38;
	[tilespmem:$0x14600] =	vst v63  }
0xde: {  	s10 =	simm.s32 $0x5800;
	s0 =	sadd.s32 s5, s0;
	s11 =	sadd.s32 $0x7A1400, s1  }
0xdf: {  	[tilespmem:s10], [sflag:$0x1] =	stream.linear.gather [hbm4b:s0+s3], $0x400, $0x38;
	[tilespmem:$0x14600] =	vst v63  }
0xe0: {  	s12 =	simm.s32 $0xD800;
	s0 =	sshrl.u32 s11, $0x3  }
0xe1: {  	s1 =	simm.s32 $0x1;
	s0 =	sadd.s32 s6, s0;
	s13 =	spop (v2sf)  }
0xe2: {  	[tilespmem:s12], [sflag:$0x3] =	stream.linear.gather [hbm4b:s0+s3], $0x400, $0x38;
	[tilespmem:$0x14600] =	vst v63  }
0xe3: {  	s2 =	simm.s32 $0x1;
	s14 =	sand.u32 $0x7F, s13;
	s15 =	sshra.s32 s13, $0x1F  }
0xe4: {  	p5 =	slt.s32 s13, $0x1;
	s17 =	spop (v2sf);
	p6 =	sne.s32 s14, $0x0  }
0xe5: {  	(v2sf) =	vpush v34, $0x7;
	s16 =	sshrl.u32 s15, $0x19;
	s18 =	sand.u32 $0x7F, s17;
	s19 =	sshra.s32 s17, $0x1F  }
0xe6: {  	p1 =	slt.s32 s17, $0x1;
	p0 =	por !p5, !p6;
	s0 =	sadd.s32 s16, s13  }
0xe7: {  	p2 =	sne.s32 s18, $0x0;
	s20 =	sshrl.u32 s19, $0x19;
	p0 =	por !p0, !p0  }
0xe8: {  	(v2sf) =	vpush v33, $0x7;
	s0 =	sshrl.u32 s0, $0x7;
	s1 =	simm.s32 @!p0 $0x0;
	p0 =	por !p1, !p2  }
0xe9: {  	s0 =	ssub.s32 s0, s1;
	s1 =	sadd.s32 s20, s17;
	p0 =	por !p0, !p0  }
0xea: {  	s0 =	sshll.u32 s0, $0xA;
	s1 =	sshrl.u32 s1, $0x7;
	s2 =	simm.s32 @!p0 $0x0  }
0xeb: {  	s21 =	sshrl.u32 s0, $0x3;
	s1 =	ssub.s32 s1, s2  }
0xec: {  	s23 =	simm.s32 $0x1C00;
	s22 =	sadd.s32 s5, s21;
	s1 =	sshll.u32 s1, $0xA  }
0xed: {  	[tilespmem:s23], [sflag:$0x1] =	stream.linear.gather [hbm4b:s22+s3], $0x400, $0x38;
	[tilespmem:$0x14600] =	vst v63  }
0xee: {  	s0 =	sadd.s32 $0x7A1400, s0;
	s24 =	sshrl.u32 s1, $0x3  }
0xef: {  	s31 =	simm.s32 $0x9C00;
	s0 =	sshrl.u32 s0, $0x3;
	s2 =	sadd.s32 s6, s24  }
0xf0: {  	[tilespmem:s31], [sflag:$0x3] =	stream.linear.gather [hbm4b:s2+s3], $0x400, $0x38;
	[tilespmem:$0x14600] =	vst v63  }
0xf1: {  	s4 =	simm.s32 $0x5C00;
	s0 =	sadd.s32 s5, s0;
	s8 =	sadd.s32 $0x7A1400, s1  }
0xf2: {  	[tilespmem:s4], [sflag:$0x1] =	stream.linear.gather [hbm4b:s0+s3], $0x400, $0x38;
	[tilespmem:$0x14600] =	vst v63  }
0xf3: {  	s10 =	simm.s32 $0xDC00;
	s0 =	sshrl.u32 s8, $0x3  }
0xf4: {  	s1 =	simm.s32 $0x1;
	s9 =	spop (v2sf);
	s0 =	sadd.s32 s6, s0  }
0xf5: {  	[tilespmem:s10], [sflag:$0x3] =	stream.linear.gather [hbm4b:s0+s3], $0x400, $0x38;
	[tilespmem:$0x14600] =	vst v63  }
0xf6: {  	s2 =	simm.s32 $0x1;
	s11 =	sand.u32 $0x7F, s9;
	s12 =	sshra.s32 s9, $0x1F  }
0xf7: {  	p3 =	slt.s32 s9, $0x1;
	s14 =	spop (v2sf);
	p4 =	sne.s32 s11, $0x0  }
0xf8: {  	s13 =	sshrl.u32 s12, $0x19;
	s15 =	sand.u32 $0x7F, s14;
	s16 =	sshra.s32 s14, $0x1F  }
0xf9: {  	p5 =	slt.s32 s14, $0x1;
	p0 =	por !p3, !p4;
	s0 =	sadd.s32 s13, s9  }
0xfa: {  	p6 =	sne.s32 s15, $0x0;
	s17 =	sshrl.u32 s16, $0x19;
	p0 =	por !p0, !p0  }
0xfb: {  	s0 =	sshrl.u32 s0, $0x7;
	s1 =	simm.s32 @!p0 $0x0;
	p0 =	por !p5, !p6  }
0xfc: {  	s0 =	ssub.s32 s0, s1;
	s1 =	sadd.s32 s17, s14;
	p0 =	por !p0, !p0  }
0xfd: {  	s0 =	sshll.u32 s0, $0xA;
	s1 =	sshrl.u32 s1, $0x7;
	s2 =	simm.s32 @!p0 $0x0  }
0xfe: {  	s18 =	sshrl.u32 s0, $0x3;
	s1 =	ssub.s32 s1, s2  }
0xff: {  	s20 =	simm.s32 $0x2000;
	s19 =	sadd.s32 s5, s18;
	s1 =	sshll.u32 s1, $0xA  }
0x100: {  	[tilespmem:s20], [sflag:$0x1] =	stream.linear.gather [hbm4b:s19+s3], $0x400, $0x38;
	[tilespmem:$0x14600] =	vst v63  }
0x101: {  	s0 =	sadd.s32 $0x7A1400, s0;
	s21 =	sshrl.u32 s1, $0x3  }
0x102: {  	s22 =	simm.s32 $0xA000;
	s0 =	sshrl.u32 s0, $0x3;
	s2 =	sadd.s32 s6, s21  }
0x103: {  	[tilespmem:s22], [sflag:$0x3] =	stream.linear.gather [hbm4b:s2+s3], $0x400, $0x38;
	[tilespmem:$0x14600] =	vst v63  }
0x104: {  	s23 =	simm.s32 $0x6000;
	s0 =	sadd.s32 s5, s0  }
0x105: {  	[tilespmem:s23], [sflag:$0x1] =	stream.linear.gather [hbm4b:s0+s3], $0x400, $0x38;
	[tilespmem:$0x14600] =	vst v63  }
.Ltmp0:
0x106: {  	s24 =	sadd.s32 $0x7A1400, s1;
	(pc) =	sbr.rel .LBB2_2-.Ltmp0, $4  }
0x107: {  	s0 =	sshrl.u32 s24, $0x3  }
0x108: {  	s31 =	simm.s32 $0xE000;
	s0 =	sadd.s32 s6, s0  }
0x109: {  	[tilespmem:s31], [sflag:$0x3] =	stream.linear.gather [hbm4b:s0+s3], $0x400, $0x38;
	[tilespmem:$0x14600] =	vst v63  }
0x10a: {  	s1 =	simm.s32 $0x0;
	s24 =	simm.s32 $0x1;
	s0 =	simm.s32 $0x0  }
.LBB2_4:
0x10b: {  	_ =	swait.ge [sflag:s26], $0x400  }
0x10c: {  	[sflag:s26] =	ssyncset.done $0x0  }
0x10d: {  	[sflag:s26] =	ssyncadd.s32 $0xFFFFFC00  }
0x10e: {  	_ =	swait.ge [sflag:s28], $0x400  }
0x10f: {  	[sflag:s28] =	ssyncset.done $0x0  }
0x110: {  	[sflag:s28] =	ssyncadd.s32 $0xFFFFFC00  }
0x111: {  	_ =	swait.ge [sflag:s26], $0x400  }
0x112: {  	[sflag:s26] =	ssyncset.done $0x0  }
0x113: {  	[sflag:s26] =	ssyncadd.s32 $0xFFFFFC00  }
0x114: {  	_ =	swait.ge [sflag:s28], $0x400  }
0x115: {  	[sflag:s28] =	ssyncset.done $0x0  }
0x116: {  	[sflag:s28] =	ssyncadd.s32 $0xFFFFFC00  }
0x117: {  	_ =	swait.ge [sflag:s26], $0x400  }
0x118: {  	[sflag:s26] =	ssyncset.done $0x0  }
0x119: {  	[sflag:s26] =	ssyncadd.s32 $0xFFFFFC00  }
0x11a: {  	_ =	swait.ge [sflag:s28], $0x400  }
0x11b: {  	[sflag:s28] =	ssyncset.done $0x0  }
0x11c: {  	[sflag:s28] =	ssyncadd.s32 $0xFFFFFC00  }
0x11d: {  	_ =	swait.ge [sflag:s26], $0x400  }
0x11e: {  	[sflag:s26] =	ssyncset.done $0x0  }
0x11f: {  	[sflag:s26] =	ssyncadd.s32 $0xFFFFFC00  }
0x120: {  	_ =	swait.ge [sflag:s28], $0x400  }
0x121: {  	[sflag:s28] =	ssyncset.done $0x0  }
0x122: {  	[sflag:s28] =	ssyncadd.s32 $0xFFFFFC00  }
0x123: {  	_ =	swait.ge [sflag:s26], $0x400  }
0x124: {  	[sflag:s26] =	ssyncset.done $0x0  }
0x125: {  	[sflag:s26] =	ssyncadd.s32 $0xFFFFFC00  }
0x126: {  	_ =	swait.ge [sflag:s28], $0x400  }
0x127: {  	[sflag:s28] =	ssyncset.done $0x0  }
0x128: {  	[sflag:s28] =	ssyncadd.s32 $0xFFFFFC00  }
0x129: {  	_ =	swait.ge [sflag:s26], $0x400  }
0x12a: {  	[sflag:s26] =	ssyncset.done $0x0  }
0x12b: {  	[sflag:s26] =	ssyncadd.s32 $0xFFFFFC00  }
0x12c: {  	_ =	swait.ge [sflag:s28], $0x400  }
0x12d: {  	[sflag:s28] =	ssyncset.done $0x0  }
0x12e: {  	[sflag:s28] =	ssyncadd.s32 $0xFFFFFC00  }
0x12f: {  	_ =	swait.ge [sflag:s26], $0x400  }
0x130: {  	[sflag:s26] =	ssyncset.done $0x0  }
0x131: {  	[sflag:s26] =	ssyncadd.s32 $0xFFFFFC00  }
0x132: {  	_ =	swait.ge [sflag:s28], $0x400  }
0x133: {  	[sflag:s28] =	ssyncset.done $0x0  }
0x134: {  	[sflag:s28] =	ssyncadd.s32 $0xFFFFFC00  }
0x135: {  	_ =	swait.ge [sflag:s26], $0x400  }
0x136: {  	[sflag:s26] =	ssyncset.done $0x0  }
0x137: {  	[sflag:s26] =	ssyncadd.s32 $0xFFFFFC00  }
0x138: {  	_ =	swait.ge [sflag:s28], $0x400  }
0x139: {  	[sflag:s28] =	ssyncset.done $0x0  }
0x13a: {  	[sflag:s28] =	ssyncadd.s32 $0xFFFFFC00  }
0x13b: {  	_ =	swait.ge [sflag:s26], $0x400  }
0x13c: {  	[sflag:s26] =	ssyncset.done $0x0  }
0x13d: {  	[sflag:s26] =	ssyncadd.s32 $0xFFFFFC00  }
0x13e: {  	_ =	swait.ge [sflag:s28], $0x400  }
0x13f: {  	[sflag:s28] =	ssyncset.done $0x0  }
0x140: {  	[sflag:s28] =	ssyncadd.s32 $0xFFFFFC00  }
0x141: {  	_ =	swait.ge [sflag:s26], $0x400  }
0x142: {  	[sflag:s26] =	ssyncset.done $0x0  }
0x143: {  	[sflag:s26] =	ssyncadd.s32 $0xFFFFFC00  }
0x144: {  	_ =	swait.ge [sflag:s28], $0x400  }
0x145: {  	[sflag:s28] =	ssyncset.done $0x0  }
0x146: {  	[sflag:s28] =	ssyncadd.s32 $0xFFFFFC00  }
0x147: {  	_ =	swait.ge [sflag:s26], $0x400  }
0x148: {  	[sflag:s26] =	ssyncset.done $0x0  }
0x149: {  	[sflag:s26] =	ssyncadd.s32 $0xFFFFFC00  }
0x14a: {  	_ =	swait.ge [sflag:s28], $0x400  }
0x14b: {  	[sflag:s28] =	ssyncset.done $0x0  }
0x14c: {  	[sflag:s28] =	ssyncadd.s32 $0xFFFFFC00  }
0x14d: {  	_ =	swait.ge [sflag:s26], $0x400  }
0x14e: {  	[sflag:s26] =	ssyncset.done $0x0  }
0x14f: {  	[sflag:s26] =	ssyncadd.s32 $0xFFFFFC00  }
0x150: {  	_ =	swait.ge [sflag:s28], $0x400  }
0x151: {  	[sflag:s28] =	ssyncset.done $0x0  }
0x152: {  	[sflag:s28] =	ssyncadd.s32 $0xFFFFFC00  }
0x153: {  	_ =	swait.ge [sflag:s26], $0x400  }
0x154: {  	[sflag:s26] =	ssyncset.done $0x0  }
0x155: {  	[sflag:s26] =	ssyncadd.s32 $0xFFFFFC00  }
0x156: {  	_ =	swait.ge [sflag:s28], $0x400  }
0x157: {  	[sflag:s28] =	ssyncset.done $0x0  }
0x158: {  	[sflag:s28] =	ssyncadd.s32 $0xFFFFFC00  }
0x159: {  	_ =	swait.ge [sflag:s26], $0x400  }
0x15a: {  	[sflag:s26] =	ssyncset.done $0x0  }
0x15b: {  	[sflag:s26] =	ssyncadd.s32 $0xFFFFFC00  }
0x15c: {  	_ =	swait.ge [sflag:s28], $0x400  }
0x15d: {  	[sflag:s28] =	ssyncset.done $0x0  }
0x15e: {  	[sflag:s28] =	ssyncadd.s32 $0xFFFFFC00  }
0x15f: {  	_ =	swait.ge [sflag:s26], $0x400  }
0x160: {  	[sflag:s26] =	ssyncset.done $0x0  }
0x161: {  	[sflag:s26] =	ssyncadd.s32 $0xFFFFFC00  }
0x162: {  	v33 =	vmov s20;
	_ =	swait.ge [sflag:s28], $0x400  }
0x163: {  	v33 =	vand.u32 $0x7F, v33;
	[sflag:s28] =	ssyncset.done $0x0  }
0x164: {  	v33 =	vbroadcast v33, $0x0;
	[sflag:s28] =	ssyncadd.s32 $0xFFFFFC00  }
0x165: {  	_ =	swait.ge [sflag:s26], $0x400  }
0x166: {  	v33 =	vor.u32 v8, v33;
	[sflag:s26] =	ssyncset.done $0x0  }
0x167: {  	[sflag:s26] =	ssyncadd.s32 $0xFFFFFC00  }
0x168: {  	v34 =	vmov s7;
	_ =	swait.ge [sflag:s28], $0x400  }
0x169: {  	v34 =	vand.u32 $0x7F, v34;
	[sflag:s28] =	ssyncset.done $0x0  }
0x16a: {  	v34 =	vbroadcast v34, $0x0;
	[sflag:s28] =	ssyncadd.s32 $0xFFFFFC00  }
0x16b: {  	v33 =	vld.idx.msk [tilespmem:v33+s8+$0x0], $0xffff  }
0x16c: {  	v34 =	vor.u32 v8, v34;
	_ =	sdelay $0x1  }
0x16d: {  	v35 =	vmov s14  }
0x16e: {  	v35 =	vand.u32 $0x7F, v35  }
0x16f: {  	v37 =	vbroadcast v35, $0x0;
	[tilespmem:s6+$0x10480] =	vst v33  }
0x170: {  	v34 =	vld.idx.msk [tilespmem:v34+s21+$0x0], $0xffff  }
0x171: {  	v33 =	vor.u32 v9, v37;
	_ =	sdelay $0x1  }
0x172: {  	v38 =	vmov s15  }
0x173: {  	v35 =	vand.u32 $0x7F, v38  }
0x174: {  	v39 =	vbroadcast v35, $0x0;
	[tilespmem:s6+$0x12480] =	vst v34  }
0x175: {  	v33 =	vld.idx.msk [tilespmem:v33+s8+$0x0], $0xffff  }
0x176: {  	v34 =	vor.u32 v9, v39;
	_ =	sdelay $0x1  }
0x177: {  	v40 =	vmov s18  }
0x178: {  	v35 =	vand.u32 $0x7F, v40  }
0x179: {  	v41 =	vbroadcast v35, $0x0;
	[tilespmem:s6+$0x10490] =	vst v33  }
0x17a: {  	v34 =	vld.idx.msk [tilespmem:v34+s21+$0x0], $0xffff  }
0x17b: {  	v33 =	vor.u32 v10, v41;
	_ =	sdelay $0x1  }
0x17c: {  	v42 =	vmov s19  }
0x17d: {  	v35 =	vand.u32 $0x7F, v42  }
0x17e: {  	v43 =	vbroadcast v35, $0x0;
	[tilespmem:s6+$0x12490] =	vst v34  }
0x17f: {  	v33 =	vld.idx.msk [tilespmem:v33+s8+$0x0], $0xffff  }
0x180: {  	v34 =	vor.u32 v10, v43;
	_ =	sdelay $0x1  }
0x181: {  	v44 =	vmov s22  }
0x182: {  	v35 =	vand.u32 $0x7F, v44  }
0x183: {  	v45 =	vbroadcast v35, $0x0;
	[tilespmem:s6+$0x104A0] =	vst v33  }
0x184: {  	v34 =	vld.idx.msk [tilespmem:v34+s21+$0x0], $0xffff  }
0x185: {  	v33 =	vor.u32 v11, v45;
	_ =	sdelay $0x1  }
0x186: {  	v46 =	vmov s23  }
0x187: {  	v35 =	vand.u32 $0x7F, v46  }
0x188: {  	v47 =	vbroadcast v35, $0x0;
	[tilespmem:s6+$0x124A0] =	vst v34  }
0x189: {  	v33 =	vld.idx.msk [tilespmem:v33+s8+$0x0], $0xffff  }
0x18a: {  	v34 =	vor.u32 v11, v47;
	_ =	sdelay $0x1  }
0x18b: {  	v48 =	vmov s12  }
0x18c: {  	v35 =	vand.u32 $0x7F, v48  }
0x18d: {  	v49 =	vbroadcast v35, $0x0;
	[tilespmem:s6+$0x104B0] =	vst v33  }
0x18e: {  	v34 =	vld.idx.msk [tilespmem:v34+s21+$0x0], $0xffff  }
0x18f: {  	v33 =	vor.u32 v12, v49;
	_ =	sdelay $0x1  }
0x190: {  	v50 =	vmov s10  }
0x191: {  	v35 =	vand.u32 $0x7F, v50  }
0x192: {  	v51 =	vbroadcast v35, $0x0;
	[tilespmem:s6+$0x124B0] =	vst v34  }
0x193: {  	v33 =	vld.idx.msk [tilespmem:v33+s8+$0x0], $0xffff  }
0x194: {  	v34 =	vor.u32 v12, v51;
	_ =	sdelay $0x1  }
0x195: {  	v52 =	vmov s31  }
0x196: {  	v35 =	vand.u32 $0x7F, v52  }
0x197: {  	v53 =	vbroadcast v35, $0x0;
	[tilespmem:s6+$0x104C0] =	vst v33  }
0x198: {  	v34 =	vld.idx.msk [tilespmem:v34+s21+$0x0], $0xffff  }
0x199: {  	v33 =	vor.u32 v13, v53;
	_ =	sdelay $0x1  }
0x19a: {  	v54 =	vmov s9  }
0x19b: {  	v35 =	vand.u32 $0x7F, v54  }
0x19c: {  	v55 =	vbroadcast v35, $0x0;
	[tilespmem:s6+$0x124C0] =	vst v34  }
0x19d: {  	v33 =	vld.idx.msk [tilespmem:v33+s8+$0x0], $0xffff  }
0x19e: {  	v34 =	vor.u32 v13, v55;
	_ =	sdelay $0x1  }
0x19f: {  	v56 =	vmov s5  }
0x1a0: {  	v35 =	vand.u32 $0x7F, v56  }
0x1a1: {  	v57 =	vbroadcast v35, $0x0;
	[tilespmem:s6+$0x104D0] =	vst v33  }
0x1a2: {  	v34 =	vld.idx.msk [tilespmem:v34+s21+$0x0], $0xffff  }
0x1a3: {  	v33 =	vor.u32 v15, v57;
	_ =	sdelay $0x1  }
0x1a4: {  	v58 =	vmov s13  }
0x1a5: {  	v35 =	vand.u32 $0x7F, v58  }
0x1a6: {  	v59 =	vbroadcast v35, $0x0;
	[tilespmem:s6+$0x124D0] =	vst v34  }
0x1a7: {  	v33 =	vld.idx.msk [tilespmem:v33+s8+$0x0], $0xffff  }
0x1a8: {  	v34 =	vor.u32 v15, v59;
	_ =	sdelay $0x1  }
0x1a9: {  	v60 =	vmov s0  }
0x1aa: {  	v35 =	vand.u32 $0x7F, v60  }
0x1ab: {  	v61 =	vbroadcast v35, $0x0;
	[tilespmem:s6+$0x104E0] =	vst v33  }
0x1ac: {  	v34 =	vld.idx.msk [tilespmem:v34+s21+$0x0], $0xffff  }
0x1ad: {  	v33 =	vor.u32 v16, v61;
	_ =	sdelay $0x1  }
0x1ae: {  	v62 =	vmov s1  }
0x1af: {  	v35 =	vand.u32 $0x7F, v62  }
0x1b0: {  	v63 =	vbroadcast v35, $0x0;
	[tilespmem:s6+$0x124E0] =	vst v34  }
0x1b1: {  	v33 =	vld.idx.msk [tilespmem:v33+s8+$0x0], $0xffff  }
0x1b2: {  	v34 =	vor.u32 v16, v63;
	_ =	sdelay $0x2  }
0x1b3: {  	s22 =	rddreg [dreg:$0xe]  }
0x1b4: {  	s1 =	sadd.s32 $0x400, s22;
	[tilespmem:s6+$0x104F0] =	vst v33  }
0x1b5: {  	p0 =	sne.s32 s1, $0x8000;
	v33 =	vld.idx.msk [tilespmem:v34+s21+$0x0], $0xffff  }
.Ltmp1:
0x1b6: {  	_ = 	snop;
	(pc) =	sbr.rel @!p0 .LBB2_5-.Ltmp1, $4  }
0x1b7: {  	_ = 	snop  }
0x1b8: {  	s23 =	rddreg [dreg:$0xb]  }
0x1b9: {  	s31 =	rddreg [dreg:$0xc]  }
0x1ba: {  	s24 =	sadd.s32 $0x1, s24;
	s7 =	sadd.s32 $0x10, s23;
	s0 =	sadd.s32 $0x10, s31;
	[tilespmem:s6+$0x124F0] =	vst v33  }
.LBB2_2:
0x1bb: {  	v34 =	vld [tilespmem:s0+$0x0];
	_ =	sdelay $0x1  }
0x1bc: {  	v33 =	vld [tilespmem:s7+$0x0];
	_ =	sdelay $0x2  }
0x1bd: {  	(v2sf) =	vpush v34, $0x8;
	_ =	sdelay $0x1  }
0x1be: {  	(v2sf) =	vpush v33, $0x8;
	_ =	sdelay $0xc  }
0x1bf: {  	[dreg:$0xe] =	wrdreg s1;
	s2 =	spop (v2sf)  }
0x1c0: {  	[dreg:$0xd] =	wrdreg s24;
	s16 =	sshra.s32 s2, $0x1F  }
0x1c1: {  	[dreg:$0xc] =	wrdreg s0;
	s4 =	spop (v2sf);
	s0 =	sshrl.u32 s16, $0x19  }
0x1c2: {  	[dreg:$0xb] =	wrdreg s7;
	s17 =	sshra.s32 s4, $0x1F;
	s0 =	sadd.s32 s0, s2  }
0x1c3: {  	(v2sf) =	vpush v34, $0x9;
	[dreg:$0x11] =	wrdreg s2;
	s1 =	sshrl.u32 s17, $0x19;
	s5 =	sand.u32 $0xFFFFFF80, s0  }
0x1c4: {  	p0 =	slt.s32 s2, $0x1;
	s1 =	sadd.s32 s1, s4;
	p1 =	sne.s32 s2, s5  }
0x1c5: {  	s2 =	simm.s32 $0x1;
	s18 =	sand.u32 $0xFFFFFF80, s1;
	p0 =	por !p0, !p1  }
0x1c6: {  	(v2sf) =	vpush v33, $0x9;
	p1 =	slt.s32 s4, $0x1;
	p2 =	sne.s32 s4, s18;
	p0 =	por !p0, !p0  }
0x1c7: {  	s0 =	sshrl.u32 s0, $0x7;
	s2 =	simm.s32 @!p0 $0x0;
	p0 =	por !p1, !p2  }
0x1c8: {  	s0 =	ssub.s32 s0, s2;
	p0 =	por !p0, !p0;
	s2 =	simm.s32 $0x1  }
0x1c9: {  	s1 =	sshrl.u32 s1, $0x7;
	s0 =	sshll.u32 s0, $0xA;
	s2 =	simm.s32 @!p0 $0x0  }
0x1ca: {  	s7 =	rddreg [dreg:$0x2];
	s19 =	sshrl.u32 s0, $0x3;
	s1 =	ssub.s32 s1, s2  }
0x1cb: {  	s21 =	simm.s32 $0x2400;
	s20 =	sadd.s32 s7, s19;
	s1 =	sshll.u32 s1, $0xA  }
0x1cc: {  	[tilespmem:s21], [sflag:$0x2] =	stream.linear.gather [hbm4b:s20+s3], $0x400, $0x38;
	[tilespmem:$0x14600] =	vst v63  }
0x1cd: {  	s8 =	rddreg [dreg:$0x3];
	s0 =	sadd.s32 $0x7A1400, s0;
	s22 =	sshrl.u32 s1, $0x3  }
0x1ce: {  	s23 =	simm.s32 $0xA400;
	s0 =	sshrl.u32 s0, $0x3;
	s2 =	sadd.s32 s8, s22  }
0x1cf: {  	[tilespmem:s23], [sflag:$0x4] =	stream.linear.gather [hbm4b:s2+s3], $0x400, $0x38;
	[tilespmem:$0x14600] =	vst v63  }
0x1d0: {  	s24 =	simm.s32 $0x6400;
	s0 =	sadd.s32 s7, s0;
	s1 =	sadd.s32 $0x7A1400, s1  }
0x1d1: {  	[tilespmem:s24], [sflag:$0x2] =	stream.linear.gather [hbm4b:s0+s3], $0x400, $0x38;
	[tilespmem:$0x14600] =	vst v63  }
0x1d2: {  	[dreg:$0x13] =	wrdreg s4;
	s14 =	spop (v2sf);
	s0 =	sshrl.u32 s1, $0x3  }
0x1d3: {  	s2 =	simm.s32 $0xE400;
	s4 =	sshra.s32 s14, $0x1F;
	s0 =	sadd.s32 s8, s0  }
0x1d4: {  	[tilespmem:s2], [sflag:$0x4] =	stream.linear.gather [hbm4b:s0+s3], $0x400, $0x38;
	[tilespmem:$0x14600] =	vst v63  }
0x1d5: {  	s15 =	spop (v2sf);
	s0 =	sshrl.u32 s4, $0x19  }
0x1d6: {  	s6 =	sshra.s32 s15, $0x1F;
	s0 =	sadd.s32 s0, s14  }
0x1d7: {  	[dreg:$0x10] =	wrdreg s5;
	(v2sf) =	vpush v34, $0xA;
	s1 =	sshrl.u32 s6, $0x19;
	s5 =	sand.u32 $0xFFFFFF80, s0  }
0x1d8: {  	p3 =	slt.s32 s14, $0x1;
	s1 =	sadd.s32 s1, s15;
	p4 =	sne.s32 s14, s5  }
0x1d9: {  	p5 =	slt.s32 s15, $0x1;
	s9 =	sand.u32 $0xFFFFFF80, s1;
	p0 =	por !p3, !p4  }
0x1da: {  	(v2sf) =	vpush v33, $0xA;
	s2 =	simm.s32 $0x1;
	p6 =	sne.s32 s15, s9;
	p0 =	por !p0, !p0  }
0x1db: {  	s0 =	sshrl.u32 s0, $0x7;
	s2 =	simm.s32 @!p0 $0x0;
	p0 =	por !p5, !p6  }
0x1dc: {  	s0 =	ssub.s32 s0, s2;
	p0 =	por !p0, !p0;
	s2 =	simm.s32 $0x1  }
0x1dd: {  	s1 =	sshrl.u32 s1, $0x7;
	s0 =	sshll.u32 s0, $0xA;
	s2 =	simm.s32 @!p0 $0x0  }
0x1de: {  	s10 =	sshrl.u32 s0, $0x3;
	s1 =	ssub.s32 s1, s2  }
0x1df: {  	s12 =	simm.s32 $0x2800;
	s11 =	sadd.s32 s7, s10;
	s1 =	sshll.u32 s1, $0xA  }
0x1e0: {  	[tilespmem:s12], [sflag:$0x2] =	stream.linear.gather [hbm4b:s11+s3], $0x400, $0x38;
	[tilespmem:$0x14600] =	vst v63  }
0x1e1: {  	s16 =	simm.s32 $0xA800;
	s0 =	sadd.s32 $0x7A1400, s0;
	s13 =	sshrl.u32 s1, $0x3  }
0x1e2: {  	s17 =	simm.s32 $0x6800;
	s0 =	sshrl.u32 s0, $0x3;
	s2 =	sadd.s32 s8, s13  }
0x1e3: {  	[tilespmem:s16], [sflag:$0x4] =	stream.linear.gather [hbm4b:s2+s3], $0x400, $0x38;
	[tilespmem:$0x14600] =	vst v63  }
0x1e4: {  	[dreg:$0x12] =	wrdreg s18;
	s0 =	sadd.s32 s7, s0;
	s18 =	sadd.s32 $0x7A1400, s1  }
0x1e5: {  	[tilespmem:s17], [sflag:$0x2] =	stream.linear.gather [hbm4b:s0+s3], $0x400, $0x38;
	[tilespmem:$0x14600] =	vst v63  }
0x1e6: {  	s0 =	sshrl.u32 s18, $0x3;
	s18 =	spop (v2sf)  }
0x1e7: {  	s19 =	simm.s32 $0xE800;
	s0 =	sadd.s32 s8, s0;
	s20 =	sshra.s32 s18, $0x1F  }
0x1e8: {  	[tilespmem:s19], [sflag:$0x4] =	stream.linear.gather [hbm4b:s0+s3], $0x400, $0x38;
	[tilespmem:$0x14600] =	vst v63  }
0x1e9: {  	s0 =	sshrl.u32 s20, $0x19;
	s19 =	spop (v2sf)  }
0x1ea: {  	s0 =	sadd.s32 s0, s18;
	s22 =	sshra.s32 s19, $0x1F  }
0x1eb: {  	(v2sf) =	vpush v34, $0xB;
	s21 =	sand.u32 $0xFFFFFF80, s0;
	s1 =	sshrl.u32 s22, $0x19  }
0x1ec: {  	p1 =	slt.s32 s18, $0x1;
	p2 =	sne.s32 s18, s21;
	s1 =	sadd.s32 s1, s19  }
0x1ed: {  	s2 =	simm.s32 $0x1;
	p0 =	por !p1, !p2;
	s23 =	sand.u32 $0xFFFFFF80, s1  }
0x1ee: {  	(v2sf) =	vpush v33, $0xB;
	p3 =	slt.s32 s19, $0x1;
	p0 =	por !p0, !p0;
	p4 =	sne.s32 s19, s23  }
0x1ef: {  	s0 =	sshrl.u32 s0, $0x7;
	s2 =	simm.s32 @!p0 $0x0;
	p0 =	por !p3, !p4  }
0x1f0: {  	s0 =	ssub.s32 s0, s2;
	p0 =	por !p0, !p0;
	s2 =	simm.s32 $0x1  }
0x1f1: {  	s1 =	sshrl.u32 s1, $0x7;
	s0 =	sshll.u32 s0, $0xA;
	s2 =	simm.s32 @!p0 $0x0  }
0x1f2: {  	s6 =	simm.s32 $0x2C00;
	s24 =	sshrl.u32 s0, $0x3;
	s1 =	ssub.s32 s1, s2  }
0x1f3: {  	[dreg:$0x14] =	wrdreg s5;
	s5 =	sadd.s32 s7, s24;
	s1 =	sshll.u32 s1, $0xA  }
0x1f4: {  	[tilespmem:s6], [sflag:$0x2] =	stream.linear.gather [hbm4b:s5+s3], $0x400, $0x38;
	[tilespmem:$0x14600] =	vst v63  }
0x1f5: {  	[dreg:$0x15] =	wrdreg s9;
	s0 =	sadd.s32 $0x7A1400, s0;
	s9 =	sshrl.u32 s1, $0x3  }
0x1f6: {  	s10 =	simm.s32 $0xAC00;
	s0 =	sshrl.u32 s0, $0x3;
	s2 =	sadd.s32 s8, s9  }
0x1f7: {  	[tilespmem:s10], [sflag:$0x4] =	stream.linear.gather [hbm4b:s2+s3], $0x400, $0x38;
	[tilespmem:$0x14600] =	vst v63  }
0x1f8: {  	s11 =	simm.s32 $0x6C00;
	s0 =	sadd.s32 s7, s0;
	s12 =	sadd.s32 $0x7A1400, s1  }
0x1f9: {  	[tilespmem:s11], [sflag:$0x2] =	stream.linear.gather [hbm4b:s0+s3], $0x400, $0x38;
	[tilespmem:$0x14600] =	vst v63  }
0x1fa: {  	s22 =	spop (v2sf);
	s0 =	sshrl.u32 s12, $0x3  }
0x1fb: {  	s13 =	simm.s32 $0xEC00;
	s16 =	sshra.s32 s22, $0x1F;
	s0 =	sadd.s32 s8, s0  }
0x1fc: {  	[tilespmem:s13], [sflag:$0x4] =	stream.linear.gather [hbm4b:s0+s3], $0x400, $0x38;
	[tilespmem:$0x14600] =	vst v63  }
0x1fd: {  	[dreg:$0x17] =	wrdreg s23;
	s23 =	spop (v2sf);
	s0 =	sshrl.u32 s16, $0x19  }
0x1fe: {  	s20 =	sshra.s32 s23, $0x1F;
	s0 =	sadd.s32 s0, s22  }
0x1ff: {  	[dreg:$0x16] =	wrdreg s21;
	(v2sf) =	vpush v34, $0xC;
	s1 =	sshrl.u32 s20, $0x19;
	s17 =	sand.u32 $0xFFFFFF80, s0  }
0x200: {  	p5 =	slt.s32 s22, $0x1;
	s1 =	sadd.s32 s1, s23;
	p6 =	sne.s32 s22, s17  }
0x201: {  	s2 =	simm.s32 $0x1;
	s21 =	sand.u32 $0xFFFFFF80, s1;
	p0 =	por !p5, !p6  }
0x202: {  	(v2sf) =	vpush v33, $0xC;
	p1 =	slt.s32 s23, $0x1;
	p2 =	sne.s32 s23, s21;
	p0 =	por !p0, !p0  }
0x203: {  	s0 =	sshrl.u32 s0, $0x7;
	s2 =	simm.s32 @!p0 $0x0;
	p0 =	por !p1, !p2  }
0x204: {  	s0 =	ssub.s32 s0, s2;
	p0 =	por !p0, !p0;
	s2 =	simm.s32 $0x1  }
0x205: {  	s1 =	sshrl.u32 s1, $0x7;
	s0 =	sshll.u32 s0, $0xA;
	s2 =	simm.s32 @!p0 $0x0  }
0x206: {  	s24 =	sshrl.u32 s0, $0x3;
	s1 =	ssub.s32 s1, s2  }
0x207: {  	s6 =	simm.s32 $0x3000;
	s5 =	sadd.s32 s7, s24;
	s1 =	sshll.u32 s1, $0xA  }
0x208: {  	[tilespmem:s6], [sflag:$0x2] =	stream.linear.gather [hbm4b:s5+s3], $0x400, $0x38;
	[tilespmem:$0x14600] =	vst v63  }
0x209: {  	s0 =	sadd.s32 $0x7A1400, s0;
	s9 =	sshrl.u32 s1, $0x3  }
0x20a: {  	s10 =	simm.s32 $0xB000;
	s0 =	sshrl.u32 s0, $0x3;
	s2 =	sadd.s32 s8, s9  }
0x20b: {  	[tilespmem:s10], [sflag:$0x4] =	stream.linear.gather [hbm4b:s2+s3], $0x400, $0x38;
	[tilespmem:$0x14600] =	vst v63  }
0x20c: {  	s11 =	simm.s32 $0x7000;
	s0 =	sadd.s32 s7, s0;
	s12 =	sadd.s32 $0x7A1400, s1  }
0x20d: {  	[tilespmem:s11], [sflag:$0x2] =	stream.linear.gather [hbm4b:s0+s3], $0x400, $0x38;
	[tilespmem:$0x14600] =	vst v63  }
0x20e: {  	s0 =	sshrl.u32 s12, $0x3;
	s12 =	spop (v2sf)  }
0x20f: {  	s13 =	simm.s32 $0xF000;
	s0 =	sadd.s32 s8, s0;
	s16 =	sshra.s32 s12, $0x1F  }
0x210: {  	[tilespmem:s13], [sflag:$0x4] =	stream.linear.gather [hbm4b:s0+s3], $0x400, $0x38;
	[tilespmem:$0x14600] =	vst v63  }
0x211: {  	s31 =	spop (v2sf);
	s0 =	sshrl.u32 s16, $0x19  }
0x212: {  	[dreg:$0x18] =	wrdreg s17;
	s20 =	sshra.s32 s31, $0x1F;
	s0 =	sadd.s32 s0, s12  }
0x213: {  	[dreg:$0x19] =	wrdreg s21;
	s1 =	sshrl.u32 s20, $0x19;
	s17 =	sand.u32 $0xFFFFFF80, s0  }
0x214: {  	p3 =	slt.s32 s12, $0x1;
	s1 =	sadd.s32 s1, s31;
	p4 =	sne.s32 s12, s17  }
0x215: {  	s2 =	simm.s32 $0x1;
	s21 =	sand.u32 $0xFFFFFF80, s1;
	p0 =	por !p3, !p4  }
0x216: {  	(v2sf) =	vpush v34, $0xD;
	p5 =	slt.s32 s31, $0x1;
	p6 =	sne.s32 s31, s21;
	p0 =	por !p0, !p0  }
0x217: {  	s0 =	sshrl.u32 s0, $0x7;
	s2 =	simm.s32 @!p0 $0x0;
	p0 =	por !p5, !p6  }
0x218: {  	(v2sf) =	vpush v33, $0xD;
	s0 =	ssub.s32 s0, s2;
	p0 =	por !p0, !p0;
	s2 =	simm.s32 $0x1  }
0x219: {  	s1 =	sshrl.u32 s1, $0x7;
	s0 =	sshll.u32 s0, $0xA;
	s2 =	simm.s32 @!p0 $0x0  }
0x21a: {  	s24 =	sshrl.u32 s0, $0x3;
	s1 =	ssub.s32 s1, s2  }
0x21b: {  	s5 =	simm.s32 $0x3400;
	s4 =	sadd.s32 s7, s24;
	s1 =	sshll.u32 s1, $0xA  }
0x21c: {  	[tilespmem:s5], [sflag:$0x2] =	stream.linear.gather [hbm4b:s4+s3], $0x400, $0x38;
	[tilespmem:$0x14600] =	vst v63  }
0x21d: {  	s0 =	sadd.s32 $0x7A1400, s0;
	s6 =	sshrl.u32 s1, $0x3  }
0x21e: {  	s9 =	simm.s32 $0xB400;
	s0 =	sshrl.u32 s0, $0x3;
	s2 =	sadd.s32 s8, s6  }
0x21f: {  	[tilespmem:s9], [sflag:$0x4] =	stream.linear.gather [hbm4b:s2+s3], $0x400, $0x38;
	[tilespmem:$0x14600] =	vst v63  }
0x220: {  	s10 =	simm.s32 $0x7400;
	s0 =	sadd.s32 s7, s0;
	s11 =	sadd.s32 $0x7A1400, s1  }
0x221: {  	[tilespmem:s10], [sflag:$0x2] =	stream.linear.gather [hbm4b:s0+s3], $0x400, $0x38;
	[tilespmem:$0x14600] =	vst v63  }
0x222: {  	s0 =	sshrl.u32 s11, $0x3  }
0x223: {  	s13 =	simm.s32 $0xF400;
	s0 =	sadd.s32 s8, s0  }
0x224: {  	[tilespmem:s13], [sflag:$0x4] =	stream.linear.gather [hbm4b:s0+s3], $0x400, $0x38;
	[tilespmem:$0x14600] =	vst v63  }
0x225: {  	s13 =	spop (v2sf)  }
0x226: {  	s16 =	sshra.s32 s13, $0x1F  }
0x227: {  	[dreg:$0x1a] =	wrdreg s17;
	s3 =	spop (v2sf);
	s0 =	sshrl.u32 s16, $0x19  }
0x228: {  	[dreg:$0x1b] =	wrdreg s21;
	s21 =	sshra.s32 s3, $0x1F;
	s17 =	sadd.s32 s0, s13  }
0x229: {  	s4 =	simm.s32 $0x3800;
	(v2sf) =	vpush v34, $0xE;
	s2 =	sshrl.u32 s21, $0x19;
	s20 =	sand.u32 $0xFFFFFF80, s17  }
0x22a: {  	p1 =	slt.s32 s13, $0x1;
	s24 =	sadd.s32 s2, s3;
	p2 =	sne.s32 s13, s20  }
0x22b: {  	s6 =	simm.s32 $0x1;
	s2 =	sand.u32 $0xFFFFFF80, s24;
	p0 =	por !p1, !p2  }
0x22c: {  	(v2sf) =	vpush v33, $0xE;
	p3 =	slt.s32 s3, $0x1;
	p4 =	sne.s32 s3, s2;
	p0 =	por !p0, !p0  }
0x22d: {  	s1 =	sshrl.u32 s17, $0x7;
	s6 =	simm.s32 @!p0 $0x0;
	p0 =	por !p3, !p4  }
0x22e: {  	s1 =	ssub.s32 s1, s6;
	p0 =	por !p0, !p0;
	s6 =	simm.s32 $0x1  }
0x22f: {  	s5 =	sshrl.u32 s24, $0x7;
	s1 =	sshll.u32 s1, $0xA;
	s6 =	simm.s32 @!p0 $0x0  }
0x230: {  	s0 =	simm.s32 $0x0;
	s11 =	sshrl.u32 s1, $0x3;
	s5 =	ssub.s32 s5, s6  }
0x231: {  	[dreg:$0x1d] =	wrdreg s2;
	s2 =	sadd.s32 s7, s11;
	s5 =	sshll.u32 s5, $0xA  }
0x232: {  	[tilespmem:s4], [sflag:$0x2] =	stream.linear.gather [hbm4b:s2+s0], $0x400, $0x38;
	[tilespmem:$0x14600] =	vst v63  }
0x233: {  	s1 =	sadd.s32 $0x7A1400, s1;
	s9 =	sshrl.u32 s5, $0x3  }
0x234: {  	s10 =	simm.s32 $0xB800;
	s1 =	sshrl.u32 s1, $0x3;
	s6 =	sadd.s32 s8, s9  }
0x235: {  	[tilespmem:s10], [sflag:$0x4] =	stream.linear.gather [hbm4b:s6+s0], $0x400, $0x38;
	[tilespmem:$0x14600] =	vst v63  }
0x236: {  	s11 =	simm.s32 $0x7800;
	s1 =	sadd.s32 s7, s1;
	s16 =	sadd.s32 $0x7A1400, s5  }
0x237: {  	[tilespmem:s11], [sflag:$0x2] =	stream.linear.gather [hbm4b:s1+s0], $0x400, $0x38;
	[tilespmem:$0x14600] =	vst v63  }
0x238: {  	s17 =	simm.s32 $0xF800;
	s1 =	sshrl.u32 s16, $0x3;
	s16 =	spop (v2sf)  }
0x239: {  	[dreg:$0x1c] =	wrdreg s20;
	s1 =	sadd.s32 s8, s1;
	s20 =	sshra.s32 s16, $0x1F  }
0x23a: {  	[tilespmem:s17], [sflag:$0x4] =	stream.linear.gather [hbm4b:s1+s0], $0x400, $0x38;
	[tilespmem:$0x14600] =	vst v63  }
0x23b: {  	s1 =	sshrl.u32 s20, $0x19;
	s17 =	spop (v2sf)  }
0x23c: {  	s1 =	sadd.s32 s1, s16;
	s21 =	sshra.s32 s17, $0x1F  }
0x23d: {  	(v2sf) =	vpush v34, $0xF;
	s5 =	sand.u32 $0xFFFFFF80, s1;
	s6 =	sshrl.u32 s21, $0x19  }
0x23e: {  	p5 =	slt.s32 s16, $0x1;
	p6 =	sne.s32 s16, s5;
	s6 =	sadd.s32 s6, s17  }
0x23f: {  	s11 =	simm.s32 $0x1;
	p0 =	por !p5, !p6;
	s4 =	sand.u32 $0xFFFFFF80, s6  }
0x240: {  	(v2sf) =	vpush v33, $0xF;
	p1 =	slt.s32 s17, $0x1;
	p0 =	por !p0, !p0;
	p2 =	sne.s32 s17, s4  }
0x241: {  	s1 =	sshrl.u32 s1, $0x7;
	s11 =	simm.s32 @!p0 $0x0;
	p0 =	por !p1, !p2  }
0x242: {  	s1 =	ssub.s32 s1, s11;
	p0 =	por !p0, !p0;
	s11 =	simm.s32 $0x1  }
0x243: {  	s6 =	sshrl.u32 s6, $0x7;
	s1 =	sshll.u32 s1, $0xA;
	s11 =	simm.s32 @!p0 $0x0  }
0x244: {  	s21 =	sshrl.u32 s1, $0x3;
	s6 =	ssub.s32 s6, s11  }
0x245: {  	s9 =	simm.s32 $0x3C00;
	s24 =	sadd.s32 s7, s21;
	s6 =	sshll.u32 s6, $0xA  }
0x246: {  	[tilespmem:s9], [sflag:$0x2] =	stream.linear.gather [hbm4b:s24+s0], $0x400, $0x38;
	[tilespmem:$0x14600] =	vst v63  }
0x247: {  	s1 =	sadd.s32 $0x7A1400, s1;
	s9 =	sshrl.u32 s6, $0x3  }
0x248: {  	s10 =	simm.s32 $0xBC00;
	s1 =	sshrl.u32 s1, $0x3;
	s11 =	sadd.s32 s8, s9  }
0x249: {  	[tilespmem:s10], [sflag:$0x4] =	stream.linear.gather [hbm4b:s11+s0], $0x400, $0x38;
	[tilespmem:$0x14600] =	vst v63  }
0x24a: {  	s20 =	simm.s32 $0x7C00;
	s1 =	sadd.s32 s7, s1;
	s21 =	sadd.s32 $0x7A1400, s6  }
0x24b: {  	[tilespmem:s20], [sflag:$0x2] =	stream.linear.gather [hbm4b:s1+s0], $0x400, $0x38;
	[tilespmem:$0x14600] =	vst v63  }
0x24c: {  	s1 =	sshrl.u32 s21, $0x3;
	s21 =	spop (v2sf)  }
0x24d: {  	s24 =	simm.s32 $0xFC00;
	s1 =	sadd.s32 s8, s1;
	s9 =	sshra.s32 s21, $0x1F  }
0x24e: {  	[tilespmem:s24], [sflag:$0x4] =	stream.linear.gather [hbm4b:s1+s0], $0x400, $0x38;
	[tilespmem:$0x14600] =	vst v63  }
0x24f: {  	s1 =	sshrl.u32 s9, $0x19;
	s24 =	spop (v2sf)  }
0x250: {  	s1 =	sadd.s32 s1, s21;
	s10 =	sshra.s32 s24, $0x1F  }
0x251: {  	p3 =	slt.s32 s21, $0x1;
	s11 =	sand.u32 $0xFFFFFF80, s1;
	s6 =	sshrl.u32 s10, $0x19  }
0x252: {  	s9 =	simm.s32 $0x1;
	p4 =	sne.s32 s21, s11;
	s6 =	sadd.s32 s6, s24  }
0x253: {  	s10 =	sshrl.u32 s1, $0x7;
	p0 =	por !p3, !p4;
	s1 =	sand.u32 $0xFFFFFF80, s6  }
0x254: {  	p5 =	slt.s32 s24, $0x1;
	p0 =	por !p0, !p0;
	p6 =	sne.s32 s24, s1  }
0x255: {  	s9 =	simm.s32 @!p0 $0x0;
	p0 =	por !p5, !p6  }
0x256: {  	s9 =	ssub.s32 s10, s9;
	p0 =	por !p0, !p0;
	s10 =	simm.s32 $0x1  }
0x257: {  	s6 =	sshrl.u32 s6, $0x7;
	s9 =	sshll.u32 s9, $0xA;
	s10 =	simm.s32 @!p0 $0x0  }
0x258: {  	s20 =	sshrl.u32 s9, $0x3;
	s6 =	ssub.s32 s6, s10;
	s9 =	sadd.s32 $0x7A1400, s9  }
0x259: {  	s10 =	sadd.s32 s7, s20;
	s20 =	simm.s32 $0x4000;
	s6 =	sshll.u32 s6, $0xA  }
0x25a: {  	[tilespmem:s20], [sflag:$0x2] =	stream.linear.gather [hbm4b:s10+s0], $0x400, $0x38;
	[tilespmem:$0x14600] =	vst v63  }
0x25b: {  	s9 =	sshrl.u32 s9, $0x3;
	s20 =	sshrl.u32 s6, $0x3  }
0x25c: {  	s6 =	sadd.s32 $0x7A1400, s6;
	s10 =	sadd.s32 s8, s20;
	s20 =	simm.s32 $0xC000  }
0x25d: {  	[tilespmem:s20], [sflag:$0x4] =	stream.linear.gather [hbm4b:s10+s0], $0x400, $0x38;
	[tilespmem:$0x14600] =	vst v63  }
0x25e: {  	s9 =	sadd.s32 s7, s9;
	s6 =	sshrl.u32 s6, $0x3;
	s10 =	simm.s32 $0x8000  }
0x25f: {  	[tilespmem:s10], [sflag:$0x2] =	stream.linear.gather [hbm4b:s9+s0], $0x400, $0x38;
	[tilespmem:$0x14600] =	vst v63  }
0x260: {  	s6 =	sadd.s32 s8, s6;
	s20 =	simm.s32 $0x10000  }
0x261: {  	[tilespmem:s20], [sflag:$0x4] =	stream.linear.gather [hbm4b:s6+s0], $0x400, $0x38;
	[tilespmem:$0x14600] =	vst v63  }
0x262: {  	s0 =	simm.s32 $0x1  }
0x263: {  	_ =	swait.ge [sflag:s0], $0x400  }
0x264: {  	[sflag:s0] =	ssyncset.done $0x0  }
0x265: {  	[sflag:s0] =	ssyncadd.s32 $0xFFFFFC00  }
0x266: {  	_ =	swait.ge [sflag:s25], $0x400  }
0x267: {  	[sflag:s25] =	ssyncset.done $0x0  }
0x268: {  	[sflag:s25] =	ssyncadd.s32 $0xFFFFFC00  }
0x269: {  	_ =	swait.ge [sflag:s0], $0x400  }
0x26a: {  	[sflag:s0] =	ssyncset.done $0x0  }
0x26b: {  	[sflag:s0] =	ssyncadd.s32 $0xFFFFFC00  }
0x26c: {  	_ =	swait.ge [sflag:s25], $0x400  }
0x26d: {  	[sflag:s25] =	ssyncset.done $0x0  }
0x26e: {  	[sflag:s25] =	ssyncadd.s32 $0xFFFFFC00  }
0x26f: {  	_ =	swait.ge [sflag:s0], $0x400  }
0x270: {  	[sflag:s0] =	ssyncset.done $0x0  }
0x271: {  	[sflag:s0] =	ssyncadd.s32 $0xFFFFFC00  }
0x272: {  	_ =	swait.ge [sflag:s25], $0x400  }
0x273: {  	[sflag:s25] =	ssyncset.done $0x0  }
0x274: {  	[sflag:s25] =	ssyncadd.s32 $0xFFFFFC00  }
0x275: {  	_ =	swait.ge [sflag:s0], $0x400  }
0x276: {  	[sflag:s0] =	ssyncset.done $0x0  }
0x277: {  	[sflag:s0] =	ssyncadd.s32 $0xFFFFFC00  }
0x278: {  	_ =	swait.ge [sflag:s25], $0x400  }
0x279: {  	[sflag:s25] =	ssyncset.done $0x0  }
0x27a: {  	[sflag:s25] =	ssyncadd.s32 $0xFFFFFC00  }
0x27b: {  	_ =	swait.ge [sflag:s0], $0x400  }
0x27c: {  	[sflag:s0] =	ssyncset.done $0x0  }
0x27d: {  	[sflag:s0] =	ssyncadd.s32 $0xFFFFFC00  }
0x27e: {  	_ =	swait.ge [sflag:s25], $0x400  }
0x27f: {  	[sflag:s25] =	ssyncset.done $0x0  }
0x280: {  	[sflag:s25] =	ssyncadd.s32 $0xFFFFFC00  }
0x281: {  	_ =	swait.ge [sflag:s0], $0x400  }
0x282: {  	[sflag:s0] =	ssyncset.done $0x0  }
0x283: {  	[sflag:s0] =	ssyncadd.s32 $0xFFFFFC00  }
0x284: {  	_ =	swait.ge [sflag:s25], $0x400  }
0x285: {  	[sflag:s25] =	ssyncset.done $0x0  }
0x286: {  	[sflag:s25] =	ssyncadd.s32 $0xFFFFFC00  }
0x287: {  	_ =	swait.ge [sflag:s0], $0x400  }
0x288: {  	[sflag:s0] =	ssyncset.done $0x0  }
0x289: {  	[sflag:s0] =	ssyncadd.s32 $0xFFFFFC00  }
0x28a: {  	_ =	swait.ge [sflag:s25], $0x400  }
0x28b: {  	[sflag:s25] =	ssyncset.done $0x0  }
0x28c: {  	[sflag:s25] =	ssyncadd.s32 $0xFFFFFC00  }
0x28d: {  	_ =	swait.ge [sflag:s0], $0x400  }
0x28e: {  	[sflag:s0] =	ssyncset.done $0x0  }
0x28f: {  	[sflag:s0] =	ssyncadd.s32 $0xFFFFFC00  }
0x290: {  	_ =	swait.ge [sflag:s25], $0x400  }
0x291: {  	[sflag:s25] =	ssyncset.done $0x0  }
0x292: {  	[sflag:s25] =	ssyncadd.s32 $0xFFFFFC00  }
0x293: {  	_ =	swait.ge [sflag:s0], $0x400  }
0x294: {  	[sflag:s0] =	ssyncset.done $0x0  }
0x295: {  	[sflag:s0] =	ssyncadd.s32 $0xFFFFFC00  }
0x296: {  	_ =	swait.ge [sflag:s25], $0x400  }
0x297: {  	[sflag:s25] =	ssyncset.done $0x0  }
0x298: {  	[sflag:s25] =	ssyncadd.s32 $0xFFFFFC00  }
0x299: {  	_ =	swait.ge [sflag:s0], $0x400  }
0x29a: {  	[sflag:s0] =	ssyncset.done $0x0  }
0x29b: {  	[sflag:s0] =	ssyncadd.s32 $0xFFFFFC00  }
0x29c: {  	_ =	swait.ge [sflag:s25], $0x400  }
0x29d: {  	[sflag:s25] =	ssyncset.done $0x0  }
0x29e: {  	[sflag:s25] =	ssyncadd.s32 $0xFFFFFC00  }
0x29f: {  	_ =	swait.ge [sflag:s0], $0x400  }
0x2a0: {  	[sflag:s0] =	ssyncset.done $0x0  }
0x2a1: {  	[sflag:s0] =	ssyncadd.s32 $0xFFFFFC00  }
0x2a2: {  	_ =	swait.ge [sflag:s25], $0x400  }
0x2a3: {  	[sflag:s25] =	ssyncset.done $0x0  }
0x2a4: {  	[sflag:s25] =	ssyncadd.s32 $0xFFFFFC00  }
0x2a5: {  	_ =	swait.ge [sflag:s0], $0x400  }
0x2a6: {  	[sflag:s0] =	ssyncset.done $0x0  }
0x2a7: {  	[sflag:s0] =	ssyncadd.s32 $0xFFFFFC00  }
0x2a8: {  	_ =	swait.ge [sflag:s25], $0x400  }
0x2a9: {  	[sflag:s25] =	ssyncset.done $0x0  }
0x2aa: {  	[sflag:s25] =	ssyncadd.s32 $0xFFFFFC00  }
0x2ab: {  	_ =	swait.ge [sflag:s0], $0x400  }
0x2ac: {  	[sflag:s0] =	ssyncset.done $0x0  }
0x2ad: {  	[sflag:s0] =	ssyncadd.s32 $0xFFFFFC00  }
0x2ae: {  	_ =	swait.ge [sflag:s25], $0x400  }
0x2af: {  	[sflag:s25] =	ssyncset.done $0x0  }
0x2b0: {  	[sflag:s25] =	ssyncadd.s32 $0xFFFFFC00  }
0x2b1: {  	_ =	swait.ge [sflag:s0], $0x400  }
0x2b2: {  	[sflag:s0] =	ssyncset.done $0x0  }
0x2b3: {  	[sflag:s0] =	ssyncadd.s32 $0xFFFFFC00  }
0x2b4: {  	_ =	swait.ge [sflag:s25], $0x400  }
0x2b5: {  	[sflag:s25] =	ssyncset.done $0x0  }
0x2b6: {  	[sflag:s25] =	ssyncadd.s32 $0xFFFFFC00  }
0x2b7: {  	_ =	swait.ge [sflag:s0], $0x400  }
0x2b8: {  	[sflag:s0] =	ssyncset.done $0x0  }
0x2b9: {  	[sflag:s0] =	ssyncadd.s32 $0xFFFFFC00  }
0x2ba: {  	_ =	swait.ge [sflag:s25], $0x400  }
0x2bb: {  	[sflag:s25] =	ssyncset.done $0x0  }
0x2bc: {  	[sflag:s25] =	ssyncadd.s32 $0xFFFFFC00  }
0x2bd: {  	_ =	swait.ge [sflag:s0], $0x400  }
0x2be: {  	[sflag:s0] =	ssyncset.done $0x0  }
0x2bf: {  	[sflag:s0] =	ssyncadd.s32 $0xFFFFFC00  }
0x2c0: {  	_ =	swait.ge [sflag:s25], $0x400  }
0x2c1: {  	(v2sf) =	vpush v34, $0x0;
	_ =	sdelay $0x5  }
0x2c2: {  	(v2sf) =	vpush v33, $0x0;
	_ =	sdelay $0x8  }
0x2c3: {  	s7 =	spop (v2sf)  }
0x2c4: {  	s6 =	sand.u32 $0x7F, s7  }
0x2c5: {  	v35 =	vor.u32 s6, v0;
	_ =	sdelay $0x2  }
0x2c6: {  	[sflag:s25] =	ssyncset.done $0x0  }
0x2c7: {  	s8 =	simm.s32 $0x400;
	[sflag:s25] =	ssyncadd.s32 $0xFFFFFC00;
	s9 =	spop (v2sf)  }
0x2c8: {  	s6 =	sand.u32 $0x7F, s9;
	v35 =	vld.idx.msk [tilespmem:v35+s8+$0x0], $0xffff  }
0x2c9: {  	v36 =	vor.u32 s6, v0;
	_ =	sdelay $0x1  }
0x2ca: {  	s0 =	rddreg [dreg:$0xe]  }
0x2cb: {  	v34 =	vand.u32 $0x7F, v34;
	s6 =	sshra.s32 s0, $0x2  }
0x2cc: {  	s2 =	simm.s32 $0x8400;
	v52 =	vbroadcast v34, $0x1;
	[tilespmem:s6+$0x10400] =	vst v35  }
0x2cd: {  	v36 =	vld.idx.msk [tilespmem:v36+s2+$0x0], $0xffff  }
0x2ce: {  	v35 =	vor.u32 v1, v52;
	_ =	sdelay $0x2  }
0x2cf: {  	v33 =	vand.u32 $0x7F, v33  }
0x2d0: {  	v53 =	vbroadcast v33, $0x1;
	[tilespmem:s6+$0x12400] =	vst v36  }
0x2d1: {  	v35 =	vld.idx.msk [tilespmem:v35+s8+$0x0], $0xffff  }
0x2d2: {  	v36 =	vor.u32 v1, v53;
	_ =	sdelay $0x3  }
0x2d3: {  	v54 =	vbroadcast v34, $0x2;
	[tilespmem:s6+$0x10410] =	vst v35  }
0x2d4: {  	v36 =	vld.idx.msk [tilespmem:v36+s2+$0x0], $0xffff  }
0x2d5: {  	v35 =	vor.u32 v2, v54;
	_ =	sdelay $0x3  }
0x2d6: {  	v55 =	vbroadcast v33, $0x2;
	[tilespmem:s6+$0x12410] =	vst v36  }
0x2d7: {  	v35 =	vld.idx.msk [tilespmem:v35+s8+$0x0], $0xffff  }
0x2d8: {  	v36 =	vor.u32 v2, v55;
	_ =	sdelay $0x3  }
0x2d9: {  	v56 =	vbroadcast v34, $0x3;
	[tilespmem:s6+$0x10420] =	vst v35  }
0x2da: {  	v36 =	vld.idx.msk [tilespmem:v36+s2+$0x0], $0xffff  }
0x2db: {  	v35 =	vor.u32 v3, v56;
	_ =	sdelay $0x3  }
0x2dc: {  	v57 =	vbroadcast v33, $0x3;
	[tilespmem:s6+$0x12420] =	vst v36  }
0x2dd: {  	v35 =	vld.idx.msk [tilespmem:v35+s8+$0x0], $0xffff  }
0x2de: {  	v36 =	vor.u32 v3, v57;
	_ =	sdelay $0x3  }
0x2df: {  	v58 =	vbroadcast v34, $0x4;
	[tilespmem:s6+$0x10430] =	vst v35  }
0x2e0: {  	v36 =	vld.idx.msk [tilespmem:v36+s2+$0x0], $0xffff  }
0x2e1: {  	v35 =	vor.u32 v4, v58;
	_ =	sdelay $0x3  }
0x2e2: {  	v59 =	vbroadcast v33, $0x4;
	[tilespmem:s6+$0x12430] =	vst v36  }
0x2e3: {  	v35 =	vld.idx.msk [tilespmem:v35+s8+$0x0], $0xffff  }
0x2e4: {  	v36 =	vor.u32 v4, v59;
	_ =	sdelay $0x3  }
0x2e5: {  	v60 =	vbroadcast v34, $0x5;
	[tilespmem:s6+$0x10440] =	vst v35  }
0x2e6: {  	v36 =	vld.idx.msk [tilespmem:v36+s2+$0x0], $0xffff  }
0x2e7: {  	v35 =	vor.u32 v5, v60;
	_ =	sdelay $0x3  }
0x2e8: {  	v61 =	vbroadcast v33, $0x5;
	[tilespmem:s6+$0x12440] =	vst v36  }
0x2e9: {  	v35 =	vld.idx.msk [tilespmem:v35+s8+$0x0], $0xffff  }
0x2ea: {  	v36 =	vor.u32 v5, v61;
	_ =	sdelay $0x3  }
0x2eb: {  	v62 =	vbroadcast v34, $0x6;
	[tilespmem:s6+$0x10450] =	vst v35  }
0x2ec: {  	v36 =	vld.idx.msk [tilespmem:v36+s2+$0x0], $0xffff  }
0x2ed: {  	v35 =	vor.u32 v6, v62;
	_ =	sdelay $0x3  }
0x2ee: {  	v63 =	vbroadcast v33, $0x6;
	[tilespmem:s6+$0x12450] =	vst v36  }
0x2ef: {  	v35 =	vld.idx.msk [tilespmem:v35+s8+$0x0], $0xffff  }
0x2f0: {  	v36 =	vor.u32 v6, v63;
	_ =	sdelay $0x3  }
0x2f1: {  	v34 =	vbroadcast v34, $0x7;
	[tilespmem:s6+$0x10460] =	vst v35  }
0x2f2: {  	v35 =	vld.idx.msk [tilespmem:v36+s2+$0x0], $0xffff  }
0x2f3: {  	v34 =	vor.u32 v7, v34  }
0x2f4: {  	s10 =	rddreg [dreg:$0x10]  }
0x2f5: {  	s20 =	rddreg [dreg:$0x11]  }
0x2f6: {  	s1 =	ssub.s32 s24, s1;
	s24 =	rddreg [dreg:$0xd]  }
0x2f7: {  	s20 =	ssub.s32 s20, s10;
	s10 =	rddreg [dreg:$0x13];
	v33 =	vbroadcast v33, $0x7;
	[tilespmem:s6+$0x12460] =	vst v35  }
0x2f8: {  	s9 =	rddreg [dreg:$0x12];
	v34 =	vld.idx.msk [tilespmem:v34+s8+$0x0], $0xffff  }
0x2f9: {  	v33 =	vor.u32 v7, v33;
	s7 =	ssub.s32 s10, s9;
	s9 =	rddreg [dreg:$0x14]  }
0x2fa: {  	s10 =	rddreg [dreg:$0x15]  }
0x2fb: {  	s14 =	ssub.s32 s14, s9;
	s9 =	rddreg [dreg:$0x16]  }
0x2fc: {  	s15 =	ssub.s32 s15, s10;
	s10 =	rddreg [dreg:$0x17]  }
0x2fd: {  	s5 =	ssub.s32 s16, s5;
	s18 =	ssub.s32 s18, s9;
	s9 =	rddreg [dreg:$0x18];
	[tilespmem:s6+$0x10470] =	vst v34  }
0x2fe: {  	p0 =	seq.s32 s0, $0x7C00;
	s19 =	ssub.s32 s19, s10;
	s10 =	rddreg [dreg:$0x19];
	v33 =	vld.idx.msk [tilespmem:v33+s2+$0x0], $0xffff  }
.Ltmp2:
0x2ff: {  	s22 =	ssub.s32 s22, s9;
	s9 =	rddreg [dreg:$0x1a];
	(pc) =	sbr.rel @p0 .LBB2_4-.Ltmp2, $4  }
0x300: {  	s0 =	ssub.s32 s21, s11;
	s23 =	ssub.s32 s23, s10;
	s10 =	rddreg [dreg:$0x1b]  }
0x301: {  	s21 =	simm.s32 $0x8400;
	s12 =	ssub.s32 s12, s9;
	s9 =	rddreg [dreg:$0x1c]  }
0x302: {  	s10 =	ssub.s32 s31, s10;
	s31 =	ssub.s32 s13, s9;
	s13 =	rddreg [dreg:$0x1d]  }
0x303: {  	s9 =	ssub.s32 s3, s13;
	s3 =	simm.s32 $0x0;
	s13 =	ssub.s32 s17, s4;
	[tilespmem:s6+$0x12470] =	vst v33  }
0x304: {  	s4 =	smin.u32 s24, $0x1F  }
0x305: {  	[dreg:$0xf] =	wrdreg s1;
	s1 =	sshll.u32 s4, $0x4  }
0x306: {  	v34 =	vld [tilespmem:s1+$0x0];
	_ =	sdelay $0x2  }
0x307: {  	v33 =	vld [tilespmem:s1+$0x200];
	_ =	sdelay $0x1  }
0x308: {  	(v2sf) =	vpush v34, $0x0;
	_ =	sdelay $0x2  }
0x309: {  	(v2sf) =	vpush v33, $0x0;
	_ =	sdelay $0xb  }
0x30a: {  	s11 =	spop (v2sf)  }
0x30b: {  	s2 =	sand.u32 $0x7F, s11  }
0x30c: {  	s4 =	sshra.s32 s11, $0x1F;
	p0 =	slt.s32 s11, $0x1;
	p1 =	sne.s32 s2, $0x0  }
0x30d: {  	s16 =	sshrl.u32 s4, $0x19;
	s2 =	simm.s32 $0x1;
	s4 =	spop (v2sf)  }
0x30e: {  	p0 =	por !p0, !p1;
	s1 =	sadd.s32 s16, s11;
	s17 =	sand.u32 $0x7F, s4  }
0x30f: {  	s11 =	sshra.s32 s4, $0x1F;
	p1 =	slt.s32 s4, $0x1;
	p0 =	por !p0, !p0  }
0x310: {  	(v2sf) =	vpush v34, $0x1;
	s1 =	sshrl.u32 s1, $0x7;
	p2 =	sne.s32 s17, $0x0;
	s2 =	simm.s32 @!p0 $0x0  }
0x311: {  	s16 =	sshrl.u32 s11, $0x19;
	p0 =	por !p1, !p2;
	s1 =	ssub.s32 s1, s2  }
0x312: {  	s2 =	sadd.s32 s16, s4;
	p0 =	por !p0, !p0;
	s4 =	simm.s32 $0x1  }
0x313: {  	s1 =	sshll.u32 s1, $0xA;
	s2 =	sshrl.u32 s2, $0x7;
	s4 =	simm.s32 @!p0 $0x0  }
0x314: {  	s16 =	rddreg [dreg:$0x2];
	s17 =	sshrl.u32 s1, $0x3;
	s2 =	ssub.s32 s2, s4  }
0x315: {  	(v2sf) =	vpush v33, $0x1;
	s17 =	sadd.s32 s16, s17;
	s2 =	sshll.u32 s2, $0xA  }
0x316: {  	[tilespmem:s8], [sflag:$0x1] =	stream.linear.gather [hbm4b:s17+s3], $0x400, $0x38;
	[tilespmem:$0x14600] =	vst v63  }
0x317: {  	s1 =	sadd.s32 $0x7A1400, s1;
	s11 =	sshrl.u32 s2, $0x3;
	s17 =	rddreg [dreg:$0x3]  }
0x318: {  	s1 =	sshrl.u32 s1, $0x3;
	s4 =	sadd.s32 s17, s11  }
0x319: {  	[tilespmem:s21], [sflag:$0x3] =	stream.linear.gather [hbm4b:s4+s3], $0x400, $0x38;
	[tilespmem:$0x14600] =	vst v63  }
0x31a: {  	s1 =	sadd.s32 s16, s1;
	s11 =	simm.s32 $0x4400;
	s4 =	sadd.s32 $0x7A1400, s2  }
0x31b: {  	[tilespmem:s11], [sflag:$0x1] =	stream.linear.gather [hbm4b:s1+s3], $0x400, $0x38;
	[tilespmem:$0x14600] =	vst v63  }
0x31c: {  	s1 =	sshrl.u32 s4, $0x3  }
0x31d: {  	s11 =	simm.s32 $0xC400;
	s1 =	sadd.s32 s17, s1  }
0x31e: {  	[tilespmem:s11], [sflag:$0x3] =	stream.linear.gather [hbm4b:s1+s3], $0x400, $0x38;
	[tilespmem:$0x14600] =	vst v63  }
0x31f: {  	s1 =	spop (v2sf)  }
0x320: {  	s4 =	sand.u32 $0x7F, s1  }
0x321: {  	s11 =	sshra.s32 s1, $0x1F;
	p3 =	slt.s32 s1, $0x1;
	p4 =	sne.s32 s4, $0x0  }
0x322: {  	s4 =	sshrl.u32 s11, $0x19;
	p0 =	por !p3, !p4  }
0x323: {  	s2 =	simm.s32 $0x1;
	s1 =	sadd.s32 s4, s1;
	p0 =	por !p0, !p0  }
0x324: {  	s4 =	spop (v2sf);
	s1 =	sshrl.u32 s1, $0x7;
	s2 =	simm.s32 @!p0 $0x0  }
0x325: {  	s1 =	ssub.s32 s1, s2;
	s2 =	sand.u32 $0x7F, s4  }
0x326: {  	(v2sf) =	vpush v34, $0x2;
	s11 =	sshra.s32 s4, $0x1F;
	p5 =	slt.s32 s4, $0x1;
	p6 =	sne.s32 s2, $0x0  }
0x327: {  	s11 =	sshrl.u32 s11, $0x19;
	s1 =	sshll.u32 s1, $0xA;
	p0 =	por !p5, !p6  }
0x328: {  	s2 =	sadd.s32 s11, s4;
	s4 =	simm.s32 $0x1;
	p0 =	por !p0, !p0  }
0x329: {  	s2 =	sshrl.u32 s2, $0x7;
	s11 =	sshrl.u32 s1, $0x3;
	s4 =	simm.s32 @!p0 $0x0  }
0x32a: {  	s2 =	ssub.s32 s2, s4;
	s4 =	sadd.s32 s16, s11;
	s11 =	simm.s32 $0x800  }
0x32b: {  	(v2sf) =	vpush v33, $0x2;
	[tilespmem:s11], [sflag:$0x1] =	stream.linear.gather [hbm4b:s4+s3], $0x400, $0x38;
	[tilespmem:$0x14600] =	vst v63  }
0x32c: {  	s2 =	sshll.u32 s2, $0xA  }
0x32d: {  	s1 =	sadd.s32 $0x7A1400, s1;
	s11 =	sshrl.u32 s2, $0x3  }
0x32e: {  	s1 =	sshrl.u32 s1, $0x3;
	s4 =	sadd.s32 s17, s11;
	s11 =	simm.s32 $0x8800  }
0x32f: {  	[tilespmem:s11], [sflag:$0x3] =	stream.linear.gather [hbm4b:s4+s3], $0x400, $0x38;
	[tilespmem:$0x14600] =	vst v63  }
0x330: {  	s1 =	sadd.s32 s16, s1;
	s11 =	simm.s32 $0x4800;
	s4 =	sadd.s32 $0x7A1400, s2  }
0x331: {  	[tilespmem:s11], [sflag:$0x1] =	stream.linear.gather [hbm4b:s1+s3], $0x400, $0x38;
	[tilespmem:$0x14600] =	vst v63  }
0x332: {  	s1 =	sshrl.u32 s4, $0x3  }
0x333: {  	s11 =	simm.s32 $0xC800;
	s1 =	sadd.s32 s17, s1  }
0x334: {  	[tilespmem:s11], [sflag:$0x3] =	stream.linear.gather [hbm4b:s1+s3], $0x400, $0x38;
	[tilespmem:$0x14600] =	vst v63  }
0x335: {  	s1 =	spop (v2sf)  }
0x336: {  	s4 =	sand.u32 $0x7F, s1  }
0x337: {  	s11 =	sshra.s32 s1, $0x1F;
	p1 =	slt.s32 s1, $0x1;
	p2 =	sne.s32 s4, $0x0  }
0x338: {  	s4 =	sshrl.u32 s11, $0x19;
	p0 =	por !p1, !p2  }
0x339: {  	s2 =	simm.s32 $0x1;
	s1 =	sadd.s32 s4, s1;
	p0 =	por !p0, !p0  }
0x33a: {  	s4 =	spop (v2sf);
	s1 =	sshrl.u32 s1, $0x7;
	s2 =	simm.s32 @!p0 $0x0  }
0x33b: {  	s1 =	ssub.s32 s1, s2;
	s2 =	sand.u32 $0x7F, s4  }
0x33c: {  	(v2sf) =	vpush v34, $0x3;
	s11 =	sshra.s32 s4, $0x1F;
	p3 =	slt.s32 s4, $0x1;
	p4 =	sne.s32 s2, $0x0  }
0x33d: {  	s11 =	sshrl.u32 s11, $0x19;
	s1 =	sshll.u32 s1, $0xA;
	p0 =	por !p3, !p4  }
0x33e: {  	s2 =	sadd.s32 s11, s4;
	s4 =	simm.s32 $0x1;
	p0 =	por !p0, !p0  }
0x33f: {  	s2 =	sshrl.u32 s2, $0x7;
	s11 =	sshrl.u32 s1, $0x3;
	s4 =	simm.s32 @!p0 $0x0  }
0x340: {  	s2 =	ssub.s32 s2, s4;
	s4 =	sadd.s32 s16, s11;
	s11 =	simm.s32 $0xC00  }
0x341: {  	(v2sf) =	vpush v33, $0x3;
	[tilespmem:s11], [sflag:$0x1] =	stream.linear.gather [hbm4b:s4+s3], $0x400, $0x38;
	[tilespmem:$0x14600] =	vst v63  }
0x342: {  	s2 =	sshll.u32 s2, $0xA  }
0x343: {  	s1 =	sadd.s32 $0x7A1400, s1;
	s11 =	sshrl.u32 s2, $0x3  }
0x344: {  	s1 =	sshrl.u32 s1, $0x3;
	s4 =	sadd.s32 s17, s11;
	s11 =	simm.s32 $0x8C00  }
0x345: {  	[tilespmem:s11], [sflag:$0x3] =	stream.linear.gather [hbm4b:s4+s3], $0x400, $0x38;
	[tilespmem:$0x14600] =	vst v63  }
0x346: {  	s1 =	sadd.s32 s16, s1;
	s11 =	simm.s32 $0x4C00;
	s4 =	sadd.s32 $0x7A1400, s2  }
0x347: {  	[tilespmem:s11], [sflag:$0x1] =	stream.linear.gather [hbm4b:s1+s3], $0x400, $0x38;
	[tilespmem:$0x14600] =	vst v63  }
0x348: {  	s1 =	sshrl.u32 s4, $0x3  }
0x349: {  	s11 =	simm.s32 $0xCC00;
	s1 =	sadd.s32 s17, s1  }
0x34a: {  	[tilespmem:s11], [sflag:$0x3] =	stream.linear.gather [hbm4b:s1+s3], $0x400, $0x38;
	[tilespmem:$0x14600] =	vst v63  }
0x34b: {  	s1 =	spop (v2sf)  }
0x34c: {  	s4 =	sand.u32 $0x7F, s1  }
0x34d: {  	s11 =	sshra.s32 s1, $0x1F;
	p5 =	slt.s32 s1, $0x1;
	p6 =	sne.s32 s4, $0x0  }
0x34e: {  	s4 =	sshrl.u32 s11, $0x19;
	p0 =	por !p5, !p6  }
0x34f: {  	s2 =	simm.s32 $0x1;
	s1 =	sadd.s32 s4, s1;
	p0 =	por !p0, !p0  }
0x350: {  	s4 =	spop (v2sf);
	s1 =	sshrl.u32 s1, $0x7;
	s2 =	simm.s32 @!p0 $0x0  }
0x351: {  	s1 =	ssub.s32 s1, s2;
	s2 =	sand.u32 $0x7F, s4  }
0x352: {  	(v2sf) =	vpush v34, $0x4;
	s11 =	sshra.s32 s4, $0x1F;
	p1 =	slt.s32 s4, $0x1;
	p2 =	sne.s32 s2, $0x0  }
0x353: {  	s11 =	sshrl.u32 s11, $0x19;
	s1 =	sshll.u32 s1, $0xA;
	p0 =	por !p1, !p2  }
0x354: {  	s2 =	sadd.s32 s11, s4;
	s4 =	simm.s32 $0x1;
	p0 =	por !p0, !p0  }
0x355: {  	s2 =	sshrl.u32 s2, $0x7;
	s11 =	sshrl.u32 s1, $0x3;
	s4 =	simm.s32 @!p0 $0x0  }
0x356: {  	s2 =	ssub.s32 s2, s4;
	s4 =	sadd.s32 s16, s11;
	s11 =	simm.s32 $0x1000  }
0x357: {  	(v2sf) =	vpush v33, $0x4;
	[tilespmem:s11], [sflag:$0x1] =	stream.linear.gather [hbm4b:s4+s3], $0x400, $0x38;
	[tilespmem:$0x14600] =	vst v63  }
0x358: {  	s2 =	sshll.u32 s2, $0xA  }
0x359: {  	s1 =	sadd.s32 $0x7A1400, s1;
	s11 =	sshrl.u32 s2, $0x3  }
0x35a: {  	s1 =	sshrl.u32 s1, $0x3;
	s4 =	sadd.s32 s17, s11;
	s11 =	simm.s32 $0x9000  }
0x35b: {  	[tilespmem:s11], [sflag:$0x3] =	stream.linear.gather [hbm4b:s4+s3], $0x400, $0x38;
	[tilespmem:$0x14600] =	vst v63  }
0x35c: {  	s1 =	sadd.s32 s16, s1;
	s11 =	simm.s32 $0x5000;
	s4 =	sadd.s32 $0x7A1400, s2  }
0x35d: {  	[tilespmem:s11], [sflag:$0x1] =	stream.linear.gather [hbm4b:s1+s3], $0x400, $0x38;
	[tilespmem:$0x14600] =	vst v63  }
0x35e: {  	s1 =	sshrl.u32 s4, $0x3  }
0x35f: {  	s11 =	simm.s32 $0xD000;
	s1 =	sadd.s32 s17, s1  }
0x360: {  	[tilespmem:s11], [sflag:$0x3] =	stream.linear.gather [hbm4b:s1+s3], $0x400, $0x38;
	[tilespmem:$0x14600] =	vst v63  }
0x361: {  	s1 =	spop (v2sf)  }
0x362: {  	s4 =	sand.u32 $0x7F, s1  }
0x363: {  	s11 =	sshra.s32 s1, $0x1F;
	p3 =	slt.s32 s1, $0x1;
	p4 =	sne.s32 s4, $0x0  }
0x364: {  	s4 =	sshrl.u32 s11, $0x19;
	p0 =	por !p3, !p4  }
0x365: {  	s2 =	simm.s32 $0x1;
	s1 =	sadd.s32 s4, s1;
	p0 =	por !p0, !p0  }
0x366: {  	s4 =	spop (v2sf);
	s1 =	sshrl.u32 s1, $0x7;
	s2 =	simm.s32 @!p0 $0x0  }
0x367: {  	s1 =	ssub.s32 s1, s2;
	s2 =	sand.u32 $0x7F, s4  }
0x368: {  	(v2sf) =	vpush v34, $0x5;
	s11 =	sshra.s32 s4, $0x1F;
	p5 =	slt.s32 s4, $0x1;
	p6 =	sne.s32 s2, $0x0  }
0x369: {  	s11 =	sshrl.u32 s11, $0x19;
	s1 =	sshll.u32 s1, $0xA;
	p0 =	por !p5, !p6  }
0x36a: {  	s2 =	sadd.s32 s11, s4;
	s4 =	simm.s32 $0x1;
	p0 =	por !p0, !p0  }
0x36b: {  	s2 =	sshrl.u32 s2, $0x7;
	s11 =	sshrl.u32 s1, $0x3;
	s4 =	simm.s32 @!p0 $0x0  }
0x36c: {  	s2 =	ssub.s32 s2, s4;
	s4 =	sadd.s32 s16, s11;
	s11 =	simm.s32 $0x1400  }
0x36d: {  	(v2sf) =	vpush v33, $0x5;
	[tilespmem:s11], [sflag:$0x1] =	stream.linear.gather [hbm4b:s4+s3], $0x400, $0x38;
	[tilespmem:$0x14600] =	vst v63  }
0x36e: {  	s2 =	sshll.u32 s2, $0xA  }
0x36f: {  	s1 =	sadd.s32 $0x7A1400, s1;
	s11 =	sshrl.u32 s2, $0x3  }
0x370: {  	s1 =	sshrl.u32 s1, $0x3;
	s4 =	sadd.s32 s17, s11;
	s11 =	simm.s32 $0x9400  }
0x371: {  	[tilespmem:s11], [sflag:$0x3] =	stream.linear.gather [hbm4b:s4+s3], $0x400, $0x38;
	[tilespmem:$0x14600] =	vst v63  }
0x372: {  	s1 =	sadd.s32 s16, s1;
	s11 =	simm.s32 $0x5400;
	s4 =	sadd.s32 $0x7A1400, s2  }
0x373: {  	[tilespmem:s11], [sflag:$0x1] =	stream.linear.gather [hbm4b:s1+s3], $0x400, $0x38;
	[tilespmem:$0x14600] =	vst v63  }
0x374: {  	s1 =	sshrl.u32 s4, $0x3  }
0x375: {  	s11 =	simm.s32 $0xD400;
	s1 =	sadd.s32 s17, s1  }
0x376: {  	[tilespmem:s11], [sflag:$0x3] =	stream.linear.gather [hbm4b:s1+s3], $0x400, $0x38;
	[tilespmem:$0x14600] =	vst v63  }
0x377: {  	s1 =	spop (v2sf)  }
0x378: {  	s4 =	sand.u32 $0x7F, s1  }
0x379: {  	s11 =	sshra.s32 s1, $0x1F;
	p1 =	slt.s32 s1, $0x1;
	p2 =	sne.s32 s4, $0x0  }
0x37a: {  	s4 =	sshrl.u32 s11, $0x19;
	p0 =	por !p1, !p2  }
0x37b: {  	s2 =	simm.s32 $0x1;
	s1 =	sadd.s32 s4, s1;
	p0 =	por !p0, !p0  }
0x37c: {  	s4 =	spop (v2sf);
	s1 =	sshrl.u32 s1, $0x7;
	s2 =	simm.s32 @!p0 $0x0  }
0x37d: {  	s1 =	ssub.s32 s1, s2;
	s2 =	sand.u32 $0x7F, s4  }
0x37e: {  	(v2sf) =	vpush v34, $0x6;
	s11 =	sshra.s32 s4, $0x1F;
	p3 =	slt.s32 s4, $0x1;
	p4 =	sne.s32 s2, $0x0  }
0x37f: {  	s11 =	sshrl.u32 s11, $0x19;
	s1 =	sshll.u32 s1, $0xA;
	p0 =	por !p3, !p4  }
0x380: {  	s2 =	sadd.s32 s11, s4;
	s4 =	simm.s32 $0x1;
	p0 =	por !p0, !p0  }
0x381: {  	s2 =	sshrl.u32 s2, $0x7;
	s11 =	sshrl.u32 s1, $0x3;
	s4 =	simm.s32 @!p0 $0x0  }
0x382: {  	s2 =	ssub.s32 s2, s4;
	s4 =	sadd.s32 s16, s11;
	s11 =	simm.s32 $0x1800  }
0x383: {  	(v2sf) =	vpush v33, $0x6;
	[tilespmem:s11], [sflag:$0x1] =	stream.linear.gather [hbm4b:s4+s3], $0x400, $0x38;
	[tilespmem:$0x14600] =	vst v63  }
0x384: {  	s2 =	sshll.u32 s2, $0xA  }
0x385: {  	s1 =	sadd.s32 $0x7A1400, s1;
	s11 =	sshrl.u32 s2, $0x3  }
0x386: {  	s1 =	sshrl.u32 s1, $0x3;
	s4 =	sadd.s32 s17, s11;
	s11 =	simm.s32 $0x9800  }
0x387: {  	[tilespmem:s11], [sflag:$0x3] =	stream.linear.gather [hbm4b:s4+s3], $0x400, $0x38;
	[tilespmem:$0x14600] =	vst v63  }
0x388: {  	s1 =	sadd.s32 s16, s1;
	s11 =	simm.s32 $0x5800;
	s4 =	sadd.s32 $0x7A1400, s2  }
0x389: {  	[tilespmem:s11], [sflag:$0x1] =	stream.linear.gather [hbm4b:s1+s3], $0x400, $0x38;
	[tilespmem:$0x14600] =	vst v63  }
0x38a: {  	s1 =	sshrl.u32 s4, $0x3  }
0x38b: {  	s11 =	simm.s32 $0xD800;
	s1 =	sadd.s32 s17, s1  }
0x38c: {  	[tilespmem:s11], [sflag:$0x3] =	stream.linear.gather [hbm4b:s1+s3], $0x400, $0x38;
	[tilespmem:$0x14600] =	vst v63  }
0x38d: {  	s1 =	spop (v2sf)  }
0x38e: {  	s4 =	sand.u32 $0x7F, s1  }
0x38f: {  	s11 =	sshra.s32 s1, $0x1F;
	p5 =	slt.s32 s1, $0x1;
	p6 =	sne.s32 s4, $0x0  }
0x390: {  	s4 =	sshrl.u32 s11, $0x19;
	p0 =	por !p5, !p6  }
0x391: {  	s2 =	simm.s32 $0x1;
	(v2sf) =	vpush v34, $0x7;
	s1 =	sadd.s32 s4, s1;
	p0 =	por !p0, !p0  }
0x392: {  	s4 =	spop (v2sf);
	s1 =	sshrl.u32 s1, $0x7;
	s2 =	simm.s32 @!p0 $0x0  }
0x393: {  	s1 =	ssub.s32 s1, s2;
	s2 =	sand.u32 $0x7F, s4  }
0x394: {  	s11 =	sshra.s32 s4, $0x1F;
	p1 =	slt.s32 s4, $0x1;
	p2 =	sne.s32 s2, $0x0  }
0x395: {  	s11 =	sshrl.u32 s11, $0x19;
	s1 =	sshll.u32 s1, $0xA;
	p0 =	por !p1, !p2  }
0x396: {  	s2 =	sadd.s32 s11, s4;
	s4 =	simm.s32 $0x1;
	p0 =	por !p0, !p0  }
0x397: {  	(v2sf) =	vpush v33, $0x7;
	s2 =	sshrl.u32 s2, $0x7;
	s11 =	sshrl.u32 s1, $0x3;
	s4 =	simm.s32 @!p0 $0x0  }
0x398: {  	s2 =	ssub.s32 s2, s4;
	s4 =	sadd.s32 s16, s11;
	s11 =	simm.s32 $0x1C00  }
0x399: {  	[tilespmem:s11], [sflag:$0x1] =	stream.linear.gather [hbm4b:s4+s3], $0x400, $0x38;
	[tilespmem:$0x14600] =	vst v63  }
0x39a: {  	s2 =	sshll.u32 s2, $0xA  }
0x39b: {  	s1 =	sadd.s32 $0x7A1400, s1;
	s11 =	sshrl.u32 s2, $0x3  }
0x39c: {  	s1 =	sshrl.u32 s1, $0x3;
	s4 =	sadd.s32 s17, s11;
	s11 =	simm.s32 $0x9C00  }
0x39d: {  	[tilespmem:s11], [sflag:$0x3] =	stream.linear.gather [hbm4b:s4+s3], $0x400, $0x38;
	[tilespmem:$0x14600] =	vst v63  }
0x39e: {  	s1 =	sadd.s32 s16, s1;
	s11 =	simm.s32 $0x5C00;
	s4 =	sadd.s32 $0x7A1400, s2  }
0x39f: {  	[tilespmem:s11], [sflag:$0x1] =	stream.linear.gather [hbm4b:s1+s3], $0x400, $0x38;
	[tilespmem:$0x14600] =	vst v63  }
0x3a0: {  	s2 =	spop (v2sf);
	s1 =	sshrl.u32 s4, $0x3  }
0x3a1: {  	s11 =	simm.s32 $0xDC00;
	s4 =	sand.u32 $0x7F, s2;
	s1 =	sadd.s32 s17, s1  }
0x3a2: {  	[tilespmem:s11], [sflag:$0x3] =	stream.linear.gather [hbm4b:s1+s3], $0x400, $0x38;
	[tilespmem:$0x14600] =	vst v63  }
0x3a3: {  	p3 =	slt.s32 s2, $0x1;
	p4 =	sne.s32 s4, $0x0;
	s11 =	sshra.s32 s2, $0x1F  }
0x3a4: {  	p0 =	por !p3, !p4;
	s4 =	sshrl.u32 s11, $0x19  }
0x3a5: {  	p0 =	por !p0, !p0;
	s1 =	sadd.s32 s4, s2;
	s2 =	simm.s32 $0x1  }
0x3a6: {  	s4 =	spop (v2sf);
	s1 =	sshrl.u32 s1, $0x7;
	s2 =	simm.s32 @!p0 $0x0  }
0x3a7: {  	s1 =	ssub.s32 s1, s2;
	s2 =	sand.u32 $0x7F, s4  }
0x3a8: {  	s11 =	sshra.s32 s4, $0x1F;
	p5 =	slt.s32 s4, $0x1;
	p6 =	sne.s32 s2, $0x0  }
0x3a9: {  	s11 =	sshrl.u32 s11, $0x19;
	s1 =	sshll.u32 s1, $0xA;
	p0 =	por !p5, !p6  }
0x3aa: {  	s2 =	sadd.s32 s11, s4;
	s4 =	simm.s32 $0x1;
	p0 =	por !p0, !p0  }
0x3ab: {  	s2 =	sshrl.u32 s2, $0x7;
	s11 =	sshrl.u32 s1, $0x3;
	s4 =	simm.s32 @!p0 $0x0  }
0x3ac: {  	s2 =	ssub.s32 s2, s4;
	s4 =	sadd.s32 s16, s11;
	s11 =	simm.s32 $0x2000  }
0x3ad: {  	[tilespmem:s11], [sflag:$0x1] =	stream.linear.gather [hbm4b:s4+s3], $0x400, $0x38;
	[tilespmem:$0x14600] =	vst v63  }
0x3ae: {  	s2 =	sshll.u32 s2, $0xA  }
0x3af: {  	s1 =	sadd.s32 $0x7A1400, s1;
	s11 =	sshrl.u32 s2, $0x3  }
0x3b0: {  	s1 =	sshrl.u32 s1, $0x3;
	s4 =	sadd.s32 s17, s11;
	s11 =	simm.s32 $0xA000  }
0x3b1: {  	[tilespmem:s11], [sflag:$0x3] =	stream.linear.gather [hbm4b:s4+s3], $0x400, $0x38;
	[tilespmem:$0x14600] =	vst v63  }
0x3b2: {  	s1 =	sadd.s32 s16, s1;
	s11 =	simm.s32 $0x6000  }
0x3b3: {  	[tilespmem:s11], [sflag:$0x1] =	stream.linear.gather [hbm4b:s1+s3], $0x400, $0x38;
	[tilespmem:$0x14600] =	vst v63  }
.Ltmp3:
0x3b4: {  	s16 =	sadd.s32 $0x7A1400, s2;
	(pc) =	sbr.rel .LBB2_4-.Ltmp3, $4  }
0x3b5: {  	s1 =	sshrl.u32 s16, $0x3  }
0x3b6: {  	s1 =	sadd.s32 s17, s1;
	s17 =	simm.s32 $0xE000  }
0x3b7: {  	[tilespmem:s17], [sflag:$0x3] =	stream.linear.gather [hbm4b:s1+s3], $0x400, $0x38;
	[tilespmem:$0x14600] =	vst v63  }
0x3b8: {  	s1 =	rddreg [dreg:$0xf]  }
.LBB2_5:
0x3b9: {  	s0 =	simm.s32 $0x0  }
0x3ba: {  	v33 =	vor.u32 s0, v14  }
0x3bb: {  	v33 =	vand.u32 v17, v33;
	_ =	sdelay $0x1  }
0x3bc: {  	v34 =	vor.u32 s0, v18;
	_ =	sdelay $0x1  }
0x3bd: {  	v35 =	vor.u32 s0, v19  }
0x3be: {  	v36 =	vld.idx.msk [tilespmem:v33+s30+$0x0], $0xffff  }
0x3bf: {  	v37 =	vor.u32 s0, v20;
	v33 =	vld.idx.msk [tilespmem:v33+s29+$0x0], $0xffff  }
0x3c0: {  	v38 =	vld.idx.msk [tilespmem:v34+s29+$0x0], $0xffff  }
0x3c1: {  	v39 =	vor.u32 s0, v21;
	v34 =	vld.idx.msk [tilespmem:v34+s30+$0x0], $0xffff  }
0x3c2: {  	v40 =	vld.idx.msk [tilespmem:v35+s29+$0x0], $0xffff  }
0x3c3: {  	v41 =	vor.u32 s0, v22;
	v35 =	vld.idx.msk [tilespmem:v35+s30+$0x0], $0xffff  }
0x3c4: {  	v42 =	vld.idx.msk [tilespmem:v37+s29+$0x0], $0xffff;
	v33 =	vmul.f32 v36, v33  }
0x3c5: {  	v61 =	vor.u32 s0, v23;
	v60 =	vld.idx.msk [tilespmem:v37+s30+$0x0], $0xffff  }
0x3c6: {  	v43 =	vld.idx.msk [tilespmem:v39+s29+$0x0], $0xffff;
	v34 =	vmul.f32 v34, v38;
	v33 =	vadd.f32 $0.0e+00, v33  }
0x3c7: {  	v63 =	vor.u32 s0, v24;
	v62 =	vld.idx.msk [tilespmem:v39+s30+$0x0], $0xffff  }
0x3c8: {  	v44 =	vld.idx.msk [tilespmem:v41+s29+$0x0], $0xffff;
	v48 =	vmul.f32 v35, v40;
	v33 =	vadd.f32 v34, v33  }
0x3c9: {  	v50 =	vor.u32 s0, v25;
	v49 =	vld.idx.msk [tilespmem:v41+s30+$0x0], $0xffff  }
0x3ca: {  	v51 =	vld.idx.msk [tilespmem:v61+s29+$0x0], $0xffff;
	v52 =	vmul.f32 v60, v42;
	v33 =	vadd.f32 v48, v33  }
0x3cb: {  	v54 =	vor.u32 s0, v26;
	v53 =	vld.idx.msk [tilespmem:v61+s30+$0x0], $0xffff  }
0x3cc: {  	v55 =	vld.idx.msk [tilespmem:v63+s29+$0x0], $0xffff;
	v56 =	vmul.f32 v62, v43;
	v33 =	vadd.f32 v52, v33  }
0x3cd: {  	v58 =	vor.u32 s0, v27;
	v57 =	vld.idx.msk [tilespmem:v63+s30+$0x0], $0xffff  }
0x3ce: {  	v59 =	vld.idx.msk [tilespmem:v50+s29+$0x0], $0xffff;
	v60 =	vmul.f32 v49, v44;
	v33 =	vadd.f32 v56, v33  }
0x3cf: {  	v61 =	vld.idx.msk [tilespmem:v50+s30+$0x0], $0xffff;
	v62 =	vor.u32 s0, v28  }
0x3d0: {  	v63 =	vld.idx.msk [tilespmem:v54+s29+$0x0], $0xffff;
	v48 =	vmul.f32 v53, v51;
	v33 =	vadd.f32 v60, v33  }
0x3d1: {  	v50 =	vor.u32 s0, v29;
	v49 =	vld.idx.msk [tilespmem:v54+s30+$0x0], $0xffff  }
0x3d2: {  	v51 =	vld.idx.msk [tilespmem:v58+s29+$0x0], $0xffff;
	v52 =	vmul.f32 v57, v55;
	v33 =	vadd.f32 v48, v33  }
0x3d3: {  	v54 =	vor.u32 s0, v30;
	v53 =	vld.idx.msk [tilespmem:v58+s30+$0x0], $0xffff  }
0x3d4: {  	v55 =	vld.idx.msk [tilespmem:v62+s29+$0x0], $0xffff;
	v56 =	vmul.f32 v61, v59;
	v33 =	vadd.f32 v52, v33  }
0x3d5: {  	v58 =	vor.u32 s0, v31;
	v57 =	vld.idx.msk [tilespmem:v62+s30+$0x0], $0xffff  }
0x3d6: {  	v59 =	vld.idx.msk [tilespmem:v50+s29+$0x0], $0xffff;
	v60 =	vmul.f32 v49, v63;
	v33 =	vadd.f32 v56, v33  }
0x3d7: {  	v62 =	vor.u32 s0, v32;
	v61 =	vld.idx.msk [tilespmem:v50+s30+$0x0], $0xffff  }
0x3d8: {  	v46 =	vld.idx.msk [tilespmem:v54+s30+$0x0], $0xffff;
	v45 =	vmul.f32 v53, v51;
	v33 =	vadd.f32 v60, v33  }
0x3d9: {  	v63 =	vld.idx.msk [tilespmem:v54+s29+$0x0], $0xffff  }
0x3da: {  	v47 =	vld.idx.msk [tilespmem:v58+s29+$0x0], $0xffff;
	v48 =	vmul.f32 v57, v55;
	v33 =	vadd.f32 v45, v33  }
0x3db: {  	v49 =	vld.idx.msk [tilespmem:v58+s30+$0x0], $0xffff  }
0x3dc: {  	v50 =	vld.idx.msk [tilespmem:v62+s29+$0x0], $0xffff;
	v51 =	vmul.f32 v61, v59;
	v33 =	vadd.f32 v48, v33  }
0x3dd: {  	v52 =	vld.idx.msk [tilespmem:v62+s30+$0x0], $0xffff  }
0x3de: {  	v53 =	vmul.f32 v46, v63;
	v33 =	vadd.f32 v51, v33;
	_ =	sdelay $0x1  }
0x3df: {  	s1 =	simm.s32 $0x100;
	v54 =	vmul.f32 v49, v47;
	v33 =	vadd.f32 v53, v33  }
0x3e0: {  	v55 =	vor.u32 s1, v14  }
0x3e1: {  	v35 =	vand.u32 v17, v55;
	v56 =	vmul.f32 v52, v50;
	v33 =	vadd.f32 v54, v33;
	_ =	sdelay $0x1  }
0x3e2: {  	v57 =	vor.u32 s1, v18;
	v33 =	vadd.f32 v56, v33  }
0x3e3: {  	s0 =	simm.s32 $0x14400  }
0x3e4: {  	v58 =	vor.u32 s1, v19;
	[tilespmem:s0+$0x0] =	vst v33  }
0x3e5: {  	v33 =	vld.idx.msk [tilespmem:v35+s30+$0x0], $0xffff  }
0x3e6: {  	v59 =	vor.u32 s1, v20;
	v35 =	vld.idx.msk [tilespmem:v35+s29+$0x0], $0xffff  }
0x3e7: {  	v60 =	vld.idx.msk [tilespmem:v57+s29+$0x0], $0xffff  }
0x3e8: {  	v61 =	vor.u32 s1, v21;
	v36 =	vld.idx.msk [tilespmem:v57+s30+$0x0], $0xffff  }
0x3e9: {  	v62 =	vld.idx.msk [tilespmem:v58+s29+$0x0], $0xffff  }
0x3ea: {  	v63 =	vor.u32 s1, v22;
	v34 =	vld.idx.msk [tilespmem:v58+s30+$0x0], $0xffff  }
0x3eb: {  	v48 =	vld.idx.msk [tilespmem:v59+s29+$0x0], $0xffff;
	v33 =	vmul.f32 v33, v35  }
0x3ec: {  	v50 =	vor.u32 s1, v23;
	v49 =	vld.idx.msk [tilespmem:v59+s30+$0x0], $0xffff  }
0x3ed: {  	v51 =	vld.idx.msk [tilespmem:v61+s29+$0x0], $0xffff;
	v36 =	vmul.f32 v36, v60;
	v33 =	vadd.f32 $0.0e+00, v33  }
0x3ee: {  	v53 =	vor.u32 s1, v24;
	v52 =	vld.idx.msk [tilespmem:v61+s30+$0x0], $0xffff  }
0x3ef: {  	v54 =	vld.idx.msk [tilespmem:v63+s29+$0x0], $0xffff;
	v34 =	vmul.f32 v34, v62;
	v33 =	vadd.f32 v36, v33  }
0x3f0: {  	v56 =	vor.u32 s1, v25;
	v55 =	vld.idx.msk [tilespmem:v63+s30+$0x0], $0xffff  }
0x3f1: {  	v57 =	vld.idx.msk [tilespmem:v50+s29+$0x0], $0xffff;
	v58 =	vmul.f32 v49, v48;
	v33 =	vadd.f32 v34, v33  }
0x3f2: {  	v59 =	vld.idx.msk [tilespmem:v50+s30+$0x0], $0xffff;
	v60 =	vor.u32 s1, v26  }
0x3f3: {  	v61 =	vld.idx.msk [tilespmem:v53+s29+$0x0], $0xffff;
	v62 =	vmul.f32 v52, v51;
	v33 =	vadd.f32 v58, v33  }
0x3f4: {  	v63 =	vld.idx.msk [tilespmem:v53+s30+$0x0], $0xffff;
	v48 =	vor.u32 s1, v27  }
0x3f5: {  	v49 =	vld.idx.msk [tilespmem:v56+s29+$0x0], $0xffff;
	v50 =	vmul.f32 v55, v54;
	v33 =	vadd.f32 v62, v33  }
0x3f6: {  	v51 =	vld.idx.msk [tilespmem:v56+s30+$0x0], $0xffff;
	v52 =	vor.u32 s1, v28  }
0x3f7: {  	v54 =	vmul.f32 v59, v57;
	v53 =	vld.idx.msk [tilespmem:v60+s29+$0x0], $0xffff;
	v33 =	vadd.f32 v50, v33  }
0x3f8: {  	v56 =	vor.u32 s1, v29;
	v55 =	vld.idx.msk [tilespmem:v60+s30+$0x0], $0xffff  }
0x3f9: {  	v57 =	vld.idx.msk [tilespmem:v48+s29+$0x0], $0xffff;
	v58 =	vmul.f32 v63, v61;
	v33 =	vadd.f32 v54, v33  }
0x3fa: {  	v59 =	vld.idx.msk [tilespmem:v48+s30+$0x0], $0xffff;
	v60 =	vor.u32 s1, v30  }
0x3fb: {  	v61 =	vld.idx.msk [tilespmem:v52+s29+$0x0], $0xffff;
	v62 =	vmul.f32 v51, v49;
	v33 =	vadd.f32 v58, v33  }
0x3fc: {  	v48 =	vor.u32 s1, v31;
	v63 =	vld.idx.msk [tilespmem:v52+s30+$0x0], $0xffff  }
0x3fd: {  	v49 =	vld.idx.msk [tilespmem:v56+s29+$0x0], $0xffff;
	v50 =	vmul.f32 v55, v53;
	v33 =	vadd.f32 v62, v33  }
0x3fe: {  	v52 =	vor.u32 s1, v32;
	v51 =	vld.idx.msk [tilespmem:v56+s30+$0x0], $0xffff  }
0x3ff: {  	v53 =	vld.idx.msk [tilespmem:v60+s29+$0x0], $0xffff;
	v54 =	vmul.f32 v59, v57;
	v33 =	vadd.f32 v50, v33  }
0x400: {  	v55 =	vld.idx.msk [tilespmem:v60+s30+$0x0], $0xffff  }
0x401: {  	v56 =	vld.idx.msk [tilespmem:v48+s29+$0x0], $0xffff;
	v57 =	vmul.f32 v63, v61;
	v33 =	vadd.f32 v54, v33  }
0x402: {  	v58 =	vld.idx.msk [tilespmem:v48+s30+$0x0], $0xffff  }
0x403: {  	v59 =	vld.idx.msk [tilespmem:v52+s29+$0x0], $0xffff;
	v60 =	vmul.f32 v51, v49;
	v33 =	vadd.f32 v57, v33  }
0x404: {  	v61 =	vld.idx.msk [tilespmem:v52+s30+$0x0], $0xffff  }
0x405: {  	v62 =	vmul.f32 v55, v53;
	v33 =	vadd.f32 v60, v33;
	_ =	sdelay $0x1  }
0x406: {  	s1 =	simm.s32 $0x200;
	v36 =	vmul.f32 v58, v56;
	v34 =	vadd.f32 v62, v33  }
0x407: {  	v63 =	vor.u32 s1, v14  }
0x408: {  	s2 =	simm.s32 $0x300;
	v35 =	vmul.f32 v61, v59;
	v33 =	vand.u32 v17, v63;
	v34 =	vadd.f32 v36, v34  }
.LBB2_6:
0x409: {  	p0 =	sne.s32 s2, $0x1F00  }
0x40a: {  	v36 =	vor.u32 s1, v18;
	v34 =	vadd.f32 v35, v34  }
0x40b: {  	s0 =	sadd.s32 $0x10, s0  }
0x40c: {  	v35 =	vor.u32 s1, v19;
	[tilespmem:s0+$0x0] =	vst v34  }
0x40d: {  	v34 =	vld.idx.msk [tilespmem:v33+s30+$0x0], $0xffff  }
0x40e: {  	v37 =	vor.u32 s1, v20;
	v33 =	vld.idx.msk [tilespmem:v33+s29+$0x0], $0xffff  }
0x40f: {  	v38 =	vld.idx.msk [tilespmem:v36+s29+$0x0], $0xffff  }
0x410: {  	v39 =	vor.u32 s1, v21;
	v36 =	vld.idx.msk [tilespmem:v36+s30+$0x0], $0xffff  }
0x411: {  	v40 =	vld.idx.msk [tilespmem:v35+s29+$0x0], $0xffff  }
0x412: {  	v41 =	vor.u32 s1, v22;
	v35 =	vld.idx.msk [tilespmem:v35+s30+$0x0], $0xffff  }
0x413: {  	v42 =	vld.idx.msk [tilespmem:v37+s29+$0x0], $0xffff  }
0x414: {  	v33 =	vmul.f32 v34, v33;
	v34 =	vld.idx.msk [tilespmem:v37+s30+$0x0], $0xffff;
	v37 =	vor.u32 s1, v23  }
0x415: {  	v43 =	vld.idx.msk [tilespmem:v39+s29+$0x0], $0xffff  }
0x416: {  	v33 =	vadd.f32 $0.0e+00, v33;
	v36 =	vmul.f32 v36, v38;
	v38 =	vld.idx.msk [tilespmem:v39+s30+$0x0], $0xffff;
	v39 =	vor.u32 s1, v24  }
0x417: {  	v44 =	vld.idx.msk [tilespmem:v41+s29+$0x0], $0xffff  }
0x418: {  	v33 =	vadd.f32 v36, v33;
	v35 =	vmul.f32 v35, v40;
	v40 =	vor.u32 s1, v25;
	v36 =	vld.idx.msk [tilespmem:v41+s30+$0x0], $0xffff  }
0x419: {  	v41 =	vld.idx.msk [tilespmem:v37+s29+$0x0], $0xffff  }
0x41a: {  	v33 =	vadd.f32 v35, v33;
	v34 =	vmul.f32 v34, v42;
	v35 =	vld.idx.msk [tilespmem:v37+s30+$0x0], $0xffff;
	v37 =	vor.u32 s1, v26  }
0x41b: {  	v42 =	vld.idx.msk [tilespmem:v39+s29+$0x0], $0xffff  }
0x41c: {  	v33 =	vadd.f32 v34, v33;
	v34 =	vmul.f32 v38, v43;
	v38 =	vld.idx.msk [tilespmem:v39+s30+$0x0], $0xffff;
	v39 =	vor.u32 s1, v27  }
0x41d: {  	v43 =	vld.idx.msk [tilespmem:v40+s29+$0x0], $0xffff  }
0x41e: {  	v33 =	vadd.f32 v34, v33;
	v34 =	vmul.f32 v36, v44;
	v36 =	vld.idx.msk [tilespmem:v40+s30+$0x0], $0xffff;
	v40 =	vor.u32 s1, v28  }
0x41f: {  	v44 =	vld.idx.msk [tilespmem:v37+s29+$0x0], $0xffff  }
0x420: {  	v33 =	vadd.f32 v34, v33;
	v34 =	vmul.f32 v35, v41;
	v35 =	vld.idx.msk [tilespmem:v37+s30+$0x0], $0xffff;
	v37 =	vor.u32 s1, v29  }
0x421: {  	v41 =	vld.idx.msk [tilespmem:v39+s29+$0x0], $0xffff  }
0x422: {  	v33 =	vadd.f32 v34, v33;
	v34 =	vmul.f32 v38, v42;
	v38 =	vld.idx.msk [tilespmem:v39+s30+$0x0], $0xffff;
	v39 =	vor.u32 s1, v30  }
0x423: {  	v42 =	vld.idx.msk [tilespmem:v40+s29+$0x0], $0xffff  }
0x424: {  	v33 =	vadd.f32 v34, v33;
	v34 =	vmul.f32 v36, v43;
	v36 =	vld.idx.msk [tilespmem:v40+s30+$0x0], $0xffff;
	v40 =	vor.u32 s1, v31  }
0x425: {  	v43 =	vld.idx.msk [tilespmem:v37+s29+$0x0], $0xffff  }
0x426: {  	v33 =	vadd.f32 v34, v33;
	v34 =	vmul.f32 v35, v44;
	v35 =	vld.idx.msk [tilespmem:v37+s30+$0x0], $0xffff;
	v37 =	vor.u32 s1, v32;
	s1 =	smov.u32 s2  }
0x427: {  	v44 =	vld.idx.msk [tilespmem:v39+s29+$0x0], $0xffff  }
0x428: {  	v33 =	vadd.f32 v34, v33;
	v34 =	vmul.f32 v38, v41;
	v38 =	vld.idx.msk [tilespmem:v39+s30+$0x0], $0xffff  }
0x429: {  	v39 =	vld.idx.msk [tilespmem:v40+s29+$0x0], $0xffff  }
0x42a: {  	v33 =	vadd.f32 v34, v33;
	v34 =	vmul.f32 v36, v42;
	v36 =	vld.idx.msk [tilespmem:v40+s30+$0x0], $0xffff  }
0x42b: {  	v40 =	vld.idx.msk [tilespmem:v37+s29+$0x0], $0xffff  }
0x42c: {  	v33 =	vadd.f32 v34, v33;
	v34 =	vmul.f32 v35, v43;
	v35 =	vld.idx.msk [tilespmem:v37+s30+$0x0], $0xffff;
	_ =	sdelay $0x1  }
.Ltmp4:
0x42d: {  	v33 =	vadd.f32 v34, v33;
	v34 =	vmul.f32 v38, v44;
	(pc) =	sbr.rel @p0 .LBB2_6-.Ltmp4, $4  }
0x42e: {  	_ = 	snop  }
0x42f: {  	v34 =	vadd.f32 v34, v33;
	v36 =	vmul.f32 v36, v39  }
0x430: {  	v33 =	vor.u32 s2, v14  }
0x431: {  	s2 =	sadd.s32 $0x100, s2;
	v33 =	vand.u32 v17, v33;
	v34 =	vadd.f32 v36, v34;
	v35 =	vmul.f32 v35, v40  }
0x432: {  	_ = 	snop  }
0x433: {  	v36 =	vor.u32 s1, v18;
	v34 =	vadd.f32 v35, v34  }
0x434: {  	s0 =	sadd.s32 $0x10, s0  }
0x435: {  	v49 =	vor.u32 s1, v19;
	[tilespmem:s0+$0x0] =	vst v34  }
0x436: {  	v34 =	vld.idx.msk [tilespmem:v33+s30+$0x0], $0xffff  }
0x437: {  	v37 =	vor.u32 s1, v20;
	v50 =	vld.idx.msk [tilespmem:v33+s29+$0x0], $0xffff  }
0x438: {  	v38 =	vld.idx.msk [tilespmem:v36+s29+$0x0], $0xffff  }
0x439: {  	v39 =	vor.u32 s1, v21;
	v36 =	vld.idx.msk [tilespmem:v36+s30+$0x0], $0xffff  }
0x43a: {  	v40 =	vld.idx.msk [tilespmem:v49+s29+$0x0], $0xffff  }
0x43b: {  	v41 =	vor.u32 s1, v22;
	v35 =	vld.idx.msk [tilespmem:v49+s30+$0x0], $0xffff  }
0x43c: {  	v42 =	vld.idx.msk [tilespmem:v37+s29+$0x0], $0xffff;
	v33 =	vmul.f32 v34, v50  }
0x43d: {  	v52 =	vor.u32 s1, v23;
	v51 =	vld.idx.msk [tilespmem:v37+s30+$0x0], $0xffff  }
0x43e: {  	v43 =	vld.idx.msk [tilespmem:v39+s29+$0x0], $0xffff;
	v36 =	vmul.f32 v36, v38;
	v33 =	vadd.f32 $0.0e+00, v33  }
0x43f: {  	v54 =	vor.u32 s1, v24;
	v53 =	vld.idx.msk [tilespmem:v39+s30+$0x0], $0xffff  }
0x440: {  	v44 =	vld.idx.msk [tilespmem:v41+s29+$0x0], $0xffff;
	v35 =	vmul.f32 v35, v40;
	v33 =	vadd.f32 v36, v33  }
0x441: {  	v56 =	vor.u32 s1, v25;
	v55 =	vld.idx.msk [tilespmem:v41+s30+$0x0], $0xffff  }
0x442: {  	v57 =	vld.idx.msk [tilespmem:v52+s29+$0x0], $0xffff;
	v34 =	vmul.f32 v51, v42;
	v33 =	vadd.f32 v35, v33  }
0x443: {  	v59 =	vor.u32 s1, v26;
	v58 =	vld.idx.msk [tilespmem:v52+s30+$0x0], $0xffff  }
0x444: {  	v60 =	vld.idx.msk [tilespmem:v54+s29+$0x0], $0xffff;
	v61 =	vmul.f32 v53, v43;
	v33 =	vadd.f32 v34, v33  }
0x445: {  	v63 =	vor.u32 s1, v27;
	v62 =	vld.idx.msk [tilespmem:v54+s30+$0x0], $0xffff  }
0x446: {  	v48 =	vld.idx.msk [tilespmem:v56+s29+$0x0], $0xffff;
	v49 =	vmul.f32 v55, v44;
	v33 =	vadd.f32 v61, v33  }
0x447: {  	v50 =	vld.idx.msk [tilespmem:v56+s30+$0x0], $0xffff;
	v51 =	vor.u32 s1, v28  }
0x448: {  	v52 =	vld.idx.msk [tilespmem:v59+s29+$0x0], $0xffff;
	v53 =	vmul.f32 v58, v57;
	v33 =	vadd.f32 v49, v33  }
0x449: {  	v54 =	vld.idx.msk [tilespmem:v59+s30+$0x0], $0xffff;
	v55 =	vor.u32 s1, v29  }
0x44a: {  	v56 =	vld.idx.msk [tilespmem:v63+s29+$0x0], $0xffff;
	v57 =	vmul.f32 v62, v60;
	v33 =	vadd.f32 v53, v33  }
0x44b: {  	v59 =	vor.u32 s1, v30;
	v58 =	vld.idx.msk [tilespmem:v63+s30+$0x0], $0xffff  }
0x44c: {  	v60 =	vld.idx.msk [tilespmem:v51+s29+$0x0], $0xffff;
	v61 =	vmul.f32 v50, v48;
	v33 =	vadd.f32 v57, v33  }
0x44d: {  	v63 =	vor.u32 s1, v31;
	v62 =	vld.idx.msk [tilespmem:v51+s30+$0x0], $0xffff  }
0x44e: {  	v48 =	vld.idx.msk [tilespmem:v55+s29+$0x0], $0xffff;
	v49 =	vmul.f32 v54, v52;
	v33 =	vadd.f32 v61, v33  }
0x44f: {  	v51 =	vor.u32 s1, v32;
	v50 =	vld.idx.msk [tilespmem:v55+s30+$0x0], $0xffff  }
0x450: {  	v52 =	vld.idx.msk [tilespmem:v59+s29+$0x0], $0xffff;
	v53 =	vmul.f32 v58, v56;
	v33 =	vadd.f32 v49, v33  }
0x451: {  	v54 =	vld.idx.msk [tilespmem:v59+s30+$0x0], $0xffff  }
0x452: {  	v55 =	vld.idx.msk [tilespmem:v63+s29+$0x0], $0xffff;
	v56 =	vmul.f32 v62, v60;
	v33 =	vadd.f32 v53, v33  }
0x453: {  	v57 =	vld.idx.msk [tilespmem:v63+s30+$0x0], $0xffff  }
0x454: {  	v58 =	vld.idx.msk [tilespmem:v51+s29+$0x0], $0xffff;
	v59 =	vmul.f32 v50, v48;
	v33 =	vadd.f32 v56, v33  }
0x455: {  	v60 =	vld.idx.msk [tilespmem:v51+s30+$0x0], $0xffff  }
0x456: {  	v61 =	vmul.f32 v54, v52;
	v33 =	vadd.f32 v59, v33;
	_ =	sdelay $0x1  }
0x457: {  	v62 =	vmul.f32 v57, v55;
	v33 =	vadd.f32 v61, v33;
	_ =	sdelay $0x1  }
0x458: {  	v63 =	vmul.f32 v60, v58;
	v33 =	vadd.f32 v62, v33;
	_ =	sdelay $0x1  }
0x459: {  	v33 =	vadd.f32 v63, v33  }
0x45a: {  	s0 =	sadd.s32 $0x10, s0  }
0x45b: {  	s23 =	rddreg [dreg:$0x8];
	s24 =	simm.s32 $0x14400;
	s1 =	simm.s32 $0x5;
	[tilespmem:s0+$0x0] =	vst v33  }
0x45c: {  	[hbm4b:s23+s3] =	stream.linear.scatter [tilespmem:s24], [sflag:$0x5], $0x200, $0x38;
	[tilespmem:$0x14600] =	vst v63  }
0x45d: {  	_ =	swait.ge [sflag:s1], $0x200  }
0x45e: {  	s2 =	rddreg [dreg:$0xa]  }
0x45f: {  	s31 =	rddreg [dreg:$0x9];
	s2 =	sadd.s32 $0x1, s2  }
0x460: {  	p0 =	sne.s32 s2, s31  }
.Ltmp5:
0x461: {  	_ = 	snop;
	(pc) =	sbr.rel @p0 .LBB2_1-.Ltmp5, $3  }
0x462: {  	_ =	sdelay $0x1  }
0x463: {  	[sflag:s1] =	ssyncset.done $0x0  }
0x464: {  	[sflag:s1] =	ssyncadd.s32 $0xFFFFFE00  }
0x465: {  	_ =	sfence.sel $0x180000  }
0x466: {  	[bflag:$0x0] =	sbarrier.arrive $0xFFFF  }
0x467: {  	_ =	strace $0x90000047  }
0x468: {  	s0 =	stileid.u32;
	[bflag:$0x2] =	sbarrier.arrive $0xFFFF  }
0x469: {  	p0 =	sne.s32 s0, $0x0;
	s0 =	rddreg [dreg:$0x5]  }
0x46a: {  	s0 =	sadd.s32 @!p0 $0x100000, s0  }
0x46b: {  	[sflag:s0] =	ssyncadd.tile.s32 @!p0 $0x1;
	_ =	shalt  }
.Lfunc_end2:
_tile_overlayer_lowered:
.L_overlay_start_2:
0x46c: {  	(tag) =	ssettag $0x2  }
0x46d: {  	s0 =	rddreg [dreg:$0x0];
	s2 =	stileid.u32  }
0x46e: {  	s1 =	rddreg [dreg:$0x1];
	p0 =	sne.s32 s2, $0x0  }
0x46f: {  	s3 =	rddreg [dreg:$0x2];
	[bflag:$0x3] =	sbarrier.arrive $0xFFFF;
	s2 =	simm.s32 @!p0 $0x1C05  }
0x470: {  	[timem:s3], [sflag:s2] =	dma.local @!p0 [hbm:s0], s1  }
0x471: {  	s0 =	simm.s32 @!p0 $0x5  }
0x472: {  	_ =	swait.ge @!p0 [sflag:s0], s1  }
0x473: {  	s1 =	ssub.s32 @!p0 $0x0, s1;
	[sflag:s0] =	ssyncset.done @!p0 $0x0  }
0x474: {  	[sflag:s0] =	ssyncadd.s32 @!p0 s1  }
0x475: {  	[bflag:$0x3] =	sbarrier.arrive $0xFFFF  }
0x476: {  	_ =	shalt  }

</sc_bundles>
